<compile_context>
chip_gen: v7x
topology: tpu7x:2x2x1
jax: 0.10.2.dev20260603
libtpu: 0.0.44.dev20260713+nightly
codegen_flags: <defaults>
</compile_context>

<pallas_src>
import functools

import jax
import jax.numpy as jnp
from jax import lax
from jax.experimental import pallas as pl
from jax.experimental.pallas import tpu as pltpu
from jax.experimental.pallas import tpu_sc as plsc

N = 10000
E = 320000
D = 128
G = 64

NC = 2
TPC = 16
NB = 80
NB0 = 120
NB1 = 40
NBMAX = max(NB0, NB1)
EROWS = NC * TPC * NB
XROWS = NBMAX - min(NB0, NB1)
EP = NC * TPC * NB * 128
NP_ = 10240
PAD = NP_ - 1
NPADE = EP - E
RPT = NP_ // TPC
DH = 64

_f32 = jnp.float32
_i32 = jnp.int32

_MESH = plsc.VectorSubcoreMesh(core_axis_name="c", subcore_axis_name="s")
_SC_PARAMS = pltpu.CompilerParams(needs_layout_passes=False,
                                  use_tc_tiling_on_sc=False)



@functools.partial(
    pl.kernel,
    out_type=jax.ShapeDtypeStruct((NC, NP_), _f32),
    mesh=_MESH,
    scratch_types=[
        pltpu.VMEM((NP_,), _f32),
        pltpu.VMEM((NB, 128), _i32),
        pltpu.VMEM((RPT,), _f32),
        pltpu.VMEM((RPT,), _f32),
        pltpu.VMEM_SHARED((TPC, NP_), _f32),
    ],
    compiler_params=_SC_PARAMS,
)
def _hist_kernel(dst2d, deg_out, hist_v, blk_v, col_v, tmp_v, shared):
    c = lax.axis_index("c")
    s = lax.axis_index("s")
    wid = c * TPC + s
    z16 = jnp.zeros((16,), _f32)
    ones = jnp.ones((16,), _f32)

    def zero_hist(i, _):
        hist_v[pl.ds(i * 16, 16)] = z16
        return 0
    lax.fori_loop(0, NP_ // 16, zero_hist, 0)

    pltpu.sync_copy(dst2d.at[pl.ds(wid * NB, NB)], blk_v)

    def row(r, _):
        def chunk(k, _):
            idx = blk_v[r, pl.ds(k * 16, 16)]
            plsc.addupdate_scatter(hist_v, [idx], ones)
            return 0
        lax.fori_loop(0, 128 // 16, chunk, 0)
        return 0
    lax.fori_loop(0, NB, row, 0)

    pltpu.sync_copy(hist_v, shared.at[s])
    plsc.subcore_barrier()

    def zero_col(i, _):
        col_v[pl.ds(i * 16, 16)] = z16
        return 0
    lax.fori_loop(0, RPT // 16, zero_col, 0)

    base = s * RPT

    def acc_t(t, _):
        pltpu.sync_copy(shared.at[t, pl.ds(base, RPT)], tmp_v)

        def add(i, _):
            sl = pl.ds(i * 16, 16)
            col_v[sl] = col_v[sl] + tmp_v[sl]
            return 0
        lax.fori_loop(0, RPT // 16, add, 0)
        return 0
    lax.fori_loop(0, TPC, acc_t, 0)

    pltpu.sync_copy(col_v, deg_out.at[c, pl.ds(base, RPT)])



@functools.partial(
    pl.kernel,
    out_type=jax.ShapeDtypeStruct((NC, NP_, DH), _f32),
    mesh=_MESH,
    scratch_types=[
        pltpu.VMEM((NBMAX, 128), _i32),
        pltpu.VMEM((NBMAX, 128), _i32),
        pltpu.VMEM((128, DH), _f32),
        pltpu.VMEM((128, DH), _f32),
        pltpu.VMEM_SHARED((NP_, DH), _f32),
        pltpu.SemaphoreType.DMA,
        pltpu.SemaphoreType.DMA,
    ],
    compiler_params=_SC_PARAMS,
)
def _scatter_kernel(src2d, dst2d, table, accp, src_v, dst_v, rowa, rowb,
                    shared, gsa, gsb):
    c = lax.axis_index("c")
    s = lax.axis_index("s")
    nb = jnp.where(c == 0, NB0, NB1)
    row0 = c * TPC * NB0 + s * nb
    z16 = jnp.zeros((16,), _f32)
    base = s * RPT

    def zr(i, _):
        def zc(k, _):
            rowa[i, pl.ds(k * 16, 16)] = z16
            return 0
        lax.fori_loop(0, DH // 16, zc, 0)
        return 0
    lax.fori_loop(0, 128, zr, 0)

    def zs(q, _):
        pltpu.sync_copy(rowa, shared.at[pl.ds(base + q * 128, 128)])
        return 0
    lax.fori_loop(0, RPT // 128, zs, 0)
    plsc.subcore_barrier()

    pltpu.sync_copy(src2d.at[pl.ds(row0, NBMAX)], src_v)
    pltpu.sync_copy(dst2d.at[pl.ds(row0, NBMAX)], dst_v)

    def pro(t, _):
        pltpu.async_copy(table.at[src_v.at[t]], rowa, gsa)
        return 0
    lax.fori_loop(0, 1, pro, 0)

    def eb(jj, _):
        j = jj * 2
        pltpu.make_async_copy(table.at[src_v.at[j]], rowa, gsa).wait()
        pltpu.async_copy(table.at[src_v.at[j + 1]], rowb, gsb)
        pltpu.sync_copy(rowa, shared.at[dst_v.at[j]], add=True)
        pltpu.make_async_copy(table.at[src_v.at[j + 1]], rowb, gsb).wait()
        pltpu.async_copy(table.at[src_v.at[j + 2]], rowa, gsa)
        pltpu.sync_copy(rowb, shared.at[dst_v.at[j + 1]], add=True)
        return 0
    lax.fori_loop(0, nb // 2 - 1, eb, 0)

    def epi(t, _):
        j = nb - 2 + t
        pltpu.make_async_copy(table.at[src_v.at[j]], rowa, gsa).wait()
        pltpu.async_copy(table.at[src_v.at[j + 1]], rowb, gsb)
        pltpu.sync_copy(rowa, shared.at[dst_v.at[j]], add=True)
        pltpu.make_async_copy(table.at[src_v.at[j + 1]], rowb, gsb).wait()
        pltpu.sync_copy(rowb, shared.at[dst_v.at[j + 1]], add=True)
        return 0
    lax.fori_loop(0, 1, epi, 0)
    plsc.subcore_barrier()

    def co(q, _):
        pltpu.sync_copy(shared.at[pl.ds(base + q * 128, 128)], rowa)
        pltpu.sync_copy(rowa, accp.at[c, pl.ds(base + q * 128, 128)])
        return 0
    lax.fori_loop(0, RPT // 128, co, 0)



def _lnt(x, s, b, eps=1e-5):
    m = jnp.mean(x, axis=-1, keepdims=True)
    v = jnp.mean((x - m) ** 2, axis=-1, keepdims=True)
    return (x - m) * lax.rsqrt(v + eps) * s + b


def _tc_b(xp, w1, degp, hl_o, hr_o, dinv_o):
    deg = degp[:, 0:1] + degp[:, 1:2]
    ii = lax.broadcasted_iota(_i32, (NP_, 1), 0)
    deg = deg + jnp.where(ii < N, 1.0, 0.0) - jnp.where(ii == PAD, float(NPADE), 0.0)
    dinv = jnp.where(deg > 0, lax.rsqrt(deg), 0.0)
    h1 = dinv * jnp.dot(xp[...], w1[...], preferred_element_type=_f32)
    hl_o[...] = h1[:, :DH]
    hr_o[...] = h1[:, DH:]
    dinv_o[...] = dinv


_TC_PARAMS = pltpu.CompilerParams(vmem_limit_bytes=100 * 1024 * 1024)

_B_CALL = pl.pallas_call(
    _tc_b,
    out_shape=[jax.ShapeDtypeStruct((NP_, DH), _f32),
               jax.ShapeDtypeStruct((NP_, DH), _f32),
               jax.ShapeDtypeStruct((NP_, 1), _f32)],
    compiler_params=_TC_PARAMS,
)


def _tc_c(accl, accr, hl, hr, dinv, w2, b1, s1, bb1, h2l_o, h2r_o):
    a = jnp.concatenate([accl[0] + accl[1] + hl[...],
                         accr[0] + accr[1] + hr[...]], axis=1)
    out1 = dinv[...] * a + b1[...]
    h2 = _lnt(jnp.tanh(out1), s1[...], bb1[...])
    h2p = dinv[...] * jnp.dot(h2, w2[...], preferred_element_type=_f32)
    h2l_o[...] = h2p[:, :DH]
    h2r_o[...] = h2p[:, DH:]


_C_CALL = pl.pallas_call(
    _tc_c,
    out_shape=[jax.ShapeDtypeStruct((NP_, DH), _f32),
               jax.ShapeDtypeStruct((NP_, DH), _f32)],
    compiler_params=_TC_PARAMS,
)


def _tc_d(accl, accr, h2l, h2r, dinv, bcol, brow,
          b2, s2, bb2, sp, bp,
          gw1, gb1, gw2, gb2, gw3, gb3, gw4r, gb4,
          mw1, mb1, ms1, mbb1, mw2, mb2, ms2, mbb2, mw3, mb3,
          out_ref):
    a = jnp.concatenate([accl[0] + accl[1] + h2l[...],
                         accr[0] + accr[1] + h2r[...]], axis=1)
    out2 = dinv[...] * a + b2[...]
    h3 = _lnt(jnp.tanh(out2), s2[...], bb2[...])
    hp = _lnt(h3, sp[...], bp[...])
    g = jnp.tanh(jnp.dot(hp, gw1[...], preferred_element_type=_f32) + gb1[...])
    g = jnp.tanh(jnp.dot(g, gw2[...], preferred_element_type=_f32) + gb2[...])
    g = jnp.tanh(jnp.dot(g, gw3[...], preferred_element_type=_f32) + gb3[...])
    g = jnp.sum(g * gw4r[...], axis=1, keepdims=True) + gb4[0, 0]
    iota_row = lax.broadcasted_iota(_i32, (1, G), 1)
    maskT = (bcol[...] == iota_row).astype(_f32)
    gmax = jnp.max(jnp.where(maskT > 0, g, -jnp.inf), axis=0, keepdims=True)
    gmax = jnp.where(gmax > -1e30, gmax, 0.0)
    gmax_n = jnp.sum(maskT * gmax, axis=1, keepdims=True)
    e = jnp.exp(g - gmax_n)
    esum = jnp.sum(maskT * e, axis=0, keepdims=True)
    esum_n = jnp.sum(maskT * esum, axis=1, keepdims=True)
    alpha = e / (esum_n + 1e-16)
    iota_col = lax.broadcasted_iota(_i32, (G, 1), 0)
    mask2 = (brow[...] == iota_col).astype(_f32)
    pooled = jnp.dot(mask2, alpha * hp, preferred_element_type=_f32)
    m = jnp.dot(pooled, mw1[...], preferred_element_type=_f32) + mb1[...]
    m = jnp.tanh(_lnt(m, ms1[...], mbb1[...]))
    m = jnp.dot(m, mw2[...], preferred_element_type=_f32) + mb2[...]
    m = jnp.tanh(_lnt(m, ms2[...], mbb2[...]))
    out_ref[...] = jnp.dot(m, mw3[...], preferred_element_type=_f32) + mb3[...]


_D_CALL = pl.pallas_call(
    _tc_d,
    out_shape=jax.ShapeDtypeStruct((G, G), _f32),
    compiler_params=_TC_PARAMS,
)



def _row(v):
    return v.reshape(1, -1)


def kernel(x, edge_index, batch, params):
    p = params
    src = edge_index[0].astype(_i32)
    dst = edge_index[1].astype(_i32)
    padi = jnp.full((NPADE + XROWS * 128,), PAD, _i32)
    src2d = jnp.concatenate([src, padi]).reshape(EROWS + XROWS, 128)
    dst2d = jnp.concatenate([dst, padi]).reshape(EROWS + XROWS, 128)
    xp = jnp.zeros((NP_, D), _f32).at[:N].set(x)
    bpad = jnp.concatenate([batch.astype(_i32), jnp.full((NP_ - N,), -1, _i32)])
    bcol = bpad.reshape(NP_, 1)
    brow = bpad.reshape(1, NP_)

    degp = _hist_kernel(dst2d)
    h1l, h1r, dinv = _B_CALL(xp, p['W1'], degp.T)
    a1l = _scatter_kernel(src2d, dst2d, h1l)
    a1r = _scatter_kernel(src2d, dst2d, h1r)
    h2l, h2r = _C_CALL(a1l, a1r, h1l, h1r, dinv, p['W2'],
                       _row(p['b1']), _row(p['ln1_s']), _row(p['ln1_b']))
    a2l = _scatter_kernel(src2d, dst2d, h2l)
    a2r = _scatter_kernel(src2d, dst2d, h2r)
    out = _D_CALL(a2l, a2r, h2l, h2r, dinv, bcol, brow,
                  _row(p['b2']), _row(p['ln2_s']), _row(p['ln2_b']),
                  _row(p['pn_s']), _row(p['pn_b']),
                  p['Gw1'], _row(p['Gb1']), p['Gw2'], _row(p['Gb2']),
                  p['Gw3'], _row(p['Gb3']), _row(p['Gw4'][:, 0]), p['Gb4'].reshape(1, 1),
                  p['Mw1'], _row(p['Mb1']), _row(p['Mln1_s']), _row(p['Mln1_b']),
                  p['Mw2'], _row(p['Mb2']), _row(p['Mln2_s']), _row(p['Mln2_b']),
                  p['Mw3'], _row(p['Mb3']))
    return out

# --- scband reference (transcript-rebuilt; emitter-appended) ---
"""Pipeline reference for scband-graph-to-vector-gnn-24867860644045 (READ-ONLY COPY).

The authoritative reference and input builder live on the scoring server;
editing this copy changes nothing except your own understanding.
"""

import jax, jax.numpy as jnp
import numpy as np

N = 10000
E = 320000
D = 128
G = 64

def _lin(key, fan_in, fan_out):
    return jax.random.normal(key, (fan_in, fan_out), dtype=jnp.float32) / np.sqrt(fan_in)

def setup_inputs(seed: int = 0):
    key = jax.random.key(seed)
    ks = jax.random.split(key, 16)
    x = jax.random.normal(ks[0], (N, D), dtype=jnp.float32)
    edge_index = jax.random.randint(ks[1], (2, E), 0, N)
    batch = jnp.sort(jax.random.randint(ks[2], (N,), 0, G))
    params = {
        'W1': _lin(ks[3], D, D), 'b1': jnp.zeros((D,), jnp.float32),
        'ln1_s': jnp.ones((D,), jnp.float32), 'ln1_b': jnp.zeros((D,), jnp.float32),
        'W2': _lin(ks[4], D, D), 'b2': jnp.zeros((D,), jnp.float32),
        'ln2_s': jnp.ones((D,), jnp.float32), 'ln2_b': jnp.zeros((D,), jnp.float32),
        'pn_s': jnp.ones((D,), jnp.float32), 'pn_b': jnp.zeros((D,), jnp.float32),
        'Gw1': _lin(ks[5], D, 128), 'Gb1': jnp.zeros((128,), jnp.float32),
        'Gw2': _lin(ks[6], 128, 64), 'Gb2': jnp.zeros((64,), jnp.float32),
        'Gw3': _lin(ks[7], 64, 16), 'Gb3': jnp.zeros((16,), jnp.float32),
        'Gw4': _lin(ks[8], 16, 1), 'Gb4': jnp.zeros((1,), jnp.float32),
        'Mw1': _lin(ks[9], 128, 256), 'Mb1': jnp.zeros((256,), jnp.float32),
        'Mln1_s': jnp.ones((256,), jnp.float32), 'Mln1_b': jnp.zeros((256,), jnp.float32),
        'Mw2': _lin(ks[10], 256, 128), 'Mb2': jnp.zeros((128,), jnp.float32),
        'Mln2_s': jnp.ones((128,), jnp.float32), 'Mln2_b': jnp.zeros((128,), jnp.float32),
        'Mw3': _lin(ks[11], 128, 64), 'Mb3': jnp.zeros((64,), jnp.float32),
    }
    return {'x': x, 'edge_index': edge_index, 'batch': batch, 'params': params}

def _layer_norm(x, s, b, eps=1e-5):
    m = jnp.mean(x, axis=-1, keepdims=True)
    v = jnp.mean((x - m) ** 2, axis=-1, keepdims=True)
    return (x - m) / jnp.sqrt(v + eps) * s + b

def _gcn(x, src, dst, W, b, n):
    deg = jnp.zeros((n,), x.dtype).at[dst].add(1.0)
    dinv = jnp.where(deg > 0, 1.0 / jnp.sqrt(deg), 0.0)
    norm = dinv[src] * dinv[dst]
    h = x @ W
    out = jnp.zeros_like(h).at[dst].add(norm[:, None] * h[src])
    return out + b

def _forward(x, params, edge_index, batch):
    p = params
    n = x.shape[0]
    loop = jnp.arange(n, dtype=edge_index.dtype)
    src = jnp.concatenate([edge_index[0], loop])
    dst = jnp.concatenate([edge_index[1], loop])
    # GCN layer 1 (tanh -> LayerNorm; dropout off in eval)
    h = _gcn(x, src, dst, p['W1'], p['b1'], n)
    h = jnp.tanh(h)
    h = _layer_norm(h, p['ln1_s'], p['ln1_b'])
    # GCN layer 2
    h = _gcn(h, src, dst, p['W2'], p['b2'], n)
    h = jnp.tanh(h)
    h = _layer_norm(h, p['ln2_s'], p['ln2_b'])
    # pre-pool norm
    h = _layer_norm(h, p['pn_s'], p['pn_b'])
    # GlobalAttention gate network
    g = jnp.tanh(h @ p['Gw1'] + p['Gb1'])
    g = jnp.tanh(g @ p['Gw2'] + p['Gb2'])
    g = jnp.tanh(g @ p['Gw3'] + p['Gb3'])
    g = (g @ p['Gw4'] + p['Gb4'])[:, 0]
    gmax = jax.ops.segment_max(g, batch, num_segments=G)
    gmax = jnp.where(jnp.isfinite(gmax), gmax, 0.0)
    gmax = jax.lax.stop_gradient(gmax)
    e = jnp.exp(g - gmax[batch])
    esum = jax.ops.segment_sum(e, batch, num_segments=G)
    alpha = e / (esum[batch] + 1e-16)
    pooled = jax.ops.segment_sum(alpha[:, None] * h, batch, num_segments=G)
    # MLP [128, 256, 128, 64] with LayerNorm + tanh between hidden layers
    m = pooled @ p['Mw1'] + p['Mb1']
    m = _layer_norm(m, p['Mln1_s'], p['Mln1_b'])
    m = jnp.tanh(m)
    m = m @ p['Mw2'] + p['Mb2']
    m = _layer_norm(m, p['Mln2_s'], p['Mln2_b'])
    m = jnp.tanh(m)
    out = m @ p['Mw3'] + p['Mb3']
    return out

def reference(x, edge_index, batch, params):
    return _forward(x, params, edge_index, batch)

if __name__ == "__main__":
    import jax
    _d = setup_inputs()
    print(jax.jit(kernel)(*tuple(_d.values())))

</pallas_src>

<mosaic_0001>
#map = affine_map<(d0, d1) -> (0, 0)>
module attributes {stable_mosaic.version = 14 : i64} {
  func.func @_hist_kernel(%arg0: i32, %arg1: i32, %arg2: memref<2640x128xi32, #tpu.memory_space<hbm>>, %arg3: memref<2x10240xf32, #tpu.memory_space<hbm>>, %arg4: memref<10240xf32, #tpu.memory_space<vmem>>, %arg5: memref<80x128xi32, #tpu.memory_space<vmem>>, %arg6: memref<640xf32, #tpu.memory_space<vmem>>, %arg7: memref<640xf32, #tpu.memory_space<vmem>>, %arg8: memref<16x10240xf32, #tpu.memory_space<vmem_shared>>) attributes {dimension_semantics = [#tpu.dimension_semantics<core_parallel>, #tpu.dimension_semantics<subcore_parallel>], iteration_bounds = array<i64: 2, 16>, scalar_prefetch = 0 : i64, scratch_operands = 5 : i64, tpu.core_type = #tpu.core_type<sc_vector_subcore>, window_params = [{transform_indices = #map}, {transform_indices = #map}]} {
    %mul3A = arith.constant 16 : i32
    %mul3A_0 = arith.muli %arg0, %mul3A : i32
    %add3A = arith.addi %mul3A_0, %arg1 : i32
    %broadcast_in_dim3A = arith.constant 0.000000e+00 : f32
    %broadcast_in_dim3A_1 = vector.broadcast %broadcast_in_dim3A : f32 to vector<16xf32>
    %broadcast_in_dim3A_2 = arith.constant 1.000000e+00 : f32
    %broadcast_in_dim3A_3 = vector.broadcast %broadcast_in_dim3A_2 : f32 to vector<16xf32>
    %scan3A = arith.constant 0 : i32
    %scan3A_4 = arith.constant 0 : i32
    %scan3A_5 = arith.constant 640 : i32
    %scan3A_6 = arith.addi %scan3A_4, %scan3A_5 : i32
    %scan3A_7 = arith.constant 1 : i32
    %scan3A_8 = scf.for %scan3A_35 = %scan3A_4 to %scan3A_6 step %scan3A_7 iter_args(%scan3A_36 = %scan3A) -> (i32)  : i32 {
      %mul3A_37 = arith.constant 16 : i32
      %mul3A_38 = arith.muli %scan3A_35, %mul3A_37 : i32
      %swap3A = arith.index_cast %mul3A_38 : i32 to index
      %swap3A_39 = tpu.vector_load %arg4[%swap3A] {strides = array<i32>} : memref<10240xf32, #tpu.memory_space<vmem>>, vector<16xf32>,
      tpu.vector_store %arg4[%swap3A], %broadcast_in_dim3A_1 {strides = array<i32>} : memref<10240xf32, #tpu.memory_space<vmem>>, vector<16xf32>,
      %scan3A_40 = arith.constant 0 : i32
      scf.yield %scan3A_40 : i32
    }
    %scan3A_9 = arith.constant 640 : i32
    %mul3A_10 = arith.constant 80 : i32
    %mul3A_11 = arith.muli %add3A, %mul3A_10 : i32
    "tpu.region"() ({
      %run_scoped3A = tpu.sem_alloc : memref<!tpu.dma_semaphore, #tpu.memory_space<semaphore_mem>>
      %dma_start3A = arith.constant 0 : i32
      %dma_start3A_35 = tpu.memref_slice %arg2[%mul3A_11, %dma_start3A] : memref<2640x128xi32, #tpu.memory_space<hbm>> -> memref<80x128xi32, #tpu.memory_space<hbm>>
      %dma_start3A_36 = arith.constant 0 : i32
      %dma_start3A_37 = tpu.memref_slice %arg2[%mul3A_11, %dma_start3A_36] : memref<2640x128xi32, #tpu.memory_space<hbm>> -> memref<80x128xi32, #tpu.memory_space<hbm>>
      tpu.enqueue_dma source(%dma_start3A_37 : memref<80x128xi32, #tpu.memory_space<hbm>>) target(%arg5 : memref<80x128xi32, #tpu.memory_space<vmem>>) target_semaphore(%run_scoped3A : memref<!tpu.dma_semaphore, #tpu.memory_space<semaphore_mem>>)
      %dma_wait3A = arith.constant 0 : i32
      %dma_wait3A_38 = tpu.memref_slice %arg2[%mul3A_11, %dma_wait3A] : memref<2640x128xi32, #tpu.memory_space<hbm>> -> memref<80x128xi32, #tpu.memory_space<hbm>>
      %dma_wait3A_39 = arith.constant 0 : i32
      %dma_wait3A_40 = tpu.memref_slice %arg2[%mul3A_11, %dma_wait3A_39] : memref<2640x128xi32, #tpu.memory_space<hbm>> -> memref<80x128xi32, #tpu.memory_space<hbm>>
      tpu.wait_dma2 semaphore(%run_scoped3A : memref<!tpu.dma_semaphore, #tpu.memory_space<semaphore_mem>>) src(%dma_wait3A_40 : memref<80x128xi32, #tpu.memory_space<hbm>>) dst(%arg5 : memref<80x128xi32, #tpu.memory_space<vmem>>)
      tpu.yield
    }) : () -> ()
    %scan3A_12 = arith.constant 0 : i32
    %scan3A_13 = arith.constant 0 : i32
    %scan3A_14 = arith.constant 80 : i32
    %scan3A_15 = arith.addi %scan3A_13, %scan3A_14 : i32
    %scan3A_16 = arith.constant 1 : i32
    %scan3A_17 = scf.for %scan3A_35 = %scan3A_13 to %scan3A_15 step %scan3A_16 iter_args(%scan3A_36 = %scan3A_12) -> (i32)  : i32 {
      %scan3A_37 = arith.constant 0 : i32
      %scan3A_38 = arith.constant 0 : i32
      %scan3A_39 = arith.constant 8 : i32
      %scan3A_40 = arith.addi %scan3A_38, %scan3A_39 : i32
      %scan3A_41 = arith.constant 1 : i32
      %scan3A_42 = scf.for %scan3A_45 = %scan3A_38 to %scan3A_40 step %scan3A_41 iter_args(%scan3A_46 = %scan3A_37) -> (i32)  : i32 {
        %mul3A_47 = arith.constant 16 : i32
        %mul3A_48 = arith.muli %scan3A_45, %mul3A_47 : i32
        %get3A = arith.index_cast %scan3A_35 : i32 to index
        %get3A_49 = arith.index_cast %mul3A_48 : i32 to index
        %get3A_50 = tpu.vector_load %arg5[%get3A, %get3A_49] {strides = array<i32>} : memref<80x128xi32, #tpu.memory_space<vmem>>, vector<16xi32>,
        tpu.vector_store_idx %arg4[%get3A_50], %broadcast_in_dim3A_3 {add = true} : memref<10240xf32, #tpu.memory_space<vmem>>[vector<16xi32>], vector<16xf32>,
        %scan3A_51 = arith.constant 0 : i32
        scf.yield %scan3A_51 : i32
      }
      %scan3A_43 = arith.constant 8 : i32
      %scan3A_44 = arith.constant 0 : i32
      scf.yield %scan3A_44 : i32
    }
    %scan3A_18 = arith.constant 80 : i32
    "tpu.region"() ({
      %run_scoped3A = tpu.sem_alloc : memref<!tpu.dma_semaphore, #tpu.memory_space<semaphore_mem>>
      %dma_start3A = arith.constant 0 : i32
      %dma_start3A_35 = tpu.memref_slice %arg8[%arg1, %dma_start3A] : memref<16x10240xf32, #tpu.memory_space<vmem_shared>> -> memref<1x10240xf32, #tpu.memory_space<vmem_shared>>
      %dma_start3A_36 = tpu.memref_squeeze %dma_start3A_35 : memref<1x10240xf32, #tpu.memory_space<vmem_shared>> -> memref<10240xf32, #tpu.memory_space<vmem_shared>>
      %dma_start3A_37 = arith.constant 0 : i32
      %dma_start3A_38 = tpu.memref_slice %arg8[%arg1, %dma_start3A_37] : memref<16x10240xf32, #tpu.memory_space<vmem_shared>> -> memref<1x10240xf32, #tpu.memory_space<vmem_shared>>
      %dma_start3A_39 = tpu.memref_squeeze %dma_start3A_38 : memref<1x10240xf32, #tpu.memory_space<vmem_shared>> -> memref<10240xf32, #tpu.memory_space<vmem_shared>>
      tpu.enqueue_dma source(%arg4 : memref<10240xf32, #tpu.memory_space<vmem>>) target(%dma_start3A_39 : memref<10240xf32, #tpu.memory_space<vmem_shared>>) target_semaphore(%run_scoped3A : memref<!tpu.dma_semaphore, #tpu.memory_space<semaphore_mem>>)
      %dma_wait3A = arith.constant 0 : i32
      %dma_wait3A_40 = tpu.memref_slice %arg8[%arg1, %dma_wait3A] : memref<16x10240xf32, #tpu.memory_space<vmem_shared>> -> memref<1x10240xf32, #tpu.memory_space<vmem_shared>>
      %dma_wait3A_41 = tpu.memref_squeeze %dma_wait3A_40 : memref<1x10240xf32, #tpu.memory_space<vmem_shared>> -> memref<10240xf32, #tpu.memory_space<vmem_shared>>
      %dma_wait3A_42 = arith.constant 0 : i32
      %dma_wait3A_43 = tpu.memref_slice %arg8[%arg1, %dma_wait3A_42] : memref<16x10240xf32, #tpu.memory_space<vmem_shared>> -> memref<1x10240xf32, #tpu.memory_space<vmem_shared>>
      %dma_wait3A_44 = tpu.memref_squeeze %dma_wait3A_43 : memref<1x10240xf32, #tpu.memory_space<vmem_shared>> -> memref<10240xf32, #tpu.memory_space<vmem_shared>>
      tpu.wait_dma2 semaphore(%run_scoped3A : memref<!tpu.dma_semaphore, #tpu.memory_space<semaphore_mem>>) src(%arg4 : memref<10240xf32, #tpu.memory_space<vmem>>) dst(%dma_wait3A_44 : memref<10240xf32, #tpu.memory_space<vmem_shared>>)
      tpu.yield
    }) : () -> ()
    %barrier3A = arith.constant 0 : index
    tpu.barrier barrier_id(%barrier3A)
    %scan3A_19 = arith.constant 0 : i32
    %scan3A_20 = arith.constant 0 : i32
    %scan3A_21 = arith.constant 40 : i32
    %scan3A_22 = arith.addi %scan3A_20, %scan3A_21 : i32
    %scan3A_23 = arith.constant 1 : i32
    %scan3A_24 = scf.for %scan3A_35 = %scan3A_20 to %scan3A_22 step %scan3A_23 iter_args(%scan3A_36 = %scan3A_19) -> (i32)  : i32 {
      %mul3A_37 = arith.constant 16 : i32
      %mul3A_38 = arith.muli %scan3A_35, %mul3A_37 : i32
      %swap3A = arith.index_cast %mul3A_38 : i32 to index
      %swap3A_39 = tpu.vector_load %arg6[%swap3A] {strides = array<i32>} : memref<640xf32, #tpu.memory_space<vmem>>, vector<16xf32>,
      tpu.vector_store %arg6[%swap3A], %broadcast_in_dim3A_1 {strides = array<i32>} : memref<640xf32, #tpu.memory_space<vmem>>, vector<16xf32>,
      %scan3A_40 = arith.constant 0 : i32
      scf.yield %scan3A_40 : i32
    }
    %scan3A_25 = arith.constant 40 : i32
    %mul3A_26 = arith.constant 640 : i32
    %mul3A_27 = arith.muli %arg1, %mul3A_26 : i32
    %scan3A_28 = arith.constant 0 : i32
    %scan3A_29 = arith.constant 0 : i32
    %scan3A_30 = arith.constant 16 : i32
    %scan3A_31 = arith.addi %scan3A_29, %scan3A_30 : i32
    %scan3A_32 = arith.constant 1 : i32
    %scan3A_33 = scf.for %scan3A_35 = %scan3A_29 to %scan3A_31 step %scan3A_32 iter_args(%scan3A_36 = %scan3A_28) -> (i32)  : i32 {
      "tpu.region"() ({
        %run_scoped3A = tpu.sem_alloc : memref<!tpu.dma_semaphore, #tpu.memory_space<semaphore_mem>>
        %dma_start3A = tpu.memref_slice %arg8[%scan3A_35, %mul3A_27] : memref<16x10240xf32, #tpu.memory_space<vmem_shared>> -> memref<1x640xf32, #tpu.memory_space<vmem_shared>>
        %dma_start3A_45 = tpu.memref_squeeze %dma_start3A : memref<1x640xf32, #tpu.memory_space<vmem_shared>> -> memref<640xf32, #tpu.memory_space<vmem_shared>>
        %dma_start3A_46 = tpu.memref_slice %arg8[%scan3A_35, %mul3A_27] : memref<16x10240xf32, #tpu.memory_space<vmem_shared>> -> memref<1x640xf32, #tpu.memory_space<vmem_shared>>
        %dma_start3A_47 = tpu.memref_squeeze %dma_start3A_46 : memref<1x640xf32, #tpu.memory_space<vmem_shared>> -> memref<640xf32, #tpu.memory_space<vmem_shared>>
        tpu.enqueue_dma source(%dma_start3A_47 : memref<640xf32, #tpu.memory_space<vmem_shared>>) target(%arg7 : memref<640xf32, #tpu.memory_space<vmem>>) target_semaphore(%run_scoped3A : memref<!tpu.dma_semaphore, #tpu.memory_space<semaphore_mem>>)
        %dma_wait3A = tpu.memref_slice %arg8[%scan3A_35, %mul3A_27] : memref<16x10240xf32, #tpu.memory_space<vmem_shared>> -> memref<1x640xf32, #tpu.memory_space<vmem_shared>>
        %dma_wait3A_48 = tpu.memref_squeeze %dma_wait3A : memref<1x640xf32, #tpu.memory_space<vmem_shared>> -> memref<640xf32, #tpu.memory_space<vmem_shared>>
        %dma_wait3A_49 = tpu.memref_slice %arg8[%scan3A_35, %mul3A_27] : memref<16x10240xf32, #tpu.memory_space<vmem_shared>> -> memref<1x640xf32, #tpu.memory_space<vmem_shared>>
        %dma_wait3A_50 = tpu.memref_squeeze %dma_wait3A_49 : memref<1x640xf32, #tpu.memory_space<vmem_shared>> -> memref<640xf32, #tpu.memory_space<vmem_shared>>
        tpu.wait_dma2 semaphore(%run_scoped3A : memref<!tpu.dma_semaphore, #tpu.memory_space<semaphore_mem>>) src(%dma_wait3A_50 : memref<640xf32, #tpu.memory_space<vmem_shared>>) dst(%arg7 : memref<640xf32, #tpu.memory_space<vmem>>)
        tpu.yield
      }) : () -> ()
      %scan3A_37 = arith.constant 0 : i32
      %scan3A_38 = arith.constant 0 : i32
      %scan3A_39 = arith.constant 40 : i32
      %scan3A_40 = arith.addi %scan3A_38, %scan3A_39 : i32
      %scan3A_41 = arith.constant 1 : i32
      %scan3A_42 = scf.for %scan3A_45 = %scan3A_38 to %scan3A_40 step %scan3A_41 iter_args(%scan3A_46 = %scan3A_37) -> (i32)  : i32 {
        %mul3A_47 = arith.constant 16 : i32
        %mul3A_48 = arith.muli %scan3A_45, %mul3A_47 : i32
        %get3A = arith.index_cast %mul3A_48 : i32 to index
        %get3A_49 = tpu.vector_load %arg6[%get3A] {strides = array<i32>} : memref<640xf32, #tpu.memory_space<vmem>>, vector<16xf32>,
        %get3A_50 = arith.index_cast %mul3A_48 : i32 to index
        %get3A_51 = tpu.vector_load %arg7[%get3A_50] {strides = array<i32>} : memref<640xf32, #tpu.memory_space<vmem>>, vector<16xf32>,
        %add3A_52 = arith.addf %get3A_49, %get3A_51 : vector<16xf32>
        %swap3A = arith.index_cast %mul3A_48 : i32 to index
        %swap3A_53 = tpu.vector_load %arg6[%swap3A] {strides = array<i32>} : memref<640xf32, #tpu.memory_space<vmem>>, vector<16xf32>,
        tpu.vector_store %arg6[%swap3A], %add3A_52 {strides = array<i32>} : memref<640xf32, #tpu.memory_space<vmem>>, vector<16xf32>,
        %scan3A_54 = arith.constant 0 : i32
        scf.yield %scan3A_54 : i32
      }
      %scan3A_43 = arith.constant 40 : i32
      %scan3A_44 = arith.constant 0 : i32
      scf.yield %scan3A_44 : i32
    }
    %scan3A_34 = arith.constant 16 : i32
    "tpu.region"() ({
      %run_scoped3A = tpu.sem_alloc : memref<!tpu.dma_semaphore, #tpu.memory_space<semaphore_mem>>
      %dma_start3A = tpu.memref_slice %arg3[%arg0, %mul3A_27] : memref<2x10240xf32, #tpu.memory_space<hbm>> -> memref<1x640xf32, #tpu.memory_space<hbm>>
      %dma_start3A_35 = tpu.memref_squeeze %dma_start3A : memref<1x640xf32, #tpu.memory_space<hbm>> -> memref<640xf32, #tpu.memory_space<hbm>>
      %dma_start3A_36 = tpu.memref_slice %arg3[%arg0, %mul3A_27] : memref<2x10240xf32, #tpu.memory_space<hbm>> -> memref<1x640xf32, #tpu.memory_space<hbm>>
      %dma_start3A_37 = tpu.memref_squeeze %dma_start3A_36 : memref<1x640xf32, #tpu.memory_space<hbm>> -> memref<640xf32, #tpu.memory_space<hbm>>
      tpu.enqueue_dma source(%arg6 : memref<640xf32, #tpu.memory_space<vmem>>) target(%dma_start3A_37 : memref<640xf32, #tpu.memory_space<hbm>>) target_semaphore(%run_scoped3A : memref<!tpu.dma_semaphore, #tpu.memory_space<semaphore_mem>>)
      %dma_wait3A = tpu.memref_slice %arg3[%arg0, %mul3A_27] : memref<2x10240xf32, #tpu.memory_space<hbm>> -> memref<1x640xf32, #tpu.memory_space<hbm>>
      %dma_wait3A_38 = tpu.memref_squeeze %dma_wait3A : memref<1x640xf32, #tpu.memory_space<hbm>> -> memref<640xf32, #tpu.memory_space<hbm>>
      %dma_wait3A_39 = tpu.memref_slice %arg3[%arg0, %mul3A_27] : memref<2x10240xf32, #tpu.memory_space<hbm>> -> memref<1x640xf32, #tpu.memory_space<hbm>>
      %dma_wait3A_40 = tpu.memref_squeeze %dma_wait3A_39 : memref<1x640xf32, #tpu.memory_space<hbm>> -> memref<640xf32, #tpu.memory_space<hbm>>
      tpu.wait_dma2 semaphore(%run_scoped3A : memref<!tpu.dma_semaphore, #tpu.memory_space<semaphore_mem>>) src(%arg6 : memref<640xf32, #tpu.memory_space<vmem>>) dst(%dma_wait3A_40 : memref<640xf32, #tpu.memory_space<hbm>>)
      tpu.yield
    }) : () -> ()
    return
  }
}

#map = affine_map<(d0, d1) -> (0, 0)>
#map1 = affine_map<(d0, d1) -> (0, 0, 0)>
module attributes {stable_mosaic.version = 14 : i64} {
  func.func @_scatter_kernel(%arg0: i32, %arg1: i32, %arg2: memref<2640x128xi32, #tpu.memory_space<hbm>>, %arg3: memref<2640x128xi32, #tpu.memory_space<hbm>>, %arg4: memref<10240x64xf32, #tpu.memory_space<hbm>>, %arg5: memref<2x10240x64xf32, #tpu.memory_space<hbm>>, %arg6: memref<120x128xi32, #tpu.memory_space<vmem>>, %arg7: memref<120x128xi32, #tpu.memory_space<vmem>>, %arg8: memref<128x64xf32, #tpu.memory_space<vmem>>, %arg9: memref<128x64xf32, #tpu.memory_space<vmem>>, %arg10: memref<10240x64xf32, #tpu.memory_space<vmem_shared>>, %arg11: memref<!tpu.dma_semaphore, #tpu.memory_space<semaphore_mem>>, %arg12: memref<!tpu.dma_semaphore, #tpu.memory_space<semaphore_mem>>) attributes {dimension_semantics = [#tpu.dimension_semantics<core_parallel>, #tpu.dimension_semantics<subcore_parallel>], iteration_bounds = array<i64: 2, 16>, scalar_prefetch = 0 : i64, scratch_operands = 7 : i64, tpu.core_type = #tpu.core_type<sc_vector_subcore>, window_params = [{transform_indices = #map}, {transform_indices = #map}, {transform_indices = #map}, {transform_indices = #map1}]} {
    %eq3A = arith.constant 0 : i32
    %eq3A_0 = arith.cmpi eq, %arg0, %eq3A : i32
    %jit3A = arith.constant 120 : i32
    %jit3A_1 = arith.constant 40 : i32
    %select_n3A = arith.select %eq3A_0, %jit3A, %jit3A_1 : i32
    %mul3A = arith.constant 16 : i32
    %mul3A_2 = arith.muli %arg0, %mul3A : i32
    %mul3A_3 = arith.constant 120 : i32
    %mul3A_4 = arith.muli %mul3A_2, %mul3A_3 : i32
    %mul3A_5 = arith.muli %arg1, %select_n3A : i32
    %add3A = arith.addi %mul3A_4, %mul3A_5 : i32
    %broadcast_in_dim3A = arith.constant 0.000000e+00 : f32
    %broadcast_in_dim3A_6 = vector.broadcast %broadcast_in_dim3A : f32 to vector<16xf32>
    %mul3A_7 = arith.constant 640 : i32
    %mul3A_8 = arith.muli %arg1, %mul3A_7 : i32
    %scan3A = arith.constant 0 : i32
    %scan3A_9 = arith.constant 0 : i32
    %scan3A_10 = arith.constant 128 : i32
    %scan3A_11 = arith.addi %scan3A_9, %scan3A_10 : i32
    %scan3A_12 = arith.constant 1 : i32
    %scan3A_13 = scf.for %scan3A_100 = %scan3A_9 to %scan3A_11 step %scan3A_12 iter_args(%scan3A_101 = %scan3A) -> (i32)  : i32 {
      %scan3A_102 = arith.constant 0 : i32
      %scan3A_103 = arith.constant 0 : i32
      %scan3A_104 = arith.constant 4 : i32
      %scan3A_105 = arith.addi %scan3A_103, %scan3A_104 : i32
      %scan3A_106 = arith.constant 1 : i32
      %scan3A_107 = scf.for %scan3A_110 = %scan3A_103 to %scan3A_105 step %scan3A_106 iter_args(%scan3A_111 = %scan3A_102) -> (i32)  : i32 {
        %mul3A_112 = arith.constant 16 : i32
        %mul3A_113 = arith.muli %scan3A_110, %mul3A_112 : i32
        %swap3A = arith.index_cast %scan3A_100 : i32 to index
        %swap3A_114 = arith.index_cast %mul3A_113 : i32 to index
        %swap3A_115 = tpu.vector_load %arg8[%swap3A, %swap3A_114] {strides = array<i32>} : memref<128x64xf32, #tpu.memory_space<vmem>>, vector<16xf32>,
        tpu.vector_store %arg8[%swap3A, %swap3A_114], %broadcast_in_dim3A_6 {strides = array<i32>} : memref<128x64xf32, #tpu.memory_space<vmem>>, vector<16xf32>,
        %scan3A_116 = arith.constant 0 : i32
        scf.yield %scan3A_116 : i32
      }
      %scan3A_108 = arith.constant 4 : i32
      %scan3A_109 = arith.constant 0 : i32
      scf.yield %scan3A_109 : i32
    }
    %scan3A_14 = arith.constant 128 : i32
    %scan3A_15 = arith.constant 0 : i32
    %scan3A_16 = arith.constant 0 : i32
    %scan3A_17 = arith.constant 5 : i32
    %scan3A_18 = arith.addi %scan3A_16, %scan3A_17 : i32
    %scan3A_19 = arith.constant 1 : i32
    %scan3A_20 = scf.for %scan3A_100 = %scan3A_16 to %scan3A_18 step %scan3A_19 iter_args(%scan3A_101 = %scan3A_15) -> (i32)  : i32 {
      %mul3A_102 = arith.constant 128 : i32
      %mul3A_103 = arith.muli %scan3A_100, %mul3A_102 : i32
      %add3A_104 = arith.addi %mul3A_8, %mul3A_103 : i32
      "tpu.region"() ({
        %run_scoped3A = tpu.sem_alloc : memref<!tpu.dma_semaphore, #tpu.memory_space<semaphore_mem>>
        %dma_start3A_106 = arith.constant 0 : i32
        %dma_start3A_107 = tpu.memref_slice %arg10[%add3A_104, %dma_start3A_106] : memref<10240x64xf32, #tpu.memory_space<vmem_shared>> -> memref<128x64xf32, #tpu.memory_space<vmem_shared>>
        %dma_start3A_108 = arith.constant 0 : i32
        %dma_start3A_109 = tpu.memref_slice %arg10[%add3A_104, %dma_start3A_108] : memref<10240x64xf32, #tpu.memory_space<vmem_shared>> -> memref<128x64xf32, #tpu.memory_space<vmem_shared>>
        tpu.enqueue_dma source(%arg8 : memref<128x64xf32, #tpu.memory_space<vmem>>) target(%dma_start3A_109 : memref<128x64xf32, #tpu.memory_space<vmem_shared>>) target_semaphore(%run_scoped3A : memref<!tpu.dma_semaphore, #tpu.memory_space<semaphore_mem>>)
        %dma_wait3A_110 = arith.constant 0 : i32
        %dma_wait3A_111 = tpu.memref_slice %arg10[%add3A_104, %dma_wait3A_110] : memref<10240x64xf32, #tpu.memory_space<vmem_shared>> -> memref<128x64xf32, #tpu.memory_space<vmem_shared>>
        %dma_wait3A_112 = arith.constant 0 : i32
        %dma_wait3A_113 = tpu.memref_slice %arg10[%add3A_104, %dma_wait3A_112] : memref<10240x64xf32, #tpu.memory_space<vmem_shared>> -> memref<128x64xf32, #tpu.memory_space<vmem_shared>>
        tpu.wait_dma2 semaphore(%run_scoped3A : memref<!tpu.dma_semaphore, #tpu.memory_space<semaphore_mem>>) src(%arg8 : memref<128x64xf32, #tpu.memory_space<vmem>>) dst(%dma_wait3A_113 : memref<128x64xf32, #tpu.memory_space<vmem_shared>>)
        tpu.yield
      }) : () -> ()
      %scan3A_105 = arith.constant 0 : i32
      scf.yield %scan3A_105 : i32
    }
    %scan3A_21 = arith.constant 5 : i32
    %barrier3A = arith.constant 0 : index
    tpu.barrier barrier_id(%barrier3A)
    "tpu.region"() ({
      %run_scoped3A = tpu.sem_alloc : memref<!tpu.dma_semaphore, #tpu.memory_space<semaphore_mem>>
      %dma_start3A_100 = arith.constant 0 : i32
      %dma_start3A_101 = tpu.memref_slice %arg2[%add3A, %dma_start3A_100] : memref<2640x128xi32, #tpu.memory_space<hbm>> -> memref<120x128xi32, #tpu.memory_space<hbm>>
      %dma_start3A_102 = arith.constant 0 : i32
      %dma_start3A_103 = tpu.memref_slice %arg2[%add3A, %dma_start3A_102] : memref<2640x128xi32, #tpu.memory_space<hbm>> -> memref<120x128xi32, #tpu.memory_space<hbm>>
      tpu.enqueue_dma source(%dma_start3A_103 : memref<120x128xi32, #tpu.memory_space<hbm>>) target(%arg6 : memref<120x128xi32, #tpu.memory_space<vmem>>) target_semaphore(%run_scoped3A : memref<!tpu.dma_semaphore, #tpu.memory_space<semaphore_mem>>)
      %dma_wait3A_104 = arith.constant 0 : i32
      %dma_wait3A_105 = tpu.memref_slice %arg2[%add3A, %dma_wait3A_104] : memref<2640x128xi32, #tpu.memory_space<hbm>> -> memref<120x128xi32, #tpu.memory_space<hbm>>
      %dma_wait3A_106 = arith.constant 0 : i32
      %dma_wait3A_107 = tpu.memref_slice %arg2[%add3A, %dma_wait3A_106] : memref<2640x128xi32, #tpu.memory_space<hbm>> -> memref<120x128xi32, #tpu.memory_space<hbm>>
      tpu.wait_dma2 semaphore(%run_scoped3A : memref<!tpu.dma_semaphore, #tpu.memory_space<semaphore_mem>>) src(%dma_wait3A_107 : memref<120x128xi32, #tpu.memory_space<hbm>>) dst(%arg6 : memref<120x128xi32, #tpu.memory_space<vmem>>)
      tpu.yield
    }) : () -> ()
    "tpu.region"() ({
      %run_scoped3A = tpu.sem_alloc : memref<!tpu.dma_semaphore, #tpu.memory_space<semaphore_mem>>
      %dma_start3A_100 = arith.constant 0 : i32
      %dma_start3A_101 = tpu.memref_slice %arg3[%add3A, %dma_start3A_100] : memref<2640x128xi32, #tpu.memory_space<hbm>> -> memref<120x128xi32, #tpu.memory_space<hbm>>
      %dma_start3A_102 = arith.constant 0 : i32
      %dma_start3A_103 = tpu.memref_slice %arg3[%add3A, %dma_start3A_102] : memref<2640x128xi32, #tpu.memory_space<hbm>> -> memref<120x128xi32, #tpu.memory_space<hbm>>
      tpu.enqueue_dma source(%dma_start3A_103 : memref<120x128xi32, #tpu.memory_space<hbm>>) target(%arg7 : memref<120x128xi32, #tpu.memory_space<vmem>>) target_semaphore(%run_scoped3A : memref<!tpu.dma_semaphore, #tpu.memory_space<semaphore_mem>>)
      %dma_wait3A_104 = arith.constant 0 : i32
      %dma_wait3A_105 = tpu.memref_slice %arg3[%add3A, %dma_wait3A_104] : memref<2640x128xi32, #tpu.memory_space<hbm>> -> memref<120x128xi32, #tpu.memory_space<hbm>>
      %dma_wait3A_106 = arith.constant 0 : i32
      %dma_wait3A_107 = tpu.memref_slice %arg3[%add3A, %dma_wait3A_106] : memref<2640x128xi32, #tpu.memory_space<hbm>> -> memref<120x128xi32, #tpu.memory_space<hbm>>
      tpu.wait_dma2 semaphore(%run_scoped3A : memref<!tpu.dma_semaphore, #tpu.memory_space<semaphore_mem>>) src(%dma_wait3A_107 : memref<120x128xi32, #tpu.memory_space<hbm>>) dst(%arg7 : memref<120x128xi32, #tpu.memory_space<vmem>>)
      tpu.yield
    }) : () -> ()
    %scan3A_22 = arith.constant 0 : i32
    %scan3A_23 = arith.constant 0 : i32
    %dma_start3A = arith.constant 0 : i32
    %dma_start3A_24 = tpu.memref_slice %arg6[%scan3A_23, %dma_start3A] : memref<120x128xi32, #tpu.memory_space<vmem>> -> memref<1x128xi32, #tpu.memory_space<vmem>>
    %dma_start3A_25 = tpu.memref_squeeze %dma_start3A_24 : memref<1x128xi32, #tpu.memory_space<vmem>> -> memref<128xi32, #tpu.memory_space<vmem>>
    %dma_start3A_26 = arith.constant 0 : i32
    %dma_start3A_27 = arith.constant 0 : i32
    %dma_start3A_28 = tpu.memref_slice %arg4[%dma_start3A_26, %dma_start3A_27] : memref<10240x64xf32, #tpu.memory_space<hbm>> -> memref<10240x64xf32, #tpu.memory_space<hbm>>
    tpu.enqueue_indirect_dma source(%dma_start3A_28 : memref<10240x64xf32, #tpu.memory_space<hbm>>) target(%arg8 : memref<128x64xf32, #tpu.memory_space<vmem>>) offsets(%dma_start3A_25 : memref<128xi32, #tpu.memory_space<vmem>>) semaphore(%arg11 : memref<!tpu.dma_semaphore, #tpu.memory_space<semaphore_mem>>)
    %scan3A_29 = arith.constant 0 : i32
    %scan3A_30 = arith.constant 1 : i32
    %jit3A_31 = arith.constant 2 : i32
    %div3A = arith.divsi %select_n3A, %jit3A_31 : i32
    %sign3A = arith.constant 0 : i32
    %sign3A_32 = arith.cmpi sgt, %select_n3A, %sign3A : i32
    %sign3A_33 = arith.extui %sign3A_32 : i1 to i32
    %sign3A_34 = arith.constant 0 : i32
    %sign3A_35 = arith.cmpi slt, %select_n3A, %sign3A_34 : i32
    %sign3A_36 = arith.extui %sign3A_35 : i1 to i32
    %sign3A_37 = arith.subi %sign3A_33, %sign3A_36 : i32
    %sign3A_38 = arith.constant 0 : i32
    %sign3A_39 = arith.cmpi sgt, %jit3A_31, %sign3A_38 : i32
    %sign3A_40 = arith.extui %sign3A_39 : i1 to i32
    %sign3A_41 = arith.constant 0 : i32
    %sign3A_42 = arith.cmpi slt, %jit3A_31, %sign3A_41 : i32
    %sign3A_43 = arith.extui %sign3A_42 : i1 to i32
    %sign3A_44 = arith.subi %sign3A_40, %sign3A_43 : i32
    %ne3A = arith.cmpi ne, %sign3A_37, %sign3A_44 : i32
    %rem3A = arith.remsi %select_n3A, %jit3A_31 : i32
    %ne3A_45 = arith.constant 0 : i32
    %ne3A_46 = arith.cmpi ne, %rem3A, %ne3A_45 : i32
    %and3A = arith.andi %ne3A, %ne3A_46 : i1
    %sub3A = arith.constant 1 : i32
    %sub3A_47 = arith.subi %div3A, %sub3A : i32
    %select_n3A_48 = arith.select %and3A, %sub3A_47, %div3A : i32
    %sub3A_49 = arith.constant 1 : i32
    %sub3A_50 = arith.subi %select_n3A_48, %sub3A_49 : i32
    %while3A = arith.constant 0 : i32
    %while3A_51 = arith.constant 0 : i32
    %while3A_52 = arith.subi %sub3A_50, %while3A : i32
    %while3A_53 = arith.addi %while3A, %while3A_52 : i32
    %while3A_54 = arith.constant 1 : i32
    %while3A_55 = arith.divsi %while3A_52, %while3A_54 : i32
    %while3A_56 = arith.muli %while3A_55, %while3A_54 : i32
    %while3A_57 = arith.addi %while3A, %while3A_56 : i32
    %while3A_58 = arith.constant 1 : i32
    %while3A_59 = scf.for %while3A_100 = %while3A to %while3A_57 step %while3A_58 iter_args(%while3A_101 = %while3A_51) -> (i32)  : i32 {
      %mul3A_102 = arith.constant 2 : i32
      %mul3A_103 = arith.muli %while3A_100, %mul3A_102 : i32
      %dma_wait3A_104 = arith.constant 0 : i32
      %dma_wait3A_105 = tpu.memref_slice %arg6[%mul3A_103, %dma_wait3A_104] : memref<120x128xi32, #tpu.memory_space<vmem>> -> memref<1x128xi32, #tpu.memory_space<vmem>>
      %dma_wait3A_106 = tpu.memref_squeeze %dma_wait3A_105 : memref<1x128xi32, #tpu.memory_space<vmem>> -> memref<128xi32, #tpu.memory_space<vmem>>
      %dma_wait3A_107 = arith.constant 0 : i32
      %dma_wait3A_108 = arith.constant 0 : i32
      %dma_wait3A_109 = tpu.memref_slice %arg4[%dma_wait3A_107, %dma_wait3A_108] : memref<10240x64xf32, #tpu.memory_space<hbm>> -> memref<10240x64xf32, #tpu.memory_space<hbm>>
      tpu.wait_indirect_dma semaphore(%arg11 : memref<!tpu.dma_semaphore, #tpu.memory_space<semaphore_mem>>) src(%dma_wait3A_109 : memref<10240x64xf32, #tpu.memory_space<hbm>>) dst(%arg8 : memref<128x64xf32, #tpu.memory_space<vmem>>)
      %add3A_110 = arith.constant 1 : i32
      %add3A_111 = arith.addi %mul3A_103, %add3A_110 : i32
      %dma_start3A_112 = arith.constant 0 : i32
      %dma_start3A_113 = tpu.memref_slice %arg6[%add3A_111, %dma_start3A_112] : memref<120x128xi32, #tpu.memory_space<vmem>> -> memref<1x128xi32, #tpu.memory_space<vmem>>
      %dma_start3A_114 = tpu.memref_squeeze %dma_start3A_113 : memref<1x128xi32, #tpu.memory_space<vmem>> -> memref<128xi32, #tpu.memory_space<vmem>>
      %dma_start3A_115 = arith.constant 0 : i32
      %dma_start3A_116 = arith.constant 0 : i32
      %dma_start3A_117 = tpu.memref_slice %arg4[%dma_start3A_115, %dma_start3A_116] : memref<10240x64xf32, #tpu.memory_space<hbm>> -> memref<10240x64xf32, #tpu.memory_space<hbm>>
      tpu.enqueue_indirect_dma source(%dma_start3A_117 : memref<10240x64xf32, #tpu.memory_space<hbm>>) target(%arg9 : memref<128x64xf32, #tpu.memory_space<vmem>>) offsets(%dma_start3A_114 : memref<128xi32, #tpu.memory_space<vmem>>) semaphore(%arg12 : memref<!tpu.dma_semaphore, #tpu.memory_space<semaphore_mem>>)
      "tpu.region"() ({
        %run_scoped3A = tpu.sem_alloc : memref<!tpu.dma_semaphore, #tpu.memory_space<semaphore_mem>>
        %dma_start3A_137 = arith.constant 0 : i32
        %dma_start3A_138 = tpu.memref_slice %arg7[%mul3A_103, %dma_start3A_137] : memref<120x128xi32, #tpu.memory_space<vmem>> -> memref<1x128xi32, #tpu.memory_space<vmem>>
        %dma_start3A_139 = tpu.memref_squeeze %dma_start3A_138 : memref<1x128xi32, #tpu.memory_space<vmem>> -> memref<128xi32, #tpu.memory_space<vmem>>
        %dma_start3A_140 = arith.constant 0 : i32
        %dma_start3A_141 = arith.constant 0 : i32
        %dma_start3A_142 = tpu.memref_slice %arg10[%dma_start3A_140, %dma_start3A_141] : memref<10240x64xf32, #tpu.memory_space<vmem_shared>> -> memref<10240x64xf32, #tpu.memory_space<vmem_shared>>
        tpu.enqueue_indirect_dma source(%arg8 : memref<128x64xf32, #tpu.memory_space<vmem>>) target(%dma_start3A_142 : memref<10240x64xf32, #tpu.memory_space<vmem_shared>>) offsets(%dma_start3A_139 : memref<128xi32, #tpu.memory_space<vmem>>) semaphore(%run_scoped3A : memref<!tpu.dma_semaphore, #tpu.memory_space<semaphore_mem>>) {add = true}
        %dma_wait3A_143 = arith.constant 0 : i32
        %dma_wait3A_144 = tpu.memref_slice %arg7[%mul3A_103, %dma_wait3A_143] : memref<120x128xi32, #tpu.memory_space<vmem>> -> memref<1x128xi32, #tpu.memory_space<vmem>>
        %dma_wait3A_145 = tpu.memref_squeeze %dma_wait3A_144 : memref<1x128xi32, #tpu.memory_space<vmem>> -> memref<128xi32, #tpu.memory_space<vmem>>
        %dma_wait3A_146 = arith.constant 0 : i32
        %dma_wait3A_147 = arith.constant 0 : i32
        %dma_wait3A_148 = tpu.memref_slice %arg10[%dma_wait3A_146, %dma_wait3A_147] : memref<10240x64xf32, #tpu.memory_space<vmem_shared>> -> memref<10240x64xf32, #tpu.memory_space<vmem_shared>>
        tpu.wait_indirect_dma semaphore(%run_scoped3A : memref<!tpu.dma_semaphore, #tpu.memory_space<semaphore_mem>>) src(%arg8 : memref<128x64xf32, #tpu.memory_space<vmem>>) dst(%dma_wait3A_148 : memref<10240x64xf32, #tpu.memory_space<vmem_shared>>)
        tpu.yield
      }) : () -> ()
      %add3A_118 = arith.constant 1 : i32
      %add3A_119 = arith.addi %mul3A_103, %add3A_118 : i32
      %dma_wait3A_120 = arith.constant 0 : i32
      %dma_wait3A_121 = tpu.memref_slice %arg6[%add3A_119, %dma_wait3A_120] : memref<120x128xi32, #tpu.memory_space<vmem>> -> memref<1x128xi32, #tpu.memory_space<vmem>>
      %dma_wait3A_122 = tpu.memref_squeeze %dma_wait3A_121 : memref<1x128xi32, #tpu.memory_space<vmem>> -> memref<128xi32, #tpu.memory_space<vmem>>
      %dma_wait3A_123 = arith.constant 0 : i32
      %dma_wait3A_124 = arith.constant 0 : i32
      %dma_wait3A_125 = tpu.memref_slice %arg4[%dma_wait3A_123, %dma_wait3A_124] : memref<10240x64xf32, #tpu.memory_space<hbm>> -> memref<10240x64xf32, #tpu.memory_space<hbm>>
      tpu.wait_indirect_dma semaphore(%arg12 : memref<!tpu.dma_semaphore, #tpu.memory_space<semaphore_mem>>) src(%dma_wait3A_125 : memref<10240x64xf32, #tpu.memory_space<hbm>>) dst(%arg9 : memref<128x64xf32, #tpu.memory_space<vmem>>)
      %add3A_126 = arith.constant 2 : i32
      %add3A_127 = arith.addi %mul3A_103, %add3A_126 : i32
      %dma_start3A_128 = arith.constant 0 : i32
      %dma_start3A_129 = tpu.memref_slice %arg6[%add3A_127, %dma_start3A_128] : memref<120x128xi32, #tpu.memory_space<vmem>> -> memref<1x128xi32, #tpu.memory_space<vmem>>
      %dma_start3A_130 = tpu.memref_squeeze %dma_start3A_129 : memref<1x128xi32, #tpu.memory_space<vmem>> -> memref<128xi32, #tpu.memory_space<vmem>>
      %dma_start3A_131 = arith.constant 0 : i32
      %dma_start3A_132 = arith.constant 0 : i32
      %dma_start3A_133 = tpu.memref_slice %arg4[%dma_start3A_131, %dma_start3A_132] : memref<10240x64xf32, #tpu.memory_space<hbm>> -> memref<10240x64xf32, #tpu.memory_space<hbm>>
      tpu.enqueue_indirect_dma source(%dma_start3A_133 : memref<10240x64xf32, #tpu.memory_space<hbm>>) target(%arg8 : memref<128x64xf32, #tpu.memory_space<vmem>>) offsets(%dma_start3A_130 : memref<128xi32, #tpu.memory_space<vmem>>) semaphore(%arg11 : memref<!tpu.dma_semaphore, #tpu.memory_space<semaphore_mem>>)
      %add3A_134 = arith.constant 1 : i32
      %add3A_135 = arith.addi %mul3A_103, %add3A_134 : i32
      "tpu.region"() ({
        %run_scoped3A = tpu.sem_alloc : memref<!tpu.dma_semaphore, #tpu.memory_space<semaphore_mem>>
        %dma_start3A_137 = arith.constant 0 : i32
        %dma_start3A_138 = tpu.memref_slice %arg7[%add3A_135, %dma_start3A_137] : memref<120x128xi32, #tpu.memory_space<vmem>> -> memref<1x128xi32, #tpu.memory_space<vmem>>
        %dma_start3A_139 = tpu.memref_squeeze %dma_start3A_138 : memref<1x128xi32, #tpu.memory_space<vmem>> -> memref<128xi32, #tpu.memory_space<vmem>>
        %dma_start3A_140 = arith.constant 0 : i32
        %dma_start3A_141 = arith.constant 0 : i32
        %dma_start3A_142 = tpu.memref_slice %arg10[%dma_start3A_140, %dma_start3A_141] : memref<10240x64xf32, #tpu.memory_space<vmem_shared>> -> memref<10240x64xf32, #tpu.memory_space<vmem_shared>>
        tpu.enqueue_indirect_dma source(%arg9 : memref<128x64xf32, #tpu.memory_space<vmem>>) target(%dma_start3A_142 : memref<10240x64xf32, #tpu.memory_space<vmem_shared>>) offsets(%dma_start3A_139 : memref<128xi32, #tpu.memory_space<vmem>>) semaphore(%run_scoped3A : memref<!tpu.dma_semaphore, #tpu.memory_space<semaphore_mem>>) {add = true}
        %dma_wait3A_143 = arith.constant 0 : i32
        %dma_wait3A_144 = tpu.memref_slice %arg7[%add3A_135, %dma_wait3A_143] : memref<120x128xi32, #tpu.memory_space<vmem>> -> memref<1x128xi32, #tpu.memory_space<vmem>>
        %dma_wait3A_145 = tpu.memref_squeeze %dma_wait3A_144 : memref<1x128xi32, #tpu.memory_space<vmem>> -> memref<128xi32, #tpu.memory_space<vmem>>
        %dma_wait3A_146 = arith.constant 0 : i32
        %dma_wait3A_147 = arith.constant 0 : i32
        %dma_wait3A_148 = tpu.memref_slice %arg10[%dma_wait3A_146, %dma_wait3A_147] : memref<10240x64xf32, #tpu.memory_space<vmem_shared>> -> memref<10240x64xf32, #tpu.memory_space<vmem_shared>>
        tpu.wait_indirect_dma semaphore(%run_scoped3A : memref<!tpu.dma_semaphore, #tpu.memory_space<semaphore_mem>>) src(%arg9 : memref<128x64xf32, #tpu.memory_space<vmem>>) dst(%dma_wait3A_148 : memref<10240x64xf32, #tpu.memory_space<vmem_shared>>)
        tpu.yield
      }) : () -> ()
      %while3A_136 = arith.constant 0 : i32
      scf.yield %while3A_136 : i32
    }
    %while3A_60 = arith.constant 1 : i32
    %while3A_61 = scf.for %while3A_100 = %while3A_57 to %while3A_53 step %while3A_60 iter_args(%while3A_101 = %while3A_59) -> (i32)  : i32 {
      %mul3A_102 = arith.constant 2 : i32
      %mul3A_103 = arith.muli %while3A_100, %mul3A_102 : i32
      %dma_wait3A_104 = arith.constant 0 : i32
      %dma_wait3A_105 = tpu.memref_slice %arg6[%mul3A_103, %dma_wait3A_104] : memref<120x128xi32, #tpu.memory_space<vmem>> -> memref<1x128xi32, #tpu.memory_space<vmem>>
      %dma_wait3A_106 = tpu.memref_squeeze %dma_wait3A_105 : memref<1x128xi32, #tpu.memory_space<vmem>> -> memref<128xi32, #tpu.memory_space<vmem>>
      %dma_wait3A_107 = arith.constant 0 : i32
      %dma_wait3A_108 = arith.constant 0 : i32
      %dma_wait3A_109 = tpu.memref_slice %arg4[%dma_wait3A_107, %dma_wait3A_108] : memref<10240x64xf32, #tpu.memory_space<hbm>> -> memref<10240x64xf32, #tpu.memory_space<hbm>>
      tpu.wait_indirect_dma semaphore(%arg11 : memref<!tpu.dma_semaphore, #tpu.memory_space<semaphore_mem>>) src(%dma_wait3A_109 : memref<10240x64xf32, #tpu.memory_space<hbm>>) dst(%arg8 : memref<128x64xf32, #tpu.memory_space<vmem>>)
      %add3A_110 = arith.constant 1 : i32
      %add3A_111 = arith.addi %mul3A_103, %add3A_110 : i32
      %dma_start3A_112 = arith.constant 0 : i32
      %dma_start3A_113 = tpu.memref_slice %arg6[%add3A_111, %dma_start3A_112] : memref<120x128xi32, #tpu.memory_space<vmem>> -> memref<1x128xi32, #tpu.memory_space<vmem>>
      %dma_start3A_114 = tpu.memref_squeeze %dma_start3A_113 : memref<1x128xi32, #tpu.memory_space<vmem>> -> memref<128xi32, #tpu.memory_space<vmem>>
      %dma_start3A_115 = arith.constant 0 : i32
      %dma_start3A_116 = arith.constant 0 : i32
      %dma_start3A_117 = tpu.memref_slice %arg4[%dma_start3A_115, %dma_start3A_116] : memref<10240x64xf32, #tpu.memory_space<hbm>> -> memref<10240x64xf32, #tpu.memory_space<hbm>>
      tpu.enqueue_indirect_dma source(%dma_start3A_117 : memref<10240x64xf32, #tpu.memory_space<hbm>>) target(%arg9 : memref<128x64xf32, #tpu.memory_space<vmem>>) offsets(%dma_start3A_114 : memref<128xi32, #tpu.memory_space<vmem>>) semaphore(%arg12 : memref<!tpu.dma_semaphore, #tpu.memory_space<semaphore_mem>>)
      "tpu.region"() ({
        %run_scoped3A = tpu.sem_alloc : memref<!tpu.dma_semaphore, #tpu.memory_space<semaphore_mem>>
        %dma_start3A_137 = arith.constant 0 : i32
        %dma_start3A_138 = tpu.memref_slice %arg7[%mul3A_103, %dma_start3A_137] : memref<120x128xi32, #tpu.memory_space<vmem>> -> memref<1x128xi32, #tpu.memory_space<vmem>>
        %dma_start3A_139 = tpu.memref_squeeze %dma_start3A_138 : memref<1x128xi32, #tpu.memory_space<vmem>> -> memref<128xi32, #tpu.memory_space<vmem>>
        %dma_start3A_140 = arith.constant 0 : i32
        %dma_start3A_141 = arith.constant 0 : i32
        %dma_start3A_142 = tpu.memref_slice %arg10[%dma_start3A_140, %dma_start3A_141] : memref<10240x64xf32, #tpu.memory_space<vmem_shared>> -> memref<10240x64xf32, #tpu.memory_space<vmem_shared>>
        tpu.enqueue_indirect_dma source(%arg8 : memref<128x64xf32, #tpu.memory_space<vmem>>) target(%dma_start3A_142 : memref<10240x64xf32, #tpu.memory_space<vmem_shared>>) offsets(%dma_start3A_139 : memref<128xi32, #tpu.memory_space<vmem>>) semaphore(%run_scoped3A : memref<!tpu.dma_semaphore, #tpu.memory_space<semaphore_mem>>) {add = true}
        %dma_wait3A_143 = arith.constant 0 : i32
        %dma_wait3A_144 = tpu.memref_slice %arg7[%mul3A_103, %dma_wait3A_143] : memref<120x128xi32, #tpu.memory_space<vmem>> -> memref<1x128xi32, #tpu.memory_space<vmem>>
        %dma_wait3A_145 = tpu.memref_squeeze %dma_wait3A_144 : memref<1x128xi32, #tpu.memory_space<vmem>> -> memref<128xi32, #tpu.memory_space<vmem>>
        %dma_wait3A_146 = arith.constant 0 : i32
        %dma_wait3A_147 = arith.constant 0 : i32
        %dma_wait3A_148 = tpu.memref_slice %arg10[%dma_wait3A_146, %dma_wait3A_147] : memref<10240x64xf32, #tpu.memory_space<vmem_shared>> -> memref<10240x64xf32, #tpu.memory_space<vmem_shared>>
        tpu.wait_indirect_dma semaphore(%run_scoped3A : memref<!tpu.dma_semaphore, #tpu.memory_space<semaphore_mem>>) src(%arg8 : memref<128x64xf32, #tpu.memory_space<vmem>>) dst(%dma_wait3A_148 : memref<10240x64xf32, #tpu.memory_space<vmem_shared>>)
        tpu.yield
      }) : () -> ()
      %add3A_118 = arith.constant 1 : i32
      %add3A_119 = arith.addi %mul3A_103, %add3A_118 : i32
      %dma_wait3A_120 = arith.constant 0 : i32
      %dma_wait3A_121 = tpu.memref_slice %arg6[%add3A_119, %dma_wait3A_120] : memref<120x128xi32, #tpu.memory_space<vmem>> -> memref<1x128xi32, #tpu.memory_space<vmem>>
      %dma_wait3A_122 = tpu.memref_squeeze %dma_wait3A_121 : memref<1x128xi32, #tpu.memory_space<vmem>> -> memref<128xi32, #tpu.memory_space<vmem>>
      %dma_wait3A_123 = arith.constant 0 : i32
      %dma_wait3A_124 = arith.constant 0 : i32
      %dma_wait3A_125 = tpu.memref_slice %arg4[%dma_wait3A_123, %dma_wait3A_124] : memref<10240x64xf32, #tpu.memory_space<hbm>> -> memref<10240x64xf32, #tpu.memory_space<hbm>>
      tpu.wait_indirect_dma semaphore(%arg12 : memref<!tpu.dma_semaphore, #tpu.memory_space<semaphore_mem>>) src(%dma_wait3A_125 : memref<10240x64xf32, #tpu.memory_space<hbm>>) dst(%arg9 : memref<128x64xf32, #tpu.memory_space<vmem>>)
      %add3A_126 = arith.constant 2 : i32
      %add3A_127 = arith.addi %mul3A_103, %add3A_126 : i32
      %dma_start3A_128 = arith.constant 0 : i32
      %dma_start3A_129 = tpu.memref_slice %arg6[%add3A_127, %dma_start3A_128] : memref<120x128xi32, #tpu.memory_space<vmem>> -> memref<1x128xi32, #tpu.memory_space<vmem>>
      %dma_start3A_130 = tpu.memref_squeeze %dma_start3A_129 : memref<1x128xi32, #tpu.memory_space<vmem>> -> memref<128xi32, #tpu.memory_space<vmem>>
      %dma_start3A_131 = arith.constant 0 : i32
      %dma_start3A_132 = arith.constant 0 : i32
      %dma_start3A_133 = tpu.memref_slice %arg4[%dma_start3A_131, %dma_start3A_132] : memref<10240x64xf32, #tpu.memory_space<hbm>> -> memref<10240x64xf32, #tpu.memory_space<hbm>>
      tpu.enqueue_indirect_dma source(%dma_start3A_133 : memref<10240x64xf32, #tpu.memory_space<hbm>>) target(%arg8 : memref<128x64xf32, #tpu.memory_space<vmem>>) offsets(%dma_start3A_130 : memref<128xi32, #tpu.memory_space<vmem>>) semaphore(%arg11 : memref<!tpu.dma_semaphore, #tpu.memory_space<semaphore_mem>>)
      %add3A_134 = arith.constant 1 : i32
      %add3A_135 = arith.addi %mul3A_103, %add3A_134 : i32
      "tpu.region"() ({
        %run_scoped3A = tpu.sem_alloc : memref<!tpu.dma_semaphore, #tpu.memory_space<semaphore_mem>>
        %dma_start3A_137 = arith.constant 0 : i32
        %dma_start3A_138 = tpu.memref_slice %arg7[%add3A_135, %dma_start3A_137] : memref<120x128xi32, #tpu.memory_space<vmem>> -> memref<1x128xi32, #tpu.memory_space<vmem>>
        %dma_start3A_139 = tpu.memref_squeeze %dma_start3A_138 : memref<1x128xi32, #tpu.memory_space<vmem>> -> memref<128xi32, #tpu.memory_space<vmem>>
        %dma_start3A_140 = arith.constant 0 : i32
        %dma_start3A_141 = arith.constant 0 : i32
        %dma_start3A_142 = tpu.memref_slice %arg10[%dma_start3A_140, %dma_start3A_141] : memref<10240x64xf32, #tpu.memory_space<vmem_shared>> -> memref<10240x64xf32, #tpu.memory_space<vmem_shared>>
        tpu.enqueue_indirect_dma source(%arg9 : memref<128x64xf32, #tpu.memory_space<vmem>>) target(%dma_start3A_142 : memref<10240x64xf32, #tpu.memory_space<vmem_shared>>) offsets(%dma_start3A_139 : memref<128xi32, #tpu.memory_space<vmem>>) semaphore(%run_scoped3A : memref<!tpu.dma_semaphore, #tpu.memory_space<semaphore_mem>>) {add = true}
        %dma_wait3A_143 = arith.constant 0 : i32
        %dma_wait3A_144 = tpu.memref_slice %arg7[%add3A_135, %dma_wait3A_143] : memref<120x128xi32, #tpu.memory_space<vmem>> -> memref<1x128xi32, #tpu.memory_space<vmem>>
        %dma_wait3A_145 = tpu.memref_squeeze %dma_wait3A_144 : memref<1x128xi32, #tpu.memory_space<vmem>> -> memref<128xi32, #tpu.memory_space<vmem>>
        %dma_wait3A_146 = arith.constant 0 : i32
        %dma_wait3A_147 = arith.constant 0 : i32
        %dma_wait3A_148 = tpu.memref_slice %arg10[%dma_wait3A_146, %dma_wait3A_147] : memref<10240x64xf32, #tpu.memory_space<vmem_shared>> -> memref<10240x64xf32, #tpu.memory_space<vmem_shared>>
        tpu.wait_indirect_dma semaphore(%run_scoped3A : memref<!tpu.dma_semaphore, #tpu.memory_space<semaphore_mem>>) src(%arg9 : memref<128x64xf32, #tpu.memory_space<vmem>>) dst(%dma_wait3A_148 : memref<10240x64xf32, #tpu.memory_space<vmem_shared>>)
        tpu.yield
      }) : () -> ()
      %while3A_136 = arith.constant 0 : i32
      scf.yield %while3A_136 : i32
    }
    %scan3A_62 = arith.constant 0 : i32
    %scan3A_63 = arith.constant 0 : i32
    %sub3A_64 = arith.constant 2 : i32
    %sub3A_65 = arith.subi %select_n3A, %sub3A_64 : i32
    %add3A_66 = arith.addi %sub3A_65, %scan3A_63 : i32
    %dma_wait3A = arith.constant 0 : i32
    %dma_wait3A_67 = tpu.memref_slice %arg6[%add3A_66, %dma_wait3A] : memref<120x128xi32, #tpu.memory_space<vmem>> -> memref<1x128xi32, #tpu.memory_space<vmem>>
    %dma_wait3A_68 = tpu.memref_squeeze %dma_wait3A_67 : memref<1x128xi32, #tpu.memory_space<vmem>> -> memref<128xi32, #tpu.memory_space<vmem>>
    %dma_wait3A_69 = arith.constant 0 : i32
    %dma_wait3A_70 = arith.constant 0 : i32
    %dma_wait3A_71 = tpu.memref_slice %arg4[%dma_wait3A_69, %dma_wait3A_70] : memref<10240x64xf32, #tpu.memory_space<hbm>> -> memref<10240x64xf32, #tpu.memory_space<hbm>>
    tpu.wait_indirect_dma semaphore(%arg11 : memref<!tpu.dma_semaphore, #tpu.memory_space<semaphore_mem>>) src(%dma_wait3A_71 : memref<10240x64xf32, #tpu.memory_space<hbm>>) dst(%arg8 : memref<128x64xf32, #tpu.memory_space<vmem>>)
    %add3A_72 = arith.constant 1 : i32
    %add3A_73 = arith.addi %add3A_66, %add3A_72 : i32
    %dma_start3A_74 = arith.constant 0 : i32
    %dma_start3A_75 = tpu.memref_slice %arg6[%add3A_73, %dma_start3A_74] : memref<120x128xi32, #tpu.memory_space<vmem>> -> memref<1x128xi32, #tpu.memory_space<vmem>>
    %dma_start3A_76 = tpu.memref_squeeze %dma_start3A_75 : memref<1x128xi32, #tpu.memory_space<vmem>> -> memref<128xi32, #tpu.memory_space<vmem>>
    %dma_start3A_77 = arith.constant 0 : i32
    %dma_start3A_78 = arith.constant 0 : i32
    %dma_start3A_79 = tpu.memref_slice %arg4[%dma_start3A_77, %dma_start3A_78] : memref<10240x64xf32, #tpu.memory_space<hbm>> -> memref<10240x64xf32, #tpu.memory_space<hbm>>
    tpu.enqueue_indirect_dma source(%dma_start3A_79 : memref<10240x64xf32, #tpu.memory_space<hbm>>) target(%arg9 : memref<128x64xf32, #tpu.memory_space<vmem>>) offsets(%dma_start3A_76 : memref<128xi32, #tpu.memory_space<vmem>>) semaphore(%arg12 : memref<!tpu.dma_semaphore, #tpu.memory_space<semaphore_mem>>)
    "tpu.region"() ({
      %run_scoped3A = tpu.sem_alloc : memref<!tpu.dma_semaphore, #tpu.memory_space<semaphore_mem>>
      %dma_start3A_100 = arith.constant 0 : i32
      %dma_start3A_101 = tpu.memref_slice %arg7[%add3A_66, %dma_start3A_100] : memref<120x128xi32, #tpu.memory_space<vmem>> -> memref<1x128xi32, #tpu.memory_space<vmem>>
      %dma_start3A_102 = tpu.memref_squeeze %dma_start3A_101 : memref<1x128xi32, #tpu.memory_space<vmem>> -> memref<128xi32, #tpu.memory_space<vmem>>
      %dma_start3A_103 = arith.constant 0 : i32
      %dma_start3A_104 = arith.constant 0 : i32
      %dma_start3A_105 = tpu.memref_slice %arg10[%dma_start3A_103, %dma_start3A_104] : memref<10240x64xf32, #tpu.memory_space<vmem_shared>> -> memref<10240x64xf32, #tpu.memory_space<vmem_shared>>
      tpu.enqueue_indirect_dma source(%arg8 : memref<128x64xf32, #tpu.memory_space<vmem>>) target(%dma_start3A_105 : memref<10240x64xf32, #tpu.memory_space<vmem_shared>>) offsets(%dma_start3A_102 : memref<128xi32, #tpu.memory_space<vmem>>) semaphore(%run_scoped3A : memref<!tpu.dma_semaphore, #tpu.memory_space<semaphore_mem>>) {add = true}
      %dma_wait3A_106 = arith.constant 0 : i32
      %dma_wait3A_107 = tpu.memref_slice %arg7[%add3A_66, %dma_wait3A_106] : memref<120x128xi32, #tpu.memory_space<vmem>> -> memref<1x128xi32, #tpu.memory_space<vmem>>
      %dma_wait3A_108 = tpu.memref_squeeze %dma_wait3A_107 : memref<1x128xi32, #tpu.memory_space<vmem>> -> memref<128xi32, #tpu.memory_space<vmem>>
      %dma_wait3A_109 = arith.constant 0 : i32
      %dma_wait3A_110 = arith.constant 0 : i32
      %dma_wait3A_111 = tpu.memref_slice %arg10[%dma_wait3A_109, %dma_wait3A_110] : memref<10240x64xf32, #tpu.memory_space<vmem_shared>> -> memref<10240x64xf32, #tpu.memory_space<vmem_shared>>
      tpu.wait_indirect_dma semaphore(%run_scoped3A : memref<!tpu.dma_semaphore, #tpu.memory_space<semaphore_mem>>) src(%arg8 : memref<128x64xf32, #tpu.memory_space<vmem>>) dst(%dma_wait3A_111 : memref<10240x64xf32, #tpu.memory_space<vmem_shared>>)
      tpu.yield
    }) : () -> ()
    %add3A_80 = arith.constant 1 : i32
    %add3A_81 = arith.addi %add3A_66, %add3A_80 : i32
    %dma_wait3A_82 = arith.constant 0 : i32
    %dma_wait3A_83 = tpu.memref_slice %arg6[%add3A_81, %dma_wait3A_82] : memref<120x128xi32, #tpu.memory_space<vmem>> -> memref<1x128xi32, #tpu.memory_space<vmem>>
    %dma_wait3A_84 = tpu.memref_squeeze %dma_wait3A_83 : memref<1x128xi32, #tpu.memory_space<vmem>> -> memref<128xi32, #tpu.memory_space<vmem>>
    %dma_wait3A_85 = arith.constant 0 : i32
    %dma_wait3A_86 = arith.constant 0 : i32
    %dma_wait3A_87 = tpu.memref_slice %arg4[%dma_wait3A_85, %dma_wait3A_86] : memref<10240x64xf32, #tpu.memory_space<hbm>> -> memref<10240x64xf32, #tpu.memory_space<hbm>>
    tpu.wait_indirect_dma semaphore(%arg12 : memref<!tpu.dma_semaphore, #tpu.memory_space<semaphore_mem>>) src(%dma_wait3A_87 : memref<10240x64xf32, #tpu.memory_space<hbm>>) dst(%arg9 : memref<128x64xf32, #tpu.memory_space<vmem>>)
    %add3A_88 = arith.constant 1 : i32
    %add3A_89 = arith.addi %add3A_66, %add3A_88 : i32
    "tpu.region"() ({
      %run_scoped3A = tpu.sem_alloc : memref<!tpu.dma_semaphore, #tpu.memory_space<semaphore_mem>>
      %dma_start3A_100 = arith.constant 0 : i32
      %dma_start3A_101 = tpu.memref_slice %arg7[%add3A_89, %dma_start3A_100] : memref<120x128xi32, #tpu.memory_space<vmem>> -> memref<1x128xi32, #tpu.memory_space<vmem>>
      %dma_start3A_102 = tpu.memref_squeeze %dma_start3A_101 : memref<1x128xi32, #tpu.memory_space<vmem>> -> memref<128xi32, #tpu.memory_space<vmem>>
      %dma_start3A_103 = arith.constant 0 : i32
      %dma_start3A_104 = arith.constant 0 : i32
      %dma_start3A_105 = tpu.memref_slice %arg10[%dma_start3A_103, %dma_start3A_104] : memref<10240x64xf32, #tpu.memory_space<vmem_shared>> -> memref<10240x64xf32, #tpu.memory_space<vmem_shared>>
      tpu.enqueue_indirect_dma source(%arg9 : memref<128x64xf32, #tpu.memory_space<vmem>>) target(%dma_start3A_105 : memref<10240x64xf32, #tpu.memory_space<vmem_shared>>) offsets(%dma_start3A_102 : memref<128xi32, #tpu.memory_space<vmem>>) semaphore(%run_scoped3A : memref<!tpu.dma_semaphore, #tpu.memory_space<semaphore_mem>>) {add = true}
      %dma_wait3A_106 = arith.constant 0 : i32
      %dma_wait3A_107 = tpu.memref_slice %arg7[%add3A_89, %dma_wait3A_106] : memref<120x128xi32, #tpu.memory_space<vmem>> -> memref<1x128xi32, #tpu.memory_space<vmem>>
      %dma_wait3A_108 = tpu.memref_squeeze %dma_wait3A_107 : memref<1x128xi32, #tpu.memory_space<vmem>> -> memref<128xi32, #tpu.memory_space<vmem>>
      %dma_wait3A_109 = arith.constant 0 : i32
      %dma_wait3A_110 = arith.constant 0 : i32
      %dma_wait3A_111 = tpu.memref_slice %arg10[%dma_wait3A_109, %dma_wait3A_110] : memref<10240x64xf32, #tpu.memory_space<vmem_shared>> -> memref<10240x64xf32, #tpu.memory_space<vmem_shared>>
      tpu.wait_indirect_dma semaphore(%run_scoped3A : memref<!tpu.dma_semaphore, #tpu.memory_space<semaphore_mem>>) src(%arg9 : memref<128x64xf32, #tpu.memory_space<vmem>>) dst(%dma_wait3A_111 : memref<10240x64xf32, #tpu.memory_space<vmem_shared>>)
      tpu.yield
    }) : () -> ()
    %scan3A_90 = arith.constant 0 : i32
    %scan3A_91 = arith.constant 1 : i32
    %barrier3A_92 = arith.constant 0 : index
    tpu.barrier barrier_id(%barrier3A_92)
    %scan3A_93 = arith.constant 0 : i32
    %scan3A_94 = arith.constant 0 : i32
    %scan3A_95 = arith.constant 5 : i32
    %scan3A_96 = arith.addi %scan3A_94, %scan3A_95 : i32
    %scan3A_97 = arith.constant 1 : i32
    %scan3A_98 = scf.for %scan3A_100 = %scan3A_94 to %scan3A_96 step %scan3A_97 iter_args(%scan3A_101 = %scan3A_93) -> (i32)  : i32 {
      %mul3A_102 = arith.constant 128 : i32
      %mul3A_103 = arith.muli %scan3A_100, %mul3A_102 : i32
      %add3A_104 = arith.addi %mul3A_8, %mul3A_103 : i32
      "tpu.region"() ({
        %run_scoped3A = tpu.sem_alloc : memref<!tpu.dma_semaphore, #tpu.memory_space<semaphore_mem>>
        %dma_start3A_109 = arith.constant 0 : i32
        %dma_start3A_110 = tpu.memref_slice %arg10[%add3A_104, %dma_start3A_109] : memref<10240x64xf32, #tpu.memory_space<vmem_shared>> -> memref<128x64xf32, #tpu.memory_space<vmem_shared>>
        %dma_start3A_111 = arith.constant 0 : i32
        %dma_start3A_112 = tpu.memref_slice %arg10[%add3A_104, %dma_start3A_111] : memref<10240x64xf32, #tpu.memory_space<vmem_shared>> -> memref<128x64xf32, #tpu.memory_space<vmem_shared>>
        tpu.enqueue_dma source(%dma_start3A_112 : memref<128x64xf32, #tpu.memory_space<vmem_shared>>) target(%arg8 : memref<128x64xf32, #tpu.memory_space<vmem>>) target_semaphore(%run_scoped3A : memref<!tpu.dma_semaphore, #tpu.memory_space<semaphore_mem>>)
        %dma_wait3A_113 = arith.constant 0 : i32
        %dma_wait3A_114 = tpu.memref_slice %arg10[%add3A_104, %dma_wait3A_113] : memref<10240x64xf32, #tpu.memory_space<vmem_shared>> -> memref<128x64xf32, #tpu.memory_space<vmem_shared>>
        %dma_wait3A_115 = arith.constant 0 : i32
        %dma_wait3A_116 = tpu.memref_slice %arg10[%add3A_104, %dma_wait3A_115] : memref<10240x64xf32, #tpu.memory_space<vmem_shared>> -> memref<128x64xf32, #tpu.memory_space<vmem_shared>>
        tpu.wait_dma2 semaphore(%run_scoped3A : memref<!tpu.dma_semaphore, #tpu.memory_space<semaphore_mem>>) src(%dma_wait3A_116 : memref<128x64xf32, #tpu.memory_space<vmem_shared>>) dst(%arg8 : memref<128x64xf32, #tpu.memory_space<vmem>>)
        tpu.yield
      }) : () -> ()
      %mul3A_105 = arith.constant 128 : i32
      %mul3A_106 = arith.muli %scan3A_100, %mul3A_105 : i32
      %add3A_107 = arith.addi %mul3A_8, %mul3A_106 : i32
      "tpu.region"() ({
        %run_scoped3A = tpu.sem_alloc : memref<!tpu.dma_semaphore, #tpu.memory_space<semaphore_mem>>
        %dma_start3A_109 = arith.constant 0 : i32
        %dma_start3A_110 = tpu.memref_slice %arg5[%arg0, %add3A_107, %dma_start3A_109] : memref<2x10240x64xf32, #tpu.memory_space<hbm>> -> memref<1x128x64xf32, #tpu.memory_space<hbm>>
        %dma_start3A_111 = tpu.memref_squeeze %dma_start3A_110 : memref<1x128x64xf32, #tpu.memory_space<hbm>> -> memref<128x64xf32, #tpu.memory_space<hbm>>
        %dma_start3A_112 = arith.constant 0 : i32
        %dma_start3A_113 = tpu.memref_slice %arg5[%arg0, %add3A_107, %dma_start3A_112] : memref<2x10240x64xf32, #tpu.memory_space<hbm>> -> memref<1x128x64xf32, #tpu.memory_space<hbm>>
        %dma_start3A_114 = tpu.memref_squeeze %dma_start3A_113 : memref<1x128x64xf32, #tpu.memory_space<hbm>> -> memref<128x64xf32, #tpu.memory_space<hbm>>
        tpu.enqueue_dma source(%arg8 : memref<128x64xf32, #tpu.memory_space<vmem>>) target(%dma_start3A_114 : memref<128x64xf32, #tpu.memory_space<hbm>>) target_semaphore(%run_scoped3A : memref<!tpu.dma_semaphore, #tpu.memory_space<semaphore_mem>>)
        %dma_wait3A_115 = arith.constant 0 : i32
        %dma_wait3A_116 = tpu.memref_slice %arg5[%arg0, %add3A_107, %dma_wait3A_115] : memref<2x10240x64xf32, #tpu.memory_space<hbm>> -> memref<1x128x64xf32, #tpu.memory_space<hbm>>
        %dma_wait3A_117 = tpu.memref_squeeze %dma_wait3A_116 : memref<1x128x64xf32, #tpu.memory_space<hbm>> -> memref<128x64xf32, #tpu.memory_space<hbm>>
        %dma_wait3A_118 = arith.constant 0 : i32
        %dma_wait3A_119 = tpu.memref_slice %arg5[%arg0, %add3A_107, %dma_wait3A_118] : memref<2x10240x64xf32, #tpu.memory_space<hbm>> -> memref<1x128x64xf32, #tpu.memory_space<hbm>>
        %dma_wait3A_120 = tpu.memref_squeeze %dma_wait3A_119 : memref<1x128x64xf32, #tpu.memory_space<hbm>> -> memref<128x64xf32, #tpu.memory_space<hbm>>
        tpu.wait_dma2 semaphore(%run_scoped3A : memref<!tpu.dma_semaphore, #tpu.memory_space<semaphore_mem>>) src(%arg8 : memref<128x64xf32, #tpu.memory_space<vmem>>) dst(%dma_wait3A_120 : memref<128x64xf32, #tpu.memory_space<hbm>>)
        tpu.yield
      }) : () -> ()
      %scan3A_108 = arith.constant 0 : i32
      scf.yield %scan3A_108 : i32
    }
    %scan3A_99 = arith.constant 5 : i32
    return
  }
}

#map = affine_map<(d0, d1) -> (0, 0)>
#map1 = affine_map<(d0, d1) -> (0, 0, 0)>
module attributes {stable_mosaic.version = 14 : i64} {
  func.func @_scatter_kernel(%arg0: i32, %arg1: i32, %arg2: memref<2640x128xi32, #tpu.memory_space<hbm>>, %arg3: memref<2640x128xi32, #tpu.memory_space<hbm>>, %arg4: memref<10240x64xf32, #tpu.memory_space<hbm>>, %arg5: memref<2x10240x64xf32, #tpu.memory_space<hbm>>, %arg6: memref<120x128xi32, #tpu.memory_space<vmem>>, %arg7: memref<120x128xi32, #tpu.memory_space<vmem>>, %arg8: memref<128x64xf32, #tpu.memory_space<vmem>>, %arg9: memref<128x64xf32, #tpu.memory_space<vmem>>, %arg10: memref<10240x64xf32, #tpu.memory_space<vmem_shared>>, %arg11: memref<!tpu.dma_semaphore, #tpu.memory_space<semaphore_mem>>, %arg12: memref<!tpu.dma_semaphore, #tpu.memory_space<semaphore_mem>>) attributes {dimension_semantics = [#tpu.dimension_semantics<core_parallel>, #tpu.dimension_semantics<subcore_parallel>], iteration_bounds = array<i64: 2, 16>, scalar_prefetch = 0 : i64, scratch_operands = 7 : i64, tpu.core_type = #tpu.core_type<sc_vector_subcore>, window_params = [{transform_indices = #map}, {transform_indices = #map}, {transform_indices = #map}, {transform_indices = #map1}]} {
    %eq3A = arith.constant 0 : i32
    %eq3A_0 = arith.cmpi eq, %arg0, %eq3A : i32
    %jit3A = arith.constant 120 : i32
    %jit3A_1 = arith.constant 40 : i32
    %select_n3A = arith.select %eq3A_0, %jit3A, %jit3A_1 : i32
    %mul3A = arith.constant 16 : i32
    %mul3A_2 = arith.muli %arg0, %mul3A : i32
    %mul3A_3 = arith.constant 120 : i32
    %mul3A_4 = arith.muli %mul3A_2, %mul3A_3 : i32
    %mul3A_5 = arith.muli %arg1, %select_n3A : i32
    %add3A = arith.addi %mul3A_4, %mul3A_5 : i32
    %broadcast_in_dim3A = arith.constant 0.000000e+00 : f32
    %broadcast_in_dim3A_6 = vector.broadcast %broadcast_in_dim3A : f32 to vector<16xf32>
    %mul3A_7 = arith.constant 640 : i32
    %mul3A_8 = arith.muli %arg1, %mul3A_7 : i32
    %scan3A = arith.constant 0 : i32
    %scan3A_9 = arith.constant 0 : i32
    %scan3A_10 = arith.constant 128 : i32
    %scan3A_11 = arith.addi %scan3A_9, %scan3A_10 : i32
    %scan3A_12 = arith.constant 1 : i32
    %scan3A_13 = scf.for %scan3A_100 = %scan3A_9 to %scan3A_11 step %scan3A_12 iter_args(%scan3A_101 = %scan3A) -> (i32)  : i32 {
      %scan3A_102 = arith.constant 0 : i32
      %scan3A_103 = arith.constant 0 : i32
      %scan3A_104 = arith.constant 4 : i32
      %scan3A_105 = arith.addi %scan3A_103, %scan3A_104 : i32
      %scan3A_106 = arith.constant 1 : i32
      %scan3A_107 = scf.for %scan3A_110 = %scan3A_103 to %scan3A_105 step %scan3A_106 iter_args(%scan3A_111 = %scan3A_102) -> (i32)  : i32 {
        %mul3A_112 = arith.constant 16 : i32
        %mul3A_113 = arith.muli %scan3A_110, %mul3A_112 : i32
        %swap3A = arith.index_cast %scan3A_100 : i32 to index
        %swap3A_114 = arith.index_cast %mul3A_113 : i32 to index
        %swap3A_115 = tpu.vector_load %arg8[%swap3A, %swap3A_114] {strides = array<i32>} : memref<128x64xf32, #tpu.memory_space<vmem>>, vector<16xf32>,
        tpu.vector_store %arg8[%swap3A, %swap3A_114], %broadcast_in_dim3A_6 {strides = array<i32>} : memref<128x64xf32, #tpu.memory_space<vmem>>, vector<16xf32>,
        %scan3A_116 = arith.constant 0 : i32
        scf.yield %scan3A_116 : i32
      }
      %scan3A_108 = arith.constant 4 : i32
      %scan3A_109 = arith.constant 0 : i32
      scf.yield %scan3A_109 : i32
    }
    %scan3A_14 = arith.constant 128 : i32
    %scan3A_15 = arith.constant 0 : i32
    %scan3A_16 = arith.constant 0 : i32
    %scan3A_17 = arith.constant 5 : i32
    %scan3A_18 = arith.addi %scan3A_16, %scan3A_17 : i32
    %scan3A_19 = arith.constant 1 : i32
    %scan3A_20 = scf.for %scan3A_100 = %scan3A_16 to %scan3A_18 step %scan3A_19 iter_args(%scan3A_101 = %scan3A_15) -> (i32)  : i32 {
      %mul3A_102 = arith.constant 128 : i32
      %mul3A_103 = arith.muli %scan3A_100, %mul3A_102 : i32
      %add3A_104 = arith.addi %mul3A_8, %mul3A_103 : i32
      "tpu.region"() ({
        %run_scoped3A = tpu.sem_alloc : memref<!tpu.dma_semaphore, #tpu.memory_space<semaphore_mem>>
        %dma_start3A_106 = arith.constant 0 : i32
        %dma_start3A_107 = tpu.memref_slice %arg10[%add3A_104, %dma_start3A_106] : memref<10240x64xf32, #tpu.memory_space<vmem_shared>> -> memref<128x64xf32, #tpu.memory_space<vmem_shared>>
        %dma_start3A_108 = arith.constant 0 : i32
        %dma_start3A_109 = tpu.memref_slice %arg10[%add3A_104, %dma_start3A_108] : memref<10240x64xf32, #tpu.memory_space<vmem_shared>> -> memref<128x64xf32, #tpu.memory_space<vmem_shared>>
        tpu.enqueue_dma source(%arg8 : memref<128x64xf32, #tpu.memory_space<vmem>>) target(%dma_start3A_109 : memref<128x64xf32, #tpu.memory_space<vmem_shared>>) target_semaphore(%run_scoped3A : memref<!tpu.dma_semaphore, #tpu.memory_space<semaphore_mem>>)
        %dma_wait3A_110 = arith.constant 0 : i32
        %dma_wait3A_111 = tpu.memref_slice %arg10[%add3A_104, %dma_wait3A_110] : memref<10240x64xf32, #tpu.memory_space<vmem_shared>> -> memref<128x64xf32, #tpu.memory_space<vmem_shared>>
        %dma_wait3A_112 = arith.constant 0 : i32
        %dma_wait3A_113 = tpu.memref_slice %arg10[%add3A_104, %dma_wait3A_112] : memref<10240x64xf32, #tpu.memory_space<vmem_shared>> -> memref<128x64xf32, #tpu.memory_space<vmem_shared>>
        tpu.wait_dma2 semaphore(%run_scoped3A : memref<!tpu.dma_semaphore, #tpu.memory_space<semaphore_mem>>) src(%arg8 : memref<128x64xf32, #tpu.memory_space<vmem>>) dst(%dma_wait3A_113 : memref<128x64xf32, #tpu.memory_space<vmem_shared>>)
        tpu.yield
      }) : () -> ()
      %scan3A_105 = arith.constant 0 : i32
      scf.yield %scan3A_105 : i32
    }
    %scan3A_21 = arith.constant 5 : i32
    %barrier3A = arith.constant 0 : index
    tpu.barrier barrier_id(%barrier3A)
    "tpu.region"() ({
      %run_scoped3A = tpu.sem_alloc : memref<!tpu.dma_semaphore, #tpu.memory_space<semaphore_mem>>
      %dma_start3A_100 = arith.constant 0 : i32
      %dma_start3A_101 = tpu.memref_slice %arg2[%add3A, %dma_start3A_100] : memref<2640x128xi32, #tpu.memory_space<hbm>> -> memref<120x128xi32, #tpu.memory_space<hbm>>
      %dma_start3A_102 = arith.constant 0 : i32
      %dma_start3A_103 = tpu.memref_slice %arg2[%add3A, %dma_start3A_102] : memref<2640x128xi32, #tpu.memory_space<hbm>> -> memref<120x128xi32, #tpu.memory_space<hbm>>
      tpu.enqueue_dma source(%dma_start3A_103 : memref<120x128xi32, #tpu.memory_space<hbm>>) target(%arg6 : memref<120x128xi32, #tpu.memory_space<vmem>>) target_semaphore(%run_scoped3A : memref<!tpu.dma_semaphore, #tpu.memory_space<semaphore_mem>>)
      %dma_wait3A_104 = arith.constant 0 : i32
      %dma_wait3A_105 = tpu.memref_slice %arg2[%add3A, %dma_wait3A_104] : memref<2640x128xi32, #tpu.memory_space<hbm>> -> memref<120x128xi32, #tpu.memory_space<hbm>>
      %dma_wait3A_106 = arith.constant 0 : i32
      %dma_wait3A_107 = tpu.memref_slice %arg2[%add3A, %dma_wait3A_106] : memref<2640x128xi32, #tpu.memory_space<hbm>> -> memref<120x128xi32, #tpu.memory_space<hbm>>
      tpu.wait_dma2 semaphore(%run_scoped3A : memref<!tpu.dma_semaphore, #tpu.memory_space<semaphore_mem>>) src(%dma_wait3A_107 : memref<120x128xi32, #tpu.memory_space<hbm>>) dst(%arg6 : memref<120x128xi32, #tpu.memory_space<vmem>>)
      tpu.yield
    }) : () -> ()
    "tpu.region"() ({
      %run_scoped3A = tpu.sem_alloc : memref<!tpu.dma_semaphore, #tpu.memory_space<semaphore_mem>>
      %dma_start3A_100 = arith.constant 0 : i32
      %dma_start3A_101 = tpu.memref_slice %arg3[%add3A, %dma_start3A_100] : memref<2640x128xi32, #tpu.memory_space<hbm>> -> memref<120x128xi32, #tpu.memory_space<hbm>>
      %dma_start3A_102 = arith.constant 0 : i32
      %dma_start3A_103 = tpu.memref_slice %arg3[%add3A, %dma_start3A_102] : memref<2640x128xi32, #tpu.memory_space<hbm>> -> memref<120x128xi32, #tpu.memory_space<hbm>>
      tpu.enqueue_dma source(%dma_start3A_103 : memref<120x128xi32, #tpu.memory_space<hbm>>) target(%arg7 : memref<120x128xi32, #tpu.memory_space<vmem>>) target_semaphore(%run_scoped3A : memref<!tpu.dma_semaphore, #tpu.memory_space<semaphore_mem>>)
      %dma_wait3A_104 = arith.constant 0 : i32
      %dma_wait3A_105 = tpu.memref_slice %arg3[%add3A, %dma_wait3A_104] : memref<2640x128xi32, #tpu.memory_space<hbm>> -> memref<120x128xi32, #tpu.memory_space<hbm>>
      %dma_wait3A_106 = arith.constant 0 : i32
      %dma_wait3A_107 = tpu.memref_slice %arg3[%add3A, %dma_wait3A_106] : memref<2640x128xi32, #tpu.memory_space<hbm>> -> memref<120x128xi32, #tpu.memory_space<hbm>>
      tpu.wait_dma2 semaphore(%run_scoped3A : memref<!tpu.dma_semaphore, #tpu.memory_space<semaphore_mem>>) src(%dma_wait3A_107 : memref<120x128xi32, #tpu.memory_space<hbm>>) dst(%arg7 : memref<120x128xi32, #tpu.memory_space<vmem>>)
      tpu.yield
    }) : () -> ()
    %scan3A_22 = arith.constant 0 : i32
    %scan3A_23 = arith.constant 0 : i32
    %dma_start3A = arith.constant 0 : i32
    %dma_start3A_24 = tpu.memref_slice %arg6[%scan3A_23, %dma_start3A] : memref<120x128xi32, #tpu.memory_space<vmem>> -> memref<1x128xi32, #tpu.memory_space<vmem>>
    %dma_start3A_25 = tpu.memref_squeeze %dma_start3A_24 : memref<1x128xi32, #tpu.memory_space<vmem>> -> memref<128xi32, #tpu.memory_space<vmem>>
    %dma_start3A_26 = arith.constant 0 : i32
    %dma_start3A_27 = arith.constant 0 : i32
    %dma_start3A_28 = tpu.memref_slice %arg4[%dma_start3A_26, %dma_start3A_27] : memref<10240x64xf32, #tpu.memory_space<hbm>> -> memref<10240x64xf32, #tpu.memory_space<hbm>>
    tpu.enqueue_indirect_dma source(%dma_start3A_28 : memref<10240x64xf32, #tpu.memory_space<hbm>>) target(%arg8 : memref<128x64xf32, #tpu.memory_space<vmem>>) offsets(%dma_start3A_25 : memref<128xi32, #tpu.memory_space<vmem>>) semaphore(%arg11 : memref<!tpu.dma_semaphore, #tpu.memory_space<semaphore_mem>>)
    %scan3A_29 = arith.constant 0 : i32
    %scan3A_30 = arith.constant 1 : i32
    %jit3A_31 = arith.constant 2 : i32
    %div3A = arith.divsi %select_n3A, %jit3A_31 : i32
    %sign3A = arith.constant 0 : i32
    %sign3A_32 = arith.cmpi sgt, %select_n3A, %sign3A : i32
    %sign3A_33 = arith.extui %sign3A_32 : i1 to i32
    %sign3A_34 = arith.constant 0 : i32
    %sign3A_35 = arith.cmpi slt, %select_n3A, %sign3A_34 : i32
    %sign3A_36 = arith.extui %sign3A_35 : i1 to i32
    %sign3A_37 = arith.subi %sign3A_33, %sign3A_36 : i32
    %sign3A_38 = arith.constant 0 : i32
    %sign3A_39 = arith.cmpi sgt, %jit3A_31, %sign3A_38 : i32
    %sign3A_40 = arith.extui %sign3A_39 : i1 to i32
    %sign3A_41 = arith.constant 0 : i32
    %sign3A_42 = arith.cmpi slt, %jit3A_31, %sign3A_41 : i32
    %sign3A_43 = arith.extui %sign3A_42 : i1 to i32
    %sign3A_44 = arith.subi %sign3A_40, %sign3A_43 : i32
    %ne3A = arith.cmpi ne, %sign3A_37, %sign3A_44 : i32
    %rem3A = arith.remsi %select_n3A, %jit3A_31 : i32
    %ne3A_45 = arith.constant 0 : i32
    %ne3A_46 = arith.cmpi ne, %rem3A, %ne3A_45 : i32
    %and3A = arith.andi %ne3A, %ne3A_46 : i1
    %sub3A = arith.constant 1 : i32
    %sub3A_47 = arith.subi %div3A, %sub3A : i32
    %select_n3A_48 = arith.select %and3A, %sub3A_47, %div3A : i32
    %sub3A_49 = arith.constant 1 : i32
    %sub3A_50 = arith.subi %select_n3A_48, %sub3A_49 : i32
    %while3A = arith.constant 0 : i32
    %while3A_51 = arith.constant 0 : i32
    %while3A_52 = arith.subi %sub3A_50, %while3A : i32
    %while3A_53 = arith.addi %while3A, %while3A_52 : i32
    %while3A_54 = arith.constant 1 : i32
    %while3A_55 = arith.divsi %while3A_52, %while3A_54 : i32
    %while3A_56 = arith.muli %while3A_55, %while3A_54 : i32
    %while3A_57 = arith.addi %while3A, %while3A_56 : i32
    %while3A_58 = arith.constant 1 : i32
    %while3A_59 = scf.for %while3A_100 = %while3A to %while3A_57 step %while3A_58 iter_args(%while3A_101 = %while3A_51) -> (i32)  : i32 {
      %mul3A_102 = arith.constant 2 : i32
      %mul3A_103 = arith.muli %while3A_100, %mul3A_102 : i32
      %dma_wait3A_104 = arith.constant 0 : i32
      %dma_wait3A_105 = tpu.memref_slice %arg6[%mul3A_103, %dma_wait3A_104] : memref<120x128xi32, #tpu.memory_space<vmem>> -> memref<1x128xi32, #tpu.memory_space<vmem>>
      %dma_wait3A_106 = tpu.memref_squeeze %dma_wait3A_105 : memref<1x128xi32, #tpu.memory_space<vmem>> -> memref<128xi32, #tpu.memory_space<vmem>>
      %dma_wait3A_107 = arith.constant 0 : i32
      %dma_wait3A_108 = arith.constant 0 : i32
      %dma_wait3A_109 = tpu.memref_slice %arg4[%dma_wait3A_107, %dma_wait3A_108] : memref<10240x64xf32, #tpu.memory_space<hbm>> -> memref<10240x64xf32, #tpu.memory_space<hbm>>
      tpu.wait_indirect_dma semaphore(%arg11 : memref<!tpu.dma_semaphore, #tpu.memory_space<semaphore_mem>>) src(%dma_wait3A_109 : memref<10240x64xf32, #tpu.memory_space<hbm>>) dst(%arg8 : memref<128x64xf32, #tpu.memory_space<vmem>>)
      %add3A_110 = arith.constant 1 : i32
      %add3A_111 = arith.addi %mul3A_103, %add3A_110 : i32
      %dma_start3A_112 = arith.constant 0 : i32
      %dma_start3A_113 = tpu.memref_slice %arg6[%add3A_111, %dma_start3A_112] : memref<120x128xi32, #tpu.memory_space<vmem>> -> memref<1x128xi32, #tpu.memory_space<vmem>>
      %dma_start3A_114 = tpu.memref_squeeze %dma_start3A_113 : memref<1x128xi32, #tpu.memory_space<vmem>> -> memref<128xi32, #tpu.memory_space<vmem>>
      %dma_start3A_115 = arith.constant 0 : i32
      %dma_start3A_116 = arith.constant 0 : i32
      %dma_start3A_117 = tpu.memref_slice %arg4[%dma_start3A_115, %dma_start3A_116] : memref<10240x64xf32, #tpu.memory_space<hbm>> -> memref<10240x64xf32, #tpu.memory_space<hbm>>
      tpu.enqueue_indirect_dma source(%dma_start3A_117 : memref<10240x64xf32, #tpu.memory_space<hbm>>) target(%arg9 : memref<128x64xf32, #tpu.memory_space<vmem>>) offsets(%dma_start3A_114 : memref<128xi32, #tpu.memory_space<vmem>>) semaphore(%arg12 : memref<!tpu.dma_semaphore, #tpu.memory_space<semaphore_mem>>)
      "tpu.region"() ({
        %run_scoped3A = tpu.sem_alloc : memref<!tpu.dma_semaphore, #tpu.memory_space<semaphore_mem>>
        %dma_start3A_137 = arith.constant 0 : i32
        %dma_start3A_138 = tpu.memref_slice %arg7[%mul3A_103, %dma_start3A_137] : memref<120x128xi32, #tpu.memory_space<vmem>> -> memref<1x128xi32, #tpu.memory_space<vmem>>
        %dma_start3A_139 = tpu.memref_squeeze %dma_start3A_138 : memref<1x128xi32, #tpu.memory_space<vmem>> -> memref<128xi32, #tpu.memory_space<vmem>>
        %dma_start3A_140 = arith.constant 0 : i32
        %dma_start3A_141 = arith.constant 0 : i32
        %dma_start3A_142 = tpu.memref_slice %arg10[%dma_start3A_140, %dma_start3A_141] : memref<10240x64xf32, #tpu.memory_space<vmem_shared>> -> memref<10240x64xf32, #tpu.memory_space<vmem_shared>>
        tpu.enqueue_indirect_dma source(%arg8 : memref<128x64xf32, #tpu.memory_space<vmem>>) target(%dma_start3A_142 : memref<10240x64xf32, #tpu.memory_space<vmem_shared>>) offsets(%dma_start3A_139 : memref<128xi32, #tpu.memory_space<vmem>>) semaphore(%run_scoped3A : memref<!tpu.dma_semaphore, #tpu.memory_space<semaphore_mem>>) {add = true}
        %dma_wait3A_143 = arith.constant 0 : i32
        %dma_wait3A_144 = tpu.memref_slice %arg7[%mul3A_103, %dma_wait3A_143] : memref<120x128xi32, #tpu.memory_space<vmem>> -> memref<1x128xi32, #tpu.memory_space<vmem>>
        %dma_wait3A_145 = tpu.memref_squeeze %dma_wait3A_144 : memref<1x128xi32, #tpu.memory_space<vmem>> -> memref<128xi32, #tpu.memory_space<vmem>>
        %dma_wait3A_146 = arith.constant 0 : i32
        %dma_wait3A_147 = arith.constant 0 : i32
        %dma_wait3A_148 = tpu.memref_slice %arg10[%dma_wait3A_146, %dma_wait3A_147] : memref<10240x64xf32, #tpu.memory_space<vmem_shared>> -> memref<10240x64xf32, #tpu.memory_space<vmem_shared>>
        tpu.wait_indirect_dma semaphore(%run_scoped3A : memref<!tpu.dma_semaphore, #tpu.memory_space<semaphore_mem>>) src(%arg8 : memref<128x64xf32, #tpu.memory_space<vmem>>) dst(%dma_wait3A_148 : memref<10240x64xf32, #tpu.memory_space<vmem_shared>>)
        tpu.yield
      }) : () -> ()
      %add3A_118 = arith.constant 1 : i32
      %add3A_119 = arith.addi %mul3A_103, %add3A_118 : i32
      %dma_wait3A_120 = arith.constant 0 : i32
      %dma_wait3A_121 = tpu.memref_slice %arg6[%add3A_119, %dma_wait3A_120] : memref<120x128xi32, #tpu.memory_space<vmem>> -> memref<1x128xi32, #tpu.memory_space<vmem>>
      %dma_wait3A_122 = tpu.memref_squeeze %dma_wait3A_121 : memref<1x128xi32, #tpu.memory_space<vmem>> -> memref<128xi32, #tpu.memory_space<vmem>>
      %dma_wait3A_123 = arith.constant 0 : i32
      %dma_wait3A_124 = arith.constant 0 : i32
      %dma_wait3A_125 = tpu.memref_slice %arg4[%dma_wait3A_123, %dma_wait3A_124] : memref<10240x64xf32, #tpu.memory_space<hbm>> -> memref<10240x64xf32, #tpu.memory_space<hbm>>
      tpu.wait_indirect_dma semaphore(%arg12 : memref<!tpu.dma_semaphore, #tpu.memory_space<semaphore_mem>>) src(%dma_wait3A_125 : memref<10240x64xf32, #tpu.memory_space<hbm>>) dst(%arg9 : memref<128x64xf32, #tpu.memory_space<vmem>>)
      %add3A_126 = arith.constant 2 : i32
      %add3A_127 = arith.addi %mul3A_103, %add3A_126 : i32
      %dma_start3A_128 = arith.constant 0 : i32
      %dma_start3A_129 = tpu.memref_slice %arg6[%add3A_127, %dma_start3A_128] : memref<120x128xi32, #tpu.memory_space<vmem>> -> memref<1x128xi32, #tpu.memory_space<vmem>>
      %dma_start3A_130 = tpu.memref_squeeze %dma_start3A_129 : memref<1x128xi32, #tpu.memory_space<vmem>> -> memref<128xi32, #tpu.memory_space<vmem>>
      %dma_start3A_131 = arith.constant 0 : i32
      %dma_start3A_132 = arith.constant 0 : i32
      %dma_start3A_133 = tpu.memref_slice %arg4[%dma_start3A_131, %dma_start3A_132] : memref<10240x64xf32, #tpu.memory_space<hbm>> -> memref<10240x64xf32, #tpu.memory_space<hbm>>
      tpu.enqueue_indirect_dma source(%dma_start3A_133 : memref<10240x64xf32, #tpu.memory_space<hbm>>) target(%arg8 : memref<128x64xf32, #tpu.memory_space<vmem>>) offsets(%dma_start3A_130 : memref<128xi32, #tpu.memory_space<vmem>>) semaphore(%arg11 : memref<!tpu.dma_semaphore, #tpu.memory_space<semaphore_mem>>)
      %add3A_134 = arith.constant 1 : i32
      %add3A_135 = arith.addi %mul3A_103, %add3A_134 : i32
      "tpu.region"() ({
        %run_scoped3A = tpu.sem_alloc : memref<!tpu.dma_semaphore, #tpu.memory_space<semaphore_mem>>
        %dma_start3A_137 = arith.constant 0 : i32
        %dma_start3A_138 = tpu.memref_slice %arg7[%add3A_135, %dma_start3A_137] : memref<120x128xi32, #tpu.memory_space<vmem>> -> memref<1x128xi32, #tpu.memory_space<vmem>>
        %dma_start3A_139 = tpu.memref_squeeze %dma_start3A_138 : memref<1x128xi32, #tpu.memory_space<vmem>> -> memref<128xi32, #tpu.memory_space<vmem>>
        %dma_start3A_140 = arith.constant 0 : i32
        %dma_start3A_141 = arith.constant 0 : i32
        %dma_start3A_142 = tpu.memref_slice %arg10[%dma_start3A_140, %dma_start3A_141] : memref<10240x64xf32, #tpu.memory_space<vmem_shared>> -> memref<10240x64xf32, #tpu.memory_space<vmem_shared>>
        tpu.enqueue_indirect_dma source(%arg9 : memref<128x64xf32, #tpu.memory_space<vmem>>) target(%dma_start3A_142 : memref<10240x64xf32, #tpu.memory_space<vmem_shared>>) offsets(%dma_start3A_139 : memref<128xi32, #tpu.memory_space<vmem>>) semaphore(%run_scoped3A : memref<!tpu.dma_semaphore, #tpu.memory_space<semaphore_mem>>) {add = true}
        %dma_wait3A_143 = arith.constant 0 : i32
        %dma_wait3A_144 = tpu.memref_slice %arg7[%add3A_135, %dma_wait3A_143] : memref<120x128xi32, #tpu.memory_space<vmem>> -> memref<1x128xi32, #tpu.memory_space<vmem>>
        %dma_wait3A_145 = tpu.memref_squeeze %dma_wait3A_144 : memref<1x128xi32, #tpu.memory_space<vmem>> -> memref<128xi32, #tpu.memory_space<vmem>>
        %dma_wait3A_146 = arith.constant 0 : i32
        %dma_wait3A_147 = arith.constant 0 : i32
        %dma_wait3A_148 = tpu.memref_slice %arg10[%dma_wait3A_146, %dma_wait3A_147] : memref<10240x64xf32, #tpu.memory_space<vmem_shared>> -> memref<10240x64xf32, #tpu.memory_space<vmem_shared>>
        tpu.wait_indirect_dma semaphore(%run_scoped3A : memref<!tpu.dma_semaphore, #tpu.memory_space<semaphore_mem>>) src(%arg9 : memref<128x64xf32, #tpu.memory_space<vmem>>) dst(%dma_wait3A_148 : memref<10240x64xf32, #tpu.memory_space<vmem_shared>>)
        tpu.yield
      }) : () -> ()
      %while3A_136 = arith.constant 0 : i32
      scf.yield %while3A_136 : i32
    }
    %while3A_60 = arith.constant 1 : i32
    %while3A_61 = scf.for %while3A_100 = %while3A_57 to %while3A_53 step %while3A_60 iter_args(%while3A_101 = %while3A_59) -> (i32)  : i32 {
      %mul3A_102 = arith.constant 2 : i32
      %mul3A_103 = arith.muli %while3A_100, %mul3A_102 : i32
      %dma_wait3A_104 = arith.constant 0 : i32
      %dma_wait3A_105 = tpu.memref_slice %arg6[%mul3A_103, %dma_wait3A_104] : memref<120x128xi32, #tpu.memory_space<vmem>> -> memref<1x128xi32, #tpu.memory_space<vmem>>
      %dma_wait3A_106 = tpu.memref_squeeze %dma_wait3A_105 : memref<1x128xi32, #tpu.memory_space<vmem>> -> memref<128xi32, #tpu.memory_space<vmem>>
      %dma_wait3A_107 = arith.constant 0 : i32
      %dma_wait3A_108 = arith.constant 0 : i32
      %dma_wait3A_109 = tpu.memref_slice %arg4[%dma_wait3A_107, %dma_wait3A_108] : memref<10240x64xf32, #tpu.memory_space<hbm>> -> memref<10240x64xf32, #tpu.memory_space<hbm>>
      tpu.wait_indirect_dma semaphore(%arg11 : memref<!tpu.dma_semaphore, #tpu.memory_space<semaphore_mem>>) src(%dma_wait3A_109 : memref<10240x64xf32, #tpu.memory_space<hbm>>) dst(%arg8 : memref<128x64xf32, #tpu.memory_space<vmem>>)
      %add3A_110 = arith.constant 1 : i32
      %add3A_111 = arith.addi %mul3A_103, %add3A_110 : i32
      %dma_start3A_112 = arith.constant 0 : i32
      %dma_start3A_113 = tpu.memref_slice %arg6[%add3A_111, %dma_start3A_112] : memref<120x128xi32, #tpu.memory_space<vmem>> -> memref<1x128xi32, #tpu.memory_space<vmem>>
      %dma_start3A_114 = tpu.memref_squeeze %dma_start3A_113 : memref<1x128xi32, #tpu.memory_space<vmem>> -> memref<128xi32, #tpu.memory_space<vmem>>
      %dma_start3A_115 = arith.constant 0 : i32
      %dma_start3A_116 = arith.constant 0 : i32
      %dma_start3A_117 = tpu.memref_slice %arg4[%dma_start3A_115, %dma_start3A_116] : memref<10240x64xf32, #tpu.memory_space<hbm>> -> memref<10240x64xf32, #tpu.memory_space<hbm>>
      tpu.enqueue_indirect_dma source(%dma_start3A_117 : memref<10240x64xf32, #tpu.memory_space<hbm>>) target(%arg9 : memref<128x64xf32, #tpu.memory_space<vmem>>) offsets(%dma_start3A_114 : memref<128xi32, #tpu.memory_space<vmem>>) semaphore(%arg12 : memref<!tpu.dma_semaphore, #tpu.memory_space<semaphore_mem>>)
      "tpu.region"() ({
        %run_scoped3A = tpu.sem_alloc : memref<!tpu.dma_semaphore, #tpu.memory_space<semaphore_mem>>
        %dma_start3A_137 = arith.constant 0 : i32
        %dma_start3A_138 = tpu.memref_slice %arg7[%mul3A_103, %dma_start3A_137] : memref<120x128xi32, #tpu.memory_space<vmem>> -> memref<1x128xi32, #tpu.memory_space<vmem>>
        %dma_start3A_139 = tpu.memref_squeeze %dma_start3A_138 : memref<1x128xi32, #tpu.memory_space<vmem>> -> memref<128xi32, #tpu.memory_space<vmem>>
        %dma_start3A_140 = arith.constant 0 : i32
        %dma_start3A_141 = arith.constant 0 : i32
        %dma_start3A_142 = tpu.memref_slice %arg10[%dma_start3A_140, %dma_start3A_141] : memref<10240x64xf32, #tpu.memory_space<vmem_shared>> -> memref<10240x64xf32, #tpu.memory_space<vmem_shared>>
        tpu.enqueue_indirect_dma source(%arg8 : memref<128x64xf32, #tpu.memory_space<vmem>>) target(%dma_start3A_142 : memref<10240x64xf32, #tpu.memory_space<vmem_shared>>) offsets(%dma_start3A_139 : memref<128xi32, #tpu.memory_space<vmem>>) semaphore(%run_scoped3A : memref<!tpu.dma_semaphore, #tpu.memory_space<semaphore_mem>>) {add = true}
        %dma_wait3A_143 = arith.constant 0 : i32
        %dma_wait3A_144 = tpu.memref_slice %arg7[%mul3A_103, %dma_wait3A_143] : memref<120x128xi32, #tpu.memory_space<vmem>> -> memref<1x128xi32, #tpu.memory_space<vmem>>
        %dma_wait3A_145 = tpu.memref_squeeze %dma_wait3A_144 : memref<1x128xi32, #tpu.memory_space<vmem>> -> memref<128xi32, #tpu.memory_space<vmem>>
        %dma_wait3A_146 = arith.constant 0 : i32
        %dma_wait3A_147 = arith.constant 0 : i32
        %dma_wait3A_148 = tpu.memref_slice %arg10[%dma_wait3A_146, %dma_wait3A_147] : memref<10240x64xf32, #tpu.memory_space<vmem_shared>> -> memref<10240x64xf32, #tpu.memory_space<vmem_shared>>
        tpu.wait_indirect_dma semaphore(%run_scoped3A : memref<!tpu.dma_semaphore, #tpu.memory_space<semaphore_mem>>) src(%arg8 : memref<128x64xf32, #tpu.memory_space<vmem>>) dst(%dma_wait3A_148 : memref<10240x64xf32, #tpu.memory_space<vmem_shared>>)
        tpu.yield
      }) : () -> ()
      %add3A_118 = arith.constant 1 : i32
      %add3A_119 = arith.addi %mul3A_103, %add3A_118 : i32
      %dma_wait3A_120 = arith.constant 0 : i32
      %dma_wait3A_121 = tpu.memref_slice %arg6[%add3A_119, %dma_wait3A_120] : memref<120x128xi32, #tpu.memory_space<vmem>> -> memref<1x128xi32, #tpu.memory_space<vmem>>
      %dma_wait3A_122 = tpu.memref_squeeze %dma_wait3A_121 : memref<1x128xi32, #tpu.memory_space<vmem>> -> memref<128xi32, #tpu.memory_space<vmem>>
      %dma_wait3A_123 = arith.constant 0 : i32
      %dma_wait3A_124 = arith.constant 0 : i32
      %dma_wait3A_125 = tpu.memref_slice %arg4[%dma_wait3A_123, %dma_wait3A_124] : memref<10240x64xf32, #tpu.memory_space<hbm>> -> memref<10240x64xf32, #tpu.memory_space<hbm>>
      tpu.wait_indirect_dma semaphore(%arg12 : memref<!tpu.dma_semaphore, #tpu.memory_space<semaphore_mem>>) src(%dma_wait3A_125 : memref<10240x64xf32, #tpu.memory_space<hbm>>) dst(%arg9 : memref<128x64xf32, #tpu.memory_space<vmem>>)
      %add3A_126 = arith.constant 2 : i32
      %add3A_127 = arith.addi %mul3A_103, %add3A_126 : i32
      %dma_start3A_128 = arith.constant 0 : i32
      %dma_start3A_129 = tpu.memref_slice %arg6[%add3A_127, %dma_start3A_128] : memref<120x128xi32, #tpu.memory_space<vmem>> -> memref<1x128xi32, #tpu.memory_space<vmem>>
      %dma_start3A_130 = tpu.memref_squeeze %dma_start3A_129 : memref<1x128xi32, #tpu.memory_space<vmem>> -> memref<128xi32, #tpu.memory_space<vmem>>
      %dma_start3A_131 = arith.constant 0 : i32
      %dma_start3A_132 = arith.constant 0 : i32
      %dma_start3A_133 = tpu.memref_slice %arg4[%dma_start3A_131, %dma_start3A_132] : memref<10240x64xf32, #tpu.memory_space<hbm>> -> memref<10240x64xf32, #tpu.memory_space<hbm>>
      tpu.enqueue_indirect_dma source(%dma_start3A_133 : memref<10240x64xf32, #tpu.memory_space<hbm>>) target(%arg8 : memref<128x64xf32, #tpu.memory_space<vmem>>) offsets(%dma_start3A_130 : memref<128xi32, #tpu.memory_space<vmem>>) semaphore(%arg11 : memref<!tpu.dma_semaphore, #tpu.memory_space<semaphore_mem>>)
      %add3A_134 = arith.constant 1 : i32
      %add3A_135 = arith.addi %mul3A_103, %add3A_134 : i32
      "tpu.region"() ({
        %run_scoped3A = tpu.sem_alloc : memref<!tpu.dma_semaphore, #tpu.memory_space<semaphore_mem>>
        %dma_start3A_137 = arith.constant 0 : i32
        %dma_start3A_138 = tpu.memref_slice %arg7[%add3A_135, %dma_start3A_137] : memref<120x128xi32, #tpu.memory_space<vmem>> -> memref<1x128xi32, #tpu.memory_space<vmem>>
        %dma_start3A_139 = tpu.memref_squeeze %dma_start3A_138 : memref<1x128xi32, #tpu.memory_space<vmem>> -> memref<128xi32, #tpu.memory_space<vmem>>
        %dma_start3A_140 = arith.constant 0 : i32
        %dma_start3A_141 = arith.constant 0 : i32
        %dma_start3A_142 = tpu.memref_slice %arg10[%dma_start3A_140, %dma_start3A_141] : memref<10240x64xf32, #tpu.memory_space<vmem_shared>> -> memref<10240x64xf32, #tpu.memory_space<vmem_shared>>
        tpu.enqueue_indirect_dma source(%arg9 : memref<128x64xf32, #tpu.memory_space<vmem>>) target(%dma_start3A_142 : memref<10240x64xf32, #tpu.memory_space<vmem_shared>>) offsets(%dma_start3A_139 : memref<128xi32, #tpu.memory_space<vmem>>) semaphore(%run_scoped3A : memref<!tpu.dma_semaphore, #tpu.memory_space<semaphore_mem>>) {add = true}
        %dma_wait3A_143 = arith.constant 0 : i32
        %dma_wait3A_144 = tpu.memref_slice %arg7[%add3A_135, %dma_wait3A_143] : memref<120x128xi32, #tpu.memory_space<vmem>> -> memref<1x128xi32, #tpu.memory_space<vmem>>
        %dma_wait3A_145 = tpu.memref_squeeze %dma_wait3A_144 : memref<1x128xi32, #tpu.memory_space<vmem>> -> memref<128xi32, #tpu.memory_space<vmem>>
        %dma_wait3A_146 = arith.constant 0 : i32
        %dma_wait3A_147 = arith.constant 0 : i32
        %dma_wait3A_148 = tpu.memref_slice %arg10[%dma_wait3A_146, %dma_wait3A_147] : memref<10240x64xf32, #tpu.memory_space<vmem_shared>> -> memref<10240x64xf32, #tpu.memory_space<vmem_shared>>
        tpu.wait_indirect_dma semaphore(%run_scoped3A : memref<!tpu.dma_semaphore, #tpu.memory_space<semaphore_mem>>) src(%arg9 : memref<128x64xf32, #tpu.memory_space<vmem>>) dst(%dma_wait3A_148 : memref<10240x64xf32, #tpu.memory_space<vmem_shared>>)
        tpu.yield
      }) : () -> ()
      %while3A_136 = arith.constant 0 : i32
      scf.yield %while3A_136 : i32
    }
    %scan3A_62 = arith.constant 0 : i32
    %scan3A_63 = arith.constant 0 : i32
    %sub3A_64 = arith.constant 2 : i32
    %sub3A_65 = arith.subi %select_n3A, %sub3A_64 : i32
    %add3A_66 = arith.addi %sub3A_65, %scan3A_63 : i32
    %dma_wait3A = arith.constant 0 : i32
    %dma_wait3A_67 = tpu.memref_slice %arg6[%add3A_66, %dma_wait3A] : memref<120x128xi32, #tpu.memory_space<vmem>> -> memref<1x128xi32, #tpu.memory_space<vmem>>
    %dma_wait3A_68 = tpu.memref_squeeze %dma_wait3A_67 : memref<1x128xi32, #tpu.memory_space<vmem>> -> memref<128xi32, #tpu.memory_space<vmem>>
    %dma_wait3A_69 = arith.constant 0 : i32
    %dma_wait3A_70 = arith.constant 0 : i32
    %dma_wait3A_71 = tpu.memref_slice %arg4[%dma_wait3A_69, %dma_wait3A_70] : memref<10240x64xf32, #tpu.memory_space<hbm>> -> memref<10240x64xf32, #tpu.memory_space<hbm>>
    tpu.wait_indirect_dma semaphore(%arg11 : memref<!tpu.dma_semaphore, #tpu.memory_space<semaphore_mem>>) src(%dma_wait3A_71 : memref<10240x64xf32, #tpu.memory_space<hbm>>) dst(%arg8 : memref<128x64xf32, #tpu.memory_space<vmem>>)
    %add3A_72 = arith.constant 1 : i32
    %add3A_73 = arith.addi %add3A_66, %add3A_72 : i32
    %dma_start3A_74 = arith.constant 0 : i32
    %dma_start3A_75 = tpu.memref_slice %arg6[%add3A_73, %dma_start3A_74] : memref<120x128xi32, #tpu.memory_space<vmem>> -> memref<1x128xi32, #tpu.memory_space<vmem>>
    %dma_start3A_76 = tpu.memref_squeeze %dma_start3A_75 : memref<1x128xi32, #tpu.memory_space<vmem>> -> memref<128xi32, #tpu.memory_space<vmem>>
    %dma_start3A_77 = arith.constant 0 : i32
    %dma_start3A_78 = arith.constant 0 : i32
    %dma_start3A_79 = tpu.memref_slice %arg4[%dma_start3A_77, %dma_start3A_78] : memref<10240x64xf32, #tpu.memory_space<hbm>> -> memref<10240x64xf32, #tpu.memory_space<hbm>>
    tpu.enqueue_indirect_dma source(%dma_start3A_79 : memref<10240x64xf32, #tpu.memory_space<hbm>>) target(%arg9 : memref<128x64xf32, #tpu.memory_space<vmem>>) offsets(%dma_start3A_76 : memref<128xi32, #tpu.memory_space<vmem>>) semaphore(%arg12 : memref<!tpu.dma_semaphore, #tpu.memory_space<semaphore_mem>>)
    "tpu.region"() ({
      %run_scoped3A = tpu.sem_alloc : memref<!tpu.dma_semaphore, #tpu.memory_space<semaphore_mem>>
      %dma_start3A_100 = arith.constant 0 : i32
      %dma_start3A_101 = tpu.memref_slice %arg7[%add3A_66, %dma_start3A_100] : memref<120x128xi32, #tpu.memory_space<vmem>> -> memref<1x128xi32, #tpu.memory_space<vmem>>
      %dma_start3A_102 = tpu.memref_squeeze %dma_start3A_101 : memref<1x128xi32, #tpu.memory_space<vmem>> -> memref<128xi32, #tpu.memory_space<vmem>>
      %dma_start3A_103 = arith.constant 0 : i32
      %dma_start3A_104 = arith.constant 0 : i32
      %dma_start3A_105 = tpu.memref_slice %arg10[%dma_start3A_103, %dma_start3A_104] : memref<10240x64xf32, #tpu.memory_space<vmem_shared>> -> memref<10240x64xf32, #tpu.memory_space<vmem_shared>>
      tpu.enqueue_indirect_dma source(%arg8 : memref<128x64xf32, #tpu.memory_space<vmem>>) target(%dma_start3A_105 : memref<10240x64xf32, #tpu.memory_space<vmem_shared>>) offsets(%dma_start3A_102 : memref<128xi32, #tpu.memory_space<vmem>>) semaphore(%run_scoped3A : memref<!tpu.dma_semaphore, #tpu.memory_space<semaphore_mem>>) {add = true}
      %dma_wait3A_106 = arith.constant 0 : i32
      %dma_wait3A_107 = tpu.memref_slice %arg7[%add3A_66, %dma_wait3A_106] : memref<120x128xi32, #tpu.memory_space<vmem>> -> memref<1x128xi32, #tpu.memory_space<vmem>>
      %dma_wait3A_108 = tpu.memref_squeeze %dma_wait3A_107 : memref<1x128xi32, #tpu.memory_space<vmem>> -> memref<128xi32, #tpu.memory_space<vmem>>
      %dma_wait3A_109 = arith.constant 0 : i32
      %dma_wait3A_110 = arith.constant 0 : i32
      %dma_wait3A_111 = tpu.memref_slice %arg10[%dma_wait3A_109, %dma_wait3A_110] : memref<10240x64xf32, #tpu.memory_space<vmem_shared>> -> memref<10240x64xf32, #tpu.memory_space<vmem_shared>>
      tpu.wait_indirect_dma semaphore(%run_scoped3A : memref<!tpu.dma_semaphore, #tpu.memory_space<semaphore_mem>>) src(%arg8 : memref<128x64xf32, #tpu.memory_space<vmem>>) dst(%dma_wait3A_111 : memref<10240x64xf32, #tpu.memory_space<vmem_shared>>)
      tpu.yield
    }) : () -> ()
    %add3A_80 = arith.constant 1 : i32
    %add3A_81 = arith.addi %add3A_66, %add3A_80 : i32
    %dma_wait3A_82 = arith.constant 0 : i32
    %dma_wait3A_83 = tpu.memref_slice %arg6[%add3A_81, %dma_wait3A_82] : memref<120x128xi32, #tpu.memory_space<vmem>> -> memref<1x128xi32, #tpu.memory_space<vmem>>
    %dma_wait3A_84 = tpu.memref_squeeze %dma_wait3A_83 : memref<1x128xi32, #tpu.memory_space<vmem>> -> memref<128xi32, #tpu.memory_space<vmem>>
    %dma_wait3A_85 = arith.constant 0 : i32
    %dma_wait3A_86 = arith.constant 0 : i32
    %dma_wait3A_87 = tpu.memref_slice %arg4[%dma_wait3A_85, %dma_wait3A_86] : memref<10240x64xf32, #tpu.memory_space<hbm>> -> memref<10240x64xf32, #tpu.memory_space<hbm>>
    tpu.wait_indirect_dma semaphore(%arg12 : memref<!tpu.dma_semaphore, #tpu.memory_space<semaphore_mem>>) src(%dma_wait3A_87 : memref<10240x64xf32, #tpu.memory_space<hbm>>) dst(%arg9 : memref<128x64xf32, #tpu.memory_space<vmem>>)
    %add3A_88 = arith.constant 1 : i32
    %add3A_89 = arith.addi %add3A_66, %add3A_88 : i32
    "tpu.region"() ({
      %run_scoped3A = tpu.sem_alloc : memref<!tpu.dma_semaphore, #tpu.memory_space<semaphore_mem>>
      %dma_start3A_100 = arith.constant 0 : i32
      %dma_start3A_101 = tpu.memref_slice %arg7[%add3A_89, %dma_start3A_100] : memref<120x128xi32, #tpu.memory_space<vmem>> -> memref<1x128xi32, #tpu.memory_space<vmem>>
      %dma_start3A_102 = tpu.memref_squeeze %dma_start3A_101 : memref<1x128xi32, #tpu.memory_space<vmem>> -> memref<128xi32, #tpu.memory_space<vmem>>
      %dma_start3A_103 = arith.constant 0 : i32
      %dma_start3A_104 = arith.constant 0 : i32
      %dma_start3A_105 = tpu.memref_slice %arg10[%dma_start3A_103, %dma_start3A_104] : memref<10240x64xf32, #tpu.memory_space<vmem_shared>> -> memref<10240x64xf32, #tpu.memory_space<vmem_shared>>
      tpu.enqueue_indirect_dma source(%arg9 : memref<128x64xf32, #tpu.memory_space<vmem>>) target(%dma_start3A_105 : memref<10240x64xf32, #tpu.memory_space<vmem_shared>>) offsets(%dma_start3A_102 : memref<128xi32, #tpu.memory_space<vmem>>) semaphore(%run_scoped3A : memref<!tpu.dma_semaphore, #tpu.memory_space<semaphore_mem>>) {add = true}
      %dma_wait3A_106 = arith.constant 0 : i32
      %dma_wait3A_107 = tpu.memref_slice %arg7[%add3A_89, %dma_wait3A_106] : memref<120x128xi32, #tpu.memory_space<vmem>> -> memref<1x128xi32, #tpu.memory_space<vmem>>
      %dma_wait3A_108 = tpu.memref_squeeze %dma_wait3A_107 : memref<1x128xi32, #tpu.memory_space<vmem>> -> memref<128xi32, #tpu.memory_space<vmem>>
      %dma_wait3A_109 = arith.constant 0 : i32
      %dma_wait3A_110 = arith.constant 0 : i32
      %dma_wait3A_111 = tpu.memref_slice %arg10[%dma_wait3A_109, %dma_wait3A_110] : memref<10240x64xf32, #tpu.memory_space<vmem_shared>> -> memref<10240x64xf32, #tpu.memory_space<vmem_shared>>
      tpu.wait_indirect_dma semaphore(%run_scoped3A : memref<!tpu.dma_semaphore, #tpu.memory_space<semaphore_mem>>) src(%arg9 : memref<128x64xf32, #tpu.memory_space<vmem>>) dst(%dma_wait3A_111 : memref<10240x64xf32, #tpu.memory_space<vmem_shared>>)
      tpu.yield
    }) : () -> ()
    %scan3A_90 = arith.constant 0 : i32
    %scan3A_91 = arith.constant 1 : i32
    %barrier3A_92 = arith.constant 0 : index
    tpu.barrier barrier_id(%barrier3A_92)
    %scan3A_93 = arith.constant 0 : i32
    %scan3A_94 = arith.constant 0 : i32
    %scan3A_95 = arith.constant 5 : i32
    %scan3A_96 = arith.addi %scan3A_94, %scan3A_95 : i32
    %scan3A_97 = arith.constant 1 : i32
    %scan3A_98 = scf.for %scan3A_100 = %scan3A_94 to %scan3A_96 step %scan3A_97 iter_args(%scan3A_101 = %scan3A_93) -> (i32)  : i32 {
      %mul3A_102 = arith.constant 128 : i32
      %mul3A_103 = arith.muli %scan3A_100, %mul3A_102 : i32
      %add3A_104 = arith.addi %mul3A_8, %mul3A_103 : i32
      "tpu.region"() ({
        %run_scoped3A = tpu.sem_alloc : memref<!tpu.dma_semaphore, #tpu.memory_space<semaphore_mem>>
        %dma_start3A_109 = arith.constant 0 : i32
        %dma_start3A_110 = tpu.memref_slice %arg10[%add3A_104, %dma_start3A_109] : memref<10240x64xf32, #tpu.memory_space<vmem_shared>> -> memref<128x64xf32, #tpu.memory_space<vmem_shared>>
        %dma_start3A_111 = arith.constant 0 : i32
        %dma_start3A_112 = tpu.memref_slice %arg10[%add3A_104, %dma_start3A_111] : memref<10240x64xf32, #tpu.memory_space<vmem_shared>> -> memref<128x64xf32, #tpu.memory_space<vmem_shared>>
        tpu.enqueue_dma source(%dma_start3A_112 : memref<128x64xf32, #tpu.memory_space<vmem_shared>>) target(%arg8 : memref<128x64xf32, #tpu.memory_space<vmem>>) target_semaphore(%run_scoped3A : memref<!tpu.dma_semaphore, #tpu.memory_space<semaphore_mem>>)
        %dma_wait3A_113 = arith.constant 0 : i32
        %dma_wait3A_114 = tpu.memref_slice %arg10[%add3A_104, %dma_wait3A_113] : memref<10240x64xf32, #tpu.memory_space<vmem_shared>> -> memref<128x64xf32, #tpu.memory_space<vmem_shared>>
        %dma_wait3A_115 = arith.constant 0 : i32
        %dma_wait3A_116 = tpu.memref_slice %arg10[%add3A_104, %dma_wait3A_115] : memref<10240x64xf32, #tpu.memory_space<vmem_shared>> -> memref<128x64xf32, #tpu.memory_space<vmem_shared>>
        tpu.wait_dma2 semaphore(%run_scoped3A : memref<!tpu.dma_semaphore, #tpu.memory_space<semaphore_mem>>) src(%dma_wait3A_116 : memref<128x64xf32, #tpu.memory_space<vmem_shared>>) dst(%arg8 : memref<128x64xf32, #tpu.memory_space<vmem>>)
        tpu.yield
      }) : () -> ()
      %mul3A_105 = arith.constant 128 : i32
      %mul3A_106 = arith.muli %scan3A_100, %mul3A_105 : i32
      %add3A_107 = arith.addi %mul3A_8, %mul3A_106 : i32
      "tpu.region"() ({
        %run_scoped3A = tpu.sem_alloc : memref<!tpu.dma_semaphore, #tpu.memory_space<semaphore_mem>>
        %dma_start3A_109 = arith.constant 0 : i32
        %dma_start3A_110 = tpu.memref_slice %arg5[%arg0, %add3A_107, %dma_start3A_109] : memref<2x10240x64xf32, #tpu.memory_space<hbm>> -> memref<1x128x64xf32, #tpu.memory_space<hbm>>
        %dma_start3A_111 = tpu.memref_squeeze %dma_start3A_110 : memref<1x128x64xf32, #tpu.memory_space<hbm>> -> memref<128x64xf32, #tpu.memory_space<hbm>>
        %dma_start3A_112 = arith.constant 0 : i32
        %dma_start3A_113 = tpu.memref_slice %arg5[%arg0, %add3A_107, %dma_start3A_112] : memref<2x10240x64xf32, #tpu.memory_space<hbm>> -> memref<1x128x64xf32, #tpu.memory_space<hbm>>
        %dma_start3A_114 = tpu.memref_squeeze %dma_start3A_113 : memref<1x128x64xf32, #tpu.memory_space<hbm>> -> memref<128x64xf32, #tpu.memory_space<hbm>>
        tpu.enqueue_dma source(%arg8 : memref<128x64xf32, #tpu.memory_space<vmem>>) target(%dma_start3A_114 : memref<128x64xf32, #tpu.memory_space<hbm>>) target_semaphore(%run_scoped3A : memref<!tpu.dma_semaphore, #tpu.memory_space<semaphore_mem>>)
        %dma_wait3A_115 = arith.constant 0 : i32
        %dma_wait3A_116 = tpu.memref_slice %arg5[%arg0, %add3A_107, %dma_wait3A_115] : memref<2x10240x64xf32, #tpu.memory_space<hbm>> -> memref<1x128x64xf32, #tpu.memory_space<hbm>>
        %dma_wait3A_117 = tpu.memref_squeeze %dma_wait3A_116 : memref<1x128x64xf32, #tpu.memory_space<hbm>> -> memref<128x64xf32, #tpu.memory_space<hbm>>
        %dma_wait3A_118 = arith.constant 0 : i32
        %dma_wait3A_119 = tpu.memref_slice %arg5[%arg0, %add3A_107, %dma_wait3A_118] : memref<2x10240x64xf32, #tpu.memory_space<hbm>> -> memref<1x128x64xf32, #tpu.memory_space<hbm>>
        %dma_wait3A_120 = tpu.memref_squeeze %dma_wait3A_119 : memref<1x128x64xf32, #tpu.memory_space<hbm>> -> memref<128x64xf32, #tpu.memory_space<hbm>>
        tpu.wait_dma2 semaphore(%run_scoped3A : memref<!tpu.dma_semaphore, #tpu.memory_space<semaphore_mem>>) src(%arg8 : memref<128x64xf32, #tpu.memory_space<vmem>>) dst(%dma_wait3A_120 : memref<128x64xf32, #tpu.memory_space<hbm>>)
        tpu.yield
      }) : () -> ()
      %scan3A_108 = arith.constant 0 : i32
      scf.yield %scan3A_108 : i32
    }
    %scan3A_99 = arith.constant 5 : i32
    return
  }
}

#map = affine_map<(d0, d1) -> (0, 0)>
#map1 = affine_map<(d0, d1) -> (0, 0, 0)>
module attributes {stable_mosaic.version = 14 : i64} {
  func.func @_scatter_kernel(%arg0: i32, %arg1: i32, %arg2: memref<2640x128xi32, #tpu.memory_space<hbm>>, %arg3: memref<2640x128xi32, #tpu.memory_space<hbm>>, %arg4: memref<10240x64xf32, #tpu.memory_space<hbm>>, %arg5: memref<2x10240x64xf32, #tpu.memory_space<hbm>>, %arg6: memref<120x128xi32, #tpu.memory_space<vmem>>, %arg7: memref<120x128xi32, #tpu.memory_space<vmem>>, %arg8: memref<128x64xf32, #tpu.memory_space<vmem>>, %arg9: memref<128x64xf32, #tpu.memory_space<vmem>>, %arg10: memref<10240x64xf32, #tpu.memory_space<vmem_shared>>, %arg11: memref<!tpu.dma_semaphore, #tpu.memory_space<semaphore_mem>>, %arg12: memref<!tpu.dma_semaphore, #tpu.memory_space<semaphore_mem>>) attributes {dimension_semantics = [#tpu.dimension_semantics<core_parallel>, #tpu.dimension_semantics<subcore_parallel>], iteration_bounds = array<i64: 2, 16>, scalar_prefetch = 0 : i64, scratch_operands = 7 : i64, tpu.core_type = #tpu.core_type<sc_vector_subcore>, window_params = [{transform_indices = #map}, {transform_indices = #map}, {transform_indices = #map}, {transform_indices = #map1}]} {
    %eq3A = arith.constant 0 : i32
    %eq3A_0 = arith.cmpi eq, %arg0, %eq3A : i32
    %jit3A = arith.constant 120 : i32
    %jit3A_1 = arith.constant 40 : i32
    %select_n3A = arith.select %eq3A_0, %jit3A, %jit3A_1 : i32
    %mul3A = arith.constant 16 : i32
    %mul3A_2 = arith.muli %arg0, %mul3A : i32
    %mul3A_3 = arith.constant 120 : i32
    %mul3A_4 = arith.muli %mul3A_2, %mul3A_3 : i32
    %mul3A_5 = arith.muli %arg1, %select_n3A : i32
    %add3A = arith.addi %mul3A_4, %mul3A_5 : i32
    %broadcast_in_dim3A = arith.constant 0.000000e+00 : f32
    %broadcast_in_dim3A_6 = vector.broadcast %broadcast_in_dim3A : f32 to vector<16xf32>
    %mul3A_7 = arith.constant 640 : i32
    %mul3A_8 = arith.muli %arg1, %mul3A_7 : i32
    %scan3A = arith.constant 0 : i32
    %scan3A_9 = arith.constant 0 : i32
    %scan3A_10 = arith.constant 128 : i32
    %scan3A_11 = arith.addi %scan3A_9, %scan3A_10 : i32
    %scan3A_12 = arith.constant 1 : i32
    %scan3A_13 = scf.for %scan3A_100 = %scan3A_9 to %scan3A_11 step %scan3A_12 iter_args(%scan3A_101 = %scan3A) -> (i32)  : i32 {
      %scan3A_102 = arith.constant 0 : i32
      %scan3A_103 = arith.constant 0 : i32
      %scan3A_104 = arith.constant 4 : i32
      %scan3A_105 = arith.addi %scan3A_103, %scan3A_104 : i32
      %scan3A_106 = arith.constant 1 : i32
      %scan3A_107 = scf.for %scan3A_110 = %scan3A_103 to %scan3A_105 step %scan3A_106 iter_args(%scan3A_111 = %scan3A_102) -> (i32)  : i32 {
        %mul3A_112 = arith.constant 16 : i32
        %mul3A_113 = arith.muli %scan3A_110, %mul3A_112 : i32
        %swap3A = arith.index_cast %scan3A_100 : i32 to index
        %swap3A_114 = arith.index_cast %mul3A_113 : i32 to index
        %swap3A_115 = tpu.vector_load %arg8[%swap3A, %swap3A_114] {strides = array<i32>} : memref<128x64xf32, #tpu.memory_space<vmem>>, vector<16xf32>,
        tpu.vector_store %arg8[%swap3A, %swap3A_114], %broadcast_in_dim3A_6 {strides = array<i32>} : memref<128x64xf32, #tpu.memory_space<vmem>>, vector<16xf32>,
        %scan3A_116 = arith.constant 0 : i32
        scf.yield %scan3A_116 : i32
      }
      %scan3A_108 = arith.constant 4 : i32
      %scan3A_109 = arith.constant 0 : i32
      scf.yield %scan3A_109 : i32
    }
    %scan3A_14 = arith.constant 128 : i32
    %scan3A_15 = arith.constant 0 : i32
    %scan3A_16 = arith.constant 0 : i32
    %scan3A_17 = arith.constant 5 : i32
    %scan3A_18 = arith.addi %scan3A_16, %scan3A_17 : i32
    %scan3A_19 = arith.constant 1 : i32
    %scan3A_20 = scf.for %scan3A_100 = %scan3A_16 to %scan3A_18 step %scan3A_19 iter_args(%scan3A_101 = %scan3A_15) -> (i32)  : i32 {
      %mul3A_102 = arith.constant 128 : i32
      %mul3A_103 = arith.muli %scan3A_100, %mul3A_102 : i32
      %add3A_104 = arith.addi %mul3A_8, %mul3A_103 : i32
      "tpu.region"() ({
        %run_scoped3A = tpu.sem_alloc : memref<!tpu.dma_semaphore, #tpu.memory_space<semaphore_mem>>
        %dma_start3A_106 = arith.constant 0 : i32
        %dma_start3A_107 = tpu.memref_slice %arg10[%add3A_104, %dma_start3A_106] : memref<10240x64xf32, #tpu.memory_space<vmem_shared>> -> memref<128x64xf32, #tpu.memory_space<vmem_shared>>
        %dma_start3A_108 = arith.constant 0 : i32
        %dma_start3A_109 = tpu.memref_slice %arg10[%add3A_104, %dma_start3A_108] : memref<10240x64xf32, #tpu.memory_space<vmem_shared>> -> memref<128x64xf32, #tpu.memory_space<vmem_shared>>
        tpu.enqueue_dma source(%arg8 : memref<128x64xf32, #tpu.memory_space<vmem>>) target(%dma_start3A_109 : memref<128x64xf32, #tpu.memory_space<vmem_shared>>) target_semaphore(%run_scoped3A : memref<!tpu.dma_semaphore, #tpu.memory_space<semaphore_mem>>)
        %dma_wait3A_110 = arith.constant 0 : i32
        %dma_wait3A_111 = tpu.memref_slice %arg10[%add3A_104, %dma_wait3A_110] : memref<10240x64xf32, #tpu.memory_space<vmem_shared>> -> memref<128x64xf32, #tpu.memory_space<vmem_shared>>
        %dma_wait3A_112 = arith.constant 0 : i32
        %dma_wait3A_113 = tpu.memref_slice %arg10[%add3A_104, %dma_wait3A_112] : memref<10240x64xf32, #tpu.memory_space<vmem_shared>> -> memref<128x64xf32, #tpu.memory_space<vmem_shared>>
        tpu.wait_dma2 semaphore(%run_scoped3A : memref<!tpu.dma_semaphore, #tpu.memory_space<semaphore_mem>>) src(%arg8 : memref<128x64xf32, #tpu.memory_space<vmem>>) dst(%dma_wait3A_113 : memref<128x64xf32, #tpu.memory_space<vmem_shared>>)
        tpu.yield
      }) : () -> ()
      %scan3A_105 = arith.constant 0 : i32
      scf.yield %scan3A_105 : i32
    }
    %scan3A_21 = arith.constant 5 : i32
    %barrier3A = arith.constant 0 : index
    tpu.barrier barrier_id(%barrier3A)
    "tpu.region"() ({
      %run_scoped3A = tpu.sem_alloc : memref<!tpu.dma_semaphore, #tpu.memory_space<semaphore_mem>>
      %dma_start3A_100 = arith.constant 0 : i32
      %dma_start3A_101 = tpu.memref_slice %arg2[%add3A, %dma_start3A_100] : memref<2640x128xi32, #tpu.memory_space<hbm>> -> memref<120x128xi32, #tpu.memory_space<hbm>>
      %dma_start3A_102 = arith.constant 0 : i32
      %dma_start3A_103 = tpu.memref_slice %arg2[%add3A, %dma_start3A_102] : memref<2640x128xi32, #tpu.memory_space<hbm>> -> memref<120x128xi32, #tpu.memory_space<hbm>>
      tpu.enqueue_dma source(%dma_start3A_103 : memref<120x128xi32, #tpu.memory_space<hbm>>) target(%arg6 : memref<120x128xi32, #tpu.memory_space<vmem>>) target_semaphore(%run_scoped3A : memref<!tpu.dma_semaphore, #tpu.memory_space<semaphore_mem>>)
      %dma_wait3A_104 = arith.constant 0 : i32
      %dma_wait3A_105 = tpu.memref_slice %arg2[%add3A, %dma_wait3A_104] : memref<2640x128xi32, #tpu.memory_space<hbm>> -> memref<120x128xi32, #tpu.memory_space<hbm>>
      %dma_wait3A_106 = arith.constant 0 : i32
      %dma_wait3A_107 = tpu.memref_slice %arg2[%add3A, %dma_wait3A_106] : memref<2640x128xi32, #tpu.memory_space<hbm>> -> memref<120x128xi32, #tpu.memory_space<hbm>>
      tpu.wait_dma2 semaphore(%run_scoped3A : memref<!tpu.dma_semaphore, #tpu.memory_space<semaphore_mem>>) src(%dma_wait3A_107 : memref<120x128xi32, #tpu.memory_space<hbm>>) dst(%arg6 : memref<120x128xi32, #tpu.memory_space<vmem>>)
      tpu.yield
    }) : () -> ()
    "tpu.region"() ({
      %run_scoped3A = tpu.sem_alloc : memref<!tpu.dma_semaphore, #tpu.memory_space<semaphore_mem>>
      %dma_start3A_100 = arith.constant 0 : i32
      %dma_start3A_101 = tpu.memref_slice %arg3[%add3A, %dma_start3A_100] : memref<2640x128xi32, #tpu.memory_space<hbm>> -> memref<120x128xi32, #tpu.memory_space<hbm>>
      %dma_start3A_102 = arith.constant 0 : i32
      %dma_start3A_103 = tpu.memref_slice %arg3[%add3A, %dma_start3A_102] : memref<2640x128xi32, #tpu.memory_space<hbm>> -> memref<120x128xi32, #tpu.memory_space<hbm>>
      tpu.enqueue_dma source(%dma_start3A_103 : memref<120x128xi32, #tpu.memory_space<hbm>>) target(%arg7 : memref<120x128xi32, #tpu.memory_space<vmem>>) target_semaphore(%run_scoped3A : memref<!tpu.dma_semaphore, #tpu.memory_space<semaphore_mem>>)
      %dma_wait3A_104 = arith.constant 0 : i32
      %dma_wait3A_105 = tpu.memref_slice %arg3[%add3A, %dma_wait3A_104] : memref<2640x128xi32, #tpu.memory_space<hbm>> -> memref<120x128xi32, #tpu.memory_space<hbm>>
      %dma_wait3A_106 = arith.constant 0 : i32
      %dma_wait3A_107 = tpu.memref_slice %arg3[%add3A, %dma_wait3A_106] : memref<2640x128xi32, #tpu.memory_space<hbm>> -> memref<120x128xi32, #tpu.memory_space<hbm>>
      tpu.wait_dma2 semaphore(%run_scoped3A : memref<!tpu.dma_semaphore, #tpu.memory_space<semaphore_mem>>) src(%dma_wait3A_107 : memref<120x128xi32, #tpu.memory_space<hbm>>) dst(%arg7 : memref<120x128xi32, #tpu.memory_space<vmem>>)
      tpu.yield
    }) : () -> ()
    %scan3A_22 = arith.constant 0 : i32
    %scan3A_23 = arith.constant 0 : i32
    %dma_start3A = arith.constant 0 : i32
    %dma_start3A_24 = tpu.memref_slice %arg6[%scan3A_23, %dma_start3A] : memref<120x128xi32, #tpu.memory_space<vmem>> -> memref<1x128xi32, #tpu.memory_space<vmem>>
    %dma_start3A_25 = tpu.memref_squeeze %dma_start3A_24 : memref<1x128xi32, #tpu.memory_space<vmem>> -> memref<128xi32, #tpu.memory_space<vmem>>
    %dma_start3A_26 = arith.constant 0 : i32
    %dma_start3A_27 = arith.constant 0 : i32
    %dma_start3A_28 = tpu.memref_slice %arg4[%dma_start3A_26, %dma_start3A_27] : memref<10240x64xf32, #tpu.memory_space<hbm>> -> memref<10240x64xf32, #tpu.memory_space<hbm>>
    tpu.enqueue_indirect_dma source(%dma_start3A_28 : memref<10240x64xf32, #tpu.memory_space<hbm>>) target(%arg8 : memref<128x64xf32, #tpu.memory_space<vmem>>) offsets(%dma_start3A_25 : memref<128xi32, #tpu.memory_space<vmem>>) semaphore(%arg11 : memref<!tpu.dma_semaphore, #tpu.memory_space<semaphore_mem>>)
    %scan3A_29 = arith.constant 0 : i32
    %scan3A_30 = arith.constant 1 : i32
    %jit3A_31 = arith.constant 2 : i32
    %div3A = arith.divsi %select_n3A, %jit3A_31 : i32
    %sign3A = arith.constant 0 : i32
    %sign3A_32 = arith.cmpi sgt, %select_n3A, %sign3A : i32
    %sign3A_33 = arith.extui %sign3A_32 : i1 to i32
    %sign3A_34 = arith.constant 0 : i32
    %sign3A_35 = arith.cmpi slt, %select_n3A, %sign3A_34 : i32
    %sign3A_36 = arith.extui %sign3A_35 : i1 to i32
    %sign3A_37 = arith.subi %sign3A_33, %sign3A_36 : i32
    %sign3A_38 = arith.constant 0 : i32
    %sign3A_39 = arith.cmpi sgt, %jit3A_31, %sign3A_38 : i32
    %sign3A_40 = arith.extui %sign3A_39 : i1 to i32
    %sign3A_41 = arith.constant 0 : i32
    %sign3A_42 = arith.cmpi slt, %jit3A_31, %sign3A_41 : i32
    %sign3A_43 = arith.extui %sign3A_42 : i1 to i32
    %sign3A_44 = arith.subi %sign3A_40, %sign3A_43 : i32
    %ne3A = arith.cmpi ne, %sign3A_37, %sign3A_44 : i32
    %rem3A = arith.remsi %select_n3A, %jit3A_31 : i32
    %ne3A_45 = arith.constant 0 : i32
    %ne3A_46 = arith.cmpi ne, %rem3A, %ne3A_45 : i32
    %and3A = arith.andi %ne3A, %ne3A_46 : i1
    %sub3A = arith.constant 1 : i32
    %sub3A_47 = arith.subi %div3A, %sub3A : i32
    %select_n3A_48 = arith.select %and3A, %sub3A_47, %div3A : i32
    %sub3A_49 = arith.constant 1 : i32
    %sub3A_50 = arith.subi %select_n3A_48, %sub3A_49 : i32
    %while3A = arith.constant 0 : i32
    %while3A_51 = arith.constant 0 : i32
    %while3A_52 = arith.subi %sub3A_50, %while3A : i32
    %while3A_53 = arith.addi %while3A, %while3A_52 : i32
    %while3A_54 = arith.constant 1 : i32
    %while3A_55 = arith.divsi %while3A_52, %while3A_54 : i32
    %while3A_56 = arith.muli %while3A_55, %while3A_54 : i32
    %while3A_57 = arith.addi %while3A, %while3A_56 : i32
    %while3A_58 = arith.constant 1 : i32
    %while3A_59 = scf.for %while3A_100 = %while3A to %while3A_57 step %while3A_58 iter_args(%while3A_101 = %while3A_51) -> (i32)  : i32 {
      %mul3A_102 = arith.constant 2 : i32
      %mul3A_103 = arith.muli %while3A_100, %mul3A_102 : i32
      %dma_wait3A_104 = arith.constant 0 : i32
      %dma_wait3A_105 = tpu.memref_slice %arg6[%mul3A_103, %dma_wait3A_104] : memref<120x128xi32, #tpu.memory_space<vmem>> -> memref<1x128xi32, #tpu.memory_space<vmem>>
      %dma_wait3A_106 = tpu.memref_squeeze %dma_wait3A_105 : memref<1x128xi32, #tpu.memory_space<vmem>> -> memref<128xi32, #tpu.memory_space<vmem>>
      %dma_wait3A_107 = arith.constant 0 : i32
      %dma_wait3A_108 = arith.constant 0 : i32
      %dma_wait3A_109 = tpu.memref_slice %arg4[%dma_wait3A_107, %dma_wait3A_108] : memref<10240x64xf32, #tpu.memory_space<hbm>> -> memref<10240x64xf32, #tpu.memory_space<hbm>>
      tpu.wait_indirect_dma semaphore(%arg11 : memref<!tpu.dma_semaphore, #tpu.memory_space<semaphore_mem>>) src(%dma_wait3A_109 : memref<10240x64xf32, #tpu.memory_space<hbm>>) dst(%arg8 : memref<128x64xf32, #tpu.memory_space<vmem>>)
      %add3A_110 = arith.constant 1 : i32
      %add3A_111 = arith.addi %mul3A_103, %add3A_110 : i32
      %dma_start3A_112 = arith.constant 0 : i32
      %dma_start3A_113 = tpu.memref_slice %arg6[%add3A_111, %dma_start3A_112] : memref<120x128xi32, #tpu.memory_space<vmem>> -> memref<1x128xi32, #tpu.memory_space<vmem>>
      %dma_start3A_114 = tpu.memref_squeeze %dma_start3A_113 : memref<1x128xi32, #tpu.memory_space<vmem>> -> memref<128xi32, #tpu.memory_space<vmem>>
      %dma_start3A_115 = arith.constant 0 : i32
      %dma_start3A_116 = arith.constant 0 : i32
      %dma_start3A_117 = tpu.memref_slice %arg4[%dma_start3A_115, %dma_start3A_116] : memref<10240x64xf32, #tpu.memory_space<hbm>> -> memref<10240x64xf32, #tpu.memory_space<hbm>>
      tpu.enqueue_indirect_dma source(%dma_start3A_117 : memref<10240x64xf32, #tpu.memory_space<hbm>>) target(%arg9 : memref<128x64xf32, #tpu.memory_space<vmem>>) offsets(%dma_start3A_114 : memref<128xi32, #tpu.memory_space<vmem>>) semaphore(%arg12 : memref<!tpu.dma_semaphore, #tpu.memory_space<semaphore_mem>>)
      "tpu.region"() ({
        %run_scoped3A = tpu.sem_alloc : memref<!tpu.dma_semaphore, #tpu.memory_space<semaphore_mem>>
        %dma_start3A_137 = arith.constant 0 : i32
        %dma_start3A_138 = tpu.memref_slice %arg7[%mul3A_103, %dma_start3A_137] : memref<120x128xi32, #tpu.memory_space<vmem>> -> memref<1x128xi32, #tpu.memory_space<vmem>>
        %dma_start3A_139 = tpu.memref_squeeze %dma_start3A_138 : memref<1x128xi32, #tpu.memory_space<vmem>> -> memref<128xi32, #tpu.memory_space<vmem>>
        %dma_start3A_140 = arith.constant 0 : i32
        %dma_start3A_141 = arith.constant 0 : i32
        %dma_start3A_142 = tpu.memref_slice %arg10[%dma_start3A_140, %dma_start3A_141] : memref<10240x64xf32, #tpu.memory_space<vmem_shared>> -> memref<10240x64xf32, #tpu.memory_space<vmem_shared>>
        tpu.enqueue_indirect_dma source(%arg8 : memref<128x64xf32, #tpu.memory_space<vmem>>) target(%dma_start3A_142 : memref<10240x64xf32, #tpu.memory_space<vmem_shared>>) offsets(%dma_start3A_139 : memref<128xi32, #tpu.memory_space<vmem>>) semaphore(%run_scoped3A : memref<!tpu.dma_semaphore, #tpu.memory_space<semaphore_mem>>) {add = true}
        %dma_wait3A_143 = arith.constant 0 : i32
        %dma_wait3A_144 = tpu.memref_slice %arg7[%mul3A_103, %dma_wait3A_143] : memref<120x128xi32, #tpu.memory_space<vmem>> -> memref<1x128xi32, #tpu.memory_space<vmem>>
        %dma_wait3A_145 = tpu.memref_squeeze %dma_wait3A_144 : memref<1x128xi32, #tpu.memory_space<vmem>> -> memref<128xi32, #tpu.memory_space<vmem>>
        %dma_wait3A_146 = arith.constant 0 : i32
        %dma_wait3A_147 = arith.constant 0 : i32
        %dma_wait3A_148 = tpu.memref_slice %arg10[%dma_wait3A_146, %dma_wait3A_147] : memref<10240x64xf32, #tpu.memory_space<vmem_shared>> -> memref<10240x64xf32, #tpu.memory_space<vmem_shared>>
        tpu.wait_indirect_dma semaphore(%run_scoped3A : memref<!tpu.dma_semaphore, #tpu.memory_space<semaphore_mem>>) src(%arg8 : memref<128x64xf32, #tpu.memory_space<vmem>>) dst(%dma_wait3A_148 : memref<10240x64xf32, #tpu.memory_space<vmem_shared>>)
        tpu.yield
      }) : () -> ()
      %add3A_118 = arith.constant 1 : i32
      %add3A_119 = arith.addi %mul3A_103, %add3A_118 : i32
      %dma_wait3A_120 = arith.constant 0 : i32
      %dma_wait3A_121 = tpu.memref_slice %arg6[%add3A_119, %dma_wait3A_120] : memref<120x128xi32, #tpu.memory_space<vmem>> -> memref<1x128xi32, #tpu.memory_space<vmem>>
      %dma_wait3A_122 = tpu.memref_squeeze %dma_wait3A_121 : memref<1x128xi32, #tpu.memory_space<vmem>> -> memref<128xi32, #tpu.memory_space<vmem>>
      %dma_wait3A_123 = arith.constant 0 : i32
      %dma_wait3A_124 = arith.constant 0 : i32
      %dma_wait3A_125 = tpu.memref_slice %arg4[%dma_wait3A_123, %dma_wait3A_124] : memref<10240x64xf32, #tpu.memory_space<hbm>> -> memref<10240x64xf32, #tpu.memory_space<hbm>>
      tpu.wait_indirect_dma semaphore(%arg12 : memref<!tpu.dma_semaphore, #tpu.memory_space<semaphore_mem>>) src(%dma_wait3A_125 : memref<10240x64xf32, #tpu.memory_space<hbm>>) dst(%arg9 : memref<128x64xf32, #tpu.memory_space<vmem>>)
      %add3A_126 = arith.constant 2 : i32
      %add3A_127 = arith.addi %mul3A_103, %add3A_126 : i32
      %dma_start3A_128 = arith.constant 0 : i32
      %dma_start3A_129 = tpu.memref_slice %arg6[%add3A_127, %dma_start3A_128] : memref<120x128xi32, #tpu.memory_space<vmem>> -> memref<1x128xi32, #tpu.memory_space<vmem>>
      %dma_start3A_130 = tpu.memref_squeeze %dma_start3A_129 : memref<1x128xi32, #tpu.memory_space<vmem>> -> memref<128xi32, #tpu.memory_space<vmem>>
      %dma_start3A_131 = arith.constant 0 : i32
      %dma_start3A_132 = arith.constant 0 : i32
      %dma_start3A_133 = tpu.memref_slice %arg4[%dma_start3A_131, %dma_start3A_132] : memref<10240x64xf32, #tpu.memory_space<hbm>> -> memref<10240x64xf32, #tpu.memory_space<hbm>>
      tpu.enqueue_indirect_dma source(%dma_start3A_133 : memref<10240x64xf32, #tpu.memory_space<hbm>>) target(%arg8 : memref<128x64xf32, #tpu.memory_space<vmem>>) offsets(%dma_start3A_130 : memref<128xi32, #tpu.memory_space<vmem>>) semaphore(%arg11 : memref<!tpu.dma_semaphore, #tpu.memory_space<semaphore_mem>>)
      %add3A_134 = arith.constant 1 : i32
      %add3A_135 = arith.addi %mul3A_103, %add3A_134 : i32
      "tpu.region"() ({
        %run_scoped3A = tpu.sem_alloc : memref<!tpu.dma_semaphore, #tpu.memory_space<semaphore_mem>>
        %dma_start3A_137 = arith.constant 0 : i32
        %dma_start3A_138 = tpu.memref_slice %arg7[%add3A_135, %dma_start3A_137] : memref<120x128xi32, #tpu.memory_space<vmem>> -> memref<1x128xi32, #tpu.memory_space<vmem>>
        %dma_start3A_139 = tpu.memref_squeeze %dma_start3A_138 : memref<1x128xi32, #tpu.memory_space<vmem>> -> memref<128xi32, #tpu.memory_space<vmem>>
        %dma_start3A_140 = arith.constant 0 : i32
        %dma_start3A_141 = arith.constant 0 : i32
        %dma_start3A_142 = tpu.memref_slice %arg10[%dma_start3A_140, %dma_start3A_141] : memref<10240x64xf32, #tpu.memory_space<vmem_shared>> -> memref<10240x64xf32, #tpu.memory_space<vmem_shared>>
        tpu.enqueue_indirect_dma source(%arg9 : memref<128x64xf32, #tpu.memory_space<vmem>>) target(%dma_start3A_142 : memref<10240x64xf32, #tpu.memory_space<vmem_shared>>) offsets(%dma_start3A_139 : memref<128xi32, #tpu.memory_space<vmem>>) semaphore(%run_scoped3A : memref<!tpu.dma_semaphore, #tpu.memory_space<semaphore_mem>>) {add = true}
        %dma_wait3A_143 = arith.constant 0 : i32
        %dma_wait3A_144 = tpu.memref_slice %arg7[%add3A_135, %dma_wait3A_143] : memref<120x128xi32, #tpu.memory_space<vmem>> -> memref<1x128xi32, #tpu.memory_space<vmem>>
        %dma_wait3A_145 = tpu.memref_squeeze %dma_wait3A_144 : memref<1x128xi32, #tpu.memory_space<vmem>> -> memref<128xi32, #tpu.memory_space<vmem>>
        %dma_wait3A_146 = arith.constant 0 : i32
        %dma_wait3A_147 = arith.constant 0 : i32
        %dma_wait3A_148 = tpu.memref_slice %arg10[%dma_wait3A_146, %dma_wait3A_147] : memref<10240x64xf32, #tpu.memory_space<vmem_shared>> -> memref<10240x64xf32, #tpu.memory_space<vmem_shared>>
        tpu.wait_indirect_dma semaphore(%run_scoped3A : memref<!tpu.dma_semaphore, #tpu.memory_space<semaphore_mem>>) src(%arg9 : memref<128x64xf32, #tpu.memory_space<vmem>>) dst(%dma_wait3A_148 : memref<10240x64xf32, #tpu.memory_space<vmem_shared>>)
        tpu.yield
      }) : () -> ()
      %while3A_136 = arith.constant 0 : i32
      scf.yield %while3A_136 : i32
    }
    %while3A_60 = arith.constant 1 : i32
    %while3A_61 = scf.for %while3A_100 = %while3A_57 to %while3A_53 step %while3A_60 iter_args(%while3A_101 = %while3A_59) -> (i32)  : i32 {
      %mul3A_102 = arith.constant 2 : i32
      %mul3A_103 = arith.muli %while3A_100, %mul3A_102 : i32
      %dma_wait3A_104 = arith.constant 0 : i32
      %dma_wait3A_105 = tpu.memref_slice %arg6[%mul3A_103, %dma_wait3A_104] : memref<120x128xi32, #tpu.memory_space<vmem>> -> memref<1x128xi32, #tpu.memory_space<vmem>>
      %dma_wait3A_106 = tpu.memref_squeeze %dma_wait3A_105 : memref<1x128xi32, #tpu.memory_space<vmem>> -> memref<128xi32, #tpu.memory_space<vmem>>
      %dma_wait3A_107 = arith.constant 0 : i32
      %dma_wait3A_108 = arith.constant 0 : i32
      %dma_wait3A_109 = tpu.memref_slice %arg4[%dma_wait3A_107, %dma_wait3A_108] : memref<10240x64xf32, #tpu.memory_space<hbm>> -> memref<10240x64xf32, #tpu.memory_space<hbm>>
      tpu.wait_indirect_dma semaphore(%arg11 : memref<!tpu.dma_semaphore, #tpu.memory_space<semaphore_mem>>) src(%dma_wait3A_109 : memref<10240x64xf32, #tpu.memory_space<hbm>>) dst(%arg8 : memref<128x64xf32, #tpu.memory_space<vmem>>)
      %add3A_110 = arith.constant 1 : i32
      %add3A_111 = arith.addi %mul3A_103, %add3A_110 : i32
      %dma_start3A_112 = arith.constant 0 : i32
      %dma_start3A_113 = tpu.memref_slice %arg6[%add3A_111, %dma_start3A_112] : memref<120x128xi32, #tpu.memory_space<vmem>> -> memref<1x128xi32, #tpu.memory_space<vmem>>
      %dma_start3A_114 = tpu.memref_squeeze %dma_start3A_113 : memref<1x128xi32, #tpu.memory_space<vmem>> -> memref<128xi32, #tpu.memory_space<vmem>>
      %dma_start3A_115 = arith.constant 0 : i32
      %dma_start3A_116 = arith.constant 0 : i32
      %dma_start3A_117 = tpu.memref_slice %arg4[%dma_start3A_115, %dma_start3A_116] : memref<10240x64xf32, #tpu.memory_space<hbm>> -> memref<10240x64xf32, #tpu.memory_space<hbm>>
      tpu.enqueue_indirect_dma source(%dma_start3A_117 : memref<10240x64xf32, #tpu.memory_space<hbm>>) target(%arg9 : memref<128x64xf32, #tpu.memory_space<vmem>>) offsets(%dma_start3A_114 : memref<128xi32, #tpu.memory_space<vmem>>) semaphore(%arg12 : memref<!tpu.dma_semaphore, #tpu.memory_space<semaphore_mem>>)
      "tpu.region"() ({
        %run_scoped3A = tpu.sem_alloc : memref<!tpu.dma_semaphore, #tpu.memory_space<semaphore_mem>>
        %dma_start3A_137 = arith.constant 0 : i32
        %dma_start3A_138 = tpu.memref_slice %arg7[%mul3A_103, %dma_start3A_137] : memref<120x128xi32, #tpu.memory_space<vmem>> -> memref<1x128xi32, #tpu.memory_space<vmem>>
        %dma_start3A_139 = tpu.memref_squeeze %dma_start3A_138 : memref<1x128xi32, #tpu.memory_space<vmem>> -> memref<128xi32, #tpu.memory_space<vmem>>
        %dma_start3A_140 = arith.constant 0 : i32
        %dma_start3A_141 = arith.constant 0 : i32
        %dma_start3A_142 = tpu.memref_slice %arg10[%dma_start3A_140, %dma_start3A_141] : memref<10240x64xf32, #tpu.memory_space<vmem_shared>> -> memref<10240x64xf32, #tpu.memory_space<vmem_shared>>
        tpu.enqueue_indirect_dma source(%arg8 : memref<128x64xf32, #tpu.memory_space<vmem>>) target(%dma_start3A_142 : memref<10240x64xf32, #tpu.memory_space<vmem_shared>>) offsets(%dma_start3A_139 : memref<128xi32, #tpu.memory_space<vmem>>) semaphore(%run_scoped3A : memref<!tpu.dma_semaphore, #tpu.memory_space<semaphore_mem>>) {add = true}
        %dma_wait3A_143 = arith.constant 0 : i32
        %dma_wait3A_144 = tpu.memref_slice %arg7[%mul3A_103, %dma_wait3A_143] : memref<120x128xi32, #tpu.memory_space<vmem>> -> memref<1x128xi32, #tpu.memory_space<vmem>>
        %dma_wait3A_145 = tpu.memref_squeeze %dma_wait3A_144 : memref<1x128xi32, #tpu.memory_space<vmem>> -> memref<128xi32, #tpu.memory_space<vmem>>
        %dma_wait3A_146 = arith.constant 0 : i32
        %dma_wait3A_147 = arith.constant 0 : i32
        %dma_wait3A_148 = tpu.memref_slice %arg10[%dma_wait3A_146, %dma_wait3A_147] : memref<10240x64xf32, #tpu.memory_space<vmem_shared>> -> memref<10240x64xf32, #tpu.memory_space<vmem_shared>>
        tpu.wait_indirect_dma semaphore(%run_scoped3A : memref<!tpu.dma_semaphore, #tpu.memory_space<semaphore_mem>>) src(%arg8 : memref<128x64xf32, #tpu.memory_space<vmem>>) dst(%dma_wait3A_148 : memref<10240x64xf32, #tpu.memory_space<vmem_shared>>)
        tpu.yield
      }) : () -> ()
      %add3A_118 = arith.constant 1 : i32
      %add3A_119 = arith.addi %mul3A_103, %add3A_118 : i32
      %dma_wait3A_120 = arith.constant 0 : i32
      %dma_wait3A_121 = tpu.memref_slice %arg6[%add3A_119, %dma_wait3A_120] : memref<120x128xi32, #tpu.memory_space<vmem>> -> memref<1x128xi32, #tpu.memory_space<vmem>>
      %dma_wait3A_122 = tpu.memref_squeeze %dma_wait3A_121 : memref<1x128xi32, #tpu.memory_space<vmem>> -> memref<128xi32, #tpu.memory_space<vmem>>
      %dma_wait3A_123 = arith.constant 0 : i32
      %dma_wait3A_124 = arith.constant 0 : i32
      %dma_wait3A_125 = tpu.memref_slice %arg4[%dma_wait3A_123, %dma_wait3A_124] : memref<10240x64xf32, #tpu.memory_space<hbm>> -> memref<10240x64xf32, #tpu.memory_space<hbm>>
      tpu.wait_indirect_dma semaphore(%arg12 : memref<!tpu.dma_semaphore, #tpu.memory_space<semaphore_mem>>) src(%dma_wait3A_125 : memref<10240x64xf32, #tpu.memory_space<hbm>>) dst(%arg9 : memref<128x64xf32, #tpu.memory_space<vmem>>)
      %add3A_126 = arith.constant 2 : i32
      %add3A_127 = arith.addi %mul3A_103, %add3A_126 : i32
      %dma_start3A_128 = arith.constant 0 : i32
      %dma_start3A_129 = tpu.memref_slice %arg6[%add3A_127, %dma_start3A_128] : memref<120x128xi32, #tpu.memory_space<vmem>> -> memref<1x128xi32, #tpu.memory_space<vmem>>
      %dma_start3A_130 = tpu.memref_squeeze %dma_start3A_129 : memref<1x128xi32, #tpu.memory_space<vmem>> -> memref<128xi32, #tpu.memory_space<vmem>>
      %dma_start3A_131 = arith.constant 0 : i32
      %dma_start3A_132 = arith.constant 0 : i32
      %dma_start3A_133 = tpu.memref_slice %arg4[%dma_start3A_131, %dma_start3A_132] : memref<10240x64xf32, #tpu.memory_space<hbm>> -> memref<10240x64xf32, #tpu.memory_space<hbm>>
      tpu.enqueue_indirect_dma source(%dma_start3A_133 : memref<10240x64xf32, #tpu.memory_space<hbm>>) target(%arg8 : memref<128x64xf32, #tpu.memory_space<vmem>>) offsets(%dma_start3A_130 : memref<128xi32, #tpu.memory_space<vmem>>) semaphore(%arg11 : memref<!tpu.dma_semaphore, #tpu.memory_space<semaphore_mem>>)
      %add3A_134 = arith.constant 1 : i32
      %add3A_135 = arith.addi %mul3A_103, %add3A_134 : i32
      "tpu.region"() ({
        %run_scoped3A = tpu.sem_alloc : memref<!tpu.dma_semaphore, #tpu.memory_space<semaphore_mem>>
        %dma_start3A_137 = arith.constant 0 : i32
        %dma_start3A_138 = tpu.memref_slice %arg7[%add3A_135, %dma_start3A_137] : memref<120x128xi32, #tpu.memory_space<vmem>> -> memref<1x128xi32, #tpu.memory_space<vmem>>
        %dma_start3A_139 = tpu.memref_squeeze %dma_start3A_138 : memref<1x128xi32, #tpu.memory_space<vmem>> -> memref<128xi32, #tpu.memory_space<vmem>>
        %dma_start3A_140 = arith.constant 0 : i32
        %dma_start3A_141 = arith.constant 0 : i32
        %dma_start3A_142 = tpu.memref_slice %arg10[%dma_start3A_140, %dma_start3A_141] : memref<10240x64xf32, #tpu.memory_space<vmem_shared>> -> memref<10240x64xf32, #tpu.memory_space<vmem_shared>>
        tpu.enqueue_indirect_dma source(%arg9 : memref<128x64xf32, #tpu.memory_space<vmem>>) target(%dma_start3A_142 : memref<10240x64xf32, #tpu.memory_space<vmem_shared>>) offsets(%dma_start3A_139 : memref<128xi32, #tpu.memory_space<vmem>>) semaphore(%run_scoped3A : memref<!tpu.dma_semaphore, #tpu.memory_space<semaphore_mem>>) {add = true}
        %dma_wait3A_143 = arith.constant 0 : i32
        %dma_wait3A_144 = tpu.memref_slice %arg7[%add3A_135, %dma_wait3A_143] : memref<120x128xi32, #tpu.memory_space<vmem>> -> memref<1x128xi32, #tpu.memory_space<vmem>>
        %dma_wait3A_145 = tpu.memref_squeeze %dma_wait3A_144 : memref<1x128xi32, #tpu.memory_space<vmem>> -> memref<128xi32, #tpu.memory_space<vmem>>
        %dma_wait3A_146 = arith.constant 0 : i32
        %dma_wait3A_147 = arith.constant 0 : i32
        %dma_wait3A_148 = tpu.memref_slice %arg10[%dma_wait3A_146, %dma_wait3A_147] : memref<10240x64xf32, #tpu.memory_space<vmem_shared>> -> memref<10240x64xf32, #tpu.memory_space<vmem_shared>>
        tpu.wait_indirect_dma semaphore(%run_scoped3A : memref<!tpu.dma_semaphore, #tpu.memory_space<semaphore_mem>>) src(%arg9 : memref<128x64xf32, #tpu.memory_space<vmem>>) dst(%dma_wait3A_148 : memref<10240x64xf32, #tpu.memory_space<vmem_shared>>)
        tpu.yield
      }) : () -> ()
      %while3A_136 = arith.constant 0 : i32
      scf.yield %while3A_136 : i32
    }
    %scan3A_62 = arith.constant 0 : i32
    %scan3A_63 = arith.constant 0 : i32
    %sub3A_64 = arith.constant 2 : i32
    %sub3A_65 = arith.subi %select_n3A, %sub3A_64 : i32
    %add3A_66 = arith.addi %sub3A_65, %scan3A_63 : i32
    %dma_wait3A = arith.constant 0 : i32
    %dma_wait3A_67 = tpu.memref_slice %arg6[%add3A_66, %dma_wait3A] : memref<120x128xi32, #tpu.memory_space<vmem>> -> memref<1x128xi32, #tpu.memory_space<vmem>>
    %dma_wait3A_68 = tpu.memref_squeeze %dma_wait3A_67 : memref<1x128xi32, #tpu.memory_space<vmem>> -> memref<128xi32, #tpu.memory_space<vmem>>
    %dma_wait3A_69 = arith.constant 0 : i32
    %dma_wait3A_70 = arith.constant 0 : i32
    %dma_wait3A_71 = tpu.memref_slice %arg4[%dma_wait3A_69, %dma_wait3A_70] : memref<10240x64xf32, #tpu.memory_space<hbm>> -> memref<10240x64xf32, #tpu.memory_space<hbm>>
    tpu.wait_indirect_dma semaphore(%arg11 : memref<!tpu.dma_semaphore, #tpu.memory_space<semaphore_mem>>) src(%dma_wait3A_71 : memref<10240x64xf32, #tpu.memory_space<hbm>>) dst(%arg8 : memref<128x64xf32, #tpu.memory_space<vmem>>)
    %add3A_72 = arith.constant 1 : i32
    %add3A_73 = arith.addi %add3A_66, %add3A_72 : i32
    %dma_start3A_74 = arith.constant 0 : i32
    %dma_start3A_75 = tpu.memref_slice %arg6[%add3A_73, %dma_start3A_74] : memref<120x128xi32, #tpu.memory_space<vmem>> -> memref<1x128xi32, #tpu.memory_space<vmem>>
    %dma_start3A_76 = tpu.memref_squeeze %dma_start3A_75 : memref<1x128xi32, #tpu.memory_space<vmem>> -> memref<128xi32, #tpu.memory_space<vmem>>
    %dma_start3A_77 = arith.constant 0 : i32
    %dma_start3A_78 = arith.constant 0 : i32
    %dma_start3A_79 = tpu.memref_slice %arg4[%dma_start3A_77, %dma_start3A_78] : memref<10240x64xf32, #tpu.memory_space<hbm>> -> memref<10240x64xf32, #tpu.memory_space<hbm>>
    tpu.enqueue_indirect_dma source(%dma_start3A_79 : memref<10240x64xf32, #tpu.memory_space<hbm>>) target(%arg9 : memref<128x64xf32, #tpu.memory_space<vmem>>) offsets(%dma_start3A_76 : memref<128xi32, #tpu.memory_space<vmem>>) semaphore(%arg12 : memref<!tpu.dma_semaphore, #tpu.memory_space<semaphore_mem>>)
    "tpu.region"() ({
      %run_scoped3A = tpu.sem_alloc : memref<!tpu.dma_semaphore, #tpu.memory_space<semaphore_mem>>
      %dma_start3A_100 = arith.constant 0 : i32
      %dma_start3A_101 = tpu.memref_slice %arg7[%add3A_66, %dma_start3A_100] : memref<120x128xi32, #tpu.memory_space<vmem>> -> memref<1x128xi32, #tpu.memory_space<vmem>>
      %dma_start3A_102 = tpu.memref_squeeze %dma_start3A_101 : memref<1x128xi32, #tpu.memory_space<vmem>> -> memref<128xi32, #tpu.memory_space<vmem>>
      %dma_start3A_103 = arith.constant 0 : i32
      %dma_start3A_104 = arith.constant 0 : i32
      %dma_start3A_105 = tpu.memref_slice %arg10[%dma_start3A_103, %dma_start3A_104] : memref<10240x64xf32, #tpu.memory_space<vmem_shared>> -> memref<10240x64xf32, #tpu.memory_space<vmem_shared>>
      tpu.enqueue_indirect_dma source(%arg8 : memref<128x64xf32, #tpu.memory_space<vmem>>) target(%dma_start3A_105 : memref<10240x64xf32, #tpu.memory_space<vmem_shared>>) offsets(%dma_start3A_102 : memref<128xi32, #tpu.memory_space<vmem>>) semaphore(%run_scoped3A : memref<!tpu.dma_semaphore, #tpu.memory_space<semaphore_mem>>) {add = true}
      %dma_wait3A_106 = arith.constant 0 : i32
      %dma_wait3A_107 = tpu.memref_slice %arg7[%add3A_66, %dma_wait3A_106] : memref<120x128xi32, #tpu.memory_space<vmem>> -> memref<1x128xi32, #tpu.memory_space<vmem>>
      %dma_wait3A_108 = tpu.memref_squeeze %dma_wait3A_107 : memref<1x128xi32, #tpu.memory_space<vmem>> -> memref<128xi32, #tpu.memory_space<vmem>>
      %dma_wait3A_109 = arith.constant 0 : i32
      %dma_wait3A_110 = arith.constant 0 : i32
      %dma_wait3A_111 = tpu.memref_slice %arg10[%dma_wait3A_109, %dma_wait3A_110] : memref<10240x64xf32, #tpu.memory_space<vmem_shared>> -> memref<10240x64xf32, #tpu.memory_space<vmem_shared>>
      tpu.wait_indirect_dma semaphore(%run_scoped3A : memref<!tpu.dma_semaphore, #tpu.memory_space<semaphore_mem>>) src(%arg8 : memref<128x64xf32, #tpu.memory_space<vmem>>) dst(%dma_wait3A_111 : memref<10240x64xf32, #tpu.memory_space<vmem_shared>>)
      tpu.yield
    }) : () -> ()
    %add3A_80 = arith.constant 1 : i32
    %add3A_81 = arith.addi %add3A_66, %add3A_80 : i32
    %dma_wait3A_82 = arith.constant 0 : i32
    %dma_wait3A_83 = tpu.memref_slice %arg6[%add3A_81, %dma_wait3A_82] : memref<120x128xi32, #tpu.memory_space<vmem>> -> memref<1x128xi32, #tpu.memory_space<vmem>>
    %dma_wait3A_84 = tpu.memref_squeeze %dma_wait3A_83 : memref<1x128xi32, #tpu.memory_space<vmem>> -> memref<128xi32, #tpu.memory_space<vmem>>
    %dma_wait3A_85 = arith.constant 0 : i32
    %dma_wait3A_86 = arith.constant 0 : i32
    %dma_wait3A_87 = tpu.memref_slice %arg4[%dma_wait3A_85, %dma_wait3A_86] : memref<10240x64xf32, #tpu.memory_space<hbm>> -> memref<10240x64xf32, #tpu.memory_space<hbm>>
    tpu.wait_indirect_dma semaphore(%arg12 : memref<!tpu.dma_semaphore, #tpu.memory_space<semaphore_mem>>) src(%dma_wait3A_87 : memref<10240x64xf32, #tpu.memory_space<hbm>>) dst(%arg9 : memref<128x64xf32, #tpu.memory_space<vmem>>)
    %add3A_88 = arith.constant 1 : i32
    %add3A_89 = arith.addi %add3A_66, %add3A_88 : i32
    "tpu.region"() ({
      %run_scoped3A = tpu.sem_alloc : memref<!tpu.dma_semaphore, #tpu.memory_space<semaphore_mem>>
      %dma_start3A_100 = arith.constant 0 : i32
      %dma_start3A_101 = tpu.memref_slice %arg7[%add3A_89, %dma_start3A_100] : memref<120x128xi32, #tpu.memory_space<vmem>> -> memref<1x128xi32, #tpu.memory_space<vmem>>
      %dma_start3A_102 = tpu.memref_squeeze %dma_start3A_101 : memref<1x128xi32, #tpu.memory_space<vmem>> -> memref<128xi32, #tpu.memory_space<vmem>>
      %dma_start3A_103 = arith.constant 0 : i32
      %dma_start3A_104 = arith.constant 0 : i32
      %dma_start3A_105 = tpu.memref_slice %arg10[%dma_start3A_103, %dma_start3A_104] : memref<10240x64xf32, #tpu.memory_space<vmem_shared>> -> memref<10240x64xf32, #tpu.memory_space<vmem_shared>>
      tpu.enqueue_indirect_dma source(%arg9 : memref<128x64xf32, #tpu.memory_space<vmem>>) target(%dma_start3A_105 : memref<10240x64xf32, #tpu.memory_space<vmem_shared>>) offsets(%dma_start3A_102 : memref<128xi32, #tpu.memory_space<vmem>>) semaphore(%run_scoped3A : memref<!tpu.dma_semaphore, #tpu.memory_space<semaphore_mem>>) {add = true}
      %dma_wait3A_106 = arith.constant 0 : i32
      %dma_wait3A_107 = tpu.memref_slice %arg7[%add3A_89, %dma_wait3A_106] : memref<120x128xi32, #tpu.memory_space<vmem>> -> memref<1x128xi32, #tpu.memory_space<vmem>>
      %dma_wait3A_108 = tpu.memref_squeeze %dma_wait3A_107 : memref<1x128xi32, #tpu.memory_space<vmem>> -> memref<128xi32, #tpu.memory_space<vmem>>
      %dma_wait3A_109 = arith.constant 0 : i32
      %dma_wait3A_110 = arith.constant 0 : i32
      %dma_wait3A_111 = tpu.memref_slice %arg10[%dma_wait3A_109, %dma_wait3A_110] : memref<10240x64xf32, #tpu.memory_space<vmem_shared>> -> memref<10240x64xf32, #tpu.memory_space<vmem_shared>>
      tpu.wait_indirect_dma semaphore(%run_scoped3A : memref<!tpu.dma_semaphore, #tpu.memory_space<semaphore_mem>>) src(%arg9 : memref<128x64xf32, #tpu.memory_space<vmem>>) dst(%dma_wait3A_111 : memref<10240x64xf32, #tpu.memory_space<vmem_shared>>)
      tpu.yield
    }) : () -> ()
    %scan3A_90 = arith.constant 0 : i32
    %scan3A_91 = arith.constant 1 : i32
    %barrier3A_92 = arith.constant 0 : index
    tpu.barrier barrier_id(%barrier3A_92)
    %scan3A_93 = arith.constant 0 : i32
    %scan3A_94 = arith.constant 0 : i32
    %scan3A_95 = arith.constant 5 : i32
    %scan3A_96 = arith.addi %scan3A_94, %scan3A_95 : i32
    %scan3A_97 = arith.constant 1 : i32
    %scan3A_98 = scf.for %scan3A_100 = %scan3A_94 to %scan3A_96 step %scan3A_97 iter_args(%scan3A_101 = %scan3A_93) -> (i32)  : i32 {
      %mul3A_102 = arith.constant 128 : i32
      %mul3A_103 = arith.muli %scan3A_100, %mul3A_102 : i32
      %add3A_104 = arith.addi %mul3A_8, %mul3A_103 : i32
      "tpu.region"() ({
        %run_scoped3A = tpu.sem_alloc : memref<!tpu.dma_semaphore, #tpu.memory_space<semaphore_mem>>
        %dma_start3A_109 = arith.constant 0 : i32
        %dma_start3A_110 = tpu.memref_slice %arg10[%add3A_104, %dma_start3A_109] : memref<10240x64xf32, #tpu.memory_space<vmem_shared>> -> memref<128x64xf32, #tpu.memory_space<vmem_shared>>
        %dma_start3A_111 = arith.constant 0 : i32
        %dma_start3A_112 = tpu.memref_slice %arg10[%add3A_104, %dma_start3A_111] : memref<10240x64xf32, #tpu.memory_space<vmem_shared>> -> memref<128x64xf32, #tpu.memory_space<vmem_shared>>
        tpu.enqueue_dma source(%dma_start3A_112 : memref<128x64xf32, #tpu.memory_space<vmem_shared>>) target(%arg8 : memref<128x64xf32, #tpu.memory_space<vmem>>) target_semaphore(%run_scoped3A : memref<!tpu.dma_semaphore, #tpu.memory_space<semaphore_mem>>)
        %dma_wait3A_113 = arith.constant 0 : i32
        %dma_wait3A_114 = tpu.memref_slice %arg10[%add3A_104, %dma_wait3A_113] : memref<10240x64xf32, #tpu.memory_space<vmem_shared>> -> memref<128x64xf32, #tpu.memory_space<vmem_shared>>
        %dma_wait3A_115 = arith.constant 0 : i32
        %dma_wait3A_116 = tpu.memref_slice %arg10[%add3A_104, %dma_wait3A_115] : memref<10240x64xf32, #tpu.memory_space<vmem_shared>> -> memref<128x64xf32, #tpu.memory_space<vmem_shared>>
        tpu.wait_dma2 semaphore(%run_scoped3A : memref<!tpu.dma_semaphore, #tpu.memory_space<semaphore_mem>>) src(%dma_wait3A_116 : memref<128x64xf32, #tpu.memory_space<vmem_shared>>) dst(%arg8 : memref<128x64xf32, #tpu.memory_space<vmem>>)
        tpu.yield
      }) : () -> ()
      %mul3A_105 = arith.constant 128 : i32
      %mul3A_106 = arith.muli %scan3A_100, %mul3A_105 : i32
      %add3A_107 = arith.addi %mul3A_8, %mul3A_106 : i32
      "tpu.region"() ({
        %run_scoped3A = tpu.sem_alloc : memref<!tpu.dma_semaphore, #tpu.memory_space<semaphore_mem>>
        %dma_start3A_109 = arith.constant 0 : i32
        %dma_start3A_110 = tpu.memref_slice %arg5[%arg0, %add3A_107, %dma_start3A_109] : memref<2x10240x64xf32, #tpu.memory_space<hbm>> -> memref<1x128x64xf32, #tpu.memory_space<hbm>>
        %dma_start3A_111 = tpu.memref_squeeze %dma_start3A_110 : memref<1x128x64xf32, #tpu.memory_space<hbm>> -> memref<128x64xf32, #tpu.memory_space<hbm>>
        %dma_start3A_112 = arith.constant 0 : i32
        %dma_start3A_113 = tpu.memref_slice %arg5[%arg0, %add3A_107, %dma_start3A_112] : memref<2x10240x64xf32, #tpu.memory_space<hbm>> -> memref<1x128x64xf32, #tpu.memory_space<hbm>>
        %dma_start3A_114 = tpu.memref_squeeze %dma_start3A_113 : memref<1x128x64xf32, #tpu.memory_space<hbm>> -> memref<128x64xf32, #tpu.memory_space<hbm>>
        tpu.enqueue_dma source(%arg8 : memref<128x64xf32, #tpu.memory_space<vmem>>) target(%dma_start3A_114 : memref<128x64xf32, #tpu.memory_space<hbm>>) target_semaphore(%run_scoped3A : memref<!tpu.dma_semaphore, #tpu.memory_space<semaphore_mem>>)
        %dma_wait3A_115 = arith.constant 0 : i32
        %dma_wait3A_116 = tpu.memref_slice %arg5[%arg0, %add3A_107, %dma_wait3A_115] : memref<2x10240x64xf32, #tpu.memory_space<hbm>> -> memref<1x128x64xf32, #tpu.memory_space<hbm>>
        %dma_wait3A_117 = tpu.memref_squeeze %dma_wait3A_116 : memref<1x128x64xf32, #tpu.memory_space<hbm>> -> memref<128x64xf32, #tpu.memory_space<hbm>>
        %dma_wait3A_118 = arith.constant 0 : i32
        %dma_wait3A_119 = tpu.memref_slice %arg5[%arg0, %add3A_107, %dma_wait3A_118] : memref<2x10240x64xf32, #tpu.memory_space<hbm>> -> memref<1x128x64xf32, #tpu.memory_space<hbm>>
        %dma_wait3A_120 = tpu.memref_squeeze %dma_wait3A_119 : memref<1x128x64xf32, #tpu.memory_space<hbm>> -> memref<128x64xf32, #tpu.memory_space<hbm>>
        tpu.wait_dma2 semaphore(%run_scoped3A : memref<!tpu.dma_semaphore, #tpu.memory_space<semaphore_mem>>) src(%arg8 : memref<128x64xf32, #tpu.memory_space<vmem>>) dst(%dma_wait3A_120 : memref<128x64xf32, #tpu.memory_space<hbm>>)
        tpu.yield
      }) : () -> ()
      %scan3A_108 = arith.constant 0 : i32
      scf.yield %scan3A_108 : i32
    }
    %scan3A_99 = arith.constant 5 : i32
    return
  }
}

#map = affine_map<(d0, d1) -> (0, 0)>
#map1 = affine_map<(d0, d1) -> (0, 0, 0)>
module attributes {stable_mosaic.version = 14 : i64} {
  func.func @_scatter_kernel(%arg0: i32, %arg1: i32, %arg2: memref<2640x128xi32, #tpu.memory_space<hbm>>, %arg3: memref<2640x128xi32, #tpu.memory_space<hbm>>, %arg4: memref<10240x64xf32, #tpu.memory_space<hbm>>, %arg5: memref<2x10240x64xf32, #tpu.memory_space<hbm>>, %arg6: memref<120x128xi32, #tpu.memory_space<vmem>>, %arg7: memref<120x128xi32, #tpu.memory_space<vmem>>, %arg8: memref<128x64xf32, #tpu.memory_space<vmem>>, %arg9: memref<128x64xf32, #tpu.memory_space<vmem>>, %arg10: memref<10240x64xf32, #tpu.memory_space<vmem_shared>>, %arg11: memref<!tpu.dma_semaphore, #tpu.memory_space<semaphore_mem>>, %arg12: memref<!tpu.dma_semaphore, #tpu.memory_space<semaphore_mem>>) attributes {dimension_semantics = [#tpu.dimension_semantics<core_parallel>, #tpu.dimension_semantics<subcore_parallel>], iteration_bounds = array<i64: 2, 16>, scalar_prefetch = 0 : i64, scratch_operands = 7 : i64, tpu.core_type = #tpu.core_type<sc_vector_subcore>, window_params = [{transform_indices = #map}, {transform_indices = #map}, {transform_indices = #map}, {transform_indices = #map1}]} {
    %eq3A = arith.constant 0 : i32
    %eq3A_0 = arith.cmpi eq, %arg0, %eq3A : i32
    %jit3A = arith.constant 120 : i32
    %jit3A_1 = arith.constant 40 : i32
    %select_n3A = arith.select %eq3A_0, %jit3A, %jit3A_1 : i32
    %mul3A = arith.constant 16 : i32
    %mul3A_2 = arith.muli %arg0, %mul3A : i32
    %mul3A_3 = arith.constant 120 : i32
    %mul3A_4 = arith.muli %mul3A_2, %mul3A_3 : i32
    %mul3A_5 = arith.muli %arg1, %select_n3A : i32
    %add3A = arith.addi %mul3A_4, %mul3A_5 : i32
    %broadcast_in_dim3A = arith.constant 0.000000e+00 : f32
    %broadcast_in_dim3A_6 = vector.broadcast %broadcast_in_dim3A : f32 to vector<16xf32>
    %mul3A_7 = arith.constant 640 : i32
    %mul3A_8 = arith.muli %arg1, %mul3A_7 : i32
    %scan3A = arith.constant 0 : i32
    %scan3A_9 = arith.constant 0 : i32
    %scan3A_10 = arith.constant 128 : i32
    %scan3A_11 = arith.addi %scan3A_9, %scan3A_10 : i32
    %scan3A_12 = arith.constant 1 : i32
    %scan3A_13 = scf.for %scan3A_100 = %scan3A_9 to %scan3A_11 step %scan3A_12 iter_args(%scan3A_101 = %scan3A) -> (i32)  : i32 {
      %scan3A_102 = arith.constant 0 : i32
      %scan3A_103 = arith.constant 0 : i32
      %scan3A_104 = arith.constant 4 : i32
      %scan3A_105 = arith.addi %scan3A_103, %scan3A_104 : i32
      %scan3A_106 = arith.constant 1 : i32
      %scan3A_107 = scf.for %scan3A_110 = %scan3A_103 to %scan3A_105 step %scan3A_106 iter_args(%scan3A_111 = %scan3A_102) -> (i32)  : i32 {
        %mul3A_112 = arith.constant 16 : i32
        %mul3A_113 = arith.muli %scan3A_110, %mul3A_112 : i32
        %swap3A = arith.index_cast %scan3A_100 : i32 to index
        %swap3A_114 = arith.index_cast %mul3A_113 : i32 to index
        %swap3A_115 = tpu.vector_load %arg8[%swap3A, %swap3A_114] {strides = array<i32>} : memref<128x64xf32, #tpu.memory_space<vmem>>, vector<16xf32>,
        tpu.vector_store %arg8[%swap3A, %swap3A_114], %broadcast_in_dim3A_6 {strides = array<i32>} : memref<128x64xf32, #tpu.memory_space<vmem>>, vector<16xf32>,
        %scan3A_116 = arith.constant 0 : i32
        scf.yield %scan3A_116 : i32
      }
      %scan3A_108 = arith.constant 4 : i32
      %scan3A_109 = arith.constant 0 : i32
      scf.yield %scan3A_109 : i32
    }
    %scan3A_14 = arith.constant 128 : i32
    %scan3A_15 = arith.constant 0 : i32
    %scan3A_16 = arith.constant 0 : i32
    %scan3A_17 = arith.constant 5 : i32
    %scan3A_18 = arith.addi %scan3A_16, %scan3A_17 : i32
    %scan3A_19 = arith.constant 1 : i32
    %scan3A_20 = scf.for %scan3A_100 = %scan3A_16 to %scan3A_18 step %scan3A_19 iter_args(%scan3A_101 = %scan3A_15) -> (i32)  : i32 {
      %mul3A_102 = arith.constant 128 : i32
      %mul3A_103 = arith.muli %scan3A_100, %mul3A_102 : i32
      %add3A_104 = arith.addi %mul3A_8, %mul3A_103 : i32
      "tpu.region"() ({
        %run_scoped3A = tpu.sem_alloc : memref<!tpu.dma_semaphore, #tpu.memory_space<semaphore_mem>>
        %dma_start3A_106 = arith.constant 0 : i32
        %dma_start3A_107 = tpu.memref_slice %arg10[%add3A_104, %dma_start3A_106] : memref<10240x64xf32, #tpu.memory_space<vmem_shared>> -> memref<128x64xf32, #tpu.memory_space<vmem_shared>>
        %dma_start3A_108 = arith.constant 0 : i32
        %dma_start3A_109 = tpu.memref_slice %arg10[%add3A_104, %dma_start3A_108] : memref<10240x64xf32, #tpu.memory_space<vmem_shared>> -> memref<128x64xf32, #tpu.memory_space<vmem_shared>>
        tpu.enqueue_dma source(%arg8 : memref<128x64xf32, #tpu.memory_space<vmem>>) target(%dma_start3A_109 : memref<128x64xf32, #tpu.memory_space<vmem_shared>>) target_semaphore(%run_scoped3A : memref<!tpu.dma_semaphore, #tpu.memory_space<semaphore_mem>>)
        %dma_wait3A_110 = arith.constant 0 : i32
        %dma_wait3A_111 = tpu.memref_slice %arg10[%add3A_104, %dma_wait3A_110] : memref<10240x64xf32, #tpu.memory_space<vmem_shared>> -> memref<128x64xf32, #tpu.memory_space<vmem_shared>>
        %dma_wait3A_112 = arith.constant 0 : i32
        %dma_wait3A_113 = tpu.memref_slice %arg10[%add3A_104, %dma_wait3A_112] : memref<10240x64xf32, #tpu.memory_space<vmem_shared>> -> memref<128x64xf32, #tpu.memory_space<vmem_shared>>
        tpu.wait_dma2 semaphore(%run_scoped3A : memref<!tpu.dma_semaphore, #tpu.memory_space<semaphore_mem>>) src(%arg8 : memref<128x64xf32, #tpu.memory_space<vmem>>) dst(%dma_wait3A_113 : memref<128x64xf32, #tpu.memory_space<vmem_shared>>)
        tpu.yield
      }) : () -> ()
      %scan3A_105 = arith.constant 0 : i32
      scf.yield %scan3A_105 : i32
    }
    %scan3A_21 = arith.constant 5 : i32
    %barrier3A = arith.constant 0 : index
    tpu.barrier barrier_id(%barrier3A)
    "tpu.region"() ({
      %run_scoped3A = tpu.sem_alloc : memref<!tpu.dma_semaphore, #tpu.memory_space<semaphore_mem>>
      %dma_start3A_100 = arith.constant 0 : i32
      %dma_start3A_101 = tpu.memref_slice %arg2[%add3A, %dma_start3A_100] : memref<2640x128xi32, #tpu.memory_space<hbm>> -> memref<120x128xi32, #tpu.memory_space<hbm>>
      %dma_start3A_102 = arith.constant 0 : i32
      %dma_start3A_103 = tpu.memref_slice %arg2[%add3A, %dma_start3A_102] : memref<2640x128xi32, #tpu.memory_space<hbm>> -> memref<120x128xi32, #tpu.memory_space<hbm>>
      tpu.enqueue_dma source(%dma_start3A_103 : memref<120x128xi32, #tpu.memory_space<hbm>>) target(%arg6 : memref<120x128xi32, #tpu.memory_space<vmem>>) target_semaphore(%run_scoped3A : memref<!tpu.dma_semaphore, #tpu.memory_space<semaphore_mem>>)
      %dma_wait3A_104 = arith.constant 0 : i32
      %dma_wait3A_105 = tpu.memref_slice %arg2[%add3A, %dma_wait3A_104] : memref<2640x128xi32, #tpu.memory_space<hbm>> -> memref<120x128xi32, #tpu.memory_space<hbm>>
      %dma_wait3A_106 = arith.constant 0 : i32
      %dma_wait3A_107 = tpu.memref_slice %arg2[%add3A, %dma_wait3A_106] : memref<2640x128xi32, #tpu.memory_space<hbm>> -> memref<120x128xi32, #tpu.memory_space<hbm>>
      tpu.wait_dma2 semaphore(%run_scoped3A : memref<!tpu.dma_semaphore, #tpu.memory_space<semaphore_mem>>) src(%dma_wait3A_107 : memref<120x128xi32, #tpu.memory_space<hbm>>) dst(%arg6 : memref<120x128xi32, #tpu.memory_space<vmem>>)
      tpu.yield
    }) : () -> ()
    "tpu.region"() ({
      %run_scoped3A = tpu.sem_alloc : memref<!tpu.dma_semaphore, #tpu.memory_space<semaphore_mem>>
      %dma_start3A_100 = arith.constant 0 : i32
      %dma_start3A_101 = tpu.memref_slice %arg3[%add3A, %dma_start3A_100] : memref<2640x128xi32, #tpu.memory_space<hbm>> -> memref<120x128xi32, #tpu.memory_space<hbm>>
      %dma_start3A_102 = arith.constant 0 : i32
      %dma_start3A_103 = tpu.memref_slice %arg3[%add3A, %dma_start3A_102] : memref<2640x128xi32, #tpu.memory_space<hbm>> -> memref<120x128xi32, #tpu.memory_space<hbm>>
      tpu.enqueue_dma source(%dma_start3A_103 : memref<120x128xi32, #tpu.memory_space<hbm>>) target(%arg7 : memref<120x128xi32, #tpu.memory_space<vmem>>) target_semaphore(%run_scoped3A : memref<!tpu.dma_semaphore, #tpu.memory_space<semaphore_mem>>)
      %dma_wait3A_104 = arith.constant 0 : i32
      %dma_wait3A_105 = tpu.memref_slice %arg3[%add3A, %dma_wait3A_104] : memref<2640x128xi32, #tpu.memory_space<hbm>> -> memref<120x128xi32, #tpu.memory_space<hbm>>
      %dma_wait3A_106 = arith.constant 0 : i32
      %dma_wait3A_107 = tpu.memref_slice %arg3[%add3A, %dma_wait3A_106] : memref<2640x128xi32, #tpu.memory_space<hbm>> -> memref<120x128xi32, #tpu.memory_space<hbm>>
      tpu.wait_dma2 semaphore(%run_scoped3A : memref<!tpu.dma_semaphore, #tpu.memory_space<semaphore_mem>>) src(%dma_wait3A_107 : memref<120x128xi32, #tpu.memory_space<hbm>>) dst(%arg7 : memref<120x128xi32, #tpu.memory_space<vmem>>)
      tpu.yield
    }) : () -> ()
    %scan3A_22 = arith.constant 0 : i32
    %scan3A_23 = arith.constant 0 : i32
    %dma_start3A = arith.constant 0 : i32
    %dma_start3A_24 = tpu.memref_slice %arg6[%scan3A_23, %dma_start3A] : memref<120x128xi32, #tpu.memory_space<vmem>> -> memref<1x128xi32, #tpu.memory_space<vmem>>
    %dma_start3A_25 = tpu.memref_squeeze %dma_start3A_24 : memref<1x128xi32, #tpu.memory_space<vmem>> -> memref<128xi32, #tpu.memory_space<vmem>>
    %dma_start3A_26 = arith.constant 0 : i32
    %dma_start3A_27 = arith.constant 0 : i32
    %dma_start3A_28 = tpu.memref_slice %arg4[%dma_start3A_26, %dma_start3A_27] : memref<10240x64xf32, #tpu.memory_space<hbm>> -> memref<10240x64xf32, #tpu.memory_space<hbm>>
    tpu.enqueue_indirect_dma source(%dma_start3A_28 : memref<10240x64xf32, #tpu.memory_space<hbm>>) target(%arg8 : memref<128x64xf32, #tpu.memory_space<vmem>>) offsets(%dma_start3A_25 : memref<128xi32, #tpu.memory_space<vmem>>) semaphore(%arg11 : memref<!tpu.dma_semaphore, #tpu.memory_space<semaphore_mem>>)
    %scan3A_29 = arith.constant 0 : i32
    %scan3A_30 = arith.constant 1 : i32
    %jit3A_31 = arith.constant 2 : i32
    %div3A = arith.divsi %select_n3A, %jit3A_31 : i32
    %sign3A = arith.constant 0 : i32
    %sign3A_32 = arith.cmpi sgt, %select_n3A, %sign3A : i32
    %sign3A_33 = arith.extui %sign3A_32 : i1 to i32
    %sign3A_34 = arith.constant 0 : i32
    %sign3A_35 = arith.cmpi slt, %select_n3A, %sign3A_34 : i32
    %sign3A_36 = arith.extui %sign3A_35 : i1 to i32
    %sign3A_37 = arith.subi %sign3A_33, %sign3A_36 : i32
    %sign3A_38 = arith.constant 0 : i32
    %sign3A_39 = arith.cmpi sgt, %jit3A_31, %sign3A_38 : i32
    %sign3A_40 = arith.extui %sign3A_39 : i1 to i32
    %sign3A_41 = arith.constant 0 : i32
    %sign3A_42 = arith.cmpi slt, %jit3A_31, %sign3A_41 : i32
    %sign3A_43 = arith.extui %sign3A_42 : i1 to i32
    %sign3A_44 = arith.subi %sign3A_40, %sign3A_43 : i32
    %ne3A = arith.cmpi ne, %sign3A_37, %sign3A_44 : i32
    %rem3A = arith.remsi %select_n3A, %jit3A_31 : i32
    %ne3A_45 = arith.constant 0 : i32
    %ne3A_46 = arith.cmpi ne, %rem3A, %ne3A_45 : i32
    %and3A = arith.andi %ne3A, %ne3A_46 : i1
    %sub3A = arith.constant 1 : i32
    %sub3A_47 = arith.subi %div3A, %sub3A : i32
    %select_n3A_48 = arith.select %and3A, %sub3A_47, %div3A : i32
    %sub3A_49 = arith.constant 1 : i32
    %sub3A_50 = arith.subi %select_n3A_48, %sub3A_49 : i32
    %while3A = arith.constant 0 : i32
    %while3A_51 = arith.constant 0 : i32
    %while3A_52 = arith.subi %sub3A_50, %while3A : i32
    %while3A_53 = arith.addi %while3A, %while3A_52 : i32
    %while3A_54 = arith.constant 1 : i32
    %while3A_55 = arith.divsi %while3A_52, %while3A_54 : i32
    %while3A_56 = arith.muli %while3A_55, %while3A_54 : i32
    %while3A_57 = arith.addi %while3A, %while3A_56 : i32
    %while3A_58 = arith.constant 1 : i32
    %while3A_59 = scf.for %while3A_100 = %while3A to %while3A_57 step %while3A_58 iter_args(%while3A_101 = %while3A_51) -> (i32)  : i32 {
      %mul3A_102 = arith.constant 2 : i32
      %mul3A_103 = arith.muli %while3A_100, %mul3A_102 : i32
      %dma_wait3A_104 = arith.constant 0 : i32
      %dma_wait3A_105 = tpu.memref_slice %arg6[%mul3A_103, %dma_wait3A_104] : memref<120x128xi32, #tpu.memory_space<vmem>> -> memref<1x128xi32, #tpu.memory_space<vmem>>
      %dma_wait3A_106 = tpu.memref_squeeze %dma_wait3A_105 : memref<1x128xi32, #tpu.memory_space<vmem>> -> memref<128xi32, #tpu.memory_space<vmem>>
      %dma_wait3A_107 = arith.constant 0 : i32
      %dma_wait3A_108 = arith.constant 0 : i32
      %dma_wait3A_109 = tpu.memref_slice %arg4[%dma_wait3A_107, %dma_wait3A_108] : memref<10240x64xf32, #tpu.memory_space<hbm>> -> memref<10240x64xf32, #tpu.memory_space<hbm>>
      tpu.wait_indirect_dma semaphore(%arg11 : memref<!tpu.dma_semaphore, #tpu.memory_space<semaphore_mem>>) src(%dma_wait3A_109 : memref<10240x64xf32, #tpu.memory_space<hbm>>) dst(%arg8 : memref<128x64xf32, #tpu.memory_space<vmem>>)
      %add3A_110 = arith.constant 1 : i32
      %add3A_111 = arith.addi %mul3A_103, %add3A_110 : i32
      %dma_start3A_112 = arith.constant 0 : i32
      %dma_start3A_113 = tpu.memref_slice %arg6[%add3A_111, %dma_start3A_112] : memref<120x128xi32, #tpu.memory_space<vmem>> -> memref<1x128xi32, #tpu.memory_space<vmem>>
      %dma_start3A_114 = tpu.memref_squeeze %dma_start3A_113 : memref<1x128xi32, #tpu.memory_space<vmem>> -> memref<128xi32, #tpu.memory_space<vmem>>
      %dma_start3A_115 = arith.constant 0 : i32
      %dma_start3A_116 = arith.constant 0 : i32
      %dma_start3A_117 = tpu.memref_slice %arg4[%dma_start3A_115, %dma_start3A_116] : memref<10240x64xf32, #tpu.memory_space<hbm>> -> memref<10240x64xf32, #tpu.memory_space<hbm>>
      tpu.enqueue_indirect_dma source(%dma_start3A_117 : memref<10240x64xf32, #tpu.memory_space<hbm>>) target(%arg9 : memref<128x64xf32, #tpu.memory_space<vmem>>) offsets(%dma_start3A_114 : memref<128xi32, #tpu.memory_space<vmem>>) semaphore(%arg12 : memref<!tpu.dma_semaphore, #tpu.memory_space<semaphore_mem>>)
      "tpu.region"() ({
        %run_scoped3A = tpu.sem_alloc : memref<!tpu.dma_semaphore, #tpu.memory_space<semaphore_mem>>
        %dma_start3A_137 = arith.constant 0 : i32
        %dma_start3A_138 = tpu.memref_slice %arg7[%mul3A_103, %dma_start3A_137] : memref<120x128xi32, #tpu.memory_space<vmem>> -> memref<1x128xi32, #tpu.memory_space<vmem>>
        %dma_start3A_139 = tpu.memref_squeeze %dma_start3A_138 : memref<1x128xi32, #tpu.memory_space<vmem>> -> memref<128xi32, #tpu.memory_space<vmem>>
        %dma_start3A_140 = arith.constant 0 : i32
        %dma_start3A_141 = arith.constant 0 : i32
        %dma_start3A_142 = tpu.memref_slice %arg10[%dma_start3A_140, %dma_start3A_141] : memref<10240x64xf32, #tpu.memory_space<vmem_shared>> -> memref<10240x64xf32, #tpu.memory_space<vmem_shared>>
        tpu.enqueue_indirect_dma source(%arg8 : memref<128x64xf32, #tpu.memory_space<vmem>>) target(%dma_start3A_142 : memref<10240x64xf32, #tpu.memory_space<vmem_shared>>) offsets(%dma_start3A_139 : memref<128xi32, #tpu.memory_space<vmem>>) semaphore(%run_scoped3A : memref<!tpu.dma_semaphore, #tpu.memory_space<semaphore_mem>>) {add = true}
        %dma_wait3A_143 = arith.constant 0 : i32
        %dma_wait3A_144 = tpu.memref_slice %arg7[%mul3A_103, %dma_wait3A_143] : memref<120x128xi32, #tpu.memory_space<vmem>> -> memref<1x128xi32, #tpu.memory_space<vmem>>
        %dma_wait3A_145 = tpu.memref_squeeze %dma_wait3A_144 : memref<1x128xi32, #tpu.memory_space<vmem>> -> memref<128xi32, #tpu.memory_space<vmem>>
        %dma_wait3A_146 = arith.constant 0 : i32
        %dma_wait3A_147 = arith.constant 0 : i32
        %dma_wait3A_148 = tpu.memref_slice %arg10[%dma_wait3A_146, %dma_wait3A_147] : memref<10240x64xf32, #tpu.memory_space<vmem_shared>> -> memref<10240x64xf32, #tpu.memory_space<vmem_shared>>
        tpu.wait_indirect_dma semaphore(%run_scoped3A : memref<!tpu.dma_semaphore, #tpu.memory_space<semaphore_mem>>) src(%arg8 : memref<128x64xf32, #tpu.memory_space<vmem>>) dst(%dma_wait3A_148 : memref<10240x64xf32, #tpu.memory_space<vmem_shared>>)
        tpu.yield
      }) : () -> ()
      %add3A_118 = arith.constant 1 : i32
      %add3A_119 = arith.addi %mul3A_103, %add3A_118 : i32
      %dma_wait3A_120 = arith.constant 0 : i32
      %dma_wait3A_121 = tpu.memref_slice %arg6[%add3A_119, %dma_wait3A_120] : memref<120x128xi32, #tpu.memory_space<vmem>> -> memref<1x128xi32, #tpu.memory_space<vmem>>
      %dma_wait3A_122 = tpu.memref_squeeze %dma_wait3A_121 : memref<1x128xi32, #tpu.memory_space<vmem>> -> memref<128xi32, #tpu.memory_space<vmem>>
      %dma_wait3A_123 = arith.constant 0 : i32
      %dma_wait3A_124 = arith.constant 0 : i32
      %dma_wait3A_125 = tpu.memref_slice %arg4[%dma_wait3A_123, %dma_wait3A_124] : memref<10240x64xf32, #tpu.memory_space<hbm>> -> memref<10240x64xf32, #tpu.memory_space<hbm>>
      tpu.wait_indirect_dma semaphore(%arg12 : memref<!tpu.dma_semaphore, #tpu.memory_space<semaphore_mem>>) src(%dma_wait3A_125 : memref<10240x64xf32, #tpu.memory_space<hbm>>) dst(%arg9 : memref<128x64xf32, #tpu.memory_space<vmem>>)
      %add3A_126 = arith.constant 2 : i32
      %add3A_127 = arith.addi %mul3A_103, %add3A_126 : i32
      %dma_start3A_128 = arith.constant 0 : i32
      %dma_start3A_129 = tpu.memref_slice %arg6[%add3A_127, %dma_start3A_128] : memref<120x128xi32, #tpu.memory_space<vmem>> -> memref<1x128xi32, #tpu.memory_space<vmem>>
      %dma_start3A_130 = tpu.memref_squeeze %dma_start3A_129 : memref<1x128xi32, #tpu.memory_space<vmem>> -> memref<128xi32, #tpu.memory_space<vmem>>
      %dma_start3A_131 = arith.constant 0 : i32
      %dma_start3A_132 = arith.constant 0 : i32
      %dma_start3A_133 = tpu.memref_slice %arg4[%dma_start3A_131, %dma_start3A_132] : memref<10240x64xf32, #tpu.memory_space<hbm>> -> memref<10240x64xf32, #tpu.memory_space<hbm>>
      tpu.enqueue_indirect_dma source(%dma_start3A_133 : memref<10240x64xf32, #tpu.memory_space<hbm>>) target(%arg8 : memref<128x64xf32, #tpu.memory_space<vmem>>) offsets(%dma_start3A_130 : memref<128xi32, #tpu.memory_space<vmem>>) semaphore(%arg11 : memref<!tpu.dma_semaphore, #tpu.memory_space<semaphore_mem>>)
      %add3A_134 = arith.constant 1 : i32
      %add3A_135 = arith.addi %mul3A_103, %add3A_134 : i32
      "tpu.region"() ({
        %run_scoped3A = tpu.sem_alloc : memref<!tpu.dma_semaphore, #tpu.memory_space<semaphore_mem>>
        %dma_start3A_137 = arith.constant 0 : i32
        %dma_start3A_138 = tpu.memref_slice %arg7[%add3A_135, %dma_start3A_137] : memref<120x128xi32, #tpu.memory_space<vmem>> -> memref<1x128xi32, #tpu.memory_space<vmem>>
        %dma_start3A_139 = tpu.memref_squeeze %dma_start3A_138 : memref<1x128xi32, #tpu.memory_space<vmem>> -> memref<128xi32, #tpu.memory_space<vmem>>
        %dma_start3A_140 = arith.constant 0 : i32
        %dma_start3A_141 = arith.constant 0 : i32
        %dma_start3A_142 = tpu.memref_slice %arg10[%dma_start3A_140, %dma_start3A_141] : memref<10240x64xf32, #tpu.memory_space<vmem_shared>> -> memref<10240x64xf32, #tpu.memory_space<vmem_shared>>
        tpu.enqueue_indirect_dma source(%arg9 : memref<128x64xf32, #tpu.memory_space<vmem>>) target(%dma_start3A_142 : memref<10240x64xf32, #tpu.memory_space<vmem_shared>>) offsets(%dma_start3A_139 : memref<128xi32, #tpu.memory_space<vmem>>) semaphore(%run_scoped3A : memref<!tpu.dma_semaphore, #tpu.memory_space<semaphore_mem>>) {add = true}
        %dma_wait3A_143 = arith.constant 0 : i32
        %dma_wait3A_144 = tpu.memref_slice %arg7[%add3A_135, %dma_wait3A_143] : memref<120x128xi32, #tpu.memory_space<vmem>> -> memref<1x128xi32, #tpu.memory_space<vmem>>
        %dma_wait3A_145 = tpu.memref_squeeze %dma_wait3A_144 : memref<1x128xi32, #tpu.memory_space<vmem>> -> memref<128xi32, #tpu.memory_space<vmem>>
        %dma_wait3A_146 = arith.constant 0 : i32
        %dma_wait3A_147 = arith.constant 0 : i32
        %dma_wait3A_148 = tpu.memref_slice %arg10[%dma_wait3A_146, %dma_wait3A_147] : memref<10240x64xf32, #tpu.memory_space<vmem_shared>> -> memref<10240x64xf32, #tpu.memory_space<vmem_shared>>
        tpu.wait_indirect_dma semaphore(%run_scoped3A : memref<!tpu.dma_semaphore, #tpu.memory_space<semaphore_mem>>) src(%arg9 : memref<128x64xf32, #tpu.memory_space<vmem>>) dst(%dma_wait3A_148 : memref<10240x64xf32, #tpu.memory_space<vmem_shared>>)
        tpu.yield
      }) : () -> ()
      %while3A_136 = arith.constant 0 : i32
      scf.yield %while3A_136 : i32
    }
    %while3A_60 = arith.constant 1 : i32
    %while3A_61 = scf.for %while3A_100 = %while3A_57 to %while3A_53 step %while3A_60 iter_args(%while3A_101 = %while3A_59) -> (i32)  : i32 {
      %mul3A_102 = arith.constant 2 : i32
      %mul3A_103 = arith.muli %while3A_100, %mul3A_102 : i32
      %dma_wait3A_104 = arith.constant 0 : i32
      %dma_wait3A_105 = tpu.memref_slice %arg6[%mul3A_103, %dma_wait3A_104] : memref<120x128xi32, #tpu.memory_space<vmem>> -> memref<1x128xi32, #tpu.memory_space<vmem>>
      %dma_wait3A_106 = tpu.memref_squeeze %dma_wait3A_105 : memref<1x128xi32, #tpu.memory_space<vmem>> -> memref<128xi32, #tpu.memory_space<vmem>>
      %dma_wait3A_107 = arith.constant 0 : i32
      %dma_wait3A_108 = arith.constant 0 : i32
      %dma_wait3A_109 = tpu.memref_slice %arg4[%dma_wait3A_107, %dma_wait3A_108] : memref<10240x64xf32, #tpu.memory_space<hbm>> -> memref<10240x64xf32, #tpu.memory_space<hbm>>
      tpu.wait_indirect_dma semaphore(%arg11 : memref<!tpu.dma_semaphore, #tpu.memory_space<semaphore_mem>>) src(%dma_wait3A_109 : memref<10240x64xf32, #tpu.memory_space<hbm>>) dst(%arg8 : memref<128x64xf32, #tpu.memory_space<vmem>>)
      %add3A_110 = arith.constant 1 : i32
      %add3A_111 = arith.addi %mul3A_103, %add3A_110 : i32
      %dma_start3A_112 = arith.constant 0 : i32
      %dma_start3A_113 = tpu.memref_slice %arg6[%add3A_111, %dma_start3A_112] : memref<120x128xi32, #tpu.memory_space<vmem>> -> memref<1x128xi32, #tpu.memory_space<vmem>>
      %dma_start3A_114 = tpu.memref_squeeze %dma_start3A_113 : memref<1x128xi32, #tpu.memory_space<vmem>> -> memref<128xi32, #tpu.memory_space<vmem>>
      %dma_start3A_115 = arith.constant 0 : i32
      %dma_start3A_116 = arith.constant 0 : i32
      %dma_start3A_117 = tpu.memref_slice %arg4[%dma_start3A_115, %dma_start3A_116] : memref<10240x64xf32, #tpu.memory_space<hbm>> -> memref<10240x64xf32, #tpu.memory_space<hbm>>
      tpu.enqueue_indirect_dma source(%dma_start3A_117 : memref<10240x64xf32, #tpu.memory_space<hbm>>) target(%arg9 : memref<128x64xf32, #tpu.memory_space<vmem>>) offsets(%dma_start3A_114 : memref<128xi32, #tpu.memory_space<vmem>>) semaphore(%arg12 : memref<!tpu.dma_semaphore, #tpu.memory_space<semaphore_mem>>)
      "tpu.region"() ({
        %run_scoped3A = tpu.sem_alloc : memref<!tpu.dma_semaphore, #tpu.memory_space<semaphore_mem>>
        %dma_start3A_137 = arith.constant 0 : i32
        %dma_start3A_138 = tpu.memref_slice %arg7[%mul3A_103, %dma_start3A_137] : memref<120x128xi32, #tpu.memory_space<vmem>> -> memref<1x128xi32, #tpu.memory_space<vmem>>
        %dma_start3A_139 = tpu.memref_squeeze %dma_start3A_138 : memref<1x128xi32, #tpu.memory_space<vmem>> -> memref<128xi32, #tpu.memory_space<vmem>>
        %dma_start3A_140 = arith.constant 0 : i32
        %dma_start3A_141 = arith.constant 0 : i32
        %dma_start3A_142 = tpu.memref_slice %arg10[%dma_start3A_140, %dma_start3A_141] : memref<10240x64xf32, #tpu.memory_space<vmem_shared>> -> memref<10240x64xf32, #tpu.memory_space<vmem_shared>>
        tpu.enqueue_indirect_dma source(%arg8 : memref<128x64xf32, #tpu.memory_space<vmem>>) target(%dma_start3A_142 : memref<10240x64xf32, #tpu.memory_space<vmem_shared>>) offsets(%dma_start3A_139 : memref<128xi32, #tpu.memory_space<vmem>>) semaphore(%run_scoped3A : memref<!tpu.dma_semaphore, #tpu.memory_space<semaphore_mem>>) {add = true}
        %dma_wait3A_143 = arith.constant 0 : i32
        %dma_wait3A_144 = tpu.memref_slice %arg7[%mul3A_103, %dma_wait3A_143] : memref<120x128xi32, #tpu.memory_space<vmem>> -> memref<1x128xi32, #tpu.memory_space<vmem>>
        %dma_wait3A_145 = tpu.memref_squeeze %dma_wait3A_144 : memref<1x128xi32, #tpu.memory_space<vmem>> -> memref<128xi32, #tpu.memory_space<vmem>>
        %dma_wait3A_146 = arith.constant 0 : i32
        %dma_wait3A_147 = arith.constant 0 : i32
        %dma_wait3A_148 = tpu.memref_slice %arg10[%dma_wait3A_146, %dma_wait3A_147] : memref<10240x64xf32, #tpu.memory_space<vmem_shared>> -> memref<10240x64xf32, #tpu.memory_space<vmem_shared>>
        tpu.wait_indirect_dma semaphore(%run_scoped3A : memref<!tpu.dma_semaphore, #tpu.memory_space<semaphore_mem>>) src(%arg8 : memref<128x64xf32, #tpu.memory_space<vmem>>) dst(%dma_wait3A_148 : memref<10240x64xf32, #tpu.memory_space<vmem_shared>>)
        tpu.yield
      }) : () -> ()
      %add3A_118 = arith.constant 1 : i32
      %add3A_119 = arith.addi %mul3A_103, %add3A_118 : i32
      %dma_wait3A_120 = arith.constant 0 : i32
      %dma_wait3A_121 = tpu.memref_slice %arg6[%add3A_119, %dma_wait3A_120] : memref<120x128xi32, #tpu.memory_space<vmem>> -> memref<1x128xi32, #tpu.memory_space<vmem>>
      %dma_wait3A_122 = tpu.memref_squeeze %dma_wait3A_121 : memref<1x128xi32, #tpu.memory_space<vmem>> -> memref<128xi32, #tpu.memory_space<vmem>>
      %dma_wait3A_123 = arith.constant 0 : i32
      %dma_wait3A_124 = arith.constant 0 : i32
      %dma_wait3A_125 = tpu.memref_slice %arg4[%dma_wait3A_123, %dma_wait3A_124] : memref<10240x64xf32, #tpu.memory_space<hbm>> -> memref<10240x64xf32, #tpu.memory_space<hbm>>
      tpu.wait_indirect_dma semaphore(%arg12 : memref<!tpu.dma_semaphore, #tpu.memory_space<semaphore_mem>>) src(%dma_wait3A_125 : memref<10240x64xf32, #tpu.memory_space<hbm>>) dst(%arg9 : memref<128x64xf32, #tpu.memory_space<vmem>>)
      %add3A_126 = arith.constant 2 : i32
      %add3A_127 = arith.addi %mul3A_103, %add3A_126 : i32
      %dma_start3A_128 = arith.constant 0 : i32
      %dma_start3A_129 = tpu.memref_slice %arg6[%add3A_127, %dma_start3A_128] : memref<120x128xi32, #tpu.memory_space<vmem>> -> memref<1x128xi32, #tpu.memory_space<vmem>>
      %dma_start3A_130 = tpu.memref_squeeze %dma_start3A_129 : memref<1x128xi32, #tpu.memory_space<vmem>> -> memref<128xi32, #tpu.memory_space<vmem>>
      %dma_start3A_131 = arith.constant 0 : i32
      %dma_start3A_132 = arith.constant 0 : i32
      %dma_start3A_133 = tpu.memref_slice %arg4[%dma_start3A_131, %dma_start3A_132] : memref<10240x64xf32, #tpu.memory_space<hbm>> -> memref<10240x64xf32, #tpu.memory_space<hbm>>
      tpu.enqueue_indirect_dma source(%dma_start3A_133 : memref<10240x64xf32, #tpu.memory_space<hbm>>) target(%arg8 : memref<128x64xf32, #tpu.memory_space<vmem>>) offsets(%dma_start3A_130 : memref<128xi32, #tpu.memory_space<vmem>>) semaphore(%arg11 : memref<!tpu.dma_semaphore, #tpu.memory_space<semaphore_mem>>)
      %add3A_134 = arith.constant 1 : i32
      %add3A_135 = arith.addi %mul3A_103, %add3A_134 : i32
      "tpu.region"() ({
        %run_scoped3A = tpu.sem_alloc : memref<!tpu.dma_semaphore, #tpu.memory_space<semaphore_mem>>
        %dma_start3A_137 = arith.constant 0 : i32
        %dma_start3A_138 = tpu.memref_slice %arg7[%add3A_135, %dma_start3A_137] : memref<120x128xi32, #tpu.memory_space<vmem>> -> memref<1x128xi32, #tpu.memory_space<vmem>>
        %dma_start3A_139 = tpu.memref_squeeze %dma_start3A_138 : memref<1x128xi32, #tpu.memory_space<vmem>> -> memref<128xi32, #tpu.memory_space<vmem>>
        %dma_start3A_140 = arith.constant 0 : i32
        %dma_start3A_141 = arith.constant 0 : i32
        %dma_start3A_142 = tpu.memref_slice %arg10[%dma_start3A_140, %dma_start3A_141] : memref<10240x64xf32, #tpu.memory_space<vmem_shared>> -> memref<10240x64xf32, #tpu.memory_space<vmem_shared>>
        tpu.enqueue_indirect_dma source(%arg9 : memref<128x64xf32, #tpu.memory_space<vmem>>) target(%dma_start3A_142 : memref<10240x64xf32, #tpu.memory_space<vmem_shared>>) offsets(%dma_start3A_139 : memref<128xi32, #tpu.memory_space<vmem>>) semaphore(%run_scoped3A : memref<!tpu.dma_semaphore, #tpu.memory_space<semaphore_mem>>) {add = true}
        %dma_wait3A_143 = arith.constant 0 : i32
        %dma_wait3A_144 = tpu.memref_slice %arg7[%add3A_135, %dma_wait3A_143] : memref<120x128xi32, #tpu.memory_space<vmem>> -> memref<1x128xi32, #tpu.memory_space<vmem>>
        %dma_wait3A_145 = tpu.memref_squeeze %dma_wait3A_144 : memref<1x128xi32, #tpu.memory_space<vmem>> -> memref<128xi32, #tpu.memory_space<vmem>>
        %dma_wait3A_146 = arith.constant 0 : i32
        %dma_wait3A_147 = arith.constant 0 : i32
        %dma_wait3A_148 = tpu.memref_slice %arg10[%dma_wait3A_146, %dma_wait3A_147] : memref<10240x64xf32, #tpu.memory_space<vmem_shared>> -> memref<10240x64xf32, #tpu.memory_space<vmem_shared>>
        tpu.wait_indirect_dma semaphore(%run_scoped3A : memref<!tpu.dma_semaphore, #tpu.memory_space<semaphore_mem>>) src(%arg9 : memref<128x64xf32, #tpu.memory_space<vmem>>) dst(%dma_wait3A_148 : memref<10240x64xf32, #tpu.memory_space<vmem_shared>>)
        tpu.yield
      }) : () -> ()
      %while3A_136 = arith.constant 0 : i32
      scf.yield %while3A_136 : i32
    }
    %scan3A_62 = arith.constant 0 : i32
    %scan3A_63 = arith.constant 0 : i32
    %sub3A_64 = arith.constant 2 : i32
    %sub3A_65 = arith.subi %select_n3A, %sub3A_64 : i32
    %add3A_66 = arith.addi %sub3A_65, %scan3A_63 : i32
    %dma_wait3A = arith.constant 0 : i32
    %dma_wait3A_67 = tpu.memref_slice %arg6[%add3A_66, %dma_wait3A] : memref<120x128xi32, #tpu.memory_space<vmem>> -> memref<1x128xi32, #tpu.memory_space<vmem>>
    %dma_wait3A_68 = tpu.memref_squeeze %dma_wait3A_67 : memref<1x128xi32, #tpu.memory_space<vmem>> -> memref<128xi32, #tpu.memory_space<vmem>>
    %dma_wait3A_69 = arith.constant 0 : i32
    %dma_wait3A_70 = arith.constant 0 : i32
    %dma_wait3A_71 = tpu.memref_slice %arg4[%dma_wait3A_69, %dma_wait3A_70] : memref<10240x64xf32, #tpu.memory_space<hbm>> -> memref<10240x64xf32, #tpu.memory_space<hbm>>
    tpu.wait_indirect_dma semaphore(%arg11 : memref<!tpu.dma_semaphore, #tpu.memory_space<semaphore_mem>>) src(%dma_wait3A_71 : memref<10240x64xf32, #tpu.memory_space<hbm>>) dst(%arg8 : memref<128x64xf32, #tpu.memory_space<vmem>>)
    %add3A_72 = arith.constant 1 : i32
    %add3A_73 = arith.addi %add3A_66, %add3A_72 : i32
    %dma_start3A_74 = arith.constant 0 : i32
    %dma_start3A_75 = tpu.memref_slice %arg6[%add3A_73, %dma_start3A_74] : memref<120x128xi32, #tpu.memory_space<vmem>> -> memref<1x128xi32, #tpu.memory_space<vmem>>
    %dma_start3A_76 = tpu.memref_squeeze %dma_start3A_75 : memref<1x128xi32, #tpu.memory_space<vmem>> -> memref<128xi32, #tpu.memory_space<vmem>>
    %dma_start3A_77 = arith.constant 0 : i32
    %dma_start3A_78 = arith.constant 0 : i32
    %dma_start3A_79 = tpu.memref_slice %arg4[%dma_start3A_77, %dma_start3A_78] : memref<10240x64xf32, #tpu.memory_space<hbm>> -> memref<10240x64xf32, #tpu.memory_space<hbm>>
    tpu.enqueue_indirect_dma source(%dma_start3A_79 : memref<10240x64xf32, #tpu.memory_space<hbm>>) target(%arg9 : memref<128x64xf32, #tpu.memory_space<vmem>>) offsets(%dma_start3A_76 : memref<128xi32, #tpu.memory_space<vmem>>) semaphore(%arg12 : memref<!tpu.dma_semaphore, #tpu.memory_space<semaphore_mem>>)
    "tpu.region"() ({
      %run_scoped3A = tpu.sem_alloc : memref<!tpu.dma_semaphore, #tpu.memory_space<semaphore_mem>>
      %dma_start3A_100 = arith.constant 0 : i32
      %dma_start3A_101 = tpu.memref_slice %arg7[%add3A_66, %dma_start3A_100] : memref<120x128xi32, #tpu.memory_space<vmem>> -> memref<1x128xi32, #tpu.memory_space<vmem>>
      %dma_start3A_102 = tpu.memref_squeeze %dma_start3A_101 : memref<1x128xi32, #tpu.memory_space<vmem>> -> memref<128xi32, #tpu.memory_space<vmem>>
      %dma_start3A_103 = arith.constant 0 : i32
      %dma_start3A_104 = arith.constant 0 : i32
      %dma_start3A_105 = tpu.memref_slice %arg10[%dma_start3A_103, %dma_start3A_104] : memref<10240x64xf32, #tpu.memory_space<vmem_shared>> -> memref<10240x64xf32, #tpu.memory_space<vmem_shared>>
      tpu.enqueue_indirect_dma source(%arg8 : memref<128x64xf32, #tpu.memory_space<vmem>>) target(%dma_start3A_105 : memref<10240x64xf32, #tpu.memory_space<vmem_shared>>) offsets(%dma_start3A_102 : memref<128xi32, #tpu.memory_space<vmem>>) semaphore(%run_scoped3A : memref<!tpu.dma_semaphore, #tpu.memory_space<semaphore_mem>>) {add = true}
      %dma_wait3A_106 = arith.constant 0 : i32
      %dma_wait3A_107 = tpu.memref_slice %arg7[%add3A_66, %dma_wait3A_106] : memref<120x128xi32, #tpu.memory_space<vmem>> -> memref<1x128xi32, #tpu.memory_space<vmem>>
      %dma_wait3A_108 = tpu.memref_squeeze %dma_wait3A_107 : memref<1x128xi32, #tpu.memory_space<vmem>> -> memref<128xi32, #tpu.memory_space<vmem>>
      %dma_wait3A_109 = arith.constant 0 : i32
      %dma_wait3A_110 = arith.constant 0 : i32
      %dma_wait3A_111 = tpu.memref_slice %arg10[%dma_wait3A_109, %dma_wait3A_110] : memref<10240x64xf32, #tpu.memory_space<vmem_shared>> -> memref<10240x64xf32, #tpu.memory_space<vmem_shared>>
      tpu.wait_indirect_dma semaphore(%run_scoped3A : memref<!tpu.dma_semaphore, #tpu.memory_space<semaphore_mem>>) src(%arg8 : memref<128x64xf32, #tpu.memory_space<vmem>>) dst(%dma_wait3A_111 : memref<10240x64xf32, #tpu.memory_space<vmem_shared>>)
      tpu.yield
    }) : () -> ()
    %add3A_80 = arith.constant 1 : i32
    %add3A_81 = arith.addi %add3A_66, %add3A_80 : i32
    %dma_wait3A_82 = arith.constant 0 : i32
    %dma_wait3A_83 = tpu.memref_slice %arg6[%add3A_81, %dma_wait3A_82] : memref<120x128xi32, #tpu.memory_space<vmem>> -> memref<1x128xi32, #tpu.memory_space<vmem>>
    %dma_wait3A_84 = tpu.memref_squeeze %dma_wait3A_83 : memref<1x128xi32, #tpu.memory_space<vmem>> -> memref<128xi32, #tpu.memory_space<vmem>>
    %dma_wait3A_85 = arith.constant 0 : i32
    %dma_wait3A_86 = arith.constant 0 : i32
    %dma_wait3A_87 = tpu.memref_slice %arg4[%dma_wait3A_85, %dma_wait3A_86] : memref<10240x64xf32, #tpu.memory_space<hbm>> -> memref<10240x64xf32, #tpu.memory_space<hbm>>
    tpu.wait_indirect_dma semaphore(%arg12 : memref<!tpu.dma_semaphore, #tpu.memory_space<semaphore_mem>>) src(%dma_wait3A_87 : memref<10240x64xf32, #tpu.memory_space<hbm>>) dst(%arg9 : memref<128x64xf32, #tpu.memory_space<vmem>>)
    %add3A_88 = arith.constant 1 : i32
    %add3A_89 = arith.addi %add3A_66, %add3A_88 : i32
    "tpu.region"() ({
      %run_scoped3A = tpu.sem_alloc : memref<!tpu.dma_semaphore, #tpu.memory_space<semaphore_mem>>
      %dma_start3A_100 = arith.constant 0 : i32
      %dma_start3A_101 = tpu.memref_slice %arg7[%add3A_89, %dma_start3A_100] : memref<120x128xi32, #tpu.memory_space<vmem>> -> memref<1x128xi32, #tpu.memory_space<vmem>>
      %dma_start3A_102 = tpu.memref_squeeze %dma_start3A_101 : memref<1x128xi32, #tpu.memory_space<vmem>> -> memref<128xi32, #tpu.memory_space<vmem>>
      %dma_start3A_103 = arith.constant 0 : i32
      %dma_start3A_104 = arith.constant 0 : i32
      %dma_start3A_105 = tpu.memref_slice %arg10[%dma_start3A_103, %dma_start3A_104] : memref<10240x64xf32, #tpu.memory_space<vmem_shared>> -> memref<10240x64xf32, #tpu.memory_space<vmem_shared>>
      tpu.enqueue_indirect_dma source(%arg9 : memref<128x64xf32, #tpu.memory_space<vmem>>) target(%dma_start3A_105 : memref<10240x64xf32, #tpu.memory_space<vmem_shared>>) offsets(%dma_start3A_102 : memref<128xi32, #tpu.memory_space<vmem>>) semaphore(%run_scoped3A : memref<!tpu.dma_semaphore, #tpu.memory_space<semaphore_mem>>) {add = true}
      %dma_wait3A_106 = arith.constant 0 : i32
      %dma_wait3A_107 = tpu.memref_slice %arg7[%add3A_89, %dma_wait3A_106] : memref<120x128xi32, #tpu.memory_space<vmem>> -> memref<1x128xi32, #tpu.memory_space<vmem>>
      %dma_wait3A_108 = tpu.memref_squeeze %dma_wait3A_107 : memref<1x128xi32, #tpu.memory_space<vmem>> -> memref<128xi32, #tpu.memory_space<vmem>>
      %dma_wait3A_109 = arith.constant 0 : i32
      %dma_wait3A_110 = arith.constant 0 : i32
      %dma_wait3A_111 = tpu.memref_slice %arg10[%dma_wait3A_109, %dma_wait3A_110] : memref<10240x64xf32, #tpu.memory_space<vmem_shared>> -> memref<10240x64xf32, #tpu.memory_space<vmem_shared>>
      tpu.wait_indirect_dma semaphore(%run_scoped3A : memref<!tpu.dma_semaphore, #tpu.memory_space<semaphore_mem>>) src(%arg9 : memref<128x64xf32, #tpu.memory_space<vmem>>) dst(%dma_wait3A_111 : memref<10240x64xf32, #tpu.memory_space<vmem_shared>>)
      tpu.yield
    }) : () -> ()
    %scan3A_90 = arith.constant 0 : i32
    %scan3A_91 = arith.constant 1 : i32
    %barrier3A_92 = arith.constant 0 : index
    tpu.barrier barrier_id(%barrier3A_92)
    %scan3A_93 = arith.constant 0 : i32
    %scan3A_94 = arith.constant 0 : i32
    %scan3A_95 = arith.constant 5 : i32
    %scan3A_96 = arith.addi %scan3A_94, %scan3A_95 : i32
    %scan3A_97 = arith.constant 1 : i32
    %scan3A_98 = scf.for %scan3A_100 = %scan3A_94 to %scan3A_96 step %scan3A_97 iter_args(%scan3A_101 = %scan3A_93) -> (i32)  : i32 {
      %mul3A_102 = arith.constant 128 : i32
      %mul3A_103 = arith.muli %scan3A_100, %mul3A_102 : i32
      %add3A_104 = arith.addi %mul3A_8, %mul3A_103 : i32
      "tpu.region"() ({
        %run_scoped3A = tpu.sem_alloc : memref<!tpu.dma_semaphore, #tpu.memory_space<semaphore_mem>>
        %dma_start3A_109 = arith.constant 0 : i32
        %dma_start3A_110 = tpu.memref_slice %arg10[%add3A_104, %dma_start3A_109] : memref<10240x64xf32, #tpu.memory_space<vmem_shared>> -> memref<128x64xf32, #tpu.memory_space<vmem_shared>>
        %dma_start3A_111 = arith.constant 0 : i32
        %dma_start3A_112 = tpu.memref_slice %arg10[%add3A_104, %dma_start3A_111] : memref<10240x64xf32, #tpu.memory_space<vmem_shared>> -> memref<128x64xf32, #tpu.memory_space<vmem_shared>>
        tpu.enqueue_dma source(%dma_start3A_112 : memref<128x64xf32, #tpu.memory_space<vmem_shared>>) target(%arg8 : memref<128x64xf32, #tpu.memory_space<vmem>>) target_semaphore(%run_scoped3A : memref<!tpu.dma_semaphore, #tpu.memory_space<semaphore_mem>>)
        %dma_wait3A_113 = arith.constant 0 : i32
        %dma_wait3A_114 = tpu.memref_slice %arg10[%add3A_104, %dma_wait3A_113] : memref<10240x64xf32, #tpu.memory_space<vmem_shared>> -> memref<128x64xf32, #tpu.memory_space<vmem_shared>>
        %dma_wait3A_115 = arith.constant 0 : i32
        %dma_wait3A_116 = tpu.memref_slice %arg10[%add3A_104, %dma_wait3A_115] : memref<10240x64xf32, #tpu.memory_space<vmem_shared>> -> memref<128x64xf32, #tpu.memory_space<vmem_shared>>
        tpu.wait_dma2 semaphore(%run_scoped3A : memref<!tpu.dma_semaphore, #tpu.memory_space<semaphore_mem>>) src(%dma_wait3A_116 : memref<128x64xf32, #tpu.memory_space<vmem_shared>>) dst(%arg8 : memref<128x64xf32, #tpu.memory_space<vmem>>)
        tpu.yield
      }) : () -> ()
      %mul3A_105 = arith.constant 128 : i32
      %mul3A_106 = arith.muli %scan3A_100, %mul3A_105 : i32
      %add3A_107 = arith.addi %mul3A_8, %mul3A_106 : i32
      "tpu.region"() ({
        %run_scoped3A = tpu.sem_alloc : memref<!tpu.dma_semaphore, #tpu.memory_space<semaphore_mem>>
        %dma_start3A_109 = arith.constant 0 : i32
        %dma_start3A_110 = tpu.memref_slice %arg5[%arg0, %add3A_107, %dma_start3A_109] : memref<2x10240x64xf32, #tpu.memory_space<hbm>> -> memref<1x128x64xf32, #tpu.memory_space<hbm>>
        %dma_start3A_111 = tpu.memref_squeeze %dma_start3A_110 : memref<1x128x64xf32, #tpu.memory_space<hbm>> -> memref<128x64xf32, #tpu.memory_space<hbm>>
        %dma_start3A_112 = arith.constant 0 : i32
        %dma_start3A_113 = tpu.memref_slice %arg5[%arg0, %add3A_107, %dma_start3A_112] : memref<2x10240x64xf32, #tpu.memory_space<hbm>> -> memref<1x128x64xf32, #tpu.memory_space<hbm>>
        %dma_start3A_114 = tpu.memref_squeeze %dma_start3A_113 : memref<1x128x64xf32, #tpu.memory_space<hbm>> -> memref<128x64xf32, #tpu.memory_space<hbm>>
        tpu.enqueue_dma source(%arg8 : memref<128x64xf32, #tpu.memory_space<vmem>>) target(%dma_start3A_114 : memref<128x64xf32, #tpu.memory_space<hbm>>) target_semaphore(%run_scoped3A : memref<!tpu.dma_semaphore, #tpu.memory_space<semaphore_mem>>)
        %dma_wait3A_115 = arith.constant 0 : i32
        %dma_wait3A_116 = tpu.memref_slice %arg5[%arg0, %add3A_107, %dma_wait3A_115] : memref<2x10240x64xf32, #tpu.memory_space<hbm>> -> memref<1x128x64xf32, #tpu.memory_space<hbm>>
        %dma_wait3A_117 = tpu.memref_squeeze %dma_wait3A_116 : memref<1x128x64xf32, #tpu.memory_space<hbm>> -> memref<128x64xf32, #tpu.memory_space<hbm>>
        %dma_wait3A_118 = arith.constant 0 : i32
        %dma_wait3A_119 = tpu.memref_slice %arg5[%arg0, %add3A_107, %dma_wait3A_118] : memref<2x10240x64xf32, #tpu.memory_space<hbm>> -> memref<1x128x64xf32, #tpu.memory_space<hbm>>
        %dma_wait3A_120 = tpu.memref_squeeze %dma_wait3A_119 : memref<1x128x64xf32, #tpu.memory_space<hbm>> -> memref<128x64xf32, #tpu.memory_space<hbm>>
        tpu.wait_dma2 semaphore(%run_scoped3A : memref<!tpu.dma_semaphore, #tpu.memory_space<semaphore_mem>>) src(%arg8 : memref<128x64xf32, #tpu.memory_space<vmem>>) dst(%dma_wait3A_120 : memref<128x64xf32, #tpu.memory_space<hbm>>)
        tpu.yield
      }) : () -> ()
      %scan3A_108 = arith.constant 0 : i32
      scf.yield %scan3A_108 : i32
    }
    %scan3A_99 = arith.constant 5 : i32
    return
  }
}

module attributes {stable_mosaic.version = 14 : i64} {
  func.func @_tc_b(%arg0: memref<10240x128xf32, #tpu.memory_space<vmem>>, %arg1: memref<128x128xf32, #tpu.memory_space<vmem>>, %arg2: memref<10240x2xf32, #tpu.memory_space<vmem>>, %arg3: memref<10240x64xf32, #tpu.memory_space<vmem>>, %arg4: memref<10240x64xf32, #tpu.memory_space<vmem>>, %arg5: memref<10240x1xf32, #tpu.memory_space<vmem>>) attributes {dimension_semantics = [], scalar_prefetch = 0 : i64, scratch_operands = 0 : i64, tpu.core_type = #tpu.core_type<tc>} {
    %get3A = arith.constant 0 : index
    %get3A_0 = arith.constant 0 : index
    %get3A_1 = vector.load %arg2[%get3A, %get3A_0] : memref<10240x2xf32, #tpu.memory_space<vmem>>, vector<10240x1xf32>
    %get3A_2 = arith.constant 0 : index
    %get3A_3 = arith.constant 1 : index
    %get3A_4 = vector.load %arg2[%get3A_2, %get3A_3] : memref<10240x2xf32, #tpu.memory_space<vmem>>, vector<10240x1xf32>
    %add3A = arith.addf %get3A_1, %get3A_4 : vector<10240x1xf32>
    %iota3A = tpu.iota {dimensions = array<i32: 0>} : vector<10240x1xi32>
    %lt3A = arith.constant 10000 : i32
    %lt3A_5 = vector.broadcast %lt3A : i32 to vector<10240x1xi32>
    %lt3A_6 = arith.cmpi slt, %iota3A, %lt3A_5 : vector<10240x1xi32>
    %jit3A = arith.constant 1.000000e+00 : f32
    %jit3A_7 = arith.constant 0.000000e+00 : f32
    %broadcast_in_dim3A = vector.broadcast %jit3A : f32 to vector<10240x1xf32>
    %broadcast_in_dim3A_8 = vector.broadcast %jit3A_7 : f32 to vector<10240x1xf32>
    %select_n3A = arith.select %lt3A_6, %broadcast_in_dim3A, %broadcast_in_dim3A_8 : vector<10240x1xi1>, vector<10240x1xf32>
    %add3A_9 = arith.addf %add3A, %select_n3A : vector<10240x1xf32>
    %eq3A = arith.constant 10239 : i32
    %eq3A_10 = vector.broadcast %eq3A : i32 to vector<10240x1xi32>
    %eq3A_11 = arith.cmpi eq, %iota3A, %eq3A_10 : vector<10240x1xi32>
    %jit3A_12 = arith.constant 7.680000e+03 : f32
    %jit3A_13 = arith.constant 0.000000e+00 : f32
    %broadcast_in_dim3A_14 = vector.broadcast %jit3A_12 : f32 to vector<10240x1xf32>
    %broadcast_in_dim3A_15 = vector.broadcast %jit3A_13 : f32 to vector<10240x1xf32>
    %select_n3A_16 = arith.select %eq3A_11, %broadcast_in_dim3A_14, %broadcast_in_dim3A_15 : vector<10240x1xi1>, vector<10240x1xf32>
    %sub3A = arith.subf %add3A_9, %select_n3A_16 : vector<10240x1xf32>
    %gt3A = arith.constant 0.000000e+00 : f32
    %gt3A_17 = vector.broadcast %gt3A : f32 to vector<10240x1xf32>
    %gt3A_18 = arith.cmpf ogt, %sub3A, %gt3A_17 : vector<10240x1xf32>
    %rsqrt3A = math.rsqrt %sub3A : vector<10240x1xf32>
    %jit3A_19 = arith.constant 0.000000e+00 : f32
    %broadcast_in_dim3A_20 = vector.broadcast %jit3A_19 : f32 to vector<10240x1xf32>
    %select_n3A_21 = arith.select %gt3A_18, %rsqrt3A, %broadcast_in_dim3A_20 : vector<10240x1xi1>, vector<10240x1xf32>
    %get3A_22 = arith.constant 0 : index
    %get3A_23 = arith.constant 0 : index
    %get3A_24 = vector.load %arg0[%get3A_22, %get3A_23] : memref<10240x128xf32, #tpu.memory_space<vmem>>, vector<10240x128xf32>
    %get3A_25 = arith.constant 0 : index
    %get3A_26 = arith.constant 0 : index
    %get3A_27 = vector.load %arg1[%get3A_25, %get3A_26] : memref<128x128xf32, #tpu.memory_space<vmem>>, vector<128x128xf32>
    %dot_general3A = arith.constant dense<0.000000e+00> : vector<10240x128xf32>
    %dot_general3A_28 = tpu.matmul %get3A_24, %get3A_27, %dot_general3A {dimension_numbers = #tpu.dot_dimension_numbers<[1], [0], [0], [1], [0, 0, 1, 1], [], []>, transpose_lhs_hint = false} : vector<10240x128xf32>, vector<128x128xf32>, vector<10240x128xf32> -> vector<10240x128xf32>
    %mul3A = vector.broadcast %select_n3A_21 : vector<10240x1xf32> to vector<10240x128xf32>
    %mul3A_29 = arith.mulf %mul3A, %dot_general3A_28 : vector<10240x128xf32>
    %slice3A = vector.extract_strided_slice %mul3A_29 {offsets = [0, 0], sizes = [10240, 64], strides = [1, 1]} : vector<10240x128xf32> to vector<10240x64xf32>
    %swap3A = arith.constant 0 : index
    %swap3A_30 = arith.constant 0 : index
    %swap3A_31 = vector.load %arg3[%swap3A, %swap3A_30] : memref<10240x64xf32, #tpu.memory_space<vmem>>, vector<10240x64xf32>
    tpu.vector_store %arg3[%swap3A, %swap3A_30], %slice3A {strides = array<i32>} : memref<10240x64xf32, #tpu.memory_space<vmem>>, vector<10240x64xf32>,
    %slice3A_32 = vector.extract_strided_slice %mul3A_29 {offsets = [0, 64], sizes = [10240, 64], strides = [1, 1]} : vector<10240x128xf32> to vector<10240x64xf32>
    %swap3A_33 = arith.constant 0 : index
    %swap3A_34 = arith.constant 0 : index
    %swap3A_35 = vector.load %arg4[%swap3A_33, %swap3A_34] : memref<10240x64xf32, #tpu.memory_space<vmem>>, vector<10240x64xf32>
    tpu.vector_store %arg4[%swap3A_33, %swap3A_34], %slice3A_32 {strides = array<i32>} : memref<10240x64xf32, #tpu.memory_space<vmem>>, vector<10240x64xf32>,
    %swap3A_36 = arith.constant 0 : index
    %swap3A_37 = arith.constant 0 : index
    %swap3A_38 = vector.load %arg5[%swap3A_36, %swap3A_37] : memref<10240x1xf32, #tpu.memory_space<vmem>>, vector<10240x1xf32>
    tpu.vector_store %arg5[%swap3A_36, %swap3A_37], %select_n3A_21 {strides = array<i32>} : memref<10240x1xf32, #tpu.memory_space<vmem>>, vector<10240x1xf32>,
    return
  }
}

module attributes {stable_mosaic.version = 14 : i64} {
  func.func @_tc_c(%arg0: memref<2x10240x64xf32, #tpu.memory_space<vmem>>, %arg1: memref<2x10240x64xf32, #tpu.memory_space<vmem>>, %arg2: memref<10240x64xf32, #tpu.memory_space<vmem>>, %arg3: memref<10240x64xf32, #tpu.memory_space<vmem>>, %arg4: memref<10240x1xf32, #tpu.memory_space<vmem>>, %arg5: memref<128x128xf32, #tpu.memory_space<vmem>>, %arg6: memref<1x128xf32, #tpu.memory_space<vmem>>, %arg7: memref<1x128xf32, #tpu.memory_space<vmem>>, %arg8: memref<1x128xf32, #tpu.memory_space<vmem>>, %arg9: memref<10240x64xf32, #tpu.memory_space<vmem>>, %arg10: memref<10240x64xf32, #tpu.memory_space<vmem>>) attributes {dimension_semantics = [], scalar_prefetch = 0 : i64, scratch_operands = 0 : i64, tpu.core_type = #tpu.core_type<tc>} {
    %get3A = arith.constant 0 : index
    %get3A_0 = arith.constant 0 : index
    %get3A_1 = arith.constant 0 : index
    %get3A_2 = vector.load %arg0[%get3A, %get3A_0, %get3A_1] : memref<2x10240x64xf32, #tpu.memory_space<vmem>>, vector<1x10240x64xf32>
    %get3A_3 = vector.shape_cast %get3A_2 : vector<1x10240x64xf32> to vector<10240x64xf32>
    %get3A_4 = arith.constant 1 : index
    %get3A_5 = arith.constant 0 : index
    %get3A_6 = arith.constant 0 : index
    %get3A_7 = vector.load %arg0[%get3A_4, %get3A_5, %get3A_6] : memref<2x10240x64xf32, #tpu.memory_space<vmem>>, vector<1x10240x64xf32>
    %get3A_8 = vector.shape_cast %get3A_7 : vector<1x10240x64xf32> to vector<10240x64xf32>
    %add3A = arith.addf %get3A_3, %get3A_8 : vector<10240x64xf32>
    %get3A_9 = arith.constant 0 : index
    %get3A_10 = arith.constant 0 : index
    %get3A_11 = vector.load %arg2[%get3A_9, %get3A_10] : memref<10240x64xf32, #tpu.memory_space<vmem>>, vector<10240x64xf32>
    %add3A_12 = arith.addf %add3A, %get3A_11 : vector<10240x64xf32>
    %get3A_13 = arith.constant 0 : index
    %get3A_14 = arith.constant 0 : index
    %get3A_15 = arith.constant 0 : index
    %get3A_16 = vector.load %arg1[%get3A_13, %get3A_14, %get3A_15] : memref<2x10240x64xf32, #tpu.memory_space<vmem>>, vector<1x10240x64xf32>
    %get3A_17 = vector.shape_cast %get3A_16 : vector<1x10240x64xf32> to vector<10240x64xf32>
    %get3A_18 = arith.constant 1 : index
    %get3A_19 = arith.constant 0 : index
    %get3A_20 = arith.constant 0 : index
    %get3A_21 = vector.load %arg1[%get3A_18, %get3A_19, %get3A_20] : memref<2x10240x64xf32, #tpu.memory_space<vmem>>, vector<1x10240x64xf32>
    %get3A_22 = vector.shape_cast %get3A_21 : vector<1x10240x64xf32> to vector<10240x64xf32>
    %add3A_23 = arith.addf %get3A_17, %get3A_22 : vector<10240x64xf32>
    %get3A_24 = arith.constant 0 : index
    %get3A_25 = arith.constant 0 : index
    %get3A_26 = vector.load %arg3[%get3A_24, %get3A_25] : memref<10240x64xf32, #tpu.memory_space<vmem>>, vector<10240x64xf32>
    %add3A_27 = arith.addf %add3A_23, %get3A_26 : vector<10240x64xf32>
    %concatenate3A = tpu.concatenate %add3A_12, %add3A_27 in 1 : vector<10240x64xf32>, vector<10240x64xf32> -> vector<10240x128xf32>
    %get3A_28 = arith.constant 0 : index
    %get3A_29 = arith.constant 0 : index
    %get3A_30 = vector.load %arg4[%get3A_28, %get3A_29] : memref<10240x1xf32, #tpu.memory_space<vmem>>, vector<10240x1xf32>
    %mul3A = vector.broadcast %get3A_30 : vector<10240x1xf32> to vector<10240x128xf32>
    %mul3A_31 = arith.mulf %mul3A, %concatenate3A : vector<10240x128xf32>
    %get3A_32 = arith.constant 0 : index
    %get3A_33 = arith.constant 0 : index
    %get3A_34 = vector.load %arg6[%get3A_32, %get3A_33] : memref<1x128xf32, #tpu.memory_space<vmem>>, vector<1x128xf32>
    %add3A_35 = vector.broadcast %get3A_34 : vector<1x128xf32> to vector<10240x128xf32>
    %add3A_36 = arith.addf %mul3A_31, %add3A_35 : vector<10240x128xf32>
    %tanh3A = math.tanh %add3A_36 : vector<10240x128xf32>
    %get3A_37 = arith.constant 0 : index
    %get3A_38 = arith.constant 0 : index
    %get3A_39 = vector.load %arg7[%get3A_37, %get3A_38] : memref<1x128xf32, #tpu.memory_space<vmem>>, vector<1x128xf32>
    %get3A_40 = arith.constant 0 : index
    %get3A_41 = arith.constant 0 : index
    %get3A_42 = vector.load %arg8[%get3A_40, %get3A_41] : memref<1x128xf32, #tpu.memory_space<vmem>>, vector<1x128xf32>
    %reduce_sum3A = arith.constant dense<0.000000e+00> : vector<10240xf32>
    %reduce_sum3A_43 = vector.multi_reduction <add>, %tanh3A, %reduce_sum3A [1] : vector<10240x128xf32> to vector<10240xf32>
    %broadcast_in_dim3A = vector.shape_cast %reduce_sum3A_43 : vector<10240xf32> to vector<10240x1xf32>
    %div3A = arith.constant 1.280000e+02 : f32
    %div3A_44 = vector.broadcast %div3A : f32 to vector<10240x1xf32>
    %div3A_45 = arith.divf %broadcast_in_dim3A, %div3A_44 : vector<10240x1xf32>
    %sub3A = vector.broadcast %div3A_45 : vector<10240x1xf32> to vector<10240x128xf32>
    %sub3A_46 = arith.subf %tanh3A, %sub3A : vector<10240x128xf32>
    %integer_pow3A = arith.mulf %sub3A_46, %sub3A_46 : vector<10240x128xf32>
    %reduce_sum3A_47 = arith.constant dense<0.000000e+00> : vector<10240xf32>
    %reduce_sum3A_48 = vector.multi_reduction <add>, %integer_pow3A, %reduce_sum3A_47 [1] : vector<10240x128xf32> to vector<10240xf32>
    %broadcast_in_dim3A_49 = vector.shape_cast %reduce_sum3A_48 : vector<10240xf32> to vector<10240x1xf32>
    %div3A_50 = arith.constant 1.280000e+02 : f32
    %div3A_51 = vector.broadcast %div3A_50 : f32 to vector<10240x1xf32>
    %div3A_52 = arith.divf %broadcast_in_dim3A_49, %div3A_51 : vector<10240x1xf32>
    %sub3A_53 = vector.broadcast %div3A_45 : vector<10240x1xf32> to vector<10240x128xf32>
    %sub3A_54 = arith.subf %tanh3A, %sub3A_53 : vector<10240x128xf32>
    %add3A_55 = arith.constant 9.99999974E-6 : f32
    %add3A_56 = vector.broadcast %add3A_55 : f32 to vector<10240x1xf32>
    %add3A_57 = arith.addf %div3A_52, %add3A_56 : vector<10240x1xf32>
    %rsqrt3A = math.rsqrt %add3A_57 : vector<10240x1xf32>
    %mul3A_58 = vector.broadcast %rsqrt3A : vector<10240x1xf32> to vector<10240x128xf32>
    %mul3A_59 = arith.mulf %sub3A_54, %mul3A_58 : vector<10240x128xf32>
    %mul3A_60 = vector.broadcast %get3A_39 : vector<1x128xf32> to vector<10240x128xf32>
    %mul3A_61 = arith.mulf %mul3A_59, %mul3A_60 : vector<10240x128xf32>
    %add3A_62 = vector.broadcast %get3A_42 : vector<1x128xf32> to vector<10240x128xf32>
    %add3A_63 = arith.addf %mul3A_61, %add3A_62 : vector<10240x128xf32>
    %get3A_64 = arith.constant 0 : index
    %get3A_65 = arith.constant 0 : index
    %get3A_66 = vector.load %arg4[%get3A_64, %get3A_65] : memref<10240x1xf32, #tpu.memory_space<vmem>>, vector<10240x1xf32>
    %get3A_67 = arith.constant 0 : index
    %get3A_68 = arith.constant 0 : index
    %get3A_69 = vector.load %arg5[%get3A_67, %get3A_68] : memref<128x128xf32, #tpu.memory_space<vmem>>, vector<128x128xf32>
    %dot_general3A = arith.constant dense<0.000000e+00> : vector<10240x128xf32>
    %dot_general3A_70 = tpu.matmul %add3A_63, %get3A_69, %dot_general3A {dimension_numbers = #tpu.dot_dimension_numbers<[1], [0], [0], [1], [0, 0, 1, 1], [], []>, transpose_lhs_hint = false} : vector<10240x128xf32>, vector<128x128xf32>, vector<10240x128xf32> -> vector<10240x128xf32>
    %mul3A_71 = vector.broadcast %get3A_66 : vector<10240x1xf32> to vector<10240x128xf32>
    %mul3A_72 = arith.mulf %mul3A_71, %dot_general3A_70 : vector<10240x128xf32>
    %slice3A = vector.extract_strided_slice %mul3A_72 {offsets = [0, 0], sizes = [10240, 64], strides = [1, 1]} : vector<10240x128xf32> to vector<10240x64xf32>
    %swap3A = arith.constant 0 : index
    %swap3A_73 = arith.constant 0 : index
    %swap3A_74 = vector.load %arg9[%swap3A, %swap3A_73] : memref<10240x64xf32, #tpu.memory_space<vmem>>, vector<10240x64xf32>
    tpu.vector_store %arg9[%swap3A, %swap3A_73], %slice3A {strides = array<i32>} : memref<10240x64xf32, #tpu.memory_space<vmem>>, vector<10240x64xf32>,
    %slice3A_75 = vector.extract_strided_slice %mul3A_72 {offsets = [0, 64], sizes = [10240, 64], strides = [1, 1]} : vector<10240x128xf32> to vector<10240x64xf32>
    %swap3A_76 = arith.constant 0 : index
    %swap3A_77 = arith.constant 0 : index
    %swap3A_78 = vector.load %arg10[%swap3A_76, %swap3A_77] : memref<10240x64xf32, #tpu.memory_space<vmem>>, vector<10240x64xf32>
    tpu.vector_store %arg10[%swap3A_76, %swap3A_77], %slice3A_75 {strides = array<i32>} : memref<10240x64xf32, #tpu.memory_space<vmem>>, vector<10240x64xf32>,
    return
  }
}

module attributes {stable_mosaic.version = 14 : i64} {
  func.func @_tc_d(%arg0: memref<2x10240x64xf32, #tpu.memory_space<vmem>>, %arg1: memref<2x10240x64xf32, #tpu.memory_space<vmem>>, %arg2: memref<10240x64xf32, #tpu.memory_space<vmem>>, %arg3: memref<10240x64xf32, #tpu.memory_space<vmem>>, %arg4: memref<10240x1xf32, #tpu.memory_space<vmem>>, %arg5: memref<10240x1xi32, #tpu.memory_space<vmem>>, %arg6: memref<1x10240xi32, #tpu.memory_space<vmem>>, %arg7: memref<1x128xf32, #tpu.memory_space<vmem>>, %arg8: memref<1x128xf32, #tpu.memory_space<vmem>>, %arg9: memref<1x128xf32, #tpu.memory_space<vmem>>, %arg10: memref<1x128xf32, #tpu.memory_space<vmem>>, %arg11: memref<1x128xf32, #tpu.memory_space<vmem>>, %arg12: memref<128x128xf32, #tpu.memory_space<vmem>>, %arg13: memref<1x128xf32, #tpu.memory_space<vmem>>, %arg14: memref<128x64xf32, #tpu.memory_space<vmem>>, %arg15: memref<1x64xf32, #tpu.memory_space<vmem>>, %arg16: memref<64x16xf32, #tpu.memory_space<vmem>>, %arg17: memref<1x16xf32, #tpu.memory_space<vmem>>, %arg18: memref<1x16xf32, #tpu.memory_space<vmem>>, %arg19: memref<1x1xf32, #tpu.memory_space<vmem>>, %arg20: memref<128x256xf32, #tpu.memory_space<vmem>>, %arg21: memref<1x256xf32, #tpu.memory_space<vmem>>, %arg22: memref<1x256xf32, #tpu.memory_space<vmem>>, %arg23: memref<1x256xf32, #tpu.memory_space<vmem>>, %arg24: memref<256x128xf32, #tpu.memory_space<vmem>>, %arg25: memref<1x128xf32, #tpu.memory_space<vmem>>, %arg26: memref<1x128xf32, #tpu.memory_space<vmem>>, %arg27: memref<1x128xf32, #tpu.memory_space<vmem>>, %arg28: memref<128x64xf32, #tpu.memory_space<vmem>>, %arg29: memref<1x64xf32, #tpu.memory_space<vmem>>, %arg30: memref<64x64xf32, #tpu.memory_space<vmem>>) attributes {dimension_semantics = [], scalar_prefetch = 0 : i64, scratch_operands = 0 : i64, tpu.core_type = #tpu.core_type<tc>} {
    %get3A = arith.constant 0 : index
    %get3A_0 = arith.constant 0 : index
    %get3A_1 = arith.constant 0 : index
    %get3A_2 = vector.load %arg0[%get3A, %get3A_0, %get3A_1] : memref<2x10240x64xf32, #tpu.memory_space<vmem>>, vector<1x10240x64xf32>
    %get3A_3 = vector.shape_cast %get3A_2 : vector<1x10240x64xf32> to vector<10240x64xf32>
    %get3A_4 = arith.constant 1 : index
    %get3A_5 = arith.constant 0 : index
    %get3A_6 = arith.constant 0 : index
    %get3A_7 = vector.load %arg0[%get3A_4, %get3A_5, %get3A_6] : memref<2x10240x64xf32, #tpu.memory_space<vmem>>, vector<1x10240x64xf32>
    %get3A_8 = vector.shape_cast %get3A_7 : vector<1x10240x64xf32> to vector<10240x64xf32>
    %add3A = arith.addf %get3A_3, %get3A_8 : vector<10240x64xf32>
    %get3A_9 = arith.constant 0 : index
    %get3A_10 = arith.constant 0 : index
    %get3A_11 = vector.load %arg2[%get3A_9, %get3A_10] : memref<10240x64xf32, #tpu.memory_space<vmem>>, vector<10240x64xf32>
    %add3A_12 = arith.addf %add3A, %get3A_11 : vector<10240x64xf32>
    %get3A_13 = arith.constant 0 : index
    %get3A_14 = arith.constant 0 : index
    %get3A_15 = arith.constant 0 : index
    %get3A_16 = vector.load %arg1[%get3A_13, %get3A_14, %get3A_15] : memref<2x10240x64xf32, #tpu.memory_space<vmem>>, vector<1x10240x64xf32>
    %get3A_17 = vector.shape_cast %get3A_16 : vector<1x10240x64xf32> to vector<10240x64xf32>
    %get3A_18 = arith.constant 1 : index
    %get3A_19 = arith.constant 0 : index
    %get3A_20 = arith.constant 0 : index
    %get3A_21 = vector.load %arg1[%get3A_18, %get3A_19, %get3A_20] : memref<2x10240x64xf32, #tpu.memory_space<vmem>>, vector<1x10240x64xf32>
    %get3A_22 = vector.shape_cast %get3A_21 : vector<1x10240x64xf32> to vector<10240x64xf32>
    %add3A_23 = arith.addf %get3A_17, %get3A_22 : vector<10240x64xf32>
    %get3A_24 = arith.constant 0 : index
    %get3A_25 = arith.constant 0 : index
    %get3A_26 = vector.load %arg3[%get3A_24, %get3A_25] : memref<10240x64xf32, #tpu.memory_space<vmem>>, vector<10240x64xf32>
    %add3A_27 = arith.addf %add3A_23, %get3A_26 : vector<10240x64xf32>
    %concatenate3A = tpu.concatenate %add3A_12, %add3A_27 in 1 : vector<10240x64xf32>, vector<10240x64xf32> -> vector<10240x128xf32>
    %get3A_28 = arith.constant 0 : index
    %get3A_29 = arith.constant 0 : index
    %get3A_30 = vector.load %arg4[%get3A_28, %get3A_29] : memref<10240x1xf32, #tpu.memory_space<vmem>>, vector<10240x1xf32>
    %mul3A = vector.broadcast %get3A_30 : vector<10240x1xf32> to vector<10240x128xf32>
    %mul3A_31 = arith.mulf %mul3A, %concatenate3A : vector<10240x128xf32>
    %get3A_32 = arith.constant 0 : index
    %get3A_33 = arith.constant 0 : index
    %get3A_34 = vector.load %arg7[%get3A_32, %get3A_33] : memref<1x128xf32, #tpu.memory_space<vmem>>, vector<1x128xf32>
    %add3A_35 = vector.broadcast %get3A_34 : vector<1x128xf32> to vector<10240x128xf32>
    %add3A_36 = arith.addf %mul3A_31, %add3A_35 : vector<10240x128xf32>
    %tanh3A = math.tanh %add3A_36 : vector<10240x128xf32>
    %get3A_37 = arith.constant 0 : index
    %get3A_38 = arith.constant 0 : index
    %get3A_39 = vector.load %arg8[%get3A_37, %get3A_38] : memref<1x128xf32, #tpu.memory_space<vmem>>, vector<1x128xf32>
    %get3A_40 = arith.constant 0 : index
    %get3A_41 = arith.constant 0 : index
    %get3A_42 = vector.load %arg9[%get3A_40, %get3A_41] : memref<1x128xf32, #tpu.memory_space<vmem>>, vector<1x128xf32>
    %reduce_sum3A = arith.constant dense<0.000000e+00> : vector<10240xf32>
    %reduce_sum3A_43 = vector.multi_reduction <add>, %tanh3A, %reduce_sum3A [1] : vector<10240x128xf32> to vector<10240xf32>
    %broadcast_in_dim3A = vector.shape_cast %reduce_sum3A_43 : vector<10240xf32> to vector<10240x1xf32>
    %div3A = arith.constant 1.280000e+02 : f32
    %div3A_44 = vector.broadcast %div3A : f32 to vector<10240x1xf32>
    %div3A_45 = arith.divf %broadcast_in_dim3A, %div3A_44 : vector<10240x1xf32>
    %sub3A = vector.broadcast %div3A_45 : vector<10240x1xf32> to vector<10240x128xf32>
    %sub3A_46 = arith.subf %tanh3A, %sub3A : vector<10240x128xf32>
    %integer_pow3A = arith.mulf %sub3A_46, %sub3A_46 : vector<10240x128xf32>
    %reduce_sum3A_47 = arith.constant dense<0.000000e+00> : vector<10240xf32>
    %reduce_sum3A_48 = vector.multi_reduction <add>, %integer_pow3A, %reduce_sum3A_47 [1] : vector<10240x128xf32> to vector<10240xf32>
    %broadcast_in_dim3A_49 = vector.shape_cast %reduce_sum3A_48 : vector<10240xf32> to vector<10240x1xf32>
    %div3A_50 = arith.constant 1.280000e+02 : f32
    %div3A_51 = vector.broadcast %div3A_50 : f32 to vector<10240x1xf32>
    %div3A_52 = arith.divf %broadcast_in_dim3A_49, %div3A_51 : vector<10240x1xf32>
    %sub3A_53 = vector.broadcast %div3A_45 : vector<10240x1xf32> to vector<10240x128xf32>
    %sub3A_54 = arith.subf %tanh3A, %sub3A_53 : vector<10240x128xf32>
    %add3A_55 = arith.constant 9.99999974E-6 : f32
    %add3A_56 = vector.broadcast %add3A_55 : f32 to vector<10240x1xf32>
    %add3A_57 = arith.addf %div3A_52, %add3A_56 : vector<10240x1xf32>
    %rsqrt3A = math.rsqrt %add3A_57 : vector<10240x1xf32>
    %mul3A_58 = vector.broadcast %rsqrt3A : vector<10240x1xf32> to vector<10240x128xf32>
    %mul3A_59 = arith.mulf %sub3A_54, %mul3A_58 : vector<10240x128xf32>
    %mul3A_60 = vector.broadcast %get3A_39 : vector<1x128xf32> to vector<10240x128xf32>
    %mul3A_61 = arith.mulf %mul3A_59, %mul3A_60 : vector<10240x128xf32>
    %add3A_62 = vector.broadcast %get3A_42 : vector<1x128xf32> to vector<10240x128xf32>
    %add3A_63 = arith.addf %mul3A_61, %add3A_62 : vector<10240x128xf32>
    %get3A_64 = arith.constant 0 : index
    %get3A_65 = arith.constant 0 : index
    %get3A_66 = vector.load %arg10[%get3A_64, %get3A_65] : memref<1x128xf32, #tpu.memory_space<vmem>>, vector<1x128xf32>
    %get3A_67 = arith.constant 0 : index
    %get3A_68 = arith.constant 0 : index
    %get3A_69 = vector.load %arg11[%get3A_67, %get3A_68] : memref<1x128xf32, #tpu.memory_space<vmem>>, vector<1x128xf32>
    %reduce_sum3A_70 = arith.constant dense<0.000000e+00> : vector<10240xf32>
    %reduce_sum3A_71 = vector.multi_reduction <add>, %add3A_63, %reduce_sum3A_70 [1] : vector<10240x128xf32> to vector<10240xf32>
    %broadcast_in_dim3A_72 = vector.shape_cast %reduce_sum3A_71 : vector<10240xf32> to vector<10240x1xf32>
    %div3A_73 = arith.constant 1.280000e+02 : f32
    %div3A_74 = vector.broadcast %div3A_73 : f32 to vector<10240x1xf32>
    %div3A_75 = arith.divf %broadcast_in_dim3A_72, %div3A_74 : vector<10240x1xf32>
    %sub3A_76 = vector.broadcast %div3A_75 : vector<10240x1xf32> to vector<10240x128xf32>
    %sub3A_77 = arith.subf %add3A_63, %sub3A_76 : vector<10240x128xf32>
    %integer_pow3A_78 = arith.mulf %sub3A_77, %sub3A_77 : vector<10240x128xf32>
    %reduce_sum3A_79 = arith.constant dense<0.000000e+00> : vector<10240xf32>
    %reduce_sum3A_80 = vector.multi_reduction <add>, %integer_pow3A_78, %reduce_sum3A_79 [1] : vector<10240x128xf32> to vector<10240xf32>
    %broadcast_in_dim3A_81 = vector.shape_cast %reduce_sum3A_80 : vector<10240xf32> to vector<10240x1xf32>
    %div3A_82 = arith.constant 1.280000e+02 : f32
    %div3A_83 = vector.broadcast %div3A_82 : f32 to vector<10240x1xf32>
    %div3A_84 = arith.divf %broadcast_in_dim3A_81, %div3A_83 : vector<10240x1xf32>
    %sub3A_85 = vector.broadcast %div3A_75 : vector<10240x1xf32> to vector<10240x128xf32>
    %sub3A_86 = arith.subf %add3A_63, %sub3A_85 : vector<10240x128xf32>
    %add3A_87 = arith.constant 9.99999974E-6 : f32
    %add3A_88 = vector.broadcast %add3A_87 : f32 to vector<10240x1xf32>
    %add3A_89 = arith.addf %div3A_84, %add3A_88 : vector<10240x1xf32>
    %rsqrt3A_90 = math.rsqrt %add3A_89 : vector<10240x1xf32>
    %mul3A_91 = vector.broadcast %rsqrt3A_90 : vector<10240x1xf32> to vector<10240x128xf32>
    %mul3A_92 = arith.mulf %sub3A_86, %mul3A_91 : vector<10240x128xf32>
    %mul3A_93 = vector.broadcast %get3A_66 : vector<1x128xf32> to vector<10240x128xf32>
    %mul3A_94 = arith.mulf %mul3A_92, %mul3A_93 : vector<10240x128xf32>
    %add3A_95 = vector.broadcast %get3A_69 : vector<1x128xf32> to vector<10240x128xf32>
    %add3A_96 = arith.addf %mul3A_94, %add3A_95 : vector<10240x128xf32>
    %get3A_97 = arith.constant 0 : index
    %get3A_98 = arith.constant 0 : index
    %get3A_99 = vector.load %arg12[%get3A_97, %get3A_98] : memref<128x128xf32, #tpu.memory_space<vmem>>, vector<128x128xf32>
    %dot_general3A = arith.constant dense<0.000000e+00> : vector<10240x128xf32>
    %dot_general3A_100 = tpu.matmul %add3A_96, %get3A_99, %dot_general3A {dimension_numbers = #tpu.dot_dimension_numbers<[1], [0], [0], [1], [0, 0, 1, 1], [], []>, transpose_lhs_hint = false} : vector<10240x128xf32>, vector<128x128xf32>, vector<10240x128xf32> -> vector<10240x128xf32>
    %get3A_101 = arith.constant 0 : index
    %get3A_102 = arith.constant 0 : index
    %get3A_103 = vector.load %arg13[%get3A_101, %get3A_102] : memref<1x128xf32, #tpu.memory_space<vmem>>, vector<1x128xf32>
    %add3A_104 = vector.broadcast %get3A_103 : vector<1x128xf32> to vector<10240x128xf32>
    %add3A_105 = arith.addf %dot_general3A_100, %add3A_104 : vector<10240x128xf32>
    %tanh3A_106 = math.tanh %add3A_105 : vector<10240x128xf32>
    %get3A_107 = arith.constant 0 : index
    %get3A_108 = arith.constant 0 : index
    %get3A_109 = vector.load %arg14[%get3A_107, %get3A_108] : memref<128x64xf32, #tpu.memory_space<vmem>>, vector<128x64xf32>
    %dot_general3A_110 = arith.constant dense<0.000000e+00> : vector<10240x64xf32>
    %dot_general3A_111 = tpu.matmul %tanh3A_106, %get3A_109, %dot_general3A_110 {dimension_numbers = #tpu.dot_dimension_numbers<[1], [0], [0], [1], [0, 0, 1, 1], [], []>, transpose_lhs_hint = false} : vector<10240x128xf32>, vector<128x64xf32>, vector<10240x64xf32> -> vector<10240x64xf32>
    %get3A_112 = arith.constant 0 : index
    %get3A_113 = arith.constant 0 : index
    %get3A_114 = vector.load %arg15[%get3A_112, %get3A_113] : memref<1x64xf32, #tpu.memory_space<vmem>>, vector<1x64xf32>
    %add3A_115 = vector.broadcast %get3A_114 : vector<1x64xf32> to vector<10240x64xf32>
    %add3A_116 = arith.addf %dot_general3A_111, %add3A_115 : vector<10240x64xf32>
    %tanh3A_117 = math.tanh %add3A_116 : vector<10240x64xf32>
    %get3A_118 = arith.constant 0 : index
    %get3A_119 = arith.constant 0 : index
    %get3A_120 = vector.load %arg16[%get3A_118, %get3A_119] : memref<64x16xf32, #tpu.memory_space<vmem>>, vector<64x16xf32>
    %dot_general3A_121 = arith.constant dense<0.000000e+00> : vector<10240x16xf32>
    %dot_general3A_122 = tpu.matmul %tanh3A_117, %get3A_120, %dot_general3A_121 {dimension_numbers = #tpu.dot_dimension_numbers<[1], [0], [0], [1], [0, 0, 1, 1], [], []>, transpose_lhs_hint = false} : vector<10240x64xf32>, vector<64x16xf32>, vector<10240x16xf32> -> vector<10240x16xf32>
    %get3A_123 = arith.constant 0 : index
    %get3A_124 = arith.constant 0 : index
    %get3A_125 = vector.load %arg17[%get3A_123, %get3A_124] : memref<1x16xf32, #tpu.memory_space<vmem>>, vector<1x16xf32>
    %add3A_126 = vector.broadcast %get3A_125 : vector<1x16xf32> to vector<10240x16xf32>
    %add3A_127 = arith.addf %dot_general3A_122, %add3A_126 : vector<10240x16xf32>
    %tanh3A_128 = math.tanh %add3A_127 : vector<10240x16xf32>
    %get3A_129 = arith.constant 0 : index
    %get3A_130 = arith.constant 0 : index
    %get3A_131 = vector.load %arg18[%get3A_129, %get3A_130] : memref<1x16xf32, #tpu.memory_space<vmem>>, vector<1x16xf32>
    %mul3A_132 = vector.broadcast %get3A_131 : vector<1x16xf32> to vector<10240x16xf32>
    %mul3A_133 = arith.mulf %tanh3A_128, %mul3A_132 : vector<10240x16xf32>
    %reduce_sum3A_134 = arith.constant dense<0.000000e+00> : vector<10240xf32>
    %reduce_sum3A_135 = vector.multi_reduction <add>, %mul3A_133, %reduce_sum3A_134 [1] : vector<10240x16xf32> to vector<10240xf32>
    %broadcast_in_dim3A_136 = vector.shape_cast %reduce_sum3A_135 : vector<10240xf32> to vector<10240x1xf32>
    %get3A_137 = arith.constant 0 : index
    %get3A_138 = arith.constant 0 : index
    %get3A_139 = vector.load %arg19[%get3A_137, %get3A_138] : memref<1x1xf32, #tpu.memory_space<vmem>>, vector<1x1xf32>
    %get3A_140 = vector.extract %get3A_139[0, 0] : f32 from vector<1x1xf32>
    %add3A_141 = vector.broadcast %get3A_140 : f32 to vector<10240x1xf32>
    %add3A_142 = arith.addf %broadcast_in_dim3A_136, %add3A_141 : vector<10240x1xf32>
    %iota3A = tpu.iota {dimensions = array<i32: 1>} : vector<1x64xi32>
    %get3A_143 = arith.constant 0 : index
    %get3A_144 = arith.constant 0 : index
    %get3A_145 = vector.load %arg5[%get3A_143, %get3A_144] : memref<10240x1xi32, #tpu.memory_space<vmem>>, vector<10240x1xi32>
    %eq3A = vector.broadcast %get3A_145 : vector<10240x1xi32> to vector<10240x64xi32>
    %eq3A_146 = vector.broadcast %iota3A : vector<1x64xi32> to vector<10240x64xi32>
    %eq3A_147 = arith.cmpi eq, %eq3A, %eq3A_146 : vector<10240x64xi32>
    %convert_element_type3A = arith.extui %eq3A_147 : vector<10240x64xi1> to vector<10240x64xi32>
    %convert_element_type3A_148 = arith.sitofp %convert_element_type3A : vector<10240x64xi32> to vector<10240x64xf32>
    %gt3A = arith.constant 0.000000e+00 : f32
    %gt3A_149 = vector.broadcast %gt3A : f32 to vector<10240x64xf32>
    %gt3A_150 = arith.cmpf ogt, %convert_element_type3A_148, %gt3A_149 : vector<10240x64xf32>
    %jit3A = arith.constant 0xFF800000 : f32
    %broadcast_in_dim3A_151 = vector.shape_cast %add3A_142 : vector<10240x1xf32> to vector<10240x1xf32>
    %broadcast_in_dim3A_152 = vector.broadcast %broadcast_in_dim3A_151 : vector<10240x1xf32> to vector<10240x64xf32>
    %broadcast_in_dim3A_153 = vector.broadcast %jit3A : f32 to vector<10240x64xf32>
    %select_n3A = arith.select %gt3A_150, %broadcast_in_dim3A_152, %broadcast_in_dim3A_153 : vector<10240x64xi1>, vector<10240x64xf32>
    %reduce_max3A = arith.constant dense<0xFF800000> : vector<64xf32>
    %reduce_max3A_154 = vector.multi_reduction <maximumf>, %select_n3A, %reduce_max3A [0] : vector<10240x64xf32> to vector<64xf32>
    %broadcast_in_dim3A_155 = vector.shape_cast %reduce_max3A_154 : vector<64xf32> to vector<1x64xf32>
    %gt3A_156 = arith.constant -1.000000e+30 : f32
    %gt3A_157 = vector.broadcast %gt3A_156 : f32 to vector<1x64xf32>
    %gt3A_158 = arith.cmpf ogt, %broadcast_in_dim3A_155, %gt3A_157 : vector<1x64xf32>
    %jit3A_159 = arith.constant 0.000000e+00 : f32
    %broadcast_in_dim3A_160 = vector.broadcast %jit3A_159 : f32 to vector<1x64xf32>
    %select_n3A_161 = arith.select %gt3A_158, %broadcast_in_dim3A_155, %broadcast_in_dim3A_160 : vector<1x64xi1>, vector<1x64xf32>
    %mul3A_162 = vector.broadcast %select_n3A_161 : vector<1x64xf32> to vector<10240x64xf32>
    %mul3A_163 = arith.mulf %convert_element_type3A_148, %mul3A_162 : vector<10240x64xf32>
    %reduce_sum3A_164 = arith.constant dense<0.000000e+00> : vector<10240xf32>
    %reduce_sum3A_165 = vector.multi_reduction <add>, %mul3A_163, %reduce_sum3A_164 [1] : vector<10240x64xf32> to vector<10240xf32>
    %broadcast_in_dim3A_166 = vector.shape_cast %reduce_sum3A_165 : vector<10240xf32> to vector<10240x1xf32>
    %sub3A_167 = arith.subf %add3A_142, %broadcast_in_dim3A_166 : vector<10240x1xf32>
    %exp3A = math.exp %sub3A_167 : vector<10240x1xf32>
    %mul3A_168 = vector.broadcast %exp3A : vector<10240x1xf32> to vector<10240x64xf32>
    %mul3A_169 = arith.mulf %convert_element_type3A_148, %mul3A_168 : vector<10240x64xf32>
    %reduce_sum3A_170 = arith.constant dense<0.000000e+00> : vector<64xf32>
    %reduce_sum3A_171 = vector.multi_reduction <add>, %mul3A_169, %reduce_sum3A_170 [0] : vector<10240x64xf32> to vector<64xf32>
    %broadcast_in_dim3A_172 = vector.shape_cast %reduce_sum3A_171 : vector<64xf32> to vector<1x64xf32>
    %mul3A_173 = vector.broadcast %broadcast_in_dim3A_172 : vector<1x64xf32> to vector<10240x64xf32>
    %mul3A_174 = arith.mulf %convert_element_type3A_148, %mul3A_173 : vector<10240x64xf32>
    %reduce_sum3A_175 = arith.constant dense<0.000000e+00> : vector<10240xf32>
    %reduce_sum3A_176 = vector.multi_reduction <add>, %mul3A_174, %reduce_sum3A_175 [1] : vector<10240x64xf32> to vector<10240xf32>
    %broadcast_in_dim3A_177 = vector.shape_cast %reduce_sum3A_176 : vector<10240xf32> to vector<10240x1xf32>
    %add3A_178 = arith.constant 1.000000e-16 : f32
    %add3A_179 = vector.broadcast %add3A_178 : f32 to vector<10240x1xf32>
    %add3A_180 = arith.addf %broadcast_in_dim3A_177, %add3A_179 : vector<10240x1xf32>
    %div3A_181 = arith.divf %exp3A, %add3A_180 : vector<10240x1xf32>
    %iota3A_182 = tpu.iota {dimensions = array<i32: 0>} : vector<64x1xi32>
    %get3A_183 = arith.constant 0 : index
    %get3A_184 = arith.constant 0 : index
    %get3A_185 = vector.load %arg6[%get3A_183, %get3A_184] : memref<1x10240xi32, #tpu.memory_space<vmem>>, vector<1x10240xi32>
    %eq3A_186 = vector.broadcast %get3A_185 : vector<1x10240xi32> to vector<64x10240xi32>
    %eq3A_187 = vector.broadcast %iota3A_182 : vector<64x1xi32> to vector<64x10240xi32>
    %eq3A_188 = arith.cmpi eq, %eq3A_186, %eq3A_187 : vector<64x10240xi32>
    %convert_element_type3A_189 = arith.extui %eq3A_188 : vector<64x10240xi1> to vector<64x10240xi32>
    %convert_element_type3A_190 = arith.sitofp %convert_element_type3A_189 : vector<64x10240xi32> to vector<64x10240xf32>
    %mul3A_191 = vector.broadcast %div3A_181 : vector<10240x1xf32> to vector<10240x128xf32>
    %mul3A_192 = arith.mulf %mul3A_191, %add3A_96 : vector<10240x128xf32>
    %dot_general3A_193 = arith.constant dense<0.000000e+00> : vector<64x128xf32>
    %dot_general3A_194 = tpu.matmul %convert_element_type3A_190, %mul3A_192, %dot_general3A_193 {dimension_numbers = #tpu.dot_dimension_numbers<[1], [0], [0], [1], [0, 0, 1, 1], [], []>, transpose_lhs_hint = false} : vector<64x10240xf32>, vector<10240x128xf32>, vector<64x128xf32> -> vector<64x128xf32>
    %get3A_195 = arith.constant 0 : index
    %get3A_196 = arith.constant 0 : index
    %get3A_197 = vector.load %arg20[%get3A_195, %get3A_196] : memref<128x256xf32, #tpu.memory_space<vmem>>, vector<128x256xf32>
    %dot_general3A_198 = arith.constant dense<0.000000e+00> : vector<64x256xf32>
    %dot_general3A_199 = tpu.matmul %dot_general3A_194, %get3A_197, %dot_general3A_198 {dimension_numbers = #tpu.dot_dimension_numbers<[1], [0], [0], [1], [0, 0, 1, 1], [], []>, transpose_lhs_hint = false} : vector<64x128xf32>, vector<128x256xf32>, vector<64x256xf32> -> vector<64x256xf32>
    %get3A_200 = arith.constant 0 : index
    %get3A_201 = arith.constant 0 : index
    %get3A_202 = vector.load %arg21[%get3A_200, %get3A_201] : memref<1x256xf32, #tpu.memory_space<vmem>>, vector<1x256xf32>
    %add3A_203 = vector.broadcast %get3A_202 : vector<1x256xf32> to vector<64x256xf32>
    %add3A_204 = arith.addf %dot_general3A_199, %add3A_203 : vector<64x256xf32>
    %get3A_205 = arith.constant 0 : index
    %get3A_206 = arith.constant 0 : index
    %get3A_207 = vector.load %arg22[%get3A_205, %get3A_206] : memref<1x256xf32, #tpu.memory_space<vmem>>, vector<1x256xf32>
    %get3A_208 = arith.constant 0 : index
    %get3A_209 = arith.constant 0 : index
    %get3A_210 = vector.load %arg23[%get3A_208, %get3A_209] : memref<1x256xf32, #tpu.memory_space<vmem>>, vector<1x256xf32>
    %reduce_sum3A_211 = arith.constant dense<0.000000e+00> : vector<64xf32>
    %reduce_sum3A_212 = vector.multi_reduction <add>, %add3A_204, %reduce_sum3A_211 [1] : vector<64x256xf32> to vector<64xf32>
    %broadcast_in_dim3A_213 = vector.shape_cast %reduce_sum3A_212 : vector<64xf32> to vector<64x1xf32>
    %div3A_214 = arith.constant 2.560000e+02 : f32
    %div3A_215 = vector.broadcast %div3A_214 : f32 to vector<64x1xf32>
    %div3A_216 = arith.divf %broadcast_in_dim3A_213, %div3A_215 : vector<64x1xf32>
    %sub3A_217 = vector.broadcast %div3A_216 : vector<64x1xf32> to vector<64x256xf32>
    %sub3A_218 = arith.subf %add3A_204, %sub3A_217 : vector<64x256xf32>
    %integer_pow3A_219 = arith.mulf %sub3A_218, %sub3A_218 : vector<64x256xf32>
    %reduce_sum3A_220 = arith.constant dense<0.000000e+00> : vector<64xf32>
    %reduce_sum3A_221 = vector.multi_reduction <add>, %integer_pow3A_219, %reduce_sum3A_220 [1] : vector<64x256xf32> to vector<64xf32>
    %broadcast_in_dim3A_222 = vector.shape_cast %reduce_sum3A_221 : vector<64xf32> to vector<64x1xf32>
    %div3A_223 = arith.constant 2.560000e+02 : f32
    %div3A_224 = vector.broadcast %div3A_223 : f32 to vector<64x1xf32>
    %div3A_225 = arith.divf %broadcast_in_dim3A_222, %div3A_224 : vector<64x1xf32>
    %sub3A_226 = vector.broadcast %div3A_216 : vector<64x1xf32> to vector<64x256xf32>
    %sub3A_227 = arith.subf %add3A_204, %sub3A_226 : vector<64x256xf32>
    %add3A_228 = arith.constant 9.99999974E-6 : f32
    %add3A_229 = vector.broadcast %add3A_228 : f32 to vector<64x1xf32>
    %add3A_230 = arith.addf %div3A_225, %add3A_229 : vector<64x1xf32>
    %rsqrt3A_231 = math.rsqrt %add3A_230 : vector<64x1xf32>
    %mul3A_232 = vector.broadcast %rsqrt3A_231 : vector<64x1xf32> to vector<64x256xf32>
    %mul3A_233 = arith.mulf %sub3A_227, %mul3A_232 : vector<64x256xf32>
    %mul3A_234 = vector.broadcast %get3A_207 : vector<1x256xf32> to vector<64x256xf32>
    %mul3A_235 = arith.mulf %mul3A_233, %mul3A_234 : vector<64x256xf32>
    %add3A_236 = vector.broadcast %get3A_210 : vector<1x256xf32> to vector<64x256xf32>
    %add3A_237 = arith.addf %mul3A_235, %add3A_236 : vector<64x256xf32>
    %tanh3A_238 = math.tanh %add3A_237 : vector<64x256xf32>
    %get3A_239 = arith.constant 0 : index
    %get3A_240 = arith.constant 0 : index
    %get3A_241 = vector.load %arg24[%get3A_239, %get3A_240] : memref<256x128xf32, #tpu.memory_space<vmem>>, vector<256x128xf32>
    %dot_general3A_242 = arith.constant dense<0.000000e+00> : vector<64x128xf32>
    %dot_general3A_243 = tpu.matmul %tanh3A_238, %get3A_241, %dot_general3A_242 {dimension_numbers = #tpu.dot_dimension_numbers<[1], [0], [0], [1], [0, 0, 1, 1], [], []>, transpose_lhs_hint = false} : vector<64x256xf32>, vector<256x128xf32>, vector<64x128xf32> -> vector<64x128xf32>
    %get3A_244 = arith.constant 0 : index
    %get3A_245 = arith.constant 0 : index
    %get3A_246 = vector.load %arg25[%get3A_244, %get3A_245] : memref<1x128xf32, #tpu.memory_space<vmem>>, vector<1x128xf32>
    %add3A_247 = vector.broadcast %get3A_246 : vector<1x128xf32> to vector<64x128xf32>
    %add3A_248 = arith.addf %dot_general3A_243, %add3A_247 : vector<64x128xf32>
    %get3A_249 = arith.constant 0 : index
    %get3A_250 = arith.constant 0 : index
    %get3A_251 = vector.load %arg26[%get3A_249, %get3A_250] : memref<1x128xf32, #tpu.memory_space<vmem>>, vector<1x128xf32>
    %get3A_252 = arith.constant 0 : index
    %get3A_253 = arith.constant 0 : index
    %get3A_254 = vector.load %arg27[%get3A_252, %get3A_253] : memref<1x128xf32, #tpu.memory_space<vmem>>, vector<1x128xf32>
    %reduce_sum3A_255 = arith.constant dense<0.000000e+00> : vector<64xf32>
    %reduce_sum3A_256 = vector.multi_reduction <add>, %add3A_248, %reduce_sum3A_255 [1] : vector<64x128xf32> to vector<64xf32>
    %broadcast_in_dim3A_257 = vector.shape_cast %reduce_sum3A_256 : vector<64xf32> to vector<64x1xf32>
    %div3A_258 = arith.constant 1.280000e+02 : f32
    %div3A_259 = vector.broadcast %div3A_258 : f32 to vector<64x1xf32>
    %div3A_260 = arith.divf %broadcast_in_dim3A_257, %div3A_259 : vector<64x1xf32>
    %sub3A_261 = vector.broadcast %div3A_260 : vector<64x1xf32> to vector<64x128xf32>
    %sub3A_262 = arith.subf %add3A_248, %sub3A_261 : vector<64x128xf32>
    %integer_pow3A_263 = arith.mulf %sub3A_262, %sub3A_262 : vector<64x128xf32>
    %reduce_sum3A_264 = arith.constant dense<0.000000e+00> : vector<64xf32>
    %reduce_sum3A_265 = vector.multi_reduction <add>, %integer_pow3A_263, %reduce_sum3A_264 [1] : vector<64x128xf32> to vector<64xf32>
    %broadcast_in_dim3A_266 = vector.shape_cast %reduce_sum3A_265 : vector<64xf32> to vector<64x1xf32>
    %div3A_267 = arith.constant 1.280000e+02 : f32
    %div3A_268 = vector.broadcast %div3A_267 : f32 to vector<64x1xf32>
    %div3A_269 = arith.divf %broadcast_in_dim3A_266, %div3A_268 : vector<64x1xf32>
    %sub3A_270 = vector.broadcast %div3A_260 : vector<64x1xf32> to vector<64x128xf32>
    %sub3A_271 = arith.subf %add3A_248, %sub3A_270 : vector<64x128xf32>
    %add3A_272 = arith.constant 9.99999974E-6 : f32
    %add3A_273 = vector.broadcast %add3A_272 : f32 to vector<64x1xf32>
    %add3A_274 = arith.addf %div3A_269, %add3A_273 : vector<64x1xf32>
    %rsqrt3A_275 = math.rsqrt %add3A_274 : vector<64x1xf32>
    %mul3A_276 = vector.broadcast %rsqrt3A_275 : vector<64x1xf32> to vector<64x128xf32>
    %mul3A_277 = arith.mulf %sub3A_271, %mul3A_276 : vector<64x128xf32>
    %mul3A_278 = vector.broadcast %get3A_251 : vector<1x128xf32> to vector<64x128xf32>
    %mul3A_279 = arith.mulf %mul3A_277, %mul3A_278 : vector<64x128xf32>
    %add3A_280 = vector.broadcast %get3A_254 : vector<1x128xf32> to vector<64x128xf32>
    %add3A_281 = arith.addf %mul3A_279, %add3A_280 : vector<64x128xf32>
    %tanh3A_282 = math.tanh %add3A_281 : vector<64x128xf32>
    %get3A_283 = arith.constant 0 : index
    %get3A_284 = arith.constant 0 : index
    %get3A_285 = vector.load %arg28[%get3A_283, %get3A_284] : memref<128x64xf32, #tpu.memory_space<vmem>>, vector<128x64xf32>
    %dot_general3A_286 = arith.constant dense<0.000000e+00> : vector<64x64xf32>
    %dot_general3A_287 = tpu.matmul %tanh3A_282, %get3A_285, %dot_general3A_286 {dimension_numbers = #tpu.dot_dimension_numbers<[1], [0], [0], [1], [0, 0, 1, 1], [], []>, transpose_lhs_hint = false} : vector<64x128xf32>, vector<128x64xf32>, vector<64x64xf32> -> vector<64x64xf32>
    %get3A_288 = arith.constant 0 : index
    %get3A_289 = arith.constant 0 : index
    %get3A_290 = vector.load %arg29[%get3A_288, %get3A_289] : memref<1x64xf32, #tpu.memory_space<vmem>>, vector<1x64xf32>
    %add3A_291 = vector.broadcast %get3A_290 : vector<1x64xf32> to vector<64x64xf32>
    %add3A_292 = arith.addf %dot_general3A_287, %add3A_291 : vector<64x64xf32>
    %swap3A = arith.constant 0 : index
    %swap3A_293 = arith.constant 0 : index
    %swap3A_294 = vector.load %arg30[%swap3A, %swap3A_293] : memref<64x64xf32, #tpu.memory_space<vmem>>, vector<64x64xf32>
    tpu.vector_store %arg30[%swap3A, %swap3A_293], %add3A_292 {strides = array<i32>} : memref<64x64xf32, #tpu.memory_space<vmem>>, vector<64x64xf32>,
    return
  }
}

</mosaic_0001>

<sc_bundles>
// kernel: kernel.10.cloned.1.call-start
scs
__scs_entry_jumppad:
0x0: {  	(pc) =	sbr.rel $0x88, $3  }
0x1: {  	(tag) =	ssettag $0x0;
	lr =	simm.s32 $0x1  }
0x2: {  	[smem:$0x3F82] =	sst lr;
	_ =	strace $0xD0000000  }
0x3: {  	_ = 	snop  }
0x4: {  	_ = 	snop  }
0x5: {  	_ = 	snop  }
0x6: {  	_ = 	snop  }
0x7: {  	_ = 	snop  }
__scs_overlays_trampoline_lowered:
0x8: {  	[smem:$0x3F91] =	sst s0  }
0x9: {  	[smem:$0x3F92] =	sst s1  }
0xa: {  	[smem:$0x3F93] =	sst s2  }
0xb: {  	[smem:$0x3F94] =	sst s3  }
0xc: {  	[smem:$0x3F95] =	sst s4  }
0xd: {  	[smem:$0x3F96] =	sst s5  }
0xe: {  	[smem:$0x3F97] =	sst s6  }
0xf: {  	[smem:$0x3F98] =	sst s7  }
0x10: {  	[smem:$0x3F99] =	sst s8  }
0x11: {  	[smem:$0x3F9A] =	sst s9;
	s0 =	simm.s32 @!p0 $0x0  }
0x12: {  	s1 =	sld [smem:$0x3F80];
	s0 =	simm.s32 @p0 $0x1  }
0x13: {  	[smem:$0x3F9B] =	sst s0;
	s0 =	simm.s32 @!p1 $0x0  }
0x14: {  	s2 =	sld [smem:$0x3F7F];
	s0 =	simm.s32 @p1 $0x1  }
0x15: {  	[smem:$0x3F9C] =	sst s0;
	s0 =	simm.s32 @!p2 $0x0  }
0x16: {  	s3 =	sld [smem:$0x3FDB];
	s0 =	simm.s32 @p2 $0x1  }
0x17: {  	s4 =	simm.s32 $0x1BF5;
	[smem:$0x3F9E] =	sst s0  }
0x18: {  	s0 =	sld [smem:$0x3F81];
	_ =	swait.ge [sflag:s4], $0x0  }
0x19: {  	s7 =	sld [smem:$0x3F82]  }
0x1a: {  	s8 =	sadd.s32 $0xFFFFE003, lr  }
0x1b: {  	s9 =	sadd.s32 $0xFFFFFEF7, lr;
	s5 =	simm.s32 $0xFFFFFFFF;
	p2 =	slt.u32 s8, $0xFFFFF086  }
0x1c: {  	p1 =	slt.u32 s9, $0xF7A;
	s5 =	simm.s32 @!p2 $0x0  }
0x1d: {  	s5 =	simm.s32 @p1 $0x1;
	p0 =	seq.s32 s7, s2  }
0x1e: {  	s7 =	smul.u32 @!p0 $0xF7A, s2;
	p2 =	seq.s32 @!p0 s5, $0x0  }
0x1f: {  	s9 =	smul.u32 $0xF7A, s1;
	s8 =	simm.s32 @!p0 $0x1BF5;
	p2 =	por !p2, p0  }
0x20: {  	[sflag:s8] =	ssyncset.s32 @!p0 $0xFFFFF086;
	s6 =	sadd.s32 @!p0 s3, s7;
	s7 =	simm.s32 @!p0 $0x108  }
0x21: {  	s3 =	sadd.s32 s3, s9;
	s6 =	sadd.s32 @!p0 $0x88, s6;
	s7 =	simm.s32 @p2 $0x1082  }
0x22: {  	[simem:s7], [sflag:s8] =	dma.local @!p0 [hbm:s6], $0xF7A  }
0x23: {  	s9 =	sor.u32 $0xD0000000, s2;
	s6 =	simm.s32 $0x108;
	_ =	swait.ge @!p0 [sflag:s8], $0x0  }
0x24: {  	s3 =	sadd.s32 $0x88, s3;
	s6 =	simm.s32 @!p1 $0x1082;
	[sflag:s4] =	ssyncset.s32 $0xFFFFF086  }
0x25: {  	[simem:s6], [sflag:s4] =	dma.local [hbm:s3], $0xF7A  }
0x26: {  	[smem:$0x3F82] =	sst s1;
	(tag) =	ssettag s2;
	_ =	strace s9  }
0x27: {  	s1 =	sld [smem:$0x3F92]  }
0x28: {  	s2 =	sld [smem:$0x3F93]  }
0x29: {  	s4 =	sld [smem:$0x3F95]  }
0x2a: {  	p0 =	seq.s32 s5, $0x0;
	s5 =	sld [smem:$0x3F96]  }
0x2b: {  	s6 =	sld [smem:$0x3F97]  }
0x2c: {  	s7 =	sld [smem:$0x3F98]  }
0x2d: {  	s3 =	simm.s32 $0x108;
	s8 =	sld [smem:$0x3F99]  }
0x2e: {  	s3 =	simm.s32 @!p0 $0x1082;
	s9 =	sld [smem:$0x3F9A]  }
0x2f: {  	lr =	sadd.s32 s0, s3;
	s0 =	sld [smem:$0x3F91]  }
0x30: {  	s3 =	sld [smem:$0x3F94]  }
0x31: {  	[smem:$0x3F9D] =	sst s10  }
0x32: {  	s10 =	sld [smem:$0x3F9B];
	_ =	sdelay $0x3  }
0x33: {  	p0 =	seq.s32 s10, $0x1;
	s10 =	sld [smem:$0x3F9D];
	_ =	sdelay $0x3  }
0x34: {  	[smem:$0x3F9D] =	sst s10  }
0x35: {  	s10 =	sld [smem:$0x3F9C];
	_ =	sdelay $0x3  }
0x36: {  	p1 =	seq.s32 s10, $0x1;
	s10 =	sld [smem:$0x3F9D];
	_ =	sdelay $0x3  }
0x37: {  	[smem:$0x3F9D] =	sst s10  }
0x38: {  	s10 =	sld [smem:$0x3F9E]  }
0x39: {  	_ = 	snop;
	(pc) =	sbr.ind lr, $3  }
0x3a: {  	_ = 	snop  }
0x3b: {  	_ = 	snop  }
0x3c: {  	p2 =	seq.s32 s10, $0x1;
	s10 =	sld [smem:$0x3F9D]  }
0x3d: {  	_ =	shalt  }
0x3e: {  	_ =	shalt  }
0x3f: {  	_ =	shalt  }
0x40: {  	_ =	shalt  }
0x41: {  	_ =	shalt  }
0x42: {  	_ =	shalt  }
0x43: {  	_ =	shalt  }
0x44: {  	_ =	shalt  }
0x45: {  	_ =	shalt  }
0x46: {  	_ =	shalt  }
0x47: {  	_ =	shalt  }
0x48: {  	_ =	shalt  }
0x49: {  	_ =	shalt  }
0x4a: {  	_ =	shalt  }
0x4b: {  	_ =	shalt  }
0x4c: {  	_ =	shalt  }
0x4d: {  	_ =	shalt  }
0x4e: {  	_ =	shalt  }
0x4f: {  	_ =	shalt  }
0x50: {  	_ =	shalt  }
0x51: {  	_ =	shalt  }
0x52: {  	_ =	shalt  }
0x53: {  	_ =	shalt  }
0x54: {  	_ =	shalt  }
0x55: {  	_ =	shalt  }
0x56: {  	_ =	shalt  }
0x57: {  	_ =	shalt  }
0x58: {  	_ =	shalt  }
0x59: {  	_ =	shalt  }
0x5a: {  	_ =	shalt  }
0x5b: {  	_ =	shalt  }
0x5c: {  	_ =	shalt  }
0x5d: {  	_ =	shalt  }
0x5e: {  	_ =	shalt  }
0x5f: {  	_ =	shalt  }
0x60: {  	_ =	shalt  }
0x61: {  	_ =	shalt  }
0x62: {  	_ =	shalt  }
0x63: {  	_ =	shalt  }
0x64: {  	_ =	shalt  }
0x65: {  	_ =	shalt  }
0x66: {  	_ =	shalt  }
0x67: {  	_ =	shalt  }
0x68: {  	_ =	shalt  }
0x69: {  	_ =	shalt  }
0x6a: {  	_ =	shalt  }
0x6b: {  	_ =	shalt  }
0x6c: {  	_ =	shalt  }
0x6d: {  	_ =	shalt  }
0x6e: {  	_ =	shalt  }
0x6f: {  	_ =	shalt  }
0x70: {  	_ =	shalt  }
0x71: {  	_ =	shalt  }
0x72: {  	_ =	shalt  }
0x73: {  	_ =	shalt  }
0x74: {  	_ =	shalt  }
0x75: {  	_ =	shalt  }
0x76: {  	_ =	shalt  }
0x77: {  	_ =	shalt  }
0x78: {  	_ =	shalt  }
0x79: {  	_ =	shalt  }
0x7a: {  	_ =	shalt  }
0x7b: {  	_ =	shalt  }
0x7c: {  	_ =	shalt  }
0x7d: {  	_ =	shalt  }
0x7e: {  	_ =	shalt  }
0x7f: {  	_ =	shalt  }
0x80: {  	_ =	shalt  }
0x81: {  	_ =	shalt  }
0x82: {  	_ =	shalt  }
0x83: {  	_ =	shalt  }
0x84: {  	_ =	shalt  }
0x85: {  	_ =	shalt  }
0x86: {  	_ =	shalt  }
0x87: {  	_ =	shalt  }
.Lfunc_end0:
.L_simem_size_0:
called_computation_lowered:
.L_overlay_start_0:
0x88: {  	s2 =	sld [smem:$0x3FD9]  }
0x89: {  	s3 =	sld [smem:$0x3FFE];
	_ =	sdelay $0x1  }
0x8a: {  	s1 =	srdreg.scid  }
0x8b: {  	s0 =	sand.u32 $0x1, s1  }
0x8c: {  	s16 =	sshll.u32 s0, $0xA;
	s2 =	sadd.s32 s3, s2  }
0x8d: {  	s2 =	sadd.s32 s2, s16  }
0x8e: {  	[smem:$0x3FA9] =	sst s2  }
0x8f: {  	_ = 	snop  }
0x90: {  	(tm) =	ssettm $0x1  }
0x91: {  	s17 =	sld [smem:$0x3FFB];
	_ =	sdelay $0x3  }
0x92: {  	_ =	strace s17  }
0x93: {  	s2 =	sld [smem:$0x3FFC];
	_ =	sdelay $0x3  }
0x94: {  	_ =	strace s2  }
0x95: {  	s2 =	sld [smem:$0x3FFD];
	_ =	sdelay $0x3  }
0x96: {  	_ =	strace s2  }
0x97: {  	_ =	strace $0x8FFFFFFF  }
0x98: {  	s18 =	sld [smem:$0x3FDB];
	_ =	sdelay $0x1  }
0x99: {  	s19 =	simm.s32 $_scs_section_size  }
0x9a: {  	s4 =	simm.s32 $_size__tile_overlayer_lowered;
	s5 =	simm.s32 $_tile_overlayer_lowered  }
0x9b: {  	s22 =	simm.s32 $0x1BFF;
	s21 =	sshll.u32 s5, $0x1;
	s2 =	sadd.s32 s19, s18  }
0x9c: {  	s6 =	simm.s32 $0x0;
	s20 =	sshll.u32 s4, $0x1;
	s4 =	sadd.s32 s21, s2  }
0x9d: {  	[timem:s6], [sflag:s22] =	dma.local [hbm:s4], s20  }
0x9e: {  	_ =	swait.ge [sflag:s22], s20  }
0x9f: {  	s3 =	ssub.s32 $0x0, s20;
	[sflag:s22] =	ssyncset.done $0x0  }
0xa0: {  	[sflag:s22] =	ssyncadd.s32 s3;
	_ =	sdelay $0x1  }
0xa1: {  	s23 =	simm.s32 $0x1B8B  }
0xa2: {  	_ =	swait.ge [sflag:s23], $0x1  }
0xa3: {  	[sflag:s23] =	ssyncset.done $0x0  }
0xa4: {  	s25 =	simm.s32 $0x1B8E;
	s24 =	sld [smem:$0x3FFE];
	[sflag:s23] =	ssyncadd.s32 $0xFFFFFFFF  }
0xa5: {  	s26 =	simm.s32 $execute0_lowered;
	[smem:$0x3FD2] =	sst s25  }
0xa6: {  	s4 =	sshll.u32 s26, $0x1;
	_ =	strace $0x80000046;
	[dreg:$0x1] =	wrdreg $0xFFFFFFFF  }
0xa7: {  	s28 =	simm.s32 $_size_execute0_lowered;
	s2 =	sadd.s32 s2, s4;
	[dreg:$0x0] =	wrdreg $0x0  }
0xa8: {  	s4 =	sshll.u32 s28, $0x1;
	[dreg:$0x2] =	wrdreg s2  }
0xa9: {  	[dreg:$0x3] =	wrdreg s4  }
0xaa: {  	[dreg:$0x4] =	wrdreg $0xC0  }
0xab: {  	_ =	task [dreg:s6], $0x5FFFF  }
0xac: {  	[dreg:$0x1] =	wrdreg $0xFFFFFFFF  }
0xad: {  	[dreg:$0x0] =	wrdreg $0x60  }
0xae: {  	[dreg:$0x2] =	wrdreg s24  }
0xaf: {  	[dreg:$0x3] =	wrdreg $0x55000  }
0xb0: {  	[dreg:$0x4] =	wrdreg $0x9  }
0xb1: {  	_ =	task.clear_ibuf [dreg:s6], $0x5FFFF;
	_ =	strace $0x90000046  }
0xb2: {  	s29 =	simm.s32 $0x9;
	_ =	strace $0x80000048  }
0xb3: {  	_ =	swait.ge [sflag:s29], $0x1  }
0xb4: {  	[sflag:s29] =	ssyncadd.s32 $0xFFFFFFFF  }
0xb5: {  	_ =	strace $0x90000048  }
0xb6: {  	_ =	sfence  }
0xb7: {  	s30 =	sld [smem:$0x0];
	_ =	sdelay $0x2  }
0xb8: {  	s31 =	sshll.u32 s1, $0xD;
	s1 =	sshrl.u32 s1, $0x2  }
0xb9: {  	s3 =	sand.u32 $0x4000, s31;
	s1 =	sadd.s32 s1, s30  }
0xba: {  	s0 =	sor.u32 s3, s0;
	s1 =	sshll.u32 s1, $0x11  }
0xbb: {  	s0 =	sor.u32 s1, s0  }
0xbc: {  	s0 =	sadd.s32 $0x8F2B, s0  }
0xbd: {  	[sflag:s0] =	ssyncadd.remote.s32 $0x1  }
0xbe: {  	_ =	sfence.sel $0xFFFF  }
0xbf: {  	[dreg:$0x0] =	wrdreg $0xFFFFFFFF;
	(pc) =	sbr.abs _section_cstart, $3  }
0xc0: {  	[dreg:$0x1] =	wrdreg $0xFFFFFFFF  }
0xc1: {  	_ =	task.clear_ibuf [dreg:s6], $0x2FFFF;
	_ =	strace $0x9FFFFFFF  }
0xc2: {  	(tm) =	ssettm $0x7FFFFFFF  }
0xc3: {  	_ =	shalt  }
tec
execute0_lowered:
.L_overlay_start_1:
0x0: {  	(tag) =	ssettag $0x1  }
0x1: {  	s3 =	rddreg [dreg:$0x0]  }
0x2: {  	s5 =	rddreg [dreg:$0x1];
	s2 =	srdreg.scid  }
0x3: {  	s1 =	stileid.u32;
	s0 =	rddreg [dreg:$0x2];
	s11 =	simm.s32 $0x5000  }
0x4: {  	s12 =	simm.s32 $0x0;
	s4 =	sand.u32 $0x1, s2;
	s6 =	smul.u32 $0x280, s1  }
0x5: {  	s2 =	simm.s32 $0x0;
	s9 =	smul.u32 $0xA000, s1;
	s7 =	sshll.u32 s4, $0x4  }
0x6: {  	s8 =	smul.u32 $0x2800, s4;
	[smem:$0x7FF] =	sst s2;
	s4 =	ssub.s32 $0x2, s4  }
0x7: {  	s7 =	sor.u32 s1, s7;
	_ =	strace $0x80000047;
	s30 =	sshrl.u32 s4, $0x1  }
0x8: {  	s31 =	sshrl.u32 s9, $0x2;
	s7 =	smul.u32 $0x500, s7;
	s8 =	sadd.s32 s6, s8  }
0x9: {  	s9 =	simm.s32 $0x1;
	s10 =	ssub.s32 s4, s30;
	s8 =	sshrl.u32 s8, $0x3  }
0xa: {  	s4 =	sadd.s32 s31, s5;
	s7 =	sadd.s32 s7, s3;
	s8 =	sadd.s32 s8, s3  }
0xb: {  	s5 =	sadd.s32 s6, s5;
	s3 =	sadd.s32 $0x3200, s7;
	s6 =	sadd.s32 $0xD800, s8  }
0xc: {  	v0 =	vimm.f32 $0.0e+00;
	v1 =	vimm.f32 $1.000000000e+00;
	s7 =	smax.u32 s10, $0x1;
	s8 =	simm.s32 $0x2800;
	s10 =	simm.s32 $0x5280  }
.LBB2_1:
0xd: {  	s13 =	simm.s32 $0x40;
	s14 =	simm.s32 $0x0  }
.LBB2_2:
0xe: {  	p0 =	sne.s32 s13, $0x9FC0;
	[tilespmem:s14+$0x0] =	vst v0;
	s14 =	smov.u32 s13;
	s13 =	sadd.s32 $0x40, s13  }
.Ltmp0:
0xf: {  	(pc) =	sbr.rel @p0 .LBB2_2-.Ltmp0, $2  }
0x10: {  	_ =	sdelay $0x2  }
0x11: {  	s14 =	sshra.s32 s14, $0x2  }
0x12: {  	[tilespmem:s14+$0x0] =	vst v0  }
0x13: {  	[tilespmem:s8], [sflag:$0x1] =	stream.linear.gather [hbm4b:s3+s2], $0x2800, $0x38;
	[tilespmem:$0x7D00] =	vst v63  }
0x14: {  	_ =	swait.ge [sflag:s9], $0x2800  }
0x15: {  	[sflag:s9] =	ssyncset.done $0x0  }
0x16: {  	s13 =	simm.s32 $0x1C0;
	[sflag:s9] =	ssyncadd.s32 $0xFFFFD800  }
.LBB2_4:
0x17: {  	s14 =	sshra.s32 s13, $0x2  }
0x18: {  	v2 =	vld [tilespmem:s14+$0x2790];
	_ =	sdelay $0x7  }
0x19: {  	[tilespmem:v2+s2+$0x0] =	vst.idx.add.f32.msk $0xffff, v1  }
0x1a: {  	v2 =	vld [tilespmem:s14+$0x27A0];
	_ =	sdelay $0x7  }
0x1b: {  	[tilespmem:v2+s2+$0x0] =	vst.idx.add.f32.msk $0xffff, v1  }
0x1c: {  	v2 =	vld [tilespmem:s14+$0x27B0];
	_ =	sdelay $0x7  }
0x1d: {  	[tilespmem:v2+s2+$0x0] =	vst.idx.add.f32.msk $0xffff, v1  }
0x1e: {  	v2 =	vld [tilespmem:s14+$0x27C0];
	_ =	sdelay $0x7  }
0x1f: {  	[tilespmem:v2+s2+$0x0] =	vst.idx.add.f32.msk $0xffff, v1  }
0x20: {  	v2 =	vld [tilespmem:s14+$0x27D0];
	_ =	sdelay $0x7  }
0x21: {  	[tilespmem:v2+s2+$0x0] =	vst.idx.add.f32.msk $0xffff, v1  }
0x22: {  	v2 =	vld [tilespmem:s14+$0x27E0];
	_ =	sdelay $0x7  }
0x23: {  	[tilespmem:v2+s2+$0x0] =	vst.idx.add.f32.msk $0xffff, v1  }
0x24: {  	v2 =	vld [tilespmem:s14+$0x27F0];
	_ =	sdelay $0x7  }
0x25: {  	[tilespmem:v2+s2+$0x0] =	vst.idx.add.f32.msk $0xffff, v1  }
0x26: {  	v2 =	vld [tilespmem:s14+$0x2800];
	_ =	sdelay $0x2  }
0x27: {  	p0 =	sne.s32 s13, $0x9FC0  }
.Ltmp1:
0x28: {  	_ = 	snop;
	(pc) =	sbr.rel @p0 .LBB2_4-.Ltmp1, $2  }
0x29: {  	_ =	sdelay $0x2  }
0x2a: {  	s13 =	sadd.s32 $0x200, s13;
	[tilespmem:v2+s2+$0x0] =	vst.idx.add.f32.msk $0xffff, v1  }
0x2b: {  	s13 =	simm.s32 $0x0  }
0x2c: {  	[spmem:s4] =	stream.linear.scatter [tilespmem:s13], [sflag:$0x1], $0x2800, $0x38;
	[tilespmem:$0x7D00] =	vst v63  }
0x2d: {  	_ =	swait.ge [sflag:s9], $0x2800  }
0x2e: {  	[sflag:s9] =	ssyncset.done $0x0  }
0x2f: {  	[sflag:s9] =	ssyncadd.s32 $0xFFFFD800  }
0x30: {  	[bflag:$0x0] =	sbarrier.arrive $0xFFFF  }
0x31: {  	[tilespmem:$0x5000] =	vst v0  }
0x32: {  	[tilespmem:$0x5010] =	vst v0  }
0x33: {  	[tilespmem:$0x5020] =	vst v0  }
0x34: {  	[tilespmem:$0x5030] =	vst v0  }
0x35: {  	[tilespmem:$0x5040] =	vst v0  }
0x36: {  	[tilespmem:$0x5050] =	vst v0  }
0x37: {  	[tilespmem:$0x5060] =	vst v0  }
0x38: {  	[tilespmem:$0x5070] =	vst v0  }
0x39: {  	[tilespmem:$0x5080] =	vst v0  }
0x3a: {  	[tilespmem:$0x5090] =	vst v0  }
0x3b: {  	[tilespmem:$0x50A0] =	vst v0  }
0x3c: {  	[tilespmem:$0x50B0] =	vst v0  }
0x3d: {  	[tilespmem:$0x50C0] =	vst v0  }
0x3e: {  	[tilespmem:$0x50D0] =	vst v0  }
0x3f: {  	[tilespmem:$0x50E0] =	vst v0  }
0x40: {  	[tilespmem:$0x50F0] =	vst v0  }
0x41: {  	[tilespmem:$0x5100] =	vst v0  }
0x42: {  	[tilespmem:$0x5110] =	vst v0  }
0x43: {  	[tilespmem:$0x5120] =	vst v0  }
0x44: {  	[tilespmem:$0x5130] =	vst v0  }
0x45: {  	[tilespmem:$0x5140] =	vst v0  }
0x46: {  	[tilespmem:$0x5150] =	vst v0  }
0x47: {  	[tilespmem:$0x5160] =	vst v0  }
0x48: {  	[tilespmem:$0x5170] =	vst v0  }
0x49: {  	[tilespmem:$0x5180] =	vst v0  }
0x4a: {  	[tilespmem:$0x5190] =	vst v0  }
0x4b: {  	[tilespmem:$0x51A0] =	vst v0  }
0x4c: {  	[tilespmem:$0x51B0] =	vst v0  }
0x4d: {  	[tilespmem:$0x51C0] =	vst v0  }
0x4e: {  	[tilespmem:$0x51D0] =	vst v0  }
0x4f: {  	[tilespmem:$0x51E0] =	vst v0  }
0x50: {  	[tilespmem:$0x51F0] =	vst v0  }
0x51: {  	[tilespmem:$0x5200] =	vst v0  }
0x52: {  	[tilespmem:$0x5210] =	vst v0  }
0x53: {  	[tilespmem:$0x5220] =	vst v0  }
0x54: {  	[tilespmem:$0x5230] =	vst v0  }
0x55: {  	[tilespmem:$0x5240] =	vst v0  }
0x56: {  	[tilespmem:$0x5250] =	vst v0  }
0x57: {  	[tilespmem:$0x5260] =	vst v0  }
0x58: {  	[tilespmem:$0x5270] =	vst v0  }
.LBB2_6:
0x59: {  	s14 =	smul.u32 $0xA000, s13;
	_ =	sdelay $0x1  }
0x5a: {  	s14 =	sshra.s32 s14, $0x2  }
0x5b: {  	s14 =	sadd.s32 s14, s5  }
0x5c: {  	[tilespmem:s10], [sflag:$0x1] =	stream.linear.gather [spmem:s14], $0x280, $0x38;
	[tilespmem:$0x7D00] =	vst v63  }
0x5d: {  	_ =	swait.ge [sflag:s9], $0x280  }
0x5e: {  	[sflag:s9] =	ssyncset.done $0x0  }
0x5f: {  	s14 =	simm.s32 $0x0;
	[sflag:s9] =	ssyncadd.s32 $0xFFFFFD80  }
0x60: {  	s15 =	simm.s32 $0x40;
	v2 =	vld [tilespmem:s14+$0x5280]  }
.LBB2_7:
0x61: {  	p0 =	sne.s32 s15, $0x9C0;
	v3 =	vld [tilespmem:s14+$0x5000];
	_ =	sdelay $0x2  }
.Ltmp2:
0x62: {  	(pc) =	sbr.rel @p0 .LBB2_7-.Ltmp2, $4  }
0x63: {  	_ = 	snop  }
0x64: {  	v3 =	vadd.f32 v2, v3  }
0x65: {  	s16 =	sshra.s32 s15, $0x2  }
0x66: {  	s15 =	sadd.s32 $0x40, s15;
	v2 =	vld [tilespmem:s16+$0x5280];
	[tilespmem:s14+$0x5000] =	vst v3;
	s14 =	smov.u32 s16  }
0x67: {  	v3 =	vld [tilespmem:s14+$0x5000]  }
0x68: {  	s13 =	sadd.s32 $0x1, s13  }
0x69: {  	p0 =	sne.s32 s13, $0x10  }
.Ltmp3:
0x6a: {  	_ = 	snop;
	(pc) =	sbr.rel @p0 .LBB2_6-.Ltmp3, $3  }
0x6b: {  	_ = 	snop  }
0x6c: {  	v2 =	vadd.f32 v2, v3;
	_ =	sdelay $0x1  }
0x6d: {  	[tilespmem:s14+$0x5000] =	vst v2  }
0x6e: {  	s12 =	sadd.s32 $0x1, s12  }
0x6f: {  	p0 =	sne.s32 s12, s7  }
.Ltmp4:
0x70: {  	_ = 	snop;
	(pc) =	sbr.rel @p0 .LBB2_1-.Ltmp4, $4  }
0x71: {  	[hbm4b:s6+s2] =	stream.linear.scatter [tilespmem:s11], [sflag:$0x1], $0x280, $0x38;
	[tilespmem:$0x7D00] =	vst v63  }
0x72: {  	_ =	swait.ge [sflag:s9], $0x280  }
0x73: {  	[sflag:s9] =	ssyncset.done $0x0  }
0x74: {  	[sflag:s9] =	ssyncadd.s32 $0xFFFFFD80  }
0x75: {  	_ =	sfence.sel $0x180000  }
0x76: {  	[bflag:$0x0] =	sbarrier.arrive $0xFFFF  }
0x77: {  	p0 =	sne.s32 s1, $0x0;
	_ =	strace $0x90000047  }
0x78: {  	s0 =	sadd.s32 @!p0 $0x100000, s0;
	[bflag:$0x2] =	sbarrier.arrive $0xFFFF  }
0x79: {  	[sflag:s0] =	ssyncadd.tile.s32 @!p0 $0x1;
	_ =	shalt  }
.Lfunc_end2:
_tile_overlayer_lowered:
.L_overlay_start_2:
0x7a: {  	(tag) =	ssettag $0x2  }
0x7b: {  	s0 =	rddreg [dreg:$0x0];
	s2 =	stileid.u32  }
0x7c: {  	s1 =	rddreg [dreg:$0x1];
	p0 =	sne.s32 s2, $0x0  }
0x7d: {  	s3 =	rddreg [dreg:$0x2];
	[bflag:$0x3] =	sbarrier.arrive $0xFFFF;
	s2 =	simm.s32 @!p0 $0x1C01  }
0x7e: {  	[timem:s3], [sflag:s2] =	dma.local @!p0 [hbm:s0], s1  }
0x7f: {  	s0 =	simm.s32 @!p0 $0x1  }
0x80: {  	_ =	swait.ge @!p0 [sflag:s0], s1  }
0x81: {  	s1 =	ssub.s32 @!p0 $0x0, s1;
	[sflag:s0] =	ssyncset.done @!p0 $0x0  }
0x82: {  	[sflag:s0] =	ssyncadd.s32 @!p0 s1  }
0x83: {  	[bflag:$0x3] =	sbarrier.arrive $0xFFFF  }
0x84: {  	_ =	shalt  }

// kernel: kernel.13.cloned.1.call-start
scs
__scs_entry_jumppad:
0x0: {  	(pc) =	sbr.rel $0x88, $3  }
0x1: {  	(tag) =	ssettag $0x0;
	lr =	simm.s32 $0x1  }
0x2: {  	[smem:$0x3F82] =	sst lr;
	_ =	strace $0xD0000000  }
0x3: {  	_ = 	snop  }
0x4: {  	_ = 	snop  }
0x5: {  	_ = 	snop  }
0x6: {  	_ = 	snop  }
0x7: {  	_ = 	snop  }
__scs_overlays_trampoline_lowered:
0x8: {  	[smem:$0x3F91] =	sst s0  }
0x9: {  	[smem:$0x3F92] =	sst s1  }
0xa: {  	[smem:$0x3F93] =	sst s2  }
0xb: {  	[smem:$0x3F94] =	sst s3  }
0xc: {  	[smem:$0x3F95] =	sst s4  }
0xd: {  	[smem:$0x3F96] =	sst s5  }
0xe: {  	[smem:$0x3F97] =	sst s6  }
0xf: {  	[smem:$0x3F98] =	sst s7  }
0x10: {  	[smem:$0x3F99] =	sst s8  }
0x11: {  	[smem:$0x3F9A] =	sst s9;
	s0 =	simm.s32 @!p0 $0x0  }
0x12: {  	s1 =	sld [smem:$0x3F80];
	s0 =	simm.s32 @p0 $0x1  }
0x13: {  	[smem:$0x3F9B] =	sst s0;
	s0 =	simm.s32 @!p1 $0x0  }
0x14: {  	s2 =	sld [smem:$0x3F7F];
	s0 =	simm.s32 @p1 $0x1  }
0x15: {  	[smem:$0x3F9C] =	sst s0;
	s0 =	simm.s32 @!p2 $0x0  }
0x16: {  	s3 =	sld [smem:$0x3FDB];
	s0 =	simm.s32 @p2 $0x1  }
0x17: {  	s4 =	simm.s32 $0x1BF5;
	[smem:$0x3F9E] =	sst s0  }
0x18: {  	s0 =	sld [smem:$0x3F81];
	_ =	swait.ge [sflag:s4], $0x0  }
0x19: {  	s7 =	sld [smem:$0x3F82]  }
0x1a: {  	s8 =	sadd.s32 $0xFFFFE003, lr  }
0x1b: {  	s9 =	sadd.s32 $0xFFFFFEF7, lr;
	s5 =	simm.s32 $0xFFFFFFFF;
	p2 =	slt.u32 s8, $0xFFFFF086  }
0x1c: {  	p1 =	slt.u32 s9, $0xF7A;
	s5 =	simm.s32 @!p2 $0x0  }
0x1d: {  	s5 =	simm.s32 @p1 $0x1;
	p0 =	seq.s32 s7, s2  }
0x1e: {  	s7 =	smul.u32 @!p0 $0xF7A, s2;
	p2 =	seq.s32 @!p0 s5, $0x0  }
0x1f: {  	s9 =	smul.u32 $0xF7A, s1;
	s8 =	simm.s32 @!p0 $0x1BF5;
	p2 =	por !p2, p0  }
0x20: {  	[sflag:s8] =	ssyncset.s32 @!p0 $0xFFFFF086;
	s6 =	sadd.s32 @!p0 s3, s7;
	s7 =	simm.s32 @!p0 $0x108  }
0x21: {  	s3 =	sadd.s32 s3, s9;
	s6 =	sadd.s32 @!p0 $0x88, s6;
	s7 =	simm.s32 @p2 $0x1082  }
0x22: {  	[simem:s7], [sflag:s8] =	dma.local @!p0 [hbm:s6], $0xF7A  }
0x23: {  	s9 =	sor.u32 $0xD0000000, s2;
	s6 =	simm.s32 $0x108;
	_ =	swait.ge @!p0 [sflag:s8], $0x0  }
0x24: {  	s3 =	sadd.s32 $0x88, s3;
	s6 =	simm.s32 @!p1 $0x1082;
	[sflag:s4] =	ssyncset.s32 $0xFFFFF086  }
0x25: {  	[simem:s6], [sflag:s4] =	dma.local [hbm:s3], $0xF7A  }
0x26: {  	[smem:$0x3F82] =	sst s1;
	(tag) =	ssettag s2;
	_ =	strace s9  }
0x27: {  	s1 =	sld [smem:$0x3F92]  }
0x28: {  	s2 =	sld [smem:$0x3F93]  }
0x29: {  	s4 =	sld [smem:$0x3F95]  }
0x2a: {  	p0 =	seq.s32 s5, $0x0;
	s5 =	sld [smem:$0x3F96]  }
0x2b: {  	s6 =	sld [smem:$0x3F97]  }
0x2c: {  	s7 =	sld [smem:$0x3F98]  }
0x2d: {  	s3 =	simm.s32 $0x108;
	s8 =	sld [smem:$0x3F99]  }
0x2e: {  	s3 =	simm.s32 @!p0 $0x1082;
	s9 =	sld [smem:$0x3F9A]  }
0x2f: {  	lr =	sadd.s32 s0, s3;
	s0 =	sld [smem:$0x3F91]  }
0x30: {  	s3 =	sld [smem:$0x3F94]  }
0x31: {  	[smem:$0x3F9D] =	sst s10  }
0x32: {  	s10 =	sld [smem:$0x3F9B];
	_ =	sdelay $0x3  }
0x33: {  	p0 =	seq.s32 s10, $0x1;
	s10 =	sld [smem:$0x3F9D];
	_ =	sdelay $0x3  }
0x34: {  	[smem:$0x3F9D] =	sst s10  }
0x35: {  	s10 =	sld [smem:$0x3F9C];
	_ =	sdelay $0x3  }
0x36: {  	p1 =	seq.s32 s10, $0x1;
	s10 =	sld [smem:$0x3F9D];
	_ =	sdelay $0x3  }
0x37: {  	[smem:$0x3F9D] =	sst s10  }
0x38: {  	s10 =	sld [smem:$0x3F9E]  }
0x39: {  	_ = 	snop;
	(pc) =	sbr.ind lr, $3  }
0x3a: {  	_ = 	snop  }
0x3b: {  	_ = 	snop  }
0x3c: {  	p2 =	seq.s32 s10, $0x1;
	s10 =	sld [smem:$0x3F9D]  }
0x3d: {  	_ =	shalt  }
0x3e: {  	_ =	shalt  }
0x3f: {  	_ =	shalt  }
0x40: {  	_ =	shalt  }
0x41: {  	_ =	shalt  }
0x42: {  	_ =	shalt  }
0x43: {  	_ =	shalt  }
0x44: {  	_ =	shalt  }
0x45: {  	_ =	shalt  }
0x46: {  	_ =	shalt  }
0x47: {  	_ =	shalt  }
0x48: {  	_ =	shalt  }
0x49: {  	_ =	shalt  }
0x4a: {  	_ =	shalt  }
0x4b: {  	_ =	shalt  }
0x4c: {  	_ =	shalt  }
0x4d: {  	_ =	shalt  }
0x4e: {  	_ =	shalt  }
0x4f: {  	_ =	shalt  }
0x50: {  	_ =	shalt  }
0x51: {  	_ =	shalt  }
0x52: {  	_ =	shalt  }
0x53: {  	_ =	shalt  }
0x54: {  	_ =	shalt  }
0x55: {  	_ =	shalt  }
0x56: {  	_ =	shalt  }
0x57: {  	_ =	shalt  }
0x58: {  	_ =	shalt  }
0x59: {  	_ =	shalt  }
0x5a: {  	_ =	shalt  }
0x5b: {  	_ =	shalt  }
0x5c: {  	_ =	shalt  }
0x5d: {  	_ =	shalt  }
0x5e: {  	_ =	shalt  }
0x5f: {  	_ =	shalt  }
0x60: {  	_ =	shalt  }
0x61: {  	_ =	shalt  }
0x62: {  	_ =	shalt  }
0x63: {  	_ =	shalt  }
0x64: {  	_ =	shalt  }
0x65: {  	_ =	shalt  }
0x66: {  	_ =	shalt  }
0x67: {  	_ =	shalt  }
0x68: {  	_ =	shalt  }
0x69: {  	_ =	shalt  }
0x6a: {  	_ =	shalt  }
0x6b: {  	_ =	shalt  }
0x6c: {  	_ =	shalt  }
0x6d: {  	_ =	shalt  }
0x6e: {  	_ =	shalt  }
0x6f: {  	_ =	shalt  }
0x70: {  	_ =	shalt  }
0x71: {  	_ =	shalt  }
0x72: {  	_ =	shalt  }
0x73: {  	_ =	shalt  }
0x74: {  	_ =	shalt  }
0x75: {  	_ =	shalt  }
0x76: {  	_ =	shalt  }
0x77: {  	_ =	shalt  }
0x78: {  	_ =	shalt  }
0x79: {  	_ =	shalt  }
0x7a: {  	_ =	shalt  }
0x7b: {  	_ =	shalt  }
0x7c: {  	_ =	shalt  }
0x7d: {  	_ =	shalt  }
0x7e: {  	_ =	shalt  }
0x7f: {  	_ =	shalt  }
0x80: {  	_ =	shalt  }
0x81: {  	_ =	shalt  }
0x82: {  	_ =	shalt  }
0x83: {  	_ =	shalt  }
0x84: {  	_ =	shalt  }
0x85: {  	_ =	shalt  }
0x86: {  	_ =	shalt  }
0x87: {  	_ =	shalt  }
.Lfunc_end0:
.L_simem_size_0:
called_computation.1_lowered:
.L_overlay_start_0:
0x88: {  	s2 =	sld [smem:$0x3FD9]  }
0x89: {  	s3 =	sld [smem:$0x3FFE];
	_ =	sdelay $0x1  }
0x8a: {  	s1 =	srdreg.scid  }
0x8b: {  	s0 =	sand.u32 $0x1, s1  }
0x8c: {  	s17 =	sshll.u32 s0, $0xA;
	s2 =	sadd.s32 s3, s2  }
0x8d: {  	s2 =	sadd.s32 s2, s17  }
0x8e: {  	[smem:$0x3FA9] =	sst s2  }
0x8f: {  	_ = 	snop  }
0x90: {  	(tm) =	ssettm $0x1  }
0x91: {  	s18 =	sld [smem:$0x3FFB];
	_ =	sdelay $0x3  }
0x92: {  	_ =	strace s18  }
0x93: {  	s2 =	sld [smem:$0x3FFC];
	_ =	sdelay $0x3  }
0x94: {  	_ =	strace s2  }
0x95: {  	s2 =	sld [smem:$0x3FFD];
	_ =	sdelay $0x3  }
0x96: {  	_ =	strace s2  }
0x97: {  	_ =	strace $0x8FFFFFFF  }
0x98: {  	s19 =	sld [smem:$0x3FDB];
	_ =	sdelay $0x1  }
0x99: {  	s20 =	simm.s32 $_scs_section_size  }
0x9a: {  	s4 =	simm.s32 $_size__tile_overlayer_lowered;
	s5 =	simm.s32 $_tile_overlayer_lowered  }
0x9b: {  	s6 =	simm.s32 $0x1BFF;
	s21 =	sshll.u32 s5, $0x1;
	s3 =	sadd.s32 s20, s19  }
0x9c: {  	s22 =	simm.s32 $0x0;
	s4 =	sshll.u32 s4, $0x1;
	s5 =	sadd.s32 s21, s3  }
0x9d: {  	[timem:s22], [sflag:s6] =	dma.local [hbm:s5], s4  }
0x9e: {  	_ =	swait.ge [sflag:s6], s4  }
0x9f: {  	s4 =	ssub.s32 $0x0, s4;
	[sflag:s6] =	ssyncset.done $0x0  }
0xa0: {  	[sflag:s6] =	ssyncadd.s32 s4;
	_ =	sdelay $0x1  }
0xa1: {  	s23 =	simm.s32 $0x1B8B  }
0xa2: {  	_ =	swait.ge [sflag:s23], $0x1  }
0xa3: {  	[sflag:s23] =	ssyncset.done $0x0  }
0xa4: {  	[sflag:s23] =	ssyncadd.s32 $0xFFFFFFFF  }
0xa5: {  	s4 =	sld [smem:$0x0]  }
0xa6: {  	s5 =	sand.u32 $0xFFFFFFFE, s1  }
0xa7: {  	p0 =	sne.s32 s1, s5  }
0xa8: {  	s5 =	sshll.u32 @p0 s5, $0xE  }
0xa9: {  	s5 =	sadd.s32 @p0 $0x11B8D, s5;
	s6 =	sshll.u32 @p0 s4, $0x11  }
0xaa: {  	s5 =	sor.u32 @p0 s6, s5  }
0xab: {  	[sflag:s5] =	ssyncadd.remote.s32 @p0 $0x1;
	_ =	sdelay $0x1  }
0xac: {  	s5 =	simm.s32 @p0 $0x1B8D  }
0xad: {  	_ =	swait.eq @p0 [sflag:s5], $0x1  }
0xae: {  	[sflag:s5] =	ssyncadd.s32 @p0 $0xFFFFFFFF  }
0xaf: {  	s6 =	sshll.u32 @!p0 s1, $0xE  }
0xb0: {  	s6 =	sor.u32 @!p0 $0x4000, s6;
	s5 =	simm.s32 @!p0 $0x1B8D  }
0xb1: {  	s4 =	sshll.u32 @!p0 s4, $0x11;
	s6 =	sadd.s32 @!p0 $0x11B8D, s6;
	_ =	swait.eq @!p0 [sflag:s5], $0x1  }
0xb2: {  	s4 =	sor.u32 @!p0 s4, s6;
	[sflag:s5] =	ssyncadd.s32 @!p0 $0xFFFFFFFF  }
0xb3: {  	s25 =	simm.s32 $0x1B8E;
	s24 =	sld [smem:$0x3FFE];
	[sflag:s4] =	ssyncadd.remote.s32 @!p0 $0x1  }
0xb4: {  	s26 =	simm.s32 $execute0_lowered;
	[smem:$0x3FD2] =	sst s25  }
0xb5: {  	s5 =	sshll.u32 s26, $0x1;
	_ =	strace $0x8000004C;
	[dreg:$0x1] =	wrdreg $0xFFFFFFFF  }
0xb6: {  	s28 =	simm.s32 $_size_execute0_lowered;
	s3 =	sadd.s32 s3, s5;
	[dreg:$0x0] =	wrdreg $0x0  }
0xb7: {  	s5 =	sshll.u32 s28, $0x1;
	[dreg:$0x2] =	wrdreg s3  }
0xb8: {  	[dreg:$0x3] =	wrdreg s5  }
0xb9: {  	[dreg:$0x4] =	wrdreg $0xC0  }
0xba: {  	_ =	task [dreg:s22], $0x5FFFF  }
0xbb: {  	[dreg:$0x1] =	wrdreg $0xFFFFFFFF  }
0xbc: {  	[dreg:$0x0] =	wrdreg $0x60  }
0xbd: {  	[dreg:$0x2] =	wrdreg s24  }
0xbe: {  	[dreg:$0x3] =	wrdreg $0xB8000  }
0xbf: {  	[dreg:$0x4] =	wrdreg $0x9  }
0xc0: {  	_ =	task.clear_ibuf [dreg:s22], $0x5FFFF;
	_ =	strace $0x9000004C  }
0xc1: {  	s29 =	simm.s32 $0x9;
	_ =	strace $0x8000004E  }
0xc2: {  	_ =	swait.ge [sflag:s29], $0x1  }
0xc3: {  	[sflag:s29] =	ssyncadd.s32 $0xFFFFFFFF  }
0xc4: {  	_ =	strace $0x9000004E  }
0xc5: {  	_ =	sfence  }
0xc6: {  	s30 =	sld [smem:$0x0];
	_ =	sdelay $0x2  }
0xc7: {  	s31 =	sshll.u32 s1, $0xD;
	s1 =	sshrl.u32 s1, $0x2  }
0xc8: {  	s4 =	sand.u32 $0x4000, s31;
	s1 =	sadd.s32 s1, s30  }
0xc9: {  	s0 =	sor.u32 s4, s0;
	s1 =	sshll.u32 s1, $0x11  }
0xca: {  	s0 =	sor.u32 s1, s0  }
0xcb: {  	s0 =	sadd.s32 $0x8F2B, s0  }
0xcc: {  	[sflag:s0] =	ssyncadd.remote.s32 $0x1  }
0xcd: {  	_ =	sfence.sel $0xFFFF  }
0xce: {  	[dreg:$0x0] =	wrdreg $0xFFFFFFFF;
	(pc) =	sbr.abs _section_cstart, $3  }
0xcf: {  	[dreg:$0x1] =	wrdreg $0xFFFFFFFF  }
0xd0: {  	_ =	task.clear_ibuf [dreg:s22], $0x2FFFF;
	_ =	strace $0x9FFFFFFF  }
0xd1: {  	(tm) =	ssettm $0x7FFFFFFF  }
tec
execute0_lowered:
.L_overlay_start_1:
0x0: {  	(tag) =	ssettag $0x1  }
0x1: {  	s0 =	srdreg.scid  }
0x2: {  	s1 =	rddreg [dreg:$0x0];
	s10 =	stileid.u32  }
0x3: {  	s6 =	simm.s32 $0x78;
	s2 =	rddreg [dreg:$0x1];
	s3 =	simm.s32 $0x0  }
0x4: {  	s28 =	simm.s32 $0x7800;
	s29 =	simm.s32 $0x3;
	s30 =	simm.s32 $0x80  }
0x5: {  	s31 =	simm.s32 $0x1;
	s0 =	sand.u32 $0x1, s0;
	s17 =	smul.u32 $0x28000, s10  }
0x6: {  	[smem:$0x7FF] =	sst s3;
	s20 =	smul.u32 $0xA000, s10;
	p0 =	seq.s32 s0, $0x0  }
0x7: {  	s4 =	smul.u32 $0x780, s0;
	_ =	strace $0x8000004D;
	s8 =	ssub.s32 $0x2, s0  }
0x8: {  	s0 =	smul.u32 $0xA0000, s0;
	s6 =	simm.s32 @!p0 $0x28;
	s9 =	sshrl.u32 s8, $0x1  }
0x9: {  	s11 =	sadd.s32 s20, s2;
	s24 =	sadd.s32 $0x2000, s20;
	s26 =	sadd.s32 $0x4000, s20  }
0xa: {  	s5 =	smul.u32 s10, s6;
	s8 =	ssub.s32 s8, s9;
	s19 =	sshll.u32 s6, $0x7  }
0xb: {  	s6 =	sshrl.u32 s6, $0x1;
	s23 =	sadd.s32 s0, s20;
	s16 =	sadd.s32 s0, s24  }
0xc: {  	s9 =	sadd.s32 $0x8000, s20;
	s21 =	sadd.s32 $0xFFFFFF80, s19;
	s22 =	sadd.s32 $0x3B00, s19  }
0xd: {  	s12 =	smax.u32 s8, $0x1;
	s25 =	sshrl.u32 s16, $0x3;
	[dreg:$0x5] =	wrdreg s21  }
0xe: {  	s4 =	sadd.s32 s4, s5;
	s5 =	sshrl.u32 s17, $0x2;
	[dreg:$0x6] =	wrdreg s22  }
0xf: {  	s17 =	sadd.s32 s0, s26;
	s21 =	sadd.s32 s24, s2;
	s22 =	sadd.s32 s26, s2  }
0x10: {  	s24 =	sadd.s32 s9, s2;
	s4 =	sshll.u32 s4, $0x4;
	s5 =	sadd.s32 s5, s2  }
0x11: {  	s17 =	sshrl.u32 s17, $0x3;
	s7 =	sadd.s32 s4, s1;
	s4 =	sadd.s32 $0x54800, s1  }
0x12: {  	s1 =	sadd.s32 $0xE0800, s1;
	s13 =	sadd.s32 $0x2000, s5;
	s14 =	sadd.s32 $0x4000, s5  }
0x13: {  	s26 =	sadd.s32 $0x8000, s5;
	s18 =	sadd.s32 $0xE200, s7;
	s7 =	sadd.s32 $0x3200, s7  }
0x14: {  	s16 =	sadd.s32 s1, s25;
	s17 =	sadd.s32 s1, s17;
	s25 =	sadd.s32 $0xFFFFFFFF, s6  }
0x15: {  	s6 =	simm.s32 $0x0;
	[dreg:$0x4] =	wrdreg s7;
	s7 =	sadd.s32 $0x3B80, s19  }
0x16: {  	[dreg:$0x7] =	wrdreg s7;
	s7 =	sshrl.u32 s23, $0x3;
	s23 =	sadd.s32 $0x6000, s20  }
0x17: {  	[dreg:$0x3] =	wrdreg s18;
	s20 =	sadd.s32 $0x6000, s5;
	s18 =	sadd.s32 s0, s23  }
0x18: {  	s15 =	sadd.s32 s1, s7;
	s0 =	sadd.s32 s0, s9;
	s18 =	sshrl.u32 s18, $0x3  }
0x19: {  	s23 =	sadd.s32 s23, s2;
	s0 =	sshrl.u32 s0, $0x3;
	s18 =	sadd.s32 s1, s18  }
0x1a: {  	v0 =	vimm.f32 $0.0e+00;
	s19 =	sadd.s32 s1, s0;
	s1 =	simm.s32 $0x9800;
	s0 =	simm.s32 $0x2  }
.LBB2_1:
0x1b: {  	s8 =	simm.s32 $0x100;
	s7 =	simm.s32 $0x0  }
.LBB2_2:
0x1c: {  	p0 =	sne.s32 s8, $0x7F00;
	[tilespmem:s7+$0x7830] =	vst v0;
	s9 =	smov.u32 s8;
	s8 =	sadd.s32 $0x100, s8  }
.Ltmp0:
0x1d: {  	[tilespmem:s7+$0x7820] =	vst v0;
	(pc) =	sbr.rel @p0 .LBB2_2-.Ltmp0, $3  }
0x1e: {  	[tilespmem:s7+$0x7800] =	vst v0  }
0x1f: {  	[tilespmem:s7+$0x7810] =	vst v0;
	_ =	sdelay $0x1  }
0x20: {  	s7 =	sshra.s32 s9, $0x2  }
0x21: {  	[tilespmem:s7+$0x7830] =	vst v0  }
0x22: {  	[tilespmem:s7+$0x7820] =	vst v0  }
0x23: {  	[tilespmem:s7+$0x7800] =	vst v0  }
0x24: {  	[tilespmem:s7+$0x7810] =	vst v0  }
0x25: {  	[spmem:s5] =	stream.linear.scatter [tilespmem:s28], [sflag:$0x3], $0x2000, $0x38;
	[tilespmem:$0x15800] =	vst v63  }
0x26: {  	_ =	swait.ge [sflag:s29], $0x2000  }
0x27: {  	[sflag:s29] =	ssyncset.done $0x0  }
0x28: {  	[sflag:s29] =	ssyncadd.s32 $0xFFFFE000  }
0x29: {  	[spmem:s13] =	stream.linear.scatter [tilespmem:s28], [sflag:$0x3], $0x2000, $0x38;
	[tilespmem:$0x15800] =	vst v63  }
0x2a: {  	_ =	swait.ge [sflag:s29], $0x2000  }
0x2b: {  	[sflag:s29] =	ssyncset.done $0x0  }
0x2c: {  	[sflag:s29] =	ssyncadd.s32 $0xFFFFE000  }
0x2d: {  	[spmem:s14] =	stream.linear.scatter [tilespmem:s28], [sflag:$0x3], $0x2000, $0x38;
	[tilespmem:$0x15800] =	vst v63  }
0x2e: {  	_ =	swait.ge [sflag:s29], $0x2000  }
0x2f: {  	[sflag:s29] =	ssyncset.done $0x0  }
0x30: {  	[sflag:s29] =	ssyncadd.s32 $0xFFFFE000  }
0x31: {  	[spmem:s20] =	stream.linear.scatter [tilespmem:s28], [sflag:$0x3], $0x2000, $0x38;
	[tilespmem:$0x15800] =	vst v63  }
0x32: {  	_ =	swait.ge [sflag:s29], $0x2000  }
0x33: {  	[sflag:s29] =	ssyncset.done $0x0  }
0x34: {  	[sflag:s29] =	ssyncadd.s32 $0xFFFFE000  }
0x35: {  	[spmem:s26] =	stream.linear.scatter [tilespmem:s28], [sflag:$0x3], $0x2000, $0x38;
	[tilespmem:$0x15800] =	vst v63  }
0x36: {  	_ =	swait.ge [sflag:s29], $0x2000  }
0x37: {  	[sflag:s29] =	ssyncset.done $0x0  }
0x38: {  	[sflag:s29] =	ssyncadd.s32 $0xFFFFE000  }
0x39: {  	[bflag:$0x0] =	sbarrier.arrive $0xFFFF  }
0x3a: {  	s9 =	rddreg [dreg:$0x3]  }
0x3b: {  	[tilespmem:s3], [sflag:$0x3] =	stream.linear.gather [hbm4b:s9+s3], $0x3C00, $0x38;
	[tilespmem:$0x15800] =	vst v63  }
0x3c: {  	_ =	swait.ge [sflag:s29], $0x3C00  }
0x3d: {  	[sflag:s29] =	ssyncset.done $0x0  }
0x3e: {  	s7 =	simm.s32 $0x3C00;
	s8 =	rddreg [dreg:$0x4];
	[sflag:s29] =	ssyncadd.s32 $0xFFFFC400  }
0x3f: {  	[tilespmem:s7], [sflag:$0x3] =	stream.linear.gather [hbm4b:s8+s3], $0x3C00, $0x38;
	[tilespmem:$0x15800] =	vst v63  }
0x40: {  	_ =	swait.ge [sflag:s29], $0x3C00  }
0x41: {  	[sflag:s29] =	ssyncset.done $0x0  }
0x42: {  	[sflag:s29] =	ssyncadd.s32 $0xFFFFC400  }
0x43: {  	[tilespmem:s28], [sflag:$0x1] =	stream.indirect.gather [hbm4b:s4+s30], $0x40, s3, s30, $0xb8;
	[tilespmem:$0x15800] =	vst v63  }
0x44: {  	_ =	swait.ge [sflag:s31], $0x2000  }
0x45: {  	[sflag:s31] =	ssyncset.done $0x0  }
0x46: {  	s10 =	simm.s32 $0x80;
	[sflag:s31] =	ssyncadd.s32 $0xFFFFE000  }
0x47: {  	[tilespmem:s1], [sflag:$0x2] =	stream.indirect.gather [hbm4b:s4+s30], $0x40, s10, s30, $0xb8;
	[tilespmem:$0x15800] =	vst v63  }
0x48: {  	_ = 	snop  }
0x49: {  	[spmem:s2] =	stream.indirect.scatter.add.f32 [tilespmem:s28], [sflag:$0x3], $0x40, s7, s30, $0xb8;
	[tilespmem:$0x15800] =	vst v63  }
0x4a: {  	_ =	swait.ge [sflag:s29], $0x2000  }
0x4b: {  	[sflag:s29] =	ssyncset.done $0x0  }
0x4c: {  	[sflag:s29] =	ssyncadd.s32 $0xFFFFE000  }
0x4d: {  	_ =	swait.ge [sflag:s0], $0x2000  }
0x4e: {  	[sflag:s0] =	ssyncset.done $0x0  }
0x4f: {  	p0 =	sne.s32 s25, $0x1;
	s8 =	simm.s32 $0x100;
	[sflag:s0] =	ssyncadd.s32 $0xFFFFE000  }
0x50: {  	[tilespmem:s28], [sflag:$0x1] =	stream.indirect.gather [hbm4b:s4+s30], $0x40, s8, s30, $0xb8;
	[tilespmem:$0x15800] =	vst v63  }
.Ltmp1:
0x51: {  	_ = 	snop;
	(pc) =	sbr.rel @!p0 .LBB2_5-.Ltmp1, $4  }
0x52: {  	s9 =	simm.s32 $0x3C80  }
0x53: {  	[spmem:s2] =	stream.indirect.scatter.add.f32 [tilespmem:s1], [sflag:$0x3], $0x40, s9, s30, $0xb8;
	[tilespmem:$0x15800] =	vst v63  }
0x54: {  	_ =	swait.ge [sflag:s29], $0x2000  }
0x55: {  	s9 =	sadd.s32 $0xFFFFFFFF, s25;
	[sflag:s29] =	ssyncset.done $0x0  }
.LBB2_4:
0x56: {  	[sflag:s29] =	ssyncadd.s32 $0xFFFFE000;
	s8 =	sadd.s32 $0x100, s8;
	s7 =	sadd.s32 $0x100, s7  }
0x57: {  	p0 =	sne.s32 s9, $0x1;
	s9 =	sadd.s32 $0xFFFFFFFF, s9  }
0x58: {  	_ =	swait.ge [sflag:s31], $0x2000  }
0x59: {  	[sflag:s31] =	ssyncset.done $0x0  }
0x5a: {  	s10 =	sadd.s32 $0xFFFFFF80, s8;
	[sflag:s31] =	ssyncadd.s32 $0xFFFFE000  }
0x5b: {  	[tilespmem:s1], [sflag:$0x2] =	stream.indirect.gather [hbm4b:s4+s30], $0x40, s10, s30, $0xb8;
	[tilespmem:$0x15800] =	vst v63  }
0x5c: {  	_ = 	snop  }
0x5d: {  	[spmem:s2] =	stream.indirect.scatter.add.f32 [tilespmem:s28], [sflag:$0x3], $0x40, s7, s30, $0xb8;
	[tilespmem:$0x15800] =	vst v63  }
0x5e: {  	_ =	swait.ge [sflag:s29], $0x2000  }
0x5f: {  	[sflag:s29] =	ssyncset.done $0x0  }
0x60: {  	[sflag:s29] =	ssyncadd.s32 $0xFFFFE000  }
0x61: {  	_ =	swait.ge [sflag:s0], $0x2000  }
0x62: {  	[sflag:s0] =	ssyncset.done $0x0  }
0x63: {  	[sflag:s0] =	ssyncadd.s32 $0xFFFFE000  }
0x64: {  	[tilespmem:s28], [sflag:$0x1] =	stream.indirect.gather [hbm4b:s4+s30], $0x40, s8, s30, $0xb8;
	[tilespmem:$0x15800] =	vst v63  }
.Ltmp2:
0x65: {  	_ = 	snop;
	(pc) =	sbr.rel @p0 .LBB2_4-.Ltmp2, $4  }
0x66: {  	s10 =	sadd.s32 $0x80, s7  }
0x67: {  	[spmem:s2] =	stream.indirect.scatter.add.f32 [tilespmem:s1], [sflag:$0x3], $0x40, s10, s30, $0xb8;
	[tilespmem:$0x15800] =	vst v63  }
0x68: {  	_ =	swait.ge [sflag:s29], $0x2000  }
0x69: {  	[sflag:s29] =	ssyncset.done $0x0  }
.LBB2_5:
0x6a: {  	[sflag:s29] =	ssyncadd.s32 $0xFFFFE000  }
0x6b: {  	_ =	swait.ge [sflag:s31], $0x2000  }
0x6c: {  	[sflag:s31] =	ssyncset.done $0x0  }
0x6d: {  	s7 =	rddreg [dreg:$0x5];
	[sflag:s31] =	ssyncadd.s32 $0xFFFFE000  }
0x6e: {  	[tilespmem:s1], [sflag:$0x2] =	stream.indirect.gather [hbm4b:s4+s30], $0x40, s7, s30, $0xb8;
	[tilespmem:$0x15800] =	vst v63  }
0x6f: {  	s9 =	rddreg [dreg:$0x6]  }
0x70: {  	[spmem:s2] =	stream.indirect.scatter.add.f32 [tilespmem:s28], [sflag:$0x3], $0x40, s9, s30, $0xb8;
	[tilespmem:$0x15800] =	vst v63  }
0x71: {  	_ =	swait.ge [sflag:s29], $0x2000  }
0x72: {  	[sflag:s29] =	ssyncset.done $0x0  }
0x73: {  	[sflag:s29] =	ssyncadd.s32 $0xFFFFE000  }
0x74: {  	_ =	swait.ge [sflag:s0], $0x2000  }
0x75: {  	[sflag:s0] =	ssyncset.done $0x0  }
0x76: {  	s10 =	rddreg [dreg:$0x7];
	[sflag:s0] =	ssyncadd.s32 $0xFFFFE000  }
0x77: {  	[spmem:s2] =	stream.indirect.scatter.add.f32 [tilespmem:s1], [sflag:$0x3], $0x40, s10, s30, $0xb8;
	[tilespmem:$0x15800] =	vst v63  }
0x78: {  	_ =	swait.ge [sflag:s29], $0x2000  }
0x79: {  	[sflag:s29] =	ssyncset.done $0x0  }
0x7a: {  	[sflag:s29] =	ssyncadd.s32 $0xFFFFE000  }
0x7b: {  	[bflag:$0x0] =	sbarrier.arrive $0xFFFF  }
0x7c: {  	[tilespmem:s28], [sflag:$0x3] =	stream.linear.gather [spmem:s11], $0x2000, $0x38;
	[tilespmem:$0x15800] =	vst v63  }
0x7d: {  	_ =	swait.ge [sflag:s29], $0x2000  }
0x7e: {  	[sflag:s29] =	ssyncset.done $0x0  }
0x7f: {  	[sflag:s29] =	ssyncadd.s32 $0xFFFFE000  }
0x80: {  	[hbm4b:s15+s3] =	stream.linear.scatter [tilespmem:s28], [sflag:$0x3], $0x2000, $0x38;
	[tilespmem:$0x15800] =	vst v63  }
0x81: {  	_ =	swait.ge [sflag:s29], $0x2000  }
0x82: {  	[sflag:s29] =	ssyncset.done $0x0  }
0x83: {  	[sflag:s29] =	ssyncadd.s32 $0xFFFFE000  }
0x84: {  	[tilespmem:s28], [sflag:$0x3] =	stream.linear.gather [spmem:s21], $0x2000, $0x38;
	[tilespmem:$0x15800] =	vst v63  }
0x85: {  	_ =	swait.ge [sflag:s29], $0x2000  }
0x86: {  	[sflag:s29] =	ssyncset.done $0x0  }
0x87: {  	[sflag:s29] =	ssyncadd.s32 $0xFFFFE000  }
0x88: {  	[hbm4b:s16+s3] =	stream.linear.scatter [tilespmem:s28], [sflag:$0x3], $0x2000, $0x38;
	[tilespmem:$0x15800] =	vst v63  }
0x89: {  	_ =	swait.ge [sflag:s29], $0x2000  }
0x8a: {  	[sflag:s29] =	ssyncset.done $0x0  }
0x8b: {  	[sflag:s29] =	ssyncadd.s32 $0xFFFFE000  }
0x8c: {  	[tilespmem:s28], [sflag:$0x3] =	stream.linear.gather [spmem:s22], $0x2000, $0x38;
	[tilespmem:$0x15800] =	vst v63  }
0x8d: {  	_ =	swait.ge [sflag:s29], $0x2000  }
0x8e: {  	[sflag:s29] =	ssyncset.done $0x0  }
0x8f: {  	[sflag:s29] =	ssyncadd.s32 $0xFFFFE000  }
0x90: {  	[hbm4b:s17+s3] =	stream.linear.scatter [tilespmem:s28], [sflag:$0x3], $0x2000, $0x38;
	[tilespmem:$0x15800] =	vst v63  }
0x91: {  	_ =	swait.ge [sflag:s29], $0x2000  }
0x92: {  	[sflag:s29] =	ssyncset.done $0x0  }
0x93: {  	[sflag:s29] =	ssyncadd.s32 $0xFFFFE000  }
0x94: {  	[tilespmem:s28], [sflag:$0x3] =	stream.linear.gather [spmem:s23], $0x2000, $0x38;
	[tilespmem:$0x15800] =	vst v63  }
0x95: {  	_ =	swait.ge [sflag:s29], $0x2000  }
0x96: {  	[sflag:s29] =	ssyncset.done $0x0  }
0x97: {  	[sflag:s29] =	ssyncadd.s32 $0xFFFFE000  }
0x98: {  	[hbm4b:s18+s3] =	stream.linear.scatter [tilespmem:s28], [sflag:$0x3], $0x2000, $0x38;
	[tilespmem:$0x15800] =	vst v63  }
0x99: {  	_ =	swait.ge [sflag:s29], $0x2000  }
0x9a: {  	[sflag:s29] =	ssyncset.done $0x0  }
0x9b: {  	[sflag:s29] =	ssyncadd.s32 $0xFFFFE000  }
0x9c: {  	[tilespmem:s28], [sflag:$0x3] =	stream.linear.gather [spmem:s24], $0x2000, $0x38;
	[tilespmem:$0x15800] =	vst v63  }
0x9d: {  	s6 =	sadd.s32 $0x1, s6;
	_ =	swait.ge [sflag:s29], $0x2000  }
0x9e: {  	p0 =	sne.s32 s6, s12;
	[sflag:s29] =	ssyncset.done $0x0  }
.Ltmp3:
0x9f: {  	[sflag:s29] =	ssyncadd.s32 $0xFFFFE000;
	(pc) =	sbr.rel @p0 .LBB2_1-.Ltmp3, $4  }
0xa0: {  	[hbm4b:s19+s3] =	stream.linear.scatter [tilespmem:s28], [sflag:$0x3], $0x2000, $0x38;
	[tilespmem:$0x15800] =	vst v63  }
0xa1: {  	_ =	swait.ge [sflag:s29], $0x2000  }
0xa2: {  	[sflag:s29] =	ssyncset.done $0x0  }
0xa3: {  	[sflag:s29] =	ssyncadd.s32 $0xFFFFE000  }
0xa4: {  	_ =	sfence.sel $0x180000  }
0xa5: {  	[bflag:$0x0] =	sbarrier.arrive $0xFFFF  }
0xa6: {  	_ =	strace $0x9000004D  }
0xa7: {  	s0 =	stileid.u32;
	[bflag:$0x2] =	sbarrier.arrive $0xFFFF  }
0xa8: {  	p0 =	sne.s32 s0, $0x0;
	s0 =	rddreg [dreg:$0x2]  }
0xa9: {  	s0 =	sadd.s32 @!p0 $0x100000, s0  }
0xaa: {  	[sflag:s0] =	ssyncadd.tile.s32 @!p0 $0x1;
	_ =	shalt  }
.Lfunc_end2:
_tile_overlayer_lowered:
.L_overlay_start_2:
0xab: {  	(tag) =	ssettag $0x2  }
0xac: {  	s0 =	rddreg [dreg:$0x0];
	s2 =	stileid.u32  }
0xad: {  	s1 =	rddreg [dreg:$0x1];
	p0 =	sne.s32 s2, $0x0  }
0xae: {  	s3 =	rddreg [dreg:$0x2];
	[bflag:$0x3] =	sbarrier.arrive $0xFFFF;
	s2 =	simm.s32 @!p0 $0x1C03  }
0xaf: {  	[timem:s3], [sflag:s2] =	dma.local @!p0 [hbm:s0], s1  }
0xb0: {  	s0 =	simm.s32 @!p0 $0x3  }
0xb1: {  	_ =	swait.ge @!p0 [sflag:s0], s1  }
0xb2: {  	s1 =	ssub.s32 @!p0 $0x0, s1;
	[sflag:s0] =	ssyncset.done @!p0 $0x0  }
0xb3: {  	[sflag:s0] =	ssyncadd.s32 @!p0 s1  }
0xb4: {  	[bflag:$0x3] =	sbarrier.arrive $0xFFFF  }
0xb5: {  	_ =	shalt  }

// kernel: kernel.16.cloned.1.call-start
scs
__scs_entry_jumppad:
0x0: {  	(pc) =	sbr.rel $0x88, $3  }
0x1: {  	(tag) =	ssettag $0x0;
	lr =	simm.s32 $0x1  }
0x2: {  	[smem:$0x3F82] =	sst lr;
	_ =	strace $0xD0000000  }
0x3: {  	_ = 	snop  }
0x4: {  	_ = 	snop  }
0x5: {  	_ = 	snop  }
0x6: {  	_ = 	snop  }
0x7: {  	_ = 	snop  }
__scs_overlays_trampoline_lowered:
0x8: {  	[smem:$0x3F91] =	sst s0  }
0x9: {  	[smem:$0x3F92] =	sst s1  }
0xa: {  	[smem:$0x3F93] =	sst s2  }
0xb: {  	[smem:$0x3F94] =	sst s3  }
0xc: {  	[smem:$0x3F95] =	sst s4  }
0xd: {  	[smem:$0x3F96] =	sst s5  }
0xe: {  	[smem:$0x3F97] =	sst s6  }
0xf: {  	[smem:$0x3F98] =	sst s7  }
0x10: {  	[smem:$0x3F99] =	sst s8  }
0x11: {  	[smem:$0x3F9A] =	sst s9;
	s0 =	simm.s32 @!p0 $0x0  }
0x12: {  	s1 =	sld [smem:$0x3F80];
	s0 =	simm.s32 @p0 $0x1  }
0x13: {  	[smem:$0x3F9B] =	sst s0;
	s0 =	simm.s32 @!p1 $0x0  }
0x14: {  	s2 =	sld [smem:$0x3F7F];
	s0 =	simm.s32 @p1 $0x1  }
0x15: {  	[smem:$0x3F9C] =	sst s0;
	s0 =	simm.s32 @!p2 $0x0  }
0x16: {  	s3 =	sld [smem:$0x3FDB];
	s0 =	simm.s32 @p2 $0x1  }
0x17: {  	s4 =	simm.s32 $0x1BF5;
	[smem:$0x3F9E] =	sst s0  }
0x18: {  	s0 =	sld [smem:$0x3F81];
	_ =	swait.ge [sflag:s4], $0x0  }
0x19: {  	s7 =	sld [smem:$0x3F82]  }
0x1a: {  	s8 =	sadd.s32 $0xFFFFE003, lr  }
0x1b: {  	s9 =	sadd.s32 $0xFFFFFEF7, lr;
	s5 =	simm.s32 $0xFFFFFFFF;
	p2 =	slt.u32 s8, $0xFFFFF086  }
0x1c: {  	p1 =	slt.u32 s9, $0xF7A;
	s5 =	simm.s32 @!p2 $0x0  }
0x1d: {  	s5 =	simm.s32 @p1 $0x1;
	p0 =	seq.s32 s7, s2  }
0x1e: {  	s7 =	smul.u32 @!p0 $0xF7A, s2;
	p2 =	seq.s32 @!p0 s5, $0x0  }
0x1f: {  	s9 =	smul.u32 $0xF7A, s1;
	s8 =	simm.s32 @!p0 $0x1BF5;
	p2 =	por !p2, p0  }
0x20: {  	[sflag:s8] =	ssyncset.s32 @!p0 $0xFFFFF086;
	s6 =	sadd.s32 @!p0 s3, s7;
	s7 =	simm.s32 @!p0 $0x108  }
0x21: {  	s3 =	sadd.s32 s3, s9;
	s6 =	sadd.s32 @!p0 $0x88, s6;
	s7 =	simm.s32 @p2 $0x1082  }
0x22: {  	[simem:s7], [sflag:s8] =	dma.local @!p0 [hbm:s6], $0xF7A  }
0x23: {  	s9 =	sor.u32 $0xD0000000, s2;
	s6 =	simm.s32 $0x108;
	_ =	swait.ge @!p0 [sflag:s8], $0x0  }
0x24: {  	s3 =	sadd.s32 $0x88, s3;
	s6 =	simm.s32 @!p1 $0x1082;
	[sflag:s4] =	ssyncset.s32 $0xFFFFF086  }
0x25: {  	[simem:s6], [sflag:s4] =	dma.local [hbm:s3], $0xF7A  }
0x26: {  	[smem:$0x3F82] =	sst s1;
	(tag) =	ssettag s2;
	_ =	strace s9  }
0x27: {  	s1 =	sld [smem:$0x3F92]  }
0x28: {  	s2 =	sld [smem:$0x3F93]  }
0x29: {  	s4 =	sld [smem:$0x3F95]  }
0x2a: {  	p0 =	seq.s32 s5, $0x0;
	s5 =	sld [smem:$0x3F96]  }
0x2b: {  	s6 =	sld [smem:$0x3F97]  }
0x2c: {  	s7 =	sld [smem:$0x3F98]  }
0x2d: {  	s3 =	simm.s32 $0x108;
	s8 =	sld [smem:$0x3F99]  }
0x2e: {  	s3 =	simm.s32 @!p0 $0x1082;
	s9 =	sld [smem:$0x3F9A]  }
0x2f: {  	lr =	sadd.s32 s0, s3;
	s0 =	sld [smem:$0x3F91]  }
0x30: {  	s3 =	sld [smem:$0x3F94]  }
0x31: {  	[smem:$0x3F9D] =	sst s10  }
0x32: {  	s10 =	sld [smem:$0x3F9B];
	_ =	sdelay $0x3  }
0x33: {  	p0 =	seq.s32 s10, $0x1;
	s10 =	sld [smem:$0x3F9D];
	_ =	sdelay $0x3  }
0x34: {  	[smem:$0x3F9D] =	sst s10  }
0x35: {  	s10 =	sld [smem:$0x3F9C];
	_ =	sdelay $0x3  }
0x36: {  	p1 =	seq.s32 s10, $0x1;
	s10 =	sld [smem:$0x3F9D];
	_ =	sdelay $0x3  }
0x37: {  	[smem:$0x3F9D] =	sst s10  }
0x38: {  	s10 =	sld [smem:$0x3F9E]  }
0x39: {  	_ = 	snop;
	(pc) =	sbr.ind lr, $3  }
0x3a: {  	_ = 	snop  }
0x3b: {  	_ = 	snop  }
0x3c: {  	p2 =	seq.s32 s10, $0x1;
	s10 =	sld [smem:$0x3F9D]  }
0x3d: {  	_ =	shalt  }
0x3e: {  	_ =	shalt  }
0x3f: {  	_ =	shalt  }
0x40: {  	_ =	shalt  }
0x41: {  	_ =	shalt  }
0x42: {  	_ =	shalt  }
0x43: {  	_ =	shalt  }
0x44: {  	_ =	shalt  }
0x45: {  	_ =	shalt  }
0x46: {  	_ =	shalt  }
0x47: {  	_ =	shalt  }
0x48: {  	_ =	shalt  }
0x49: {  	_ =	shalt  }
0x4a: {  	_ =	shalt  }
0x4b: {  	_ =	shalt  }
0x4c: {  	_ =	shalt  }
0x4d: {  	_ =	shalt  }
0x4e: {  	_ =	shalt  }
0x4f: {  	_ =	shalt  }
0x50: {  	_ =	shalt  }
0x51: {  	_ =	shalt  }
0x52: {  	_ =	shalt  }
0x53: {  	_ =	shalt  }
0x54: {  	_ =	shalt  }
0x55: {  	_ =	shalt  }
0x56: {  	_ =	shalt  }
0x57: {  	_ =	shalt  }
0x58: {  	_ =	shalt  }
0x59: {  	_ =	shalt  }
0x5a: {  	_ =	shalt  }
0x5b: {  	_ =	shalt  }
0x5c: {  	_ =	shalt  }
0x5d: {  	_ =	shalt  }
0x5e: {  	_ =	shalt  }
0x5f: {  	_ =	shalt  }
0x60: {  	_ =	shalt  }
0x61: {  	_ =	shalt  }
0x62: {  	_ =	shalt  }
0x63: {  	_ =	shalt  }
0x64: {  	_ =	shalt  }
0x65: {  	_ =	shalt  }
0x66: {  	_ =	shalt  }
0x67: {  	_ =	shalt  }
0x68: {  	_ =	shalt  }
0x69: {  	_ =	shalt  }
0x6a: {  	_ =	shalt  }
0x6b: {  	_ =	shalt  }
0x6c: {  	_ =	shalt  }
0x6d: {  	_ =	shalt  }
0x6e: {  	_ =	shalt  }
0x6f: {  	_ =	shalt  }
0x70: {  	_ =	shalt  }
0x71: {  	_ =	shalt  }
0x72: {  	_ =	shalt  }
0x73: {  	_ =	shalt  }
0x74: {  	_ =	shalt  }
0x75: {  	_ =	shalt  }
0x76: {  	_ =	shalt  }
0x77: {  	_ =	shalt  }
0x78: {  	_ =	shalt  }
0x79: {  	_ =	shalt  }
0x7a: {  	_ =	shalt  }
0x7b: {  	_ =	shalt  }
0x7c: {  	_ =	shalt  }
0x7d: {  	_ =	shalt  }
0x7e: {  	_ =	shalt  }
0x7f: {  	_ =	shalt  }
0x80: {  	_ =	shalt  }
0x81: {  	_ =	shalt  }
0x82: {  	_ =	shalt  }
0x83: {  	_ =	shalt  }
0x84: {  	_ =	shalt  }
0x85: {  	_ =	shalt  }
0x86: {  	_ =	shalt  }
0x87: {  	_ =	shalt  }
.Lfunc_end0:
.L_simem_size_0:
called_computation.2_lowered:
.L_overlay_start_0:
0x88: {  	s2 =	sld [smem:$0x3FD9]  }
0x89: {  	s3 =	sld [smem:$0x3FFE];
	_ =	sdelay $0x1  }
0x8a: {  	s1 =	srdreg.scid  }
0x8b: {  	s0 =	sand.u32 $0x1, s1  }
0x8c: {  	s16 =	sshll.u32 s0, $0xA;
	s2 =	sadd.s32 s3, s2  }
0x8d: {  	s2 =	sadd.s32 s2, s16  }
0x8e: {  	[smem:$0x3FA9] =	sst s2  }
0x8f: {  	_ = 	snop  }
0x90: {  	(tm) =	ssettm $0x1  }
0x91: {  	s17 =	sld [smem:$0x3FFB];
	_ =	sdelay $0x3  }
0x92: {  	_ =	strace s17  }
0x93: {  	s2 =	sld [smem:$0x3FFC];
	_ =	sdelay $0x3  }
0x94: {  	_ =	strace s2  }
0x95: {  	s2 =	sld [smem:$0x3FFD];
	_ =	sdelay $0x3  }
0x96: {  	_ =	strace s2  }
0x97: {  	_ =	strace $0x8FFFFFFF  }
0x98: {  	s18 =	sld [smem:$0x3FDB];
	_ =	sdelay $0x1  }
0x99: {  	s19 =	simm.s32 $_scs_section_size  }
0x9a: {  	s4 =	simm.s32 $_size__tile_overlayer_lowered;
	s5 =	simm.s32 $_tile_overlayer_lowered  }
0x9b: {  	s22 =	simm.s32 $0x1BFF;
	s21 =	sshll.u32 s5, $0x1;
	s2 =	sadd.s32 s19, s18  }
0x9c: {  	s6 =	simm.s32 $0x0;
	s20 =	sshll.u32 s4, $0x1;
	s4 =	sadd.s32 s21, s2  }
0x9d: {  	[timem:s6], [sflag:s22] =	dma.local [hbm:s4], s20  }
0x9e: {  	_ =	swait.ge [sflag:s22], s20  }
0x9f: {  	s3 =	ssub.s32 $0x0, s20;
	[sflag:s22] =	ssyncset.done $0x0  }
0xa0: {  	[sflag:s22] =	ssyncadd.s32 s3;
	_ =	sdelay $0x1  }
0xa1: {  	s23 =	simm.s32 $0x1B8B  }
0xa2: {  	_ =	swait.ge [sflag:s23], $0x1  }
0xa3: {  	[sflag:s23] =	ssyncset.done $0x0  }
0xa4: {  	s25 =	simm.s32 $0x1B8E;
	s24 =	sld [smem:$0x3FFE];
	[sflag:s23] =	ssyncadd.s32 $0xFFFFFFFF  }
0xa5: {  	s26 =	simm.s32 $execute0_lowered;
	[smem:$0x3FD2] =	sst s25  }
0xa6: {  	s4 =	sshll.u32 s26, $0x1;
	_ =	strace $0x80000049;
	[dreg:$0x1] =	wrdreg $0xFFFFFFFF  }
0xa7: {  	s28 =	simm.s32 $_size_execute0_lowered;
	s2 =	sadd.s32 s2, s4;
	[dreg:$0x0] =	wrdreg $0x0  }
0xa8: {  	s4 =	sshll.u32 s28, $0x1;
	[dreg:$0x2] =	wrdreg s2  }
0xa9: {  	[dreg:$0x3] =	wrdreg s4  }
0xaa: {  	[dreg:$0x4] =	wrdreg $0xC0  }
0xab: {  	_ =	task [dreg:s6], $0x5FFFF  }
0xac: {  	[dreg:$0x1] =	wrdreg $0xFFFFFFFF  }
0xad: {  	[dreg:$0x0] =	wrdreg $0x60  }
0xae: {  	[dreg:$0x2] =	wrdreg s24  }
0xaf: {  	[dreg:$0x3] =	wrdreg $0xB8000  }
0xb0: {  	[dreg:$0x4] =	wrdreg $0xA  }
0xb1: {  	_ =	task.clear_ibuf [dreg:s6], $0x5FFFF;
	_ =	strace $0x90000049  }
0xb2: {  	s29 =	simm.s32 $0xA;
	_ =	strace $0x8000004B  }
0xb3: {  	_ =	swait.ge [sflag:s29], $0x1  }
0xb4: {  	[sflag:s29] =	ssyncadd.s32 $0xFFFFFFFF  }
0xb5: {  	_ =	strace $0x9000004B  }
0xb6: {  	_ =	sfence  }
0xb7: {  	s30 =	sld [smem:$0x0];
	_ =	sdelay $0x2  }
0xb8: {  	s31 =	sshll.u32 s1, $0xD;
	s1 =	sshrl.u32 s1, $0x2  }
0xb9: {  	s3 =	sand.u32 $0x4000, s31;
	s1 =	sadd.s32 s1, s30  }
0xba: {  	s0 =	sor.u32 s3, s0;
	s1 =	sshll.u32 s1, $0x11  }
0xbb: {  	s0 =	sor.u32 s1, s0  }
0xbc: {  	s0 =	sadd.s32 $0x8F2B, s0  }
0xbd: {  	[sflag:s0] =	ssyncadd.remote.s32 $0x1  }
0xbe: {  	_ =	sfence.sel $0xFFFF  }
0xbf: {  	[dreg:$0x0] =	wrdreg $0xFFFFFFFF;
	(pc) =	sbr.abs _section_cstart, $3  }
0xc0: {  	[dreg:$0x1] =	wrdreg $0xFFFFFFFF  }
0xc1: {  	_ =	task.clear_ibuf [dreg:s6], $0x2FFFF;
	_ =	strace $0x9FFFFFFF  }
0xc2: {  	(tm) =	ssettm $0x7FFFFFFF  }
0xc3: {  	_ =	shalt  }
tec
execute0_lowered:
.L_overlay_start_1:
0x0: {  	(tag) =	ssettag $0x1  }
0x1: {  	s0 =	srdreg.scid  }
0x2: {  	s1 =	rddreg [dreg:$0x0];
	s10 =	stileid.u32  }
0x3: {  	s6 =	simm.s32 $0x78;
	s2 =	rddreg [dreg:$0x1];
	s3 =	simm.s32 $0x0  }
0x4: {  	s28 =	simm.s32 $0x7800;
	s29 =	simm.s32 $0x3;
	s30 =	simm.s32 $0x80  }
0x5: {  	s31 =	simm.s32 $0x1;
	s0 =	sand.u32 $0x1, s0;
	s17 =	smul.u32 $0x28000, s10  }
0x6: {  	[smem:$0x7FF] =	sst s3;
	s20 =	smul.u32 $0xA000, s10;
	p0 =	seq.s32 s0, $0x0  }
0x7: {  	s4 =	smul.u32 $0x780, s0;
	_ =	strace $0x8000004A;
	s8 =	ssub.s32 $0x2, s0  }
0x8: {  	s0 =	smul.u32 $0xA0000, s0;
	s6 =	simm.s32 @!p0 $0x28;
	s9 =	sshrl.u32 s8, $0x1  }
0x9: {  	s11 =	sadd.s32 s20, s2;
	s24 =	sadd.s32 $0x2000, s20;
	s26 =	sadd.s32 $0x4000, s20  }
0xa: {  	s5 =	smul.u32 s10, s6;
	s8 =	ssub.s32 s8, s9;
	s19 =	sshll.u32 s6, $0x7  }
0xb: {  	s6 =	sshrl.u32 s6, $0x1;
	s23 =	sadd.s32 s0, s20;
	s16 =	sadd.s32 s0, s24  }
0xc: {  	s9 =	sadd.s32 $0x8000, s20;
	s21 =	sadd.s32 $0xFFFFFF80, s19;
	s22 =	sadd.s32 $0x3B00, s19  }
0xd: {  	s12 =	smax.u32 s8, $0x1;
	s25 =	sshrl.u32 s16, $0x3;
	[dreg:$0x5] =	wrdreg s21  }
0xe: {  	s4 =	sadd.s32 s4, s5;
	s5 =	sshrl.u32 s17, $0x2;
	[dreg:$0x6] =	wrdreg s22  }
0xf: {  	s17 =	sadd.s32 s0, s26;
	s21 =	sadd.s32 s24, s2;
	s22 =	sadd.s32 s26, s2  }
0x10: {  	s24 =	sadd.s32 s9, s2;
	s4 =	sshll.u32 s4, $0x4;
	s5 =	sadd.s32 s5, s2  }
0x11: {  	s17 =	sshrl.u32 s17, $0x3;
	s7 =	sadd.s32 s4, s1;
	s4 =	sadd.s32 $0x18800, s1  }
0x12: {  	s1 =	sadd.s32 $0x2C800, s1;
	s13 =	sadd.s32 $0x2000, s5;
	s14 =	sadd.s32 $0x4000, s5  }
0x13: {  	s26 =	sadd.s32 $0x8000, s5;
	s18 =	sadd.s32 $0xE200, s7;
	s7 =	sadd.s32 $0x3200, s7  }
0x14: {  	s16 =	sadd.s32 s1, s25;
	s17 =	sadd.s32 s1, s17;
	s25 =	sadd.s32 $0xFFFFFFFF, s6  }
0x15: {  	s6 =	simm.s32 $0x0;
	[dreg:$0x4] =	wrdreg s7;
	s7 =	sadd.s32 $0x3B80, s19  }
0x16: {  	[dreg:$0x7] =	wrdreg s7;
	s7 =	sshrl.u32 s23, $0x3;
	s23 =	sadd.s32 $0x6000, s20  }
0x17: {  	[dreg:$0x3] =	wrdreg s18;
	s20 =	sadd.s32 $0x6000, s5;
	s18 =	sadd.s32 s0, s23  }
0x18: {  	s15 =	sadd.s32 s1, s7;
	s0 =	sadd.s32 s0, s9;
	s18 =	sshrl.u32 s18, $0x3  }
0x19: {  	s23 =	sadd.s32 s23, s2;
	s0 =	sshrl.u32 s0, $0x3;
	s18 =	sadd.s32 s1, s18  }
0x1a: {  	v0 =	vimm.f32 $0.0e+00;
	s19 =	sadd.s32 s1, s0;
	s1 =	simm.s32 $0x9800;
	s0 =	simm.s32 $0x2  }
.LBB2_1:
0x1b: {  	s8 =	simm.s32 $0x100;
	s7 =	simm.s32 $0x0  }
.LBB2_2:
0x1c: {  	p0 =	sne.s32 s8, $0x7F00;
	[tilespmem:s7+$0x7830] =	vst v0;
	s9 =	smov.u32 s8;
	s8 =	sadd.s32 $0x100, s8  }
.Ltmp0:
0x1d: {  	[tilespmem:s7+$0x7820] =	vst v0;
	(pc) =	sbr.rel @p0 .LBB2_2-.Ltmp0, $3  }
0x1e: {  	[tilespmem:s7+$0x7800] =	vst v0  }
0x1f: {  	[tilespmem:s7+$0x7810] =	vst v0;
	_ =	sdelay $0x1  }
0x20: {  	s7 =	sshra.s32 s9, $0x2  }
0x21: {  	[tilespmem:s7+$0x7830] =	vst v0  }
0x22: {  	[tilespmem:s7+$0x7820] =	vst v0  }
0x23: {  	[tilespmem:s7+$0x7800] =	vst v0  }
0x24: {  	[tilespmem:s7+$0x7810] =	vst v0  }
0x25: {  	[spmem:s5] =	stream.linear.scatter [tilespmem:s28], [sflag:$0x3], $0x2000, $0x38;
	[tilespmem:$0x15800] =	vst v63  }
0x26: {  	_ =	swait.ge [sflag:s29], $0x2000  }
0x27: {  	[sflag:s29] =	ssyncset.done $0x0  }
0x28: {  	[sflag:s29] =	ssyncadd.s32 $0xFFFFE000  }
0x29: {  	[spmem:s13] =	stream.linear.scatter [tilespmem:s28], [sflag:$0x3], $0x2000, $0x38;
	[tilespmem:$0x15800] =	vst v63  }
0x2a: {  	_ =	swait.ge [sflag:s29], $0x2000  }
0x2b: {  	[sflag:s29] =	ssyncset.done $0x0  }
0x2c: {  	[sflag:s29] =	ssyncadd.s32 $0xFFFFE000  }
0x2d: {  	[spmem:s14] =	stream.linear.scatter [tilespmem:s28], [sflag:$0x3], $0x2000, $0x38;
	[tilespmem:$0x15800] =	vst v63  }
0x2e: {  	_ =	swait.ge [sflag:s29], $0x2000  }
0x2f: {  	[sflag:s29] =	ssyncset.done $0x0  }
0x30: {  	[sflag:s29] =	ssyncadd.s32 $0xFFFFE000  }
0x31: {  	[spmem:s20] =	stream.linear.scatter [tilespmem:s28], [sflag:$0x3], $0x2000, $0x38;
	[tilespmem:$0x15800] =	vst v63  }
0x32: {  	_ =	swait.ge [sflag:s29], $0x2000  }
0x33: {  	[sflag:s29] =	ssyncset.done $0x0  }
0x34: {  	[sflag:s29] =	ssyncadd.s32 $0xFFFFE000  }
0x35: {  	[spmem:s26] =	stream.linear.scatter [tilespmem:s28], [sflag:$0x3], $0x2000, $0x38;
	[tilespmem:$0x15800] =	vst v63  }
0x36: {  	_ =	swait.ge [sflag:s29], $0x2000  }
0x37: {  	[sflag:s29] =	ssyncset.done $0x0  }
0x38: {  	[sflag:s29] =	ssyncadd.s32 $0xFFFFE000  }
0x39: {  	[bflag:$0x0] =	sbarrier.arrive $0xFFFF  }
0x3a: {  	s9 =	rddreg [dreg:$0x3]  }
0x3b: {  	[tilespmem:s3], [sflag:$0x3] =	stream.linear.gather [hbm4b:s9+s3], $0x3C00, $0x38;
	[tilespmem:$0x15800] =	vst v63  }
0x3c: {  	_ =	swait.ge [sflag:s29], $0x3C00  }
0x3d: {  	[sflag:s29] =	ssyncset.done $0x0  }
0x3e: {  	s7 =	simm.s32 $0x3C00;
	s8 =	rddreg [dreg:$0x4];
	[sflag:s29] =	ssyncadd.s32 $0xFFFFC400  }
0x3f: {  	[tilespmem:s7], [sflag:$0x3] =	stream.linear.gather [hbm4b:s8+s3], $0x3C00, $0x38;
	[tilespmem:$0x15800] =	vst v63  }
0x40: {  	_ =	swait.ge [sflag:s29], $0x3C00  }
0x41: {  	[sflag:s29] =	ssyncset.done $0x0  }
0x42: {  	[sflag:s29] =	ssyncadd.s32 $0xFFFFC400  }
0x43: {  	[tilespmem:s28], [sflag:$0x1] =	stream.indirect.gather [hbm4b:s4+s30], $0x40, s3, s30, $0xb8;
	[tilespmem:$0x15800] =	vst v63  }
0x44: {  	_ =	swait.ge [sflag:s31], $0x2000  }
0x45: {  	[sflag:s31] =	ssyncset.done $0x0  }
0x46: {  	s10 =	simm.s32 $0x80;
	[sflag:s31] =	ssyncadd.s32 $0xFFFFE000  }
0x47: {  	[tilespmem:s1], [sflag:$0x2] =	stream.indirect.gather [hbm4b:s4+s30], $0x40, s10, s30, $0xb8;
	[tilespmem:$0x15800] =	vst v63  }
0x48: {  	_ = 	snop  }
0x49: {  	[spmem:s2] =	stream.indirect.scatter.add.f32 [tilespmem:s28], [sflag:$0x3], $0x40, s7, s30, $0xb8;
	[tilespmem:$0x15800] =	vst v63  }
0x4a: {  	_ =	swait.ge [sflag:s29], $0x2000  }
0x4b: {  	[sflag:s29] =	ssyncset.done $0x0  }
0x4c: {  	[sflag:s29] =	ssyncadd.s32 $0xFFFFE000  }
0x4d: {  	_ =	swait.ge [sflag:s0], $0x2000  }
0x4e: {  	[sflag:s0] =	ssyncset.done $0x0  }
0x4f: {  	p0 =	sne.s32 s25, $0x1;
	s8 =	simm.s32 $0x100;
	[sflag:s0] =	ssyncadd.s32 $0xFFFFE000  }
0x50: {  	[tilespmem:s28], [sflag:$0x1] =	stream.indirect.gather [hbm4b:s4+s30], $0x40, s8, s30, $0xb8;
	[tilespmem:$0x15800] =	vst v63  }
.Ltmp1:
0x51: {  	_ = 	snop;
	(pc) =	sbr.rel @!p0 .LBB2_5-.Ltmp1, $4  }
0x52: {  	s9 =	simm.s32 $0x3C80  }
0x53: {  	[spmem:s2] =	stream.indirect.scatter.add.f32 [tilespmem:s1], [sflag:$0x3], $0x40, s9, s30, $0xb8;
	[tilespmem:$0x15800] =	vst v63  }
0x54: {  	_ =	swait.ge [sflag:s29], $0x2000  }
0x55: {  	s9 =	sadd.s32 $0xFFFFFFFF, s25;
	[sflag:s29] =	ssyncset.done $0x0  }
.LBB2_4:
0x56: {  	[sflag:s29] =	ssyncadd.s32 $0xFFFFE000;
	s8 =	sadd.s32 $0x100, s8;
	s7 =	sadd.s32 $0x100, s7  }
0x57: {  	p0 =	sne.s32 s9, $0x1;
	s9 =	sadd.s32 $0xFFFFFFFF, s9  }
0x58: {  	_ =	swait.ge [sflag:s31], $0x2000  }
0x59: {  	[sflag:s31] =	ssyncset.done $0x0  }
0x5a: {  	s10 =	sadd.s32 $0xFFFFFF80, s8;
	[sflag:s31] =	ssyncadd.s32 $0xFFFFE000  }
0x5b: {  	[tilespmem:s1], [sflag:$0x2] =	stream.indirect.gather [hbm4b:s4+s30], $0x40, s10, s30, $0xb8;
	[tilespmem:$0x15800] =	vst v63  }
0x5c: {  	_ = 	snop  }
0x5d: {  	[spmem:s2] =	stream.indirect.scatter.add.f32 [tilespmem:s28], [sflag:$0x3], $0x40, s7, s30, $0xb8;
	[tilespmem:$0x15800] =	vst v63  }
0x5e: {  	_ =	swait.ge [sflag:s29], $0x2000  }
0x5f: {  	[sflag:s29] =	ssyncset.done $0x0  }
0x60: {  	[sflag:s29] =	ssyncadd.s32 $0xFFFFE000  }
0x61: {  	_ =	swait.ge [sflag:s0], $0x2000  }
0x62: {  	[sflag:s0] =	ssyncset.done $0x0  }
0x63: {  	[sflag:s0] =	ssyncadd.s32 $0xFFFFE000  }
0x64: {  	[tilespmem:s28], [sflag:$0x1] =	stream.indirect.gather [hbm4b:s4+s30], $0x40, s8, s30, $0xb8;
	[tilespmem:$0x15800] =	vst v63  }
.Ltmp2:
0x65: {  	_ = 	snop;
	(pc) =	sbr.rel @p0 .LBB2_4-.Ltmp2, $4  }
0x66: {  	s10 =	sadd.s32 $0x80, s7  }
0x67: {  	[spmem:s2] =	stream.indirect.scatter.add.f32 [tilespmem:s1], [sflag:$0x3], $0x40, s10, s30, $0xb8;
	[tilespmem:$0x15800] =	vst v63  }
0x68: {  	_ =	swait.ge [sflag:s29], $0x2000  }
0x69: {  	[sflag:s29] =	ssyncset.done $0x0  }
.LBB2_5:
0x6a: {  	[sflag:s29] =	ssyncadd.s32 $0xFFFFE000  }
0x6b: {  	_ =	swait.ge [sflag:s31], $0x2000  }
0x6c: {  	[sflag:s31] =	ssyncset.done $0x0  }
0x6d: {  	s7 =	rddreg [dreg:$0x5];
	[sflag:s31] =	ssyncadd.s32 $0xFFFFE000  }
0x6e: {  	[tilespmem:s1], [sflag:$0x2] =	stream.indirect.gather [hbm4b:s4+s30], $0x40, s7, s30, $0xb8;
	[tilespmem:$0x15800] =	vst v63  }
0x6f: {  	s9 =	rddreg [dreg:$0x6]  }
0x70: {  	[spmem:s2] =	stream.indirect.scatter.add.f32 [tilespmem:s28], [sflag:$0x3], $0x40, s9, s30, $0xb8;
	[tilespmem:$0x15800] =	vst v63  }
0x71: {  	_ =	swait.ge [sflag:s29], $0x2000  }
0x72: {  	[sflag:s29] =	ssyncset.done $0x0  }
0x73: {  	[sflag:s29] =	ssyncadd.s32 $0xFFFFE000  }
0x74: {  	_ =	swait.ge [sflag:s0], $0x2000  }
0x75: {  	[sflag:s0] =	ssyncset.done $0x0  }
0x76: {  	s10 =	rddreg [dreg:$0x7];
	[sflag:s0] =	ssyncadd.s32 $0xFFFFE000  }
0x77: {  	[spmem:s2] =	stream.indirect.scatter.add.f32 [tilespmem:s1], [sflag:$0x3], $0x40, s10, s30, $0xb8;
	[tilespmem:$0x15800] =	vst v63  }
0x78: {  	_ =	swait.ge [sflag:s29], $0x2000  }
0x79: {  	[sflag:s29] =	ssyncset.done $0x0  }
0x7a: {  	[sflag:s29] =	ssyncadd.s32 $0xFFFFE000  }
0x7b: {  	[bflag:$0x0] =	sbarrier.arrive $0xFFFF  }
0x7c: {  	[tilespmem:s28], [sflag:$0x3] =	stream.linear.gather [spmem:s11], $0x2000, $0x38;
	[tilespmem:$0x15800] =	vst v63  }
0x7d: {  	_ =	swait.ge [sflag:s29], $0x2000  }
0x7e: {  	[sflag:s29] =	ssyncset.done $0x0  }
0x7f: {  	[sflag:s29] =	ssyncadd.s32 $0xFFFFE000  }
0x80: {  	[hbm4b:s15+s3] =	stream.linear.scatter [tilespmem:s28], [sflag:$0x3], $0x2000, $0x38;
	[tilespmem:$0x15800] =	vst v63  }
0x81: {  	_ =	swait.ge [sflag:s29], $0x2000  }
0x82: {  	[sflag:s29] =	ssyncset.done $0x0  }
0x83: {  	[sflag:s29] =	ssyncadd.s32 $0xFFFFE000  }
0x84: {  	[tilespmem:s28], [sflag:$0x3] =	stream.linear.gather [spmem:s21], $0x2000, $0x38;
	[tilespmem:$0x15800] =	vst v63  }
0x85: {  	_ =	swait.ge [sflag:s29], $0x2000  }
0x86: {  	[sflag:s29] =	ssyncset.done $0x0  }
0x87: {  	[sflag:s29] =	ssyncadd.s32 $0xFFFFE000  }
0x88: {  	[hbm4b:s16+s3] =	stream.linear.scatter [tilespmem:s28], [sflag:$0x3], $0x2000, $0x38;
	[tilespmem:$0x15800] =	vst v63  }
0x89: {  	_ =	swait.ge [sflag:s29], $0x2000  }
0x8a: {  	[sflag:s29] =	ssyncset.done $0x0  }
0x8b: {  	[sflag:s29] =	ssyncadd.s32 $0xFFFFE000  }
0x8c: {  	[tilespmem:s28], [sflag:$0x3] =	stream.linear.gather [spmem:s22], $0x2000, $0x38;
	[tilespmem:$0x15800] =	vst v63  }
0x8d: {  	_ =	swait.ge [sflag:s29], $0x2000  }
0x8e: {  	[sflag:s29] =	ssyncset.done $0x0  }
0x8f: {  	[sflag:s29] =	ssyncadd.s32 $0xFFFFE000  }
0x90: {  	[hbm4b:s17+s3] =	stream.linear.scatter [tilespmem:s28], [sflag:$0x3], $0x2000, $0x38;
	[tilespmem:$0x15800] =	vst v63  }
0x91: {  	_ =	swait.ge [sflag:s29], $0x2000  }
0x92: {  	[sflag:s29] =	ssyncset.done $0x0  }
0x93: {  	[sflag:s29] =	ssyncadd.s32 $0xFFFFE000  }
0x94: {  	[tilespmem:s28], [sflag:$0x3] =	stream.linear.gather [spmem:s23], $0x2000, $0x38;
	[tilespmem:$0x15800] =	vst v63  }
0x95: {  	_ =	swait.ge [sflag:s29], $0x2000  }
0x96: {  	[sflag:s29] =	ssyncset.done $0x0  }
0x97: {  	[sflag:s29] =	ssyncadd.s32 $0xFFFFE000  }
0x98: {  	[hbm4b:s18+s3] =	stream.linear.scatter [tilespmem:s28], [sflag:$0x3], $0x2000, $0x38;
	[tilespmem:$0x15800] =	vst v63  }
0x99: {  	_ =	swait.ge [sflag:s29], $0x2000  }
0x9a: {  	[sflag:s29] =	ssyncset.done $0x0  }
0x9b: {  	[sflag:s29] =	ssyncadd.s32 $0xFFFFE000  }
0x9c: {  	[tilespmem:s28], [sflag:$0x3] =	stream.linear.gather [spmem:s24], $0x2000, $0x38;
	[tilespmem:$0x15800] =	vst v63  }
0x9d: {  	s6 =	sadd.s32 $0x1, s6;
	_ =	swait.ge [sflag:s29], $0x2000  }
0x9e: {  	p0 =	sne.s32 s6, s12;
	[sflag:s29] =	ssyncset.done $0x0  }
.Ltmp3:
0x9f: {  	[sflag:s29] =	ssyncadd.s32 $0xFFFFE000;
	(pc) =	sbr.rel @p0 .LBB2_1-.Ltmp3, $4  }
0xa0: {  	[hbm4b:s19+s3] =	stream.linear.scatter [tilespmem:s28], [sflag:$0x3], $0x2000, $0x38;
	[tilespmem:$0x15800] =	vst v63  }
0xa1: {  	_ =	swait.ge [sflag:s29], $0x2000  }
0xa2: {  	[sflag:s29] =	ssyncset.done $0x0  }
0xa3: {  	[sflag:s29] =	ssyncadd.s32 $0xFFFFE000  }
0xa4: {  	_ =	sfence.sel $0x180000  }
0xa5: {  	[bflag:$0x0] =	sbarrier.arrive $0xFFFF  }
0xa6: {  	_ =	strace $0x9000004A  }
0xa7: {  	s0 =	stileid.u32;
	[bflag:$0x2] =	sbarrier.arrive $0xFFFF  }
0xa8: {  	p0 =	sne.s32 s0, $0x0;
	s0 =	rddreg [dreg:$0x2]  }
0xa9: {  	s0 =	sadd.s32 @!p0 $0x100000, s0  }
0xaa: {  	[sflag:s0] =	ssyncadd.tile.s32 @!p0 $0x1;
	_ =	shalt  }
.Lfunc_end2:
_tile_overlayer_lowered:
.L_overlay_start_2:
0xab: {  	(tag) =	ssettag $0x2  }
0xac: {  	s0 =	rddreg [dreg:$0x0];
	s2 =	stileid.u32  }
0xad: {  	s1 =	rddreg [dreg:$0x1];
	p0 =	sne.s32 s2, $0x0  }
0xae: {  	s3 =	rddreg [dreg:$0x2];
	[bflag:$0x3] =	sbarrier.arrive $0xFFFF;
	s2 =	simm.s32 @!p0 $0x1C03  }
0xaf: {  	[timem:s3], [sflag:s2] =	dma.local @!p0 [hbm:s0], s1  }
0xb0: {  	s0 =	simm.s32 @!p0 $0x3  }
0xb1: {  	_ =	swait.ge @!p0 [sflag:s0], s1  }
0xb2: {  	s1 =	ssub.s32 @!p0 $0x0, s1;
	[sflag:s0] =	ssyncset.done @!p0 $0x0  }
0xb3: {  	[sflag:s0] =	ssyncadd.s32 @!p0 s1  }
0xb4: {  	[bflag:$0x3] =	sbarrier.arrive $0xFFFF  }
0xb5: {  	_ =	shalt  }

// kernel: kernel.19.cloned.1.call-start
scs
__scs_entry_jumppad:
0x0: {  	(pc) =	sbr.rel $0x88, $3  }
0x1: {  	(tag) =	ssettag $0x0;
	lr =	simm.s32 $0x1  }
0x2: {  	[smem:$0x3F82] =	sst lr;
	_ =	strace $0xD0000000  }
0x3: {  	_ = 	snop  }
0x4: {  	_ = 	snop  }
0x5: {  	_ = 	snop  }
0x6: {  	_ = 	snop  }
0x7: {  	_ = 	snop  }
__scs_overlays_trampoline_lowered:
0x8: {  	[smem:$0x3F91] =	sst s0  }
0x9: {  	[smem:$0x3F92] =	sst s1  }
0xa: {  	[smem:$0x3F93] =	sst s2  }
0xb: {  	[smem:$0x3F94] =	sst s3  }
0xc: {  	[smem:$0x3F95] =	sst s4  }
0xd: {  	[smem:$0x3F96] =	sst s5  }
0xe: {  	[smem:$0x3F97] =	sst s6  }
0xf: {  	[smem:$0x3F98] =	sst s7  }
0x10: {  	[smem:$0x3F99] =	sst s8  }
0x11: {  	[smem:$0x3F9A] =	sst s9;
	s0 =	simm.s32 @!p0 $0x0  }
0x12: {  	s1 =	sld [smem:$0x3F80];
	s0 =	simm.s32 @p0 $0x1  }
0x13: {  	[smem:$0x3F9B] =	sst s0;
	s0 =	simm.s32 @!p1 $0x0  }
0x14: {  	s2 =	sld [smem:$0x3F7F];
	s0 =	simm.s32 @p1 $0x1  }
0x15: {  	[smem:$0x3F9C] =	sst s0;
	s0 =	simm.s32 @!p2 $0x0  }
0x16: {  	s3 =	sld [smem:$0x3FDB];
	s0 =	simm.s32 @p2 $0x1  }
0x17: {  	s4 =	simm.s32 $0x1BF5;
	[smem:$0x3F9E] =	sst s0  }
0x18: {  	s0 =	sld [smem:$0x3F81];
	_ =	swait.ge [sflag:s4], $0x0  }
0x19: {  	s7 =	sld [smem:$0x3F82]  }
0x1a: {  	s8 =	sadd.s32 $0xFFFFE003, lr  }
0x1b: {  	s9 =	sadd.s32 $0xFFFFFEF7, lr;
	s5 =	simm.s32 $0xFFFFFFFF;
	p2 =	slt.u32 s8, $0xFFFFF086  }
0x1c: {  	p1 =	slt.u32 s9, $0xF7A;
	s5 =	simm.s32 @!p2 $0x0  }
0x1d: {  	s5 =	simm.s32 @p1 $0x1;
	p0 =	seq.s32 s7, s2  }
0x1e: {  	s7 =	smul.u32 @!p0 $0xF7A, s2;
	p2 =	seq.s32 @!p0 s5, $0x0  }
0x1f: {  	s9 =	smul.u32 $0xF7A, s1;
	s8 =	simm.s32 @!p0 $0x1BF5;
	p2 =	por !p2, p0  }
0x20: {  	[sflag:s8] =	ssyncset.s32 @!p0 $0xFFFFF086;
	s6 =	sadd.s32 @!p0 s3, s7;
	s7 =	simm.s32 @!p0 $0x108  }
0x21: {  	s3 =	sadd.s32 s3, s9;
	s6 =	sadd.s32 @!p0 $0x88, s6;
	s7 =	simm.s32 @p2 $0x1082  }
0x22: {  	[simem:s7], [sflag:s8] =	dma.local @!p0 [hbm:s6], $0xF7A  }
0x23: {  	s9 =	sor.u32 $0xD0000000, s2;
	s6 =	simm.s32 $0x108;
	_ =	swait.ge @!p0 [sflag:s8], $0x0  }
0x24: {  	s3 =	sadd.s32 $0x88, s3;
	s6 =	simm.s32 @!p1 $0x1082;
	[sflag:s4] =	ssyncset.s32 $0xFFFFF086  }
0x25: {  	[simem:s6], [sflag:s4] =	dma.local [hbm:s3], $0xF7A  }
0x26: {  	[smem:$0x3F82] =	sst s1;
	(tag) =	ssettag s2;
	_ =	strace s9  }
0x27: {  	s1 =	sld [smem:$0x3F92]  }
0x28: {  	s2 =	sld [smem:$0x3F93]  }
0x29: {  	s4 =	sld [smem:$0x3F95]  }
0x2a: {  	p0 =	seq.s32 s5, $0x0;
	s5 =	sld [smem:$0x3F96]  }
0x2b: {  	s6 =	sld [smem:$0x3F97]  }
0x2c: {  	s7 =	sld [smem:$0x3F98]  }
0x2d: {  	s3 =	simm.s32 $0x108;
	s8 =	sld [smem:$0x3F99]  }
0x2e: {  	s3 =	simm.s32 @!p0 $0x1082;
	s9 =	sld [smem:$0x3F9A]  }
0x2f: {  	lr =	sadd.s32 s0, s3;
	s0 =	sld [smem:$0x3F91]  }
0x30: {  	s3 =	sld [smem:$0x3F94]  }
0x31: {  	[smem:$0x3F9D] =	sst s10  }
0x32: {  	s10 =	sld [smem:$0x3F9B];
	_ =	sdelay $0x3  }
0x33: {  	p0 =	seq.s32 s10, $0x1;
	s10 =	sld [smem:$0x3F9D];
	_ =	sdelay $0x3  }
0x34: {  	[smem:$0x3F9D] =	sst s10  }
0x35: {  	s10 =	sld [smem:$0x3F9C];
	_ =	sdelay $0x3  }
0x36: {  	p1 =	seq.s32 s10, $0x1;
	s10 =	sld [smem:$0x3F9D];
	_ =	sdelay $0x3  }
0x37: {  	[smem:$0x3F9D] =	sst s10  }
0x38: {  	s10 =	sld [smem:$0x3F9E]  }
0x39: {  	_ = 	snop;
	(pc) =	sbr.ind lr, $3  }
0x3a: {  	_ = 	snop  }
0x3b: {  	_ = 	snop  }
0x3c: {  	p2 =	seq.s32 s10, $0x1;
	s10 =	sld [smem:$0x3F9D]  }
0x3d: {  	_ =	shalt  }
0x3e: {  	_ =	shalt  }
0x3f: {  	_ =	shalt  }
0x40: {  	_ =	shalt  }
0x41: {  	_ =	shalt  }
0x42: {  	_ =	shalt  }
0x43: {  	_ =	shalt  }
0x44: {  	_ =	shalt  }
0x45: {  	_ =	shalt  }
0x46: {  	_ =	shalt  }
0x47: {  	_ =	shalt  }
0x48: {  	_ =	shalt  }
0x49: {  	_ =	shalt  }
0x4a: {  	_ =	shalt  }
0x4b: {  	_ =	shalt  }
0x4c: {  	_ =	shalt  }
0x4d: {  	_ =	shalt  }
0x4e: {  	_ =	shalt  }
0x4f: {  	_ =	shalt  }
0x50: {  	_ =	shalt  }
0x51: {  	_ =	shalt  }
0x52: {  	_ =	shalt  }
0x53: {  	_ =	shalt  }
0x54: {  	_ =	shalt  }
0x55: {  	_ =	shalt  }
0x56: {  	_ =	shalt  }
0x57: {  	_ =	shalt  }
0x58: {  	_ =	shalt  }
0x59: {  	_ =	shalt  }
0x5a: {  	_ =	shalt  }
0x5b: {  	_ =	shalt  }
0x5c: {  	_ =	shalt  }
0x5d: {  	_ =	shalt  }
0x5e: {  	_ =	shalt  }
0x5f: {  	_ =	shalt  }
0x60: {  	_ =	shalt  }
0x61: {  	_ =	shalt  }
0x62: {  	_ =	shalt  }
0x63: {  	_ =	shalt  }
0x64: {  	_ =	shalt  }
0x65: {  	_ =	shalt  }
0x66: {  	_ =	shalt  }
0x67: {  	_ =	shalt  }
0x68: {  	_ =	shalt  }
0x69: {  	_ =	shalt  }
0x6a: {  	_ =	shalt  }
0x6b: {  	_ =	shalt  }
0x6c: {  	_ =	shalt  }
0x6d: {  	_ =	shalt  }
0x6e: {  	_ =	shalt  }
0x6f: {  	_ =	shalt  }
0x70: {  	_ =	shalt  }
0x71: {  	_ =	shalt  }
0x72: {  	_ =	shalt  }
0x73: {  	_ =	shalt  }
0x74: {  	_ =	shalt  }
0x75: {  	_ =	shalt  }
0x76: {  	_ =	shalt  }
0x77: {  	_ =	shalt  }
0x78: {  	_ =	shalt  }
0x79: {  	_ =	shalt  }
0x7a: {  	_ =	shalt  }
0x7b: {  	_ =	shalt  }
0x7c: {  	_ =	shalt  }
0x7d: {  	_ =	shalt  }
0x7e: {  	_ =	shalt  }
0x7f: {  	_ =	shalt  }
0x80: {  	_ =	shalt  }
0x81: {  	_ =	shalt  }
0x82: {  	_ =	shalt  }
0x83: {  	_ =	shalt  }
0x84: {  	_ =	shalt  }
0x85: {  	_ =	shalt  }
0x86: {  	_ =	shalt  }
0x87: {  	_ =	shalt  }
.Lfunc_end0:
.L_simem_size_0:
called_computation.3_lowered:
.L_overlay_start_0:
0x88: {  	s2 =	sld [smem:$0x3FD9]  }
0x89: {  	s3 =	sld [smem:$0x3FFE];
	_ =	sdelay $0x1  }
0x8a: {  	s1 =	srdreg.scid  }
0x8b: {  	s0 =	sand.u32 $0x1, s1  }
0x8c: {  	s17 =	sshll.u32 s0, $0xA;
	s2 =	sadd.s32 s3, s2  }
0x8d: {  	s2 =	sadd.s32 s2, s17  }
0x8e: {  	[smem:$0x3FA9] =	sst s2  }
0x8f: {  	_ = 	snop  }
0x90: {  	(tm) =	ssettm $0x1  }
0x91: {  	s18 =	sld [smem:$0x3FFB];
	_ =	sdelay $0x3  }
0x92: {  	_ =	strace s18  }
0x93: {  	s2 =	sld [smem:$0x3FFC];
	_ =	sdelay $0x3  }
0x94: {  	_ =	strace s2  }
0x95: {  	s2 =	sld [smem:$0x3FFD];
	_ =	sdelay $0x3  }
0x96: {  	_ =	strace s2  }
0x97: {  	_ =	strace $0x8FFFFFFF  }
0x98: {  	s19 =	sld [smem:$0x3FDB];
	_ =	sdelay $0x1  }
0x99: {  	s20 =	simm.s32 $_scs_section_size  }
0x9a: {  	s4 =	simm.s32 $_size__tile_overlayer_lowered;
	s5 =	simm.s32 $_tile_overlayer_lowered  }
0x9b: {  	s6 =	simm.s32 $0x1BFF;
	s21 =	sshll.u32 s5, $0x1;
	s3 =	sadd.s32 s20, s19  }
0x9c: {  	s22 =	simm.s32 $0x0;
	s4 =	sshll.u32 s4, $0x1;
	s5 =	sadd.s32 s21, s3  }
0x9d: {  	[timem:s22], [sflag:s6] =	dma.local [hbm:s5], s4  }
0x9e: {  	_ =	swait.ge [sflag:s6], s4  }
0x9f: {  	s4 =	ssub.s32 $0x0, s4;
	[sflag:s6] =	ssyncset.done $0x0  }
0xa0: {  	[sflag:s6] =	ssyncadd.s32 s4;
	_ =	sdelay $0x1  }
0xa1: {  	s23 =	simm.s32 $0x1B8B  }
0xa2: {  	_ =	swait.ge [sflag:s23], $0x1  }
0xa3: {  	[sflag:s23] =	ssyncset.done $0x0  }
0xa4: {  	[sflag:s23] =	ssyncadd.s32 $0xFFFFFFFF  }
0xa5: {  	s4 =	sld [smem:$0x0]  }
0xa6: {  	s5 =	sand.u32 $0xFFFFFFFE, s1  }
0xa7: {  	p0 =	sne.s32 s1, s5  }
0xa8: {  	s5 =	sshll.u32 @p0 s5, $0xE  }
0xa9: {  	s5 =	sadd.s32 @p0 $0x11B8D, s5;
	s6 =	sshll.u32 @p0 s4, $0x11  }
0xaa: {  	s5 =	sor.u32 @p0 s6, s5  }
0xab: {  	[sflag:s5] =	ssyncadd.remote.s32 @p0 $0x1;
	_ =	sdelay $0x1  }
0xac: {  	s5 =	simm.s32 @p0 $0x1B8D  }
0xad: {  	_ =	swait.eq @p0 [sflag:s5], $0x1  }
0xae: {  	[sflag:s5] =	ssyncadd.s32 @p0 $0xFFFFFFFF  }
0xaf: {  	s6 =	sshll.u32 @!p0 s1, $0xE  }
0xb0: {  	s6 =	sor.u32 @!p0 $0x4000, s6;
	s5 =	simm.s32 @!p0 $0x1B8D  }
0xb1: {  	s4 =	sshll.u32 @!p0 s4, $0x11;
	s6 =	sadd.s32 @!p0 $0x11B8D, s6;
	_ =	swait.eq @!p0 [sflag:s5], $0x1  }
0xb2: {  	s4 =	sor.u32 @!p0 s4, s6;
	[sflag:s5] =	ssyncadd.s32 @!p0 $0xFFFFFFFF  }
0xb3: {  	s25 =	simm.s32 $0x1B8E;
	s24 =	sld [smem:$0x3FFE];
	[sflag:s4] =	ssyncadd.remote.s32 @!p0 $0x1  }
0xb4: {  	s26 =	simm.s32 $execute0_lowered;
	[smem:$0x3FD2] =	sst s25  }
0xb5: {  	s5 =	sshll.u32 s26, $0x1;
	_ =	strace $0x80000052;
	[dreg:$0x1] =	wrdreg $0xFFFFFFFF  }
0xb6: {  	s28 =	simm.s32 $_size_execute0_lowered;
	s3 =	sadd.s32 s3, s5;
	[dreg:$0x0] =	wrdreg $0x0  }
0xb7: {  	s5 =	sshll.u32 s28, $0x1;
	[dreg:$0x2] =	wrdreg s3  }
0xb8: {  	[dreg:$0x3] =	wrdreg s5  }
0xb9: {  	[dreg:$0x4] =	wrdreg $0xC0  }
0xba: {  	_ =	task [dreg:s22], $0x5FFFF  }
0xbb: {  	[dreg:$0x1] =	wrdreg $0xFFFFFFFF  }
0xbc: {  	[dreg:$0x0] =	wrdreg $0x60  }
0xbd: {  	[dreg:$0x2] =	wrdreg s24  }
0xbe: {  	[dreg:$0x3] =	wrdreg $0xB8000  }
0xbf: {  	[dreg:$0x4] =	wrdreg $0x9  }
0xc0: {  	_ =	task.clear_ibuf [dreg:s22], $0x5FFFF;
	_ =	strace $0x90000052  }
0xc1: {  	s29 =	simm.s32 $0x9;
	_ =	strace $0x80000054  }
0xc2: {  	_ =	swait.ge [sflag:s29], $0x1  }
0xc3: {  	[sflag:s29] =	ssyncadd.s32 $0xFFFFFFFF  }
0xc4: {  	_ =	strace $0x90000054  }
0xc5: {  	_ =	sfence  }
0xc6: {  	s30 =	sld [smem:$0x0];
	_ =	sdelay $0x2  }
0xc7: {  	s31 =	sshll.u32 s1, $0xD;
	s1 =	sshrl.u32 s1, $0x2  }
0xc8: {  	s4 =	sand.u32 $0x4000, s31;
	s1 =	sadd.s32 s1, s30  }
0xc9: {  	s0 =	sor.u32 s4, s0;
	s1 =	sshll.u32 s1, $0x11  }
0xca: {  	s0 =	sor.u32 s1, s0  }
0xcb: {  	s0 =	sadd.s32 $0x8F2B, s0  }
0xcc: {  	[sflag:s0] =	ssyncadd.remote.s32 $0x1  }
0xcd: {  	_ =	sfence.sel $0xFFFF  }
0xce: {  	[dreg:$0x0] =	wrdreg $0xFFFFFFFF;
	(pc) =	sbr.abs _section_cstart, $3  }
0xcf: {  	[dreg:$0x1] =	wrdreg $0xFFFFFFFF  }
0xd0: {  	_ =	task.clear_ibuf [dreg:s22], $0x2FFFF;
	_ =	strace $0x9FFFFFFF  }
0xd1: {  	(tm) =	ssettm $0x7FFFFFFF  }
tec
execute0_lowered:
.L_overlay_start_1:
0x0: {  	(tag) =	ssettag $0x1  }
0x1: {  	s0 =	srdreg.scid  }
0x2: {  	s1 =	rddreg [dreg:$0x0];
	s10 =	stileid.u32  }
0x3: {  	s6 =	simm.s32 $0x78;
	s2 =	rddreg [dreg:$0x1];
	s3 =	simm.s32 $0x0  }
0x4: {  	s28 =	simm.s32 $0x7800;
	s29 =	simm.s32 $0x3;
	s30 =	simm.s32 $0x80  }
0x5: {  	s31 =	simm.s32 $0x1;
	s0 =	sand.u32 $0x1, s0;
	s17 =	smul.u32 $0x28000, s10  }
0x6: {  	[smem:$0x7FF] =	sst s3;
	s20 =	smul.u32 $0xA000, s10;
	p0 =	seq.s32 s0, $0x0  }
0x7: {  	s4 =	smul.u32 $0x780, s0;
	_ =	strace $0x80000053;
	s8 =	ssub.s32 $0x2, s0  }
0x8: {  	s0 =	smul.u32 $0xA0000, s0;
	s6 =	simm.s32 @!p0 $0x28;
	s9 =	sshrl.u32 s8, $0x1  }
0x9: {  	s11 =	sadd.s32 s20, s2;
	s24 =	sadd.s32 $0x2000, s20;
	s26 =	sadd.s32 $0x4000, s20  }
0xa: {  	s5 =	smul.u32 s10, s6;
	s8 =	ssub.s32 s8, s9;
	s19 =	sshll.u32 s6, $0x7  }
0xb: {  	s6 =	sshrl.u32 s6, $0x1;
	s23 =	sadd.s32 s0, s20;
	s16 =	sadd.s32 s0, s24  }
0xc: {  	s9 =	sadd.s32 $0x8000, s20;
	s21 =	sadd.s32 $0xFFFFFF80, s19;
	s22 =	sadd.s32 $0x3B00, s19  }
0xd: {  	s12 =	smax.u32 s8, $0x1;
	s25 =	sshrl.u32 s16, $0x3;
	[dreg:$0x5] =	wrdreg s21  }
0xe: {  	s4 =	sadd.s32 s4, s5;
	s5 =	sshrl.u32 s17, $0x2;
	[dreg:$0x6] =	wrdreg s22  }
0xf: {  	s17 =	sadd.s32 s0, s26;
	s21 =	sadd.s32 s24, s2;
	s22 =	sadd.s32 s26, s2  }
0x10: {  	s24 =	sadd.s32 s9, s2;
	s4 =	sshll.u32 s4, $0x4;
	s5 =	sadd.s32 s5, s2  }
0x11: {  	s17 =	sshrl.u32 s17, $0x3;
	s7 =	sadd.s32 s4, s1;
	s4 =	sadd.s32 $0x144800, s1  }
0x12: {  	s1 =	sadd.s32 $0x18800, s1;
	s13 =	sadd.s32 $0x2000, s5;
	s14 =	sadd.s32 $0x4000, s5  }
0x13: {  	s26 =	sadd.s32 $0x8000, s5;
	s18 =	sadd.s32 $0xE200, s7;
	s7 =	sadd.s32 $0x3200, s7  }
0x14: {  	s16 =	sadd.s32 s1, s25;
	s17 =	sadd.s32 s1, s17;
	s25 =	sadd.s32 $0xFFFFFFFF, s6  }
0x15: {  	s6 =	simm.s32 $0x0;
	[dreg:$0x4] =	wrdreg s7;
	s7 =	sadd.s32 $0x3B80, s19  }
0x16: {  	[dreg:$0x7] =	wrdreg s7;
	s7 =	sshrl.u32 s23, $0x3;
	s23 =	sadd.s32 $0x6000, s20  }
0x17: {  	[dreg:$0x3] =	wrdreg s18;
	s20 =	sadd.s32 $0x6000, s5;
	s18 =	sadd.s32 s0, s23  }
0x18: {  	s15 =	sadd.s32 s1, s7;
	s0 =	sadd.s32 s0, s9;
	s18 =	sshrl.u32 s18, $0x3  }
0x19: {  	s23 =	sadd.s32 s23, s2;
	s0 =	sshrl.u32 s0, $0x3;
	s18 =	sadd.s32 s1, s18  }
0x1a: {  	v0 =	vimm.f32 $0.0e+00;
	s19 =	sadd.s32 s1, s0;
	s1 =	simm.s32 $0x9800;
	s0 =	simm.s32 $0x2  }
.LBB2_1:
0x1b: {  	s8 =	simm.s32 $0x100;
	s7 =	simm.s32 $0x0  }
.LBB2_2:
0x1c: {  	p0 =	sne.s32 s8, $0x7F00;
	[tilespmem:s7+$0x7830] =	vst v0;
	s9 =	smov.u32 s8;
	s8 =	sadd.s32 $0x100, s8  }
.Ltmp0:
0x1d: {  	[tilespmem:s7+$0x7820] =	vst v0;
	(pc) =	sbr.rel @p0 .LBB2_2-.Ltmp0, $3  }
0x1e: {  	[tilespmem:s7+$0x7800] =	vst v0  }
0x1f: {  	[tilespmem:s7+$0x7810] =	vst v0;
	_ =	sdelay $0x1  }
0x20: {  	s7 =	sshra.s32 s9, $0x2  }
0x21: {  	[tilespmem:s7+$0x7830] =	vst v0  }
0x22: {  	[tilespmem:s7+$0x7820] =	vst v0  }
0x23: {  	[tilespmem:s7+$0x7800] =	vst v0  }
0x24: {  	[tilespmem:s7+$0x7810] =	vst v0  }
0x25: {  	[spmem:s5] =	stream.linear.scatter [tilespmem:s28], [sflag:$0x3], $0x2000, $0x38;
	[tilespmem:$0x15800] =	vst v63  }
0x26: {  	_ =	swait.ge [sflag:s29], $0x2000  }
0x27: {  	[sflag:s29] =	ssyncset.done $0x0  }
0x28: {  	[sflag:s29] =	ssyncadd.s32 $0xFFFFE000  }
0x29: {  	[spmem:s13] =	stream.linear.scatter [tilespmem:s28], [sflag:$0x3], $0x2000, $0x38;
	[tilespmem:$0x15800] =	vst v63  }
0x2a: {  	_ =	swait.ge [sflag:s29], $0x2000  }
0x2b: {  	[sflag:s29] =	ssyncset.done $0x0  }
0x2c: {  	[sflag:s29] =	ssyncadd.s32 $0xFFFFE000  }
0x2d: {  	[spmem:s14] =	stream.linear.scatter [tilespmem:s28], [sflag:$0x3], $0x2000, $0x38;
	[tilespmem:$0x15800] =	vst v63  }
0x2e: {  	_ =	swait.ge [sflag:s29], $0x2000  }
0x2f: {  	[sflag:s29] =	ssyncset.done $0x0  }
0x30: {  	[sflag:s29] =	ssyncadd.s32 $0xFFFFE000  }
0x31: {  	[spmem:s20] =	stream.linear.scatter [tilespmem:s28], [sflag:$0x3], $0x2000, $0x38;
	[tilespmem:$0x15800] =	vst v63  }
0x32: {  	_ =	swait.ge [sflag:s29], $0x2000  }
0x33: {  	[sflag:s29] =	ssyncset.done $0x0  }
0x34: {  	[sflag:s29] =	ssyncadd.s32 $0xFFFFE000  }
0x35: {  	[spmem:s26] =	stream.linear.scatter [tilespmem:s28], [sflag:$0x3], $0x2000, $0x38;
	[tilespmem:$0x15800] =	vst v63  }
0x36: {  	_ =	swait.ge [sflag:s29], $0x2000  }
0x37: {  	[sflag:s29] =	ssyncset.done $0x0  }
0x38: {  	[sflag:s29] =	ssyncadd.s32 $0xFFFFE000  }
0x39: {  	[bflag:$0x0] =	sbarrier.arrive $0xFFFF  }
0x3a: {  	s9 =	rddreg [dreg:$0x3]  }
0x3b: {  	[tilespmem:s3], [sflag:$0x3] =	stream.linear.gather [hbm4b:s9+s3], $0x3C00, $0x38;
	[tilespmem:$0x15800] =	vst v63  }
0x3c: {  	_ =	swait.ge [sflag:s29], $0x3C00  }
0x3d: {  	[sflag:s29] =	ssyncset.done $0x0  }
0x3e: {  	s7 =	simm.s32 $0x3C00;
	s8 =	rddreg [dreg:$0x4];
	[sflag:s29] =	ssyncadd.s32 $0xFFFFC400  }
0x3f: {  	[tilespmem:s7], [sflag:$0x3] =	stream.linear.gather [hbm4b:s8+s3], $0x3C00, $0x38;
	[tilespmem:$0x15800] =	vst v63  }
0x40: {  	_ =	swait.ge [sflag:s29], $0x3C00  }
0x41: {  	[sflag:s29] =	ssyncset.done $0x0  }
0x42: {  	[sflag:s29] =	ssyncadd.s32 $0xFFFFC400  }
0x43: {  	[tilespmem:s28], [sflag:$0x1] =	stream.indirect.gather [hbm4b:s4+s30], $0x40, s3, s30, $0xb8;
	[tilespmem:$0x15800] =	vst v63  }
0x44: {  	_ =	swait.ge [sflag:s31], $0x2000  }
0x45: {  	[sflag:s31] =	ssyncset.done $0x0  }
0x46: {  	s10 =	simm.s32 $0x80;
	[sflag:s31] =	ssyncadd.s32 $0xFFFFE000  }
0x47: {  	[tilespmem:s1], [sflag:$0x2] =	stream.indirect.gather [hbm4b:s4+s30], $0x40, s10, s30, $0xb8;
	[tilespmem:$0x15800] =	vst v63  }
0x48: {  	_ = 	snop  }
0x49: {  	[spmem:s2] =	stream.indirect.scatter.add.f32 [tilespmem:s28], [sflag:$0x3], $0x40, s7, s30, $0xb8;
	[tilespmem:$0x15800] =	vst v63  }
0x4a: {  	_ =	swait.ge [sflag:s29], $0x2000  }
0x4b: {  	[sflag:s29] =	ssyncset.done $0x0  }
0x4c: {  	[sflag:s29] =	ssyncadd.s32 $0xFFFFE000  }
0x4d: {  	_ =	swait.ge [sflag:s0], $0x2000  }
0x4e: {  	[sflag:s0] =	ssyncset.done $0x0  }
0x4f: {  	p0 =	sne.s32 s25, $0x1;
	s8 =	simm.s32 $0x100;
	[sflag:s0] =	ssyncadd.s32 $0xFFFFE000  }
0x50: {  	[tilespmem:s28], [sflag:$0x1] =	stream.indirect.gather [hbm4b:s4+s30], $0x40, s8, s30, $0xb8;
	[tilespmem:$0x15800] =	vst v63  }
.Ltmp1:
0x51: {  	_ = 	snop;
	(pc) =	sbr.rel @!p0 .LBB2_5-.Ltmp1, $4  }
0x52: {  	s9 =	simm.s32 $0x3C80  }
0x53: {  	[spmem:s2] =	stream.indirect.scatter.add.f32 [tilespmem:s1], [sflag:$0x3], $0x40, s9, s30, $0xb8;
	[tilespmem:$0x15800] =	vst v63  }
0x54: {  	_ =	swait.ge [sflag:s29], $0x2000  }
0x55: {  	s9 =	sadd.s32 $0xFFFFFFFF, s25;
	[sflag:s29] =	ssyncset.done $0x0  }
.LBB2_4:
0x56: {  	[sflag:s29] =	ssyncadd.s32 $0xFFFFE000;
	s8 =	sadd.s32 $0x100, s8;
	s7 =	sadd.s32 $0x100, s7  }
0x57: {  	p0 =	sne.s32 s9, $0x1;
	s9 =	sadd.s32 $0xFFFFFFFF, s9  }
0x58: {  	_ =	swait.ge [sflag:s31], $0x2000  }
0x59: {  	[sflag:s31] =	ssyncset.done $0x0  }
0x5a: {  	s10 =	sadd.s32 $0xFFFFFF80, s8;
	[sflag:s31] =	ssyncadd.s32 $0xFFFFE000  }
0x5b: {  	[tilespmem:s1], [sflag:$0x2] =	stream.indirect.gather [hbm4b:s4+s30], $0x40, s10, s30, $0xb8;
	[tilespmem:$0x15800] =	vst v63  }
0x5c: {  	_ = 	snop  }
0x5d: {  	[spmem:s2] =	stream.indirect.scatter.add.f32 [tilespmem:s28], [sflag:$0x3], $0x40, s7, s30, $0xb8;
	[tilespmem:$0x15800] =	vst v63  }
0x5e: {  	_ =	swait.ge [sflag:s29], $0x2000  }
0x5f: {  	[sflag:s29] =	ssyncset.done $0x0  }
0x60: {  	[sflag:s29] =	ssyncadd.s32 $0xFFFFE000  }
0x61: {  	_ =	swait.ge [sflag:s0], $0x2000  }
0x62: {  	[sflag:s0] =	ssyncset.done $0x0  }
0x63: {  	[sflag:s0] =	ssyncadd.s32 $0xFFFFE000  }
0x64: {  	[tilespmem:s28], [sflag:$0x1] =	stream.indirect.gather [hbm4b:s4+s30], $0x40, s8, s30, $0xb8;
	[tilespmem:$0x15800] =	vst v63  }
.Ltmp2:
0x65: {  	_ = 	snop;
	(pc) =	sbr.rel @p0 .LBB2_4-.Ltmp2, $4  }
0x66: {  	s10 =	sadd.s32 $0x80, s7  }
0x67: {  	[spmem:s2] =	stream.indirect.scatter.add.f32 [tilespmem:s1], [sflag:$0x3], $0x40, s10, s30, $0xb8;
	[tilespmem:$0x15800] =	vst v63  }
0x68: {  	_ =	swait.ge [sflag:s29], $0x2000  }
0x69: {  	[sflag:s29] =	ssyncset.done $0x0  }
.LBB2_5:
0x6a: {  	[sflag:s29] =	ssyncadd.s32 $0xFFFFE000  }
0x6b: {  	_ =	swait.ge [sflag:s31], $0x2000  }
0x6c: {  	[sflag:s31] =	ssyncset.done $0x0  }
0x6d: {  	s7 =	rddreg [dreg:$0x5];
	[sflag:s31] =	ssyncadd.s32 $0xFFFFE000  }
0x6e: {  	[tilespmem:s1], [sflag:$0x2] =	stream.indirect.gather [hbm4b:s4+s30], $0x40, s7, s30, $0xb8;
	[tilespmem:$0x15800] =	vst v63  }
0x6f: {  	s9 =	rddreg [dreg:$0x6]  }
0x70: {  	[spmem:s2] =	stream.indirect.scatter.add.f32 [tilespmem:s28], [sflag:$0x3], $0x40, s9, s30, $0xb8;
	[tilespmem:$0x15800] =	vst v63  }
0x71: {  	_ =	swait.ge [sflag:s29], $0x2000  }
0x72: {  	[sflag:s29] =	ssyncset.done $0x0  }
0x73: {  	[sflag:s29] =	ssyncadd.s32 $0xFFFFE000  }
0x74: {  	_ =	swait.ge [sflag:s0], $0x2000  }
0x75: {  	[sflag:s0] =	ssyncset.done $0x0  }
0x76: {  	s10 =	rddreg [dreg:$0x7];
	[sflag:s0] =	ssyncadd.s32 $0xFFFFE000  }
0x77: {  	[spmem:s2] =	stream.indirect.scatter.add.f32 [tilespmem:s1], [sflag:$0x3], $0x40, s10, s30, $0xb8;
	[tilespmem:$0x15800] =	vst v63  }
0x78: {  	_ =	swait.ge [sflag:s29], $0x2000  }
0x79: {  	[sflag:s29] =	ssyncset.done $0x0  }
0x7a: {  	[sflag:s29] =	ssyncadd.s32 $0xFFFFE000  }
0x7b: {  	[bflag:$0x0] =	sbarrier.arrive $0xFFFF  }
0x7c: {  	[tilespmem:s28], [sflag:$0x3] =	stream.linear.gather [spmem:s11], $0x2000, $0x38;
	[tilespmem:$0x15800] =	vst v63  }
0x7d: {  	_ =	swait.ge [sflag:s29], $0x2000  }
0x7e: {  	[sflag:s29] =	ssyncset.done $0x0  }
0x7f: {  	[sflag:s29] =	ssyncadd.s32 $0xFFFFE000  }
0x80: {  	[hbm4b:s15+s3] =	stream.linear.scatter [tilespmem:s28], [sflag:$0x3], $0x2000, $0x38;
	[tilespmem:$0x15800] =	vst v63  }
0x81: {  	_ =	swait.ge [sflag:s29], $0x2000  }
0x82: {  	[sflag:s29] =	ssyncset.done $0x0  }
0x83: {  	[sflag:s29] =	ssyncadd.s32 $0xFFFFE000  }
0x84: {  	[tilespmem:s28], [sflag:$0x3] =	stream.linear.gather [spmem:s21], $0x2000, $0x38;
	[tilespmem:$0x15800] =	vst v63  }
0x85: {  	_ =	swait.ge [sflag:s29], $0x2000  }
0x86: {  	[sflag:s29] =	ssyncset.done $0x0  }
0x87: {  	[sflag:s29] =	ssyncadd.s32 $0xFFFFE000  }
0x88: {  	[hbm4b:s16+s3] =	stream.linear.scatter [tilespmem:s28], [sflag:$0x3], $0x2000, $0x38;
	[tilespmem:$0x15800] =	vst v63  }
0x89: {  	_ =	swait.ge [sflag:s29], $0x2000  }
0x8a: {  	[sflag:s29] =	ssyncset.done $0x0  }
0x8b: {  	[sflag:s29] =	ssyncadd.s32 $0xFFFFE000  }
0x8c: {  	[tilespmem:s28], [sflag:$0x3] =	stream.linear.gather [spmem:s22], $0x2000, $0x38;
	[tilespmem:$0x15800] =	vst v63  }
0x8d: {  	_ =	swait.ge [sflag:s29], $0x2000  }
0x8e: {  	[sflag:s29] =	ssyncset.done $0x0  }
0x8f: {  	[sflag:s29] =	ssyncadd.s32 $0xFFFFE000  }
0x90: {  	[hbm4b:s17+s3] =	stream.linear.scatter [tilespmem:s28], [sflag:$0x3], $0x2000, $0x38;
	[tilespmem:$0x15800] =	vst v63  }
0x91: {  	_ =	swait.ge [sflag:s29], $0x2000  }
0x92: {  	[sflag:s29] =	ssyncset.done $0x0  }
0x93: {  	[sflag:s29] =	ssyncadd.s32 $0xFFFFE000  }
0x94: {  	[tilespmem:s28], [sflag:$0x3] =	stream.linear.gather [spmem:s23], $0x2000, $0x38;
	[tilespmem:$0x15800] =	vst v63  }
0x95: {  	_ =	swait.ge [sflag:s29], $0x2000  }
0x96: {  	[sflag:s29] =	ssyncset.done $0x0  }
0x97: {  	[sflag:s29] =	ssyncadd.s32 $0xFFFFE000  }
0x98: {  	[hbm4b:s18+s3] =	stream.linear.scatter [tilespmem:s28], [sflag:$0x3], $0x2000, $0x38;
	[tilespmem:$0x15800] =	vst v63  }
0x99: {  	_ =	swait.ge [sflag:s29], $0x2000  }
0x9a: {  	[sflag:s29] =	ssyncset.done $0x0  }
0x9b: {  	[sflag:s29] =	ssyncadd.s32 $0xFFFFE000  }
0x9c: {  	[tilespmem:s28], [sflag:$0x3] =	stream.linear.gather [spmem:s24], $0x2000, $0x38;
	[tilespmem:$0x15800] =	vst v63  }
0x9d: {  	s6 =	sadd.s32 $0x1, s6;
	_ =	swait.ge [sflag:s29], $0x2000  }
0x9e: {  	p0 =	sne.s32 s6, s12;
	[sflag:s29] =	ssyncset.done $0x0  }
.Ltmp3:
0x9f: {  	[sflag:s29] =	ssyncadd.s32 $0xFFFFE000;
	(pc) =	sbr.rel @p0 .LBB2_1-.Ltmp3, $4  }
0xa0: {  	[hbm4b:s19+s3] =	stream.linear.scatter [tilespmem:s28], [sflag:$0x3], $0x2000, $0x38;
	[tilespmem:$0x15800] =	vst v63  }
0xa1: {  	_ =	swait.ge [sflag:s29], $0x2000  }
0xa2: {  	[sflag:s29] =	ssyncset.done $0x0  }
0xa3: {  	[sflag:s29] =	ssyncadd.s32 $0xFFFFE000  }
0xa4: {  	_ =	sfence.sel $0x180000  }
0xa5: {  	[bflag:$0x0] =	sbarrier.arrive $0xFFFF  }
0xa6: {  	_ =	strace $0x90000053  }
0xa7: {  	s0 =	stileid.u32;
	[bflag:$0x2] =	sbarrier.arrive $0xFFFF  }
0xa8: {  	p0 =	sne.s32 s0, $0x0;
	s0 =	rddreg [dreg:$0x2]  }
0xa9: {  	s0 =	sadd.s32 @!p0 $0x100000, s0  }
0xaa: {  	[sflag:s0] =	ssyncadd.tile.s32 @!p0 $0x1;
	_ =	shalt  }
.Lfunc_end2:
_tile_overlayer_lowered:
.L_overlay_start_2:
0xab: {  	(tag) =	ssettag $0x2  }
0xac: {  	s0 =	rddreg [dreg:$0x0];
	s2 =	stileid.u32  }
0xad: {  	s1 =	rddreg [dreg:$0x1];
	p0 =	sne.s32 s2, $0x0  }
0xae: {  	s3 =	rddreg [dreg:$0x2];
	[bflag:$0x3] =	sbarrier.arrive $0xFFFF;
	s2 =	simm.s32 @!p0 $0x1C03  }
0xaf: {  	[timem:s3], [sflag:s2] =	dma.local @!p0 [hbm:s0], s1  }
0xb0: {  	s0 =	simm.s32 @!p0 $0x3  }
0xb1: {  	_ =	swait.ge @!p0 [sflag:s0], s1  }
0xb2: {  	s1 =	ssub.s32 @!p0 $0x0, s1;
	[sflag:s0] =	ssyncset.done @!p0 $0x0  }
0xb3: {  	[sflag:s0] =	ssyncadd.s32 @!p0 s1  }
0xb4: {  	[bflag:$0x3] =	sbarrier.arrive $0xFFFF  }
0xb5: {  	_ =	shalt  }

// kernel: kernel.22.cloned.1.call-start
scs
__scs_entry_jumppad:
0x0: {  	(pc) =	sbr.rel $0x88, $3  }
0x1: {  	(tag) =	ssettag $0x0;
	lr =	simm.s32 $0x1  }
0x2: {  	[smem:$0x3F82] =	sst lr;
	_ =	strace $0xD0000000  }
0x3: {  	_ = 	snop  }
0x4: {  	_ = 	snop  }
0x5: {  	_ = 	snop  }
0x6: {  	_ = 	snop  }
0x7: {  	_ = 	snop  }
__scs_overlays_trampoline_lowered:
0x8: {  	[smem:$0x3F91] =	sst s0  }
0x9: {  	[smem:$0x3F92] =	sst s1  }
0xa: {  	[smem:$0x3F93] =	sst s2  }
0xb: {  	[smem:$0x3F94] =	sst s3  }
0xc: {  	[smem:$0x3F95] =	sst s4  }
0xd: {  	[smem:$0x3F96] =	sst s5  }
0xe: {  	[smem:$0x3F97] =	sst s6  }
0xf: {  	[smem:$0x3F98] =	sst s7  }
0x10: {  	[smem:$0x3F99] =	sst s8  }
0x11: {  	[smem:$0x3F9A] =	sst s9;
	s0 =	simm.s32 @!p0 $0x0  }
0x12: {  	s1 =	sld [smem:$0x3F80];
	s0 =	simm.s32 @p0 $0x1  }
0x13: {  	[smem:$0x3F9B] =	sst s0;
	s0 =	simm.s32 @!p1 $0x0  }
0x14: {  	s2 =	sld [smem:$0x3F7F];
	s0 =	simm.s32 @p1 $0x1  }
0x15: {  	[smem:$0x3F9C] =	sst s0;
	s0 =	simm.s32 @!p2 $0x0  }
0x16: {  	s3 =	sld [smem:$0x3FDB];
	s0 =	simm.s32 @p2 $0x1  }
0x17: {  	s4 =	simm.s32 $0x1BF5;
	[smem:$0x3F9E] =	sst s0  }
0x18: {  	s0 =	sld [smem:$0x3F81];
	_ =	swait.ge [sflag:s4], $0x0  }
0x19: {  	s7 =	sld [smem:$0x3F82]  }
0x1a: {  	s8 =	sadd.s32 $0xFFFFE003, lr  }
0x1b: {  	s9 =	sadd.s32 $0xFFFFFEF7, lr;
	s5 =	simm.s32 $0xFFFFFFFF;
	p2 =	slt.u32 s8, $0xFFFFF086  }
0x1c: {  	p1 =	slt.u32 s9, $0xF7A;
	s5 =	simm.s32 @!p2 $0x0  }
0x1d: {  	s5 =	simm.s32 @p1 $0x1;
	p0 =	seq.s32 s7, s2  }
0x1e: {  	s7 =	smul.u32 @!p0 $0xF7A, s2;
	p2 =	seq.s32 @!p0 s5, $0x0  }
0x1f: {  	s9 =	smul.u32 $0xF7A, s1;
	s8 =	simm.s32 @!p0 $0x1BF5;
	p2 =	por !p2, p0  }
0x20: {  	[sflag:s8] =	ssyncset.s32 @!p0 $0xFFFFF086;
	s6 =	sadd.s32 @!p0 s3, s7;
	s7 =	simm.s32 @!p0 $0x108  }
0x21: {  	s3 =	sadd.s32 s3, s9;
	s6 =	sadd.s32 @!p0 $0x88, s6;
	s7 =	simm.s32 @p2 $0x1082  }
0x22: {  	[simem:s7], [sflag:s8] =	dma.local @!p0 [hbm:s6], $0xF7A  }
0x23: {  	s9 =	sor.u32 $0xD0000000, s2;
	s6 =	simm.s32 $0x108;
	_ =	swait.ge @!p0 [sflag:s8], $0x0  }
0x24: {  	s3 =	sadd.s32 $0x88, s3;
	s6 =	simm.s32 @!p1 $0x1082;
	[sflag:s4] =	ssyncset.s32 $0xFFFFF086  }
0x25: {  	[simem:s6], [sflag:s4] =	dma.local [hbm:s3], $0xF7A  }
0x26: {  	[smem:$0x3F82] =	sst s1;
	(tag) =	ssettag s2;
	_ =	strace s9  }
0x27: {  	s1 =	sld [smem:$0x3F92]  }
0x28: {  	s2 =	sld [smem:$0x3F93]  }
0x29: {  	s4 =	sld [smem:$0x3F95]  }
0x2a: {  	p0 =	seq.s32 s5, $0x0;
	s5 =	sld [smem:$0x3F96]  }
0x2b: {  	s6 =	sld [smem:$0x3F97]  }
0x2c: {  	s7 =	sld [smem:$0x3F98]  }
0x2d: {  	s3 =	simm.s32 $0x108;
	s8 =	sld [smem:$0x3F99]  }
0x2e: {  	s3 =	simm.s32 @!p0 $0x1082;
	s9 =	sld [smem:$0x3F9A]  }
0x2f: {  	lr =	sadd.s32 s0, s3;
	s0 =	sld [smem:$0x3F91]  }
0x30: {  	s3 =	sld [smem:$0x3F94]  }
0x31: {  	[smem:$0x3F9D] =	sst s10  }
0x32: {  	s10 =	sld [smem:$0x3F9B];
	_ =	sdelay $0x3  }
0x33: {  	p0 =	seq.s32 s10, $0x1;
	s10 =	sld [smem:$0x3F9D];
	_ =	sdelay $0x3  }
0x34: {  	[smem:$0x3F9D] =	sst s10  }
0x35: {  	s10 =	sld [smem:$0x3F9C];
	_ =	sdelay $0x3  }
0x36: {  	p1 =	seq.s32 s10, $0x1;
	s10 =	sld [smem:$0x3F9D];
	_ =	sdelay $0x3  }
0x37: {  	[smem:$0x3F9D] =	sst s10  }
0x38: {  	s10 =	sld [smem:$0x3F9E]  }
0x39: {  	_ = 	snop;
	(pc) =	sbr.ind lr, $3  }
0x3a: {  	_ = 	snop  }
0x3b: {  	_ = 	snop  }
0x3c: {  	p2 =	seq.s32 s10, $0x1;
	s10 =	sld [smem:$0x3F9D]  }
0x3d: {  	_ =	shalt  }
0x3e: {  	_ =	shalt  }
0x3f: {  	_ =	shalt  }
0x40: {  	_ =	shalt  }
0x41: {  	_ =	shalt  }
0x42: {  	_ =	shalt  }
0x43: {  	_ =	shalt  }
0x44: {  	_ =	shalt  }
0x45: {  	_ =	shalt  }
0x46: {  	_ =	shalt  }
0x47: {  	_ =	shalt  }
0x48: {  	_ =	shalt  }
0x49: {  	_ =	shalt  }
0x4a: {  	_ =	shalt  }
0x4b: {  	_ =	shalt  }
0x4c: {  	_ =	shalt  }
0x4d: {  	_ =	shalt  }
0x4e: {  	_ =	shalt  }
0x4f: {  	_ =	shalt  }
0x50: {  	_ =	shalt  }
0x51: {  	_ =	shalt  }
0x52: {  	_ =	shalt  }
0x53: {  	_ =	shalt  }
0x54: {  	_ =	shalt  }
0x55: {  	_ =	shalt  }
0x56: {  	_ =	shalt  }
0x57: {  	_ =	shalt  }
0x58: {  	_ =	shalt  }
0x59: {  	_ =	shalt  }
0x5a: {  	_ =	shalt  }
0x5b: {  	_ =	shalt  }
0x5c: {  	_ =	shalt  }
0x5d: {  	_ =	shalt  }
0x5e: {  	_ =	shalt  }
0x5f: {  	_ =	shalt  }
0x60: {  	_ =	shalt  }
0x61: {  	_ =	shalt  }
0x62: {  	_ =	shalt  }
0x63: {  	_ =	shalt  }
0x64: {  	_ =	shalt  }
0x65: {  	_ =	shalt  }
0x66: {  	_ =	shalt  }
0x67: {  	_ =	shalt  }
0x68: {  	_ =	shalt  }
0x69: {  	_ =	shalt  }
0x6a: {  	_ =	shalt  }
0x6b: {  	_ =	shalt  }
0x6c: {  	_ =	shalt  }
0x6d: {  	_ =	shalt  }
0x6e: {  	_ =	shalt  }
0x6f: {  	_ =	shalt  }
0x70: {  	_ =	shalt  }
0x71: {  	_ =	shalt  }
0x72: {  	_ =	shalt  }
0x73: {  	_ =	shalt  }
0x74: {  	_ =	shalt  }
0x75: {  	_ =	shalt  }
0x76: {  	_ =	shalt  }
0x77: {  	_ =	shalt  }
0x78: {  	_ =	shalt  }
0x79: {  	_ =	shalt  }
0x7a: {  	_ =	shalt  }
0x7b: {  	_ =	shalt  }
0x7c: {  	_ =	shalt  }
0x7d: {  	_ =	shalt  }
0x7e: {  	_ =	shalt  }
0x7f: {  	_ =	shalt  }
0x80: {  	_ =	shalt  }
0x81: {  	_ =	shalt  }
0x82: {  	_ =	shalt  }
0x83: {  	_ =	shalt  }
0x84: {  	_ =	shalt  }
0x85: {  	_ =	shalt  }
0x86: {  	_ =	shalt  }
0x87: {  	_ =	shalt  }
.Lfunc_end0:
.L_simem_size_0:
called_computation.4_lowered:
.L_overlay_start_0:
0x88: {  	s2 =	sld [smem:$0x3FD9]  }
0x89: {  	s3 =	sld [smem:$0x3FFE];
	_ =	sdelay $0x1  }
0x8a: {  	s1 =	srdreg.scid  }
0x8b: {  	s0 =	sand.u32 $0x1, s1  }
0x8c: {  	s16 =	sshll.u32 s0, $0xA;
	s2 =	sadd.s32 s3, s2  }
0x8d: {  	s2 =	sadd.s32 s2, s16  }
0x8e: {  	[smem:$0x3FA9] =	sst s2  }
0x8f: {  	_ = 	snop  }
0x90: {  	(tm) =	ssettm $0x1  }
0x91: {  	s17 =	sld [smem:$0x3FFB];
	_ =	sdelay $0x3  }
0x92: {  	_ =	strace s17  }
0x93: {  	s2 =	sld [smem:$0x3FFC];
	_ =	sdelay $0x3  }
0x94: {  	_ =	strace s2  }
0x95: {  	s2 =	sld [smem:$0x3FFD];
	_ =	sdelay $0x3  }
0x96: {  	_ =	strace s2  }
0x97: {  	_ =	strace $0x8FFFFFFF  }
0x98: {  	s18 =	sld [smem:$0x3FDB];
	_ =	sdelay $0x1  }
0x99: {  	s19 =	simm.s32 $_scs_section_size  }
0x9a: {  	s4 =	simm.s32 $_size__tile_overlayer_lowered;
	s5 =	simm.s32 $_tile_overlayer_lowered  }
0x9b: {  	s22 =	simm.s32 $0x1BFF;
	s21 =	sshll.u32 s5, $0x1;
	s2 =	sadd.s32 s19, s18  }
0x9c: {  	s6 =	simm.s32 $0x0;
	s20 =	sshll.u32 s4, $0x1;
	s4 =	sadd.s32 s21, s2  }
0x9d: {  	[timem:s6], [sflag:s22] =	dma.local [hbm:s4], s20  }
0x9e: {  	_ =	swait.ge [sflag:s22], s20  }
0x9f: {  	s3 =	ssub.s32 $0x0, s20;
	[sflag:s22] =	ssyncset.done $0x0  }
0xa0: {  	[sflag:s22] =	ssyncadd.s32 s3;
	_ =	sdelay $0x1  }
0xa1: {  	s23 =	simm.s32 $0x1B8B  }
0xa2: {  	_ =	swait.ge [sflag:s23], $0x1  }
0xa3: {  	[sflag:s23] =	ssyncset.done $0x0  }
0xa4: {  	s25 =	simm.s32 $0x1B8E;
	s24 =	sld [smem:$0x3FFE];
	[sflag:s23] =	ssyncadd.s32 $0xFFFFFFFF  }
0xa5: {  	s26 =	simm.s32 $execute0_lowered;
	[smem:$0x3FD2] =	sst s25  }
0xa6: {  	s4 =	sshll.u32 s26, $0x1;
	_ =	strace $0x8000004F;
	[dreg:$0x1] =	wrdreg $0xFFFFFFFF  }
0xa7: {  	s28 =	simm.s32 $_size_execute0_lowered;
	s2 =	sadd.s32 s2, s4;
	[dreg:$0x0] =	wrdreg $0x0  }
0xa8: {  	s4 =	sshll.u32 s28, $0x1;
	[dreg:$0x2] =	wrdreg s2  }
0xa9: {  	[dreg:$0x3] =	wrdreg s4  }
0xaa: {  	[dreg:$0x4] =	wrdreg $0xC0  }
0xab: {  	_ =	task [dreg:s6], $0x5FFFF  }
0xac: {  	[dreg:$0x1] =	wrdreg $0xFFFFFFFF  }
0xad: {  	[dreg:$0x0] =	wrdreg $0x60  }
0xae: {  	[dreg:$0x2] =	wrdreg s24  }
0xaf: {  	[dreg:$0x3] =	wrdreg $0xB8000  }
0xb0: {  	[dreg:$0x4] =	wrdreg $0xA  }
0xb1: {  	_ =	task.clear_ibuf [dreg:s6], $0x5FFFF;
	_ =	strace $0x9000004F  }
0xb2: {  	s29 =	simm.s32 $0xA;
	_ =	strace $0x80000051  }
0xb3: {  	_ =	swait.ge [sflag:s29], $0x1  }
0xb4: {  	[sflag:s29] =	ssyncadd.s32 $0xFFFFFFFF  }
0xb5: {  	_ =	strace $0x90000051  }
0xb6: {  	_ =	sfence  }
0xb7: {  	s30 =	sld [smem:$0x0];
	_ =	sdelay $0x2  }
0xb8: {  	s31 =	sshll.u32 s1, $0xD;
	s1 =	sshrl.u32 s1, $0x2  }
0xb9: {  	s3 =	sand.u32 $0x4000, s31;
	s1 =	sadd.s32 s1, s30  }
0xba: {  	s0 =	sor.u32 s3, s0;
	s1 =	sshll.u32 s1, $0x11  }
0xbb: {  	s0 =	sor.u32 s1, s0  }
0xbc: {  	s0 =	sadd.s32 $0x8F2B, s0  }
0xbd: {  	[sflag:s0] =	ssyncadd.remote.s32 $0x1  }
0xbe: {  	_ =	sfence.sel $0xFFFF  }
0xbf: {  	[dreg:$0x0] =	wrdreg $0xFFFFFFFF;
	(pc) =	sbr.abs _section_cstart, $3  }
0xc0: {  	[dreg:$0x1] =	wrdreg $0xFFFFFFFF  }
0xc1: {  	_ =	task.clear_ibuf [dreg:s6], $0x2FFFF;
	_ =	strace $0x9FFFFFFF  }
0xc2: {  	(tm) =	ssettm $0x7FFFFFFF  }
0xc3: {  	_ =	shalt  }
tec
execute0_lowered:
.L_overlay_start_1:
0x0: {  	(tag) =	ssettag $0x1  }
0x1: {  	s0 =	srdreg.scid  }
0x2: {  	s1 =	rddreg [dreg:$0x0];
	s10 =	stileid.u32  }
0x3: {  	s6 =	simm.s32 $0x78;
	s2 =	rddreg [dreg:$0x1];
	s3 =	simm.s32 $0x0  }
0x4: {  	s28 =	simm.s32 $0x7800;
	s29 =	simm.s32 $0x3;
	s30 =	simm.s32 $0x80  }
0x5: {  	s31 =	simm.s32 $0x1;
	s0 =	sand.u32 $0x1, s0;
	s17 =	smul.u32 $0x28000, s10  }
0x6: {  	[smem:$0x7FF] =	sst s3;
	s20 =	smul.u32 $0xA000, s10;
	p0 =	seq.s32 s0, $0x0  }
0x7: {  	s4 =	smul.u32 $0x780, s0;
	_ =	strace $0x80000050;
	s8 =	ssub.s32 $0x2, s0  }
0x8: {  	s0 =	smul.u32 $0xA0000, s0;
	s6 =	simm.s32 @!p0 $0x28;
	s9 =	sshrl.u32 s8, $0x1  }
0x9: {  	s11 =	sadd.s32 s20, s2;
	s24 =	sadd.s32 $0x2000, s20;
	s26 =	sadd.s32 $0x4000, s20  }
0xa: {  	s5 =	smul.u32 s10, s6;
	s8 =	ssub.s32 s8, s9;
	s19 =	sshll.u32 s6, $0x7  }
0xb: {  	s6 =	sshrl.u32 s6, $0x1;
	s23 =	sadd.s32 s0, s20;
	s16 =	sadd.s32 s0, s24  }
0xc: {  	s9 =	sadd.s32 $0x8000, s20;
	s21 =	sadd.s32 $0xFFFFFF80, s19;
	s22 =	sadd.s32 $0x3B00, s19  }
0xd: {  	s12 =	smax.u32 s8, $0x1;
	s25 =	sshrl.u32 s16, $0x3;
	[dreg:$0x5] =	wrdreg s21  }
0xe: {  	s4 =	sadd.s32 s4, s5;
	s5 =	sshrl.u32 s17, $0x2;
	[dreg:$0x6] =	wrdreg s22  }
0xf: {  	s17 =	sadd.s32 s0, s26;
	s21 =	sadd.s32 s24, s2;
	s22 =	sadd.s32 s26, s2  }
0x10: {  	s24 =	sadd.s32 s9, s2;
	s4 =	sshll.u32 s4, $0x4;
	s5 =	sadd.s32 s5, s2  }
0x11: {  	s17 =	sshrl.u32 s17, $0x3;
	s7 =	sadd.s32 s4, s1;
	s4 =	sadd.s32 $0x108800, s1  }
0x12: {  	s1 =	sadd.s32 $0x11C800, s1;
	s13 =	sadd.s32 $0x2000, s5;
	s14 =	sadd.s32 $0x4000, s5  }
0x13: {  	s26 =	sadd.s32 $0x8000, s5;
	s18 =	sadd.s32 $0xE200, s7;
	s7 =	sadd.s32 $0x3200, s7  }
0x14: {  	s16 =	sadd.s32 s1, s25;
	s17 =	sadd.s32 s1, s17;
	s25 =	sadd.s32 $0xFFFFFFFF, s6  }
0x15: {  	s6 =	simm.s32 $0x0;
	[dreg:$0x4] =	wrdreg s7;
	s7 =	sadd.s32 $0x3B80, s19  }
0x16: {  	[dreg:$0x7] =	wrdreg s7;
	s7 =	sshrl.u32 s23, $0x3;
	s23 =	sadd.s32 $0x6000, s20  }
0x17: {  	[dreg:$0x3] =	wrdreg s18;
	s20 =	sadd.s32 $0x6000, s5;
	s18 =	sadd.s32 s0, s23  }
0x18: {  	s15 =	sadd.s32 s1, s7;
	s0 =	sadd.s32 s0, s9;
	s18 =	sshrl.u32 s18, $0x3  }
0x19: {  	s23 =	sadd.s32 s23, s2;
	s0 =	sshrl.u32 s0, $0x3;
	s18 =	sadd.s32 s1, s18  }
0x1a: {  	v0 =	vimm.f32 $0.0e+00;
	s19 =	sadd.s32 s1, s0;
	s1 =	simm.s32 $0x9800;
	s0 =	simm.s32 $0x2  }
.LBB2_1:
0x1b: {  	s8 =	simm.s32 $0x100;
	s7 =	simm.s32 $0x0  }
.LBB2_2:
0x1c: {  	p0 =	sne.s32 s8, $0x7F00;
	[tilespmem:s7+$0x7830] =	vst v0;
	s9 =	smov.u32 s8;
	s8 =	sadd.s32 $0x100, s8  }
.Ltmp0:
0x1d: {  	[tilespmem:s7+$0x7820] =	vst v0;
	(pc) =	sbr.rel @p0 .LBB2_2-.Ltmp0, $3  }
0x1e: {  	[tilespmem:s7+$0x7800] =	vst v0  }
0x1f: {  	[tilespmem:s7+$0x7810] =	vst v0;
	_ =	sdelay $0x1  }
0x20: {  	s7 =	sshra.s32 s9, $0x2  }
0x21: {  	[tilespmem:s7+$0x7830] =	vst v0  }
0x22: {  	[tilespmem:s7+$0x7820] =	vst v0  }
0x23: {  	[tilespmem:s7+$0x7800] =	vst v0  }
0x24: {  	[tilespmem:s7+$0x7810] =	vst v0  }
0x25: {  	[spmem:s5] =	stream.linear.scatter [tilespmem:s28], [sflag:$0x3], $0x2000, $0x38;
	[tilespmem:$0x15800] =	vst v63  }
0x26: {  	_ =	swait.ge [sflag:s29], $0x2000  }
0x27: {  	[sflag:s29] =	ssyncset.done $0x0  }
0x28: {  	[sflag:s29] =	ssyncadd.s32 $0xFFFFE000  }
0x29: {  	[spmem:s13] =	stream.linear.scatter [tilespmem:s28], [sflag:$0x3], $0x2000, $0x38;
	[tilespmem:$0x15800] =	vst v63  }
0x2a: {  	_ =	swait.ge [sflag:s29], $0x2000  }
0x2b: {  	[sflag:s29] =	ssyncset.done $0x0  }
0x2c: {  	[sflag:s29] =	ssyncadd.s32 $0xFFFFE000  }
0x2d: {  	[spmem:s14] =	stream.linear.scatter [tilespmem:s28], [sflag:$0x3], $0x2000, $0x38;
	[tilespmem:$0x15800] =	vst v63  }
0x2e: {  	_ =	swait.ge [sflag:s29], $0x2000  }
0x2f: {  	[sflag:s29] =	ssyncset.done $0x0  }
0x30: {  	[sflag:s29] =	ssyncadd.s32 $0xFFFFE000  }
0x31: {  	[spmem:s20] =	stream.linear.scatter [tilespmem:s28], [sflag:$0x3], $0x2000, $0x38;
	[tilespmem:$0x15800] =	vst v63  }
0x32: {  	_ =	swait.ge [sflag:s29], $0x2000  }
0x33: {  	[sflag:s29] =	ssyncset.done $0x0  }
0x34: {  	[sflag:s29] =	ssyncadd.s32 $0xFFFFE000  }
0x35: {  	[spmem:s26] =	stream.linear.scatter [tilespmem:s28], [sflag:$0x3], $0x2000, $0x38;
	[tilespmem:$0x15800] =	vst v63  }
0x36: {  	_ =	swait.ge [sflag:s29], $0x2000  }
0x37: {  	[sflag:s29] =	ssyncset.done $0x0  }
0x38: {  	[sflag:s29] =	ssyncadd.s32 $0xFFFFE000  }
0x39: {  	[bflag:$0x0] =	sbarrier.arrive $0xFFFF  }
0x3a: {  	s9 =	rddreg [dreg:$0x3]  }
0x3b: {  	[tilespmem:s3], [sflag:$0x3] =	stream.linear.gather [hbm4b:s9+s3], $0x3C00, $0x38;
	[tilespmem:$0x15800] =	vst v63  }
0x3c: {  	_ =	swait.ge [sflag:s29], $0x3C00  }
0x3d: {  	[sflag:s29] =	ssyncset.done $0x0  }
0x3e: {  	s7 =	simm.s32 $0x3C00;
	s8 =	rddreg [dreg:$0x4];
	[sflag:s29] =	ssyncadd.s32 $0xFFFFC400  }
0x3f: {  	[tilespmem:s7], [sflag:$0x3] =	stream.linear.gather [hbm4b:s8+s3], $0x3C00, $0x38;
	[tilespmem:$0x15800] =	vst v63  }
0x40: {  	_ =	swait.ge [sflag:s29], $0x3C00  }
0x41: {  	[sflag:s29] =	ssyncset.done $0x0  }
0x42: {  	[sflag:s29] =	ssyncadd.s32 $0xFFFFC400  }
0x43: {  	[tilespmem:s28], [sflag:$0x1] =	stream.indirect.gather [hbm4b:s4+s30], $0x40, s3, s30, $0xb8;
	[tilespmem:$0x15800] =	vst v63  }
0x44: {  	_ =	swait.ge [sflag:s31], $0x2000  }
0x45: {  	[sflag:s31] =	ssyncset.done $0x0  }
0x46: {  	s10 =	simm.s32 $0x80;
	[sflag:s31] =	ssyncadd.s32 $0xFFFFE000  }
0x47: {  	[tilespmem:s1], [sflag:$0x2] =	stream.indirect.gather [hbm4b:s4+s30], $0x40, s10, s30, $0xb8;
	[tilespmem:$0x15800] =	vst v63  }
0x48: {  	_ = 	snop  }
0x49: {  	[spmem:s2] =	stream.indirect.scatter.add.f32 [tilespmem:s28], [sflag:$0x3], $0x40, s7, s30, $0xb8;
	[tilespmem:$0x15800] =	vst v63  }
0x4a: {  	_ =	swait.ge [sflag:s29], $0x2000  }
0x4b: {  	[sflag:s29] =	ssyncset.done $0x0  }
0x4c: {  	[sflag:s29] =	ssyncadd.s32 $0xFFFFE000  }
0x4d: {  	_ =	swait.ge [sflag:s0], $0x2000  }
0x4e: {  	[sflag:s0] =	ssyncset.done $0x0  }
0x4f: {  	p0 =	sne.s32 s25, $0x1;
	s8 =	simm.s32 $0x100;
	[sflag:s0] =	ssyncadd.s32 $0xFFFFE000  }
0x50: {  	[tilespmem:s28], [sflag:$0x1] =	stream.indirect.gather [hbm4b:s4+s30], $0x40, s8, s30, $0xb8;
	[tilespmem:$0x15800] =	vst v63  }
.Ltmp1:
0x51: {  	_ = 	snop;
	(pc) =	sbr.rel @!p0 .LBB2_5-.Ltmp1, $4  }
0x52: {  	s9 =	simm.s32 $0x3C80  }
0x53: {  	[spmem:s2] =	stream.indirect.scatter.add.f32 [tilespmem:s1], [sflag:$0x3], $0x40, s9, s30, $0xb8;
	[tilespmem:$0x15800] =	vst v63  }
0x54: {  	_ =	swait.ge [sflag:s29], $0x2000  }
0x55: {  	s9 =	sadd.s32 $0xFFFFFFFF, s25;
	[sflag:s29] =	ssyncset.done $0x0  }
.LBB2_4:
0x56: {  	[sflag:s29] =	ssyncadd.s32 $0xFFFFE000;
	s8 =	sadd.s32 $0x100, s8;
	s7 =	sadd.s32 $0x100, s7  }
0x57: {  	p0 =	sne.s32 s9, $0x1;
	s9 =	sadd.s32 $0xFFFFFFFF, s9  }
0x58: {  	_ =	swait.ge [sflag:s31], $0x2000  }
0x59: {  	[sflag:s31] =	ssyncset.done $0x0  }
0x5a: {  	s10 =	sadd.s32 $0xFFFFFF80, s8;
	[sflag:s31] =	ssyncadd.s32 $0xFFFFE000  }
0x5b: {  	[tilespmem:s1], [sflag:$0x2] =	stream.indirect.gather [hbm4b:s4+s30], $0x40, s10, s30, $0xb8;
	[tilespmem:$0x15800] =	vst v63  }
0x5c: {  	_ = 	snop  }
0x5d: {  	[spmem:s2] =	stream.indirect.scatter.add.f32 [tilespmem:s28], [sflag:$0x3], $0x40, s7, s30, $0xb8;
	[tilespmem:$0x15800] =	vst v63  }
0x5e: {  	_ =	swait.ge [sflag:s29], $0x2000  }
0x5f: {  	[sflag:s29] =	ssyncset.done $0x0  }
0x60: {  	[sflag:s29] =	ssyncadd.s32 $0xFFFFE000  }
0x61: {  	_ =	swait.ge [sflag:s0], $0x2000  }
0x62: {  	[sflag:s0] =	ssyncset.done $0x0  }
0x63: {  	[sflag:s0] =	ssyncadd.s32 $0xFFFFE000  }
0x64: {  	[tilespmem:s28], [sflag:$0x1] =	stream.indirect.gather [hbm4b:s4+s30], $0x40, s8, s30, $0xb8;
	[tilespmem:$0x15800] =	vst v63  }
.Ltmp2:
0x65: {  	_ = 	snop;
	(pc) =	sbr.rel @p0 .LBB2_4-.Ltmp2, $4  }
0x66: {  	s10 =	sadd.s32 $0x80, s7  }
0x67: {  	[spmem:s2] =	stream.indirect.scatter.add.f32 [tilespmem:s1], [sflag:$0x3], $0x40, s10, s30, $0xb8;
	[tilespmem:$0x15800] =	vst v63  }
0x68: {  	_ =	swait.ge [sflag:s29], $0x2000  }
0x69: {  	[sflag:s29] =	ssyncset.done $0x0  }
.LBB2_5:
0x6a: {  	[sflag:s29] =	ssyncadd.s32 $0xFFFFE000  }
0x6b: {  	_ =	swait.ge [sflag:s31], $0x2000  }
0x6c: {  	[sflag:s31] =	ssyncset.done $0x0  }
0x6d: {  	s7 =	rddreg [dreg:$0x5];
	[sflag:s31] =	ssyncadd.s32 $0xFFFFE000  }
0x6e: {  	[tilespmem:s1], [sflag:$0x2] =	stream.indirect.gather [hbm4b:s4+s30], $0x40, s7, s30, $0xb8;
	[tilespmem:$0x15800] =	vst v63  }
0x6f: {  	s9 =	rddreg [dreg:$0x6]  }
0x70: {  	[spmem:s2] =	stream.indirect.scatter.add.f32 [tilespmem:s28], [sflag:$0x3], $0x40, s9, s30, $0xb8;
	[tilespmem:$0x15800] =	vst v63  }
0x71: {  	_ =	swait.ge [sflag:s29], $0x2000  }
0x72: {  	[sflag:s29] =	ssyncset.done $0x0  }
0x73: {  	[sflag:s29] =	ssyncadd.s32 $0xFFFFE000  }
0x74: {  	_ =	swait.ge [sflag:s0], $0x2000  }
0x75: {  	[sflag:s0] =	ssyncset.done $0x0  }
0x76: {  	s10 =	rddreg [dreg:$0x7];
	[sflag:s0] =	ssyncadd.s32 $0xFFFFE000  }
0x77: {  	[spmem:s2] =	stream.indirect.scatter.add.f32 [tilespmem:s1], [sflag:$0x3], $0x40, s10, s30, $0xb8;
	[tilespmem:$0x15800] =	vst v63  }
0x78: {  	_ =	swait.ge [sflag:s29], $0x2000  }
0x79: {  	[sflag:s29] =	ssyncset.done $0x0  }
0x7a: {  	[sflag:s29] =	ssyncadd.s32 $0xFFFFE000  }
0x7b: {  	[bflag:$0x0] =	sbarrier.arrive $0xFFFF  }
0x7c: {  	[tilespmem:s28], [sflag:$0x3] =	stream.linear.gather [spmem:s11], $0x2000, $0x38;
	[tilespmem:$0x15800] =	vst v63  }
0x7d: {  	_ =	swait.ge [sflag:s29], $0x2000  }
0x7e: {  	[sflag:s29] =	ssyncset.done $0x0  }
0x7f: {  	[sflag:s29] =	ssyncadd.s32 $0xFFFFE000  }
0x80: {  	[hbm4b:s15+s3] =	stream.linear.scatter [tilespmem:s28], [sflag:$0x3], $0x2000, $0x38;
	[tilespmem:$0x15800] =	vst v63  }
0x81: {  	_ =	swait.ge [sflag:s29], $0x2000  }
0x82: {  	[sflag:s29] =	ssyncset.done $0x0  }
0x83: {  	[sflag:s29] =	ssyncadd.s32 $0xFFFFE000  }
0x84: {  	[tilespmem:s28], [sflag:$0x3] =	stream.linear.gather [spmem:s21], $0x2000, $0x38;
	[tilespmem:$0x15800] =	vst v63  }
0x85: {  	_ =	swait.ge [sflag:s29], $0x2000  }
0x86: {  	[sflag:s29] =	ssyncset.done $0x0  }
0x87: {  	[sflag:s29] =	ssyncadd.s32 $0xFFFFE000  }
0x88: {  	[hbm4b:s16+s3] =	stream.linear.scatter [tilespmem:s28], [sflag:$0x3], $0x2000, $0x38;
	[tilespmem:$0x15800] =	vst v63  }
0x89: {  	_ =	swait.ge [sflag:s29], $0x2000  }
0x8a: {  	[sflag:s29] =	ssyncset.done $0x0  }
0x8b: {  	[sflag:s29] =	ssyncadd.s32 $0xFFFFE000  }
0x8c: {  	[tilespmem:s28], [sflag:$0x3] =	stream.linear.gather [spmem:s22], $0x2000, $0x38;
	[tilespmem:$0x15800] =	vst v63  }
0x8d: {  	_ =	swait.ge [sflag:s29], $0x2000  }
0x8e: {  	[sflag:s29] =	ssyncset.done $0x0  }
0x8f: {  	[sflag:s29] =	ssyncadd.s32 $0xFFFFE000  }
0x90: {  	[hbm4b:s17+s3] =	stream.linear.scatter [tilespmem:s28], [sflag:$0x3], $0x2000, $0x38;
	[tilespmem:$0x15800] =	vst v63  }
0x91: {  	_ =	swait.ge [sflag:s29], $0x2000  }
0x92: {  	[sflag:s29] =	ssyncset.done $0x0  }
0x93: {  	[sflag:s29] =	ssyncadd.s32 $0xFFFFE000  }
0x94: {  	[tilespmem:s28], [sflag:$0x3] =	stream.linear.gather [spmem:s23], $0x2000, $0x38;
	[tilespmem:$0x15800] =	vst v63  }
0x95: {  	_ =	swait.ge [sflag:s29], $0x2000  }
0x96: {  	[sflag:s29] =	ssyncset.done $0x0  }
0x97: {  	[sflag:s29] =	ssyncadd.s32 $0xFFFFE000  }
0x98: {  	[hbm4b:s18+s3] =	stream.linear.scatter [tilespmem:s28], [sflag:$0x3], $0x2000, $0x38;
	[tilespmem:$0x15800] =	vst v63  }
0x99: {  	_ =	swait.ge [sflag:s29], $0x2000  }
0x9a: {  	[sflag:s29] =	ssyncset.done $0x0  }
0x9b: {  	[sflag:s29] =	ssyncadd.s32 $0xFFFFE000  }
0x9c: {  	[tilespmem:s28], [sflag:$0x3] =	stream.linear.gather [spmem:s24], $0x2000, $0x38;
	[tilespmem:$0x15800] =	vst v63  }
0x9d: {  	s6 =	sadd.s32 $0x1, s6;
	_ =	swait.ge [sflag:s29], $0x2000  }
0x9e: {  	p0 =	sne.s32 s6, s12;
	[sflag:s29] =	ssyncset.done $0x0  }
.Ltmp3:
0x9f: {  	[sflag:s29] =	ssyncadd.s32 $0xFFFFE000;
	(pc) =	sbr.rel @p0 .LBB2_1-.Ltmp3, $4  }
0xa0: {  	[hbm4b:s19+s3] =	stream.linear.scatter [tilespmem:s28], [sflag:$0x3], $0x2000, $0x38;
	[tilespmem:$0x15800] =	vst v63  }
0xa1: {  	_ =	swait.ge [sflag:s29], $0x2000  }
0xa2: {  	[sflag:s29] =	ssyncset.done $0x0  }
0xa3: {  	[sflag:s29] =	ssyncadd.s32 $0xFFFFE000  }
0xa4: {  	_ =	sfence.sel $0x180000  }
0xa5: {  	[bflag:$0x0] =	sbarrier.arrive $0xFFFF  }
0xa6: {  	_ =	strace $0x90000050  }
0xa7: {  	s0 =	stileid.u32;
	[bflag:$0x2] =	sbarrier.arrive $0xFFFF  }
0xa8: {  	p0 =	sne.s32 s0, $0x0;
	s0 =	rddreg [dreg:$0x2]  }
0xa9: {  	s0 =	sadd.s32 @!p0 $0x100000, s0  }
0xaa: {  	[sflag:s0] =	ssyncadd.tile.s32 @!p0 $0x1;
	_ =	shalt  }
.Lfunc_end2:
_tile_overlayer_lowered:
.L_overlay_start_2:
0xab: {  	(tag) =	ssettag $0x2  }
0xac: {  	s0 =	rddreg [dreg:$0x0];
	s2 =	stileid.u32  }
0xad: {  	s1 =	rddreg [dreg:$0x1];
	p0 =	sne.s32 s2, $0x0  }
0xae: {  	s3 =	rddreg [dreg:$0x2];
	[bflag:$0x3] =	sbarrier.arrive $0xFFFF;
	s2 =	simm.s32 @!p0 $0x1C03  }
0xaf: {  	[timem:s3], [sflag:s2] =	dma.local @!p0 [hbm:s0], s1  }
0xb0: {  	s0 =	simm.s32 @!p0 $0x3  }
0xb1: {  	_ =	swait.ge @!p0 [sflag:s0], s1  }
0xb2: {  	s1 =	ssub.s32 @!p0 $0x0, s1;
	[sflag:s0] =	ssyncset.done @!p0 $0x0  }
0xb3: {  	[sflag:s0] =	ssyncadd.s32 @!p0 s1  }
0xb4: {  	[bflag:$0x3] =	sbarrier.arrive $0xFFFF  }
0xb5: {  	_ =	shalt  }

</sc_bundles>
